<compile_context>
chip_gen: v7x
topology: tpu7x:2x2x1
jax: 0.10.2.dev20260603
libtpu: 0.0.44.dev20260713+nightly
codegen_flags: <defaults>
</compile_context>

<pallas_src>
import functools
import jax
import jax.numpy as jnp
from jax import lax
from jax.experimental import pallas as pl
from jax.experimental.pallas import tpu as pltpu
from jax.experimental.pallas import tpu_sc as plsc

_N = 10000
_E = 320000
_D = 128
_H = 128
_OUT = 16
_G = 64

_NC = 2
_NS = 16
_NW = _NC * _NS
_CHUNK = 128
_NBUF = 2
_NCHUNK = 80
_EPT = _NCHUNK * _CHUNK
_EPAD = _NW * _EPT
_NCHT = _EPAD // _CHUNK
_NPAD = 10112
_NBLK = _NPAD // 128
_RPT = _NPAD // _NS
_DUMP = _NPAD - 1

_Q_SLOW = 80
_Q_FAST = 80
_SLOW_C = 1



def _deg_body(dst2_hbm, ones_hbm, zeros8_hbm, degp_hbm, dst_v, ones_v, acc8):
    c = lax.axis_index("c")
    s = lax.axis_index("s")
    tid = c * _NS + s
    pltpu.sync_copy(dst2_hbm.at[pl.ds(tid * _NCHUNK, _NCHUNK)], dst_v)
    pltpu.sync_copy(ones_hbm, ones_v)
    pltpu.sync_copy(zeros8_hbm.at[pl.ds(s * _RPT, _RPT)],
                    acc8.at[pl.ds(s * _RPT, _RPT)])
    plsc.subcore_barrier()

    def body(j, carry):
        pltpu.sync_copy(ones_v, acc8.at[dst_v.at[j]], add=True)
        return carry

    lax.fori_loop(0, _NCHUNK, body, 0)
    plsc.subcore_barrier()
    pltpu.sync_copy(acc8.at[pl.ds(s * _RPT, _RPT)],
                    degp_hbm.at[c, pl.ds(s * _RPT, _RPT)])


@functools.cache
def _deg_kernel():
    return pl.kernel(
        _deg_body,
        out_type=jax.ShapeDtypeStruct((_NC, _NPAD, _H), jnp.float32),
        mesh=plsc.VectorSubcoreMesh(core_axis_name="c", subcore_axis_name="s",
                                    num_cores=_NC, num_subcores=_NS),
        scratch_types=[
            pltpu.VMEM((_NCHUNK, _CHUNK), jnp.int32),
            pltpu.VMEM((_CHUNK, _H), jnp.float32),
            pltpu.VMEM_SHARED((_NPAD, _H), jnp.float32),
        ],
    )


def _prop_body(src2_hbm, dst2_hbm, s_hbm, zeros_hbm, out_hbm,
               idx_v, dst_v, rows_v, acc,
               gs0, gs1, ss0, ss1, is0, is1, is2, is3):
    c = lax.axis_index("c")
    s = lax.axis_index("s")
    gs = (gs0, gs1)
    ss = (ss0, ss1)
    isem = (is0, is1, is2, is3)
    slow = c == _SLOW_C
    qc = jnp.where(slow, _Q_SLOW, _Q_FAST)
    base = jnp.where(slow, s * _Q_SLOW, _NS * _Q_SLOW + s * _Q_FAST)

    def fire_idx(k, q):
        pltpu.async_copy(src2_hbm.at[base + k], idx_v.at[q], isem[q])

    def wait_idx(q):
        pltpu.make_async_copy(src2_hbm.at[0], idx_v.at[q], isem[q]).wait()

    def fire_gather(q, b):
        pltpu.async_copy(s_hbm.at[idx_v.at[q]], rows_v.at[b], gs[b])

    def wait_gather(q, b):
        pltpu.make_async_copy(s_hbm.at[idx_v.at[q]], rows_v.at[b],
                              gs[b]).wait()

    def fire_scatter(j, b):
        pltpu.async_copy(rows_v.at[b], acc.at[dst_v.at[j]], ss[b], add=True)

    def wait_scatter(b):
        pltpu.make_async_copy(rows_v.at[b], acc.at[dst_v.at[0]], ss[b]).wait()

    @pl.when(slow)
    def _():
        pltpu.sync_copy(dst2_hbm.at[pl.ds(s * _Q_SLOW, _Q_SLOW)],
                        dst_v.at[pl.ds(0, _Q_SLOW)])

    @pl.when(jnp.logical_not(slow))
    def _():
        pltpu.sync_copy(
            dst2_hbm.at[pl.ds(_NS * _Q_SLOW + s * _Q_FAST, _Q_FAST)],
            dst_v.at[pl.ds(0, _Q_FAST)])

    for k in range(4):
        fire_idx(k, k)
    for b in range(_NBUF):
        wait_idx(b)
        fire_gather(b, b)
    pltpu.sync_copy(zeros_hbm.at[pl.ds(s * _RPT, _RPT)],
                    acc.at[pl.ds(s * _RPT, _RPT)])
    plsc.subcore_barrier()

    def step(j, b4):
        b = b4 % _NBUF
        nxt = j + 1

        @pl.when(jnp.logical_and(nxt >= _NBUF, nxt < qc))
        def _():
            wait_scatter((b + 1) % _NBUF)
            wait_idx((b4 + 1) % 4)
            fire_gather((b4 + 1) % 4, (b + 1) % _NBUF)

        wait_gather(b4, b)

        @pl.when(j + 4 < qc)
        def _():
            fire_idx(j + 4, b4)

        fire_scatter(j, b)

    def outer(jo, carry):
        for b4 in range(4):
            step(jo * 4 + b4, b4)
        return carry

    lax.fori_loop(0, qc // 4, outer, 0)
    for b in range(_NBUF):
        wait_scatter(b)
    plsc.subcore_barrier()
    pltpu.sync_copy(acc.at[pl.ds(s * _RPT, _RPT)],
                    out_hbm.at[c, pl.ds(s * _RPT, _RPT)])


@functools.cache
def _prop_kernel():
    return pl.kernel(
        _prop_body,
        out_type=jax.ShapeDtypeStruct((_NC, _NPAD, _H), jnp.float32),
        mesh=plsc.VectorSubcoreMesh(core_axis_name="c", subcore_axis_name="s",
                                    num_cores=_NC, num_subcores=_NS),
        scratch_types=[
            pltpu.VMEM((4, _CHUNK), jnp.int32),
            pltpu.VMEM((_Q_FAST, _CHUNK), jnp.int32),
            pltpu.VMEM((_NBUF, _CHUNK, _H), jnp.float32),
            pltpu.VMEM_SHARED((_NPAD, _H), jnp.float32),
        ] + [pltpu.SemaphoreType.DMA] * 8,
    )



def _head_body(x_ref, w_ref, degp_ref, s_ref, dinv_ref):
    deg = degp_ref[0][:, :16] + degp_ref[1][:, :16] + 1.0
    dinv = lax.rsqrt(deg)
    dinv_ref[...] = dinv
    s_ref[...] = jnp.dot(x_ref[...], w_ref[...],
                         preferred_element_type=jnp.float32,
                         precision=lax.Precision.HIGHEST) * dinv[:, :1]


def _mid_body(p_ref, s_ref, dinv_ref, b_ref, w_ref, out_ref):
    dinv = dinv_ref[:, :1]
    h = jnp.maximum(dinv * (p_ref[0] + p_ref[1] + s_ref[...]) + b_ref[...],
                    0.0)
    out_ref[...] = jnp.dot(h, w_ref[...],
                           preferred_element_type=jnp.float32,
                         precision=lax.Precision.HIGHEST) * dinv


def _pool_body(p_ref, s_ref, dinv_ref, b_ref, batch_ref, wf_ref, bf_ref,
               out_ref, pooled_acc, counts_acc):
    i = pl.program_id(0)
    dinv = dinv_ref[:, :1]
    h = jnp.maximum(dinv * (p_ref[0] + p_ref[1] + s_ref[...]) + b_ref[...],
                    0.0)
    bt = batch_ref[0]
    gids = lax.broadcasted_iota(jnp.int32, (_G, 128), 0)
    onehot = (gids == bt).astype(jnp.float32)
    contrib = jnp.dot(onehot, h, preferred_element_type=jnp.float32,
                         precision=lax.Precision.HIGHEST)
    cnt = jnp.sum(onehot, axis=1, keepdims=True)

    @pl.when(i == 0)
    def _():
        pooled_acc[...] = jnp.zeros_like(pooled_acc)
        counts_acc[...] = jnp.zeros_like(counts_acc)

    pooled_acc[...] += contrib
    counts_acc[...] += jnp.broadcast_to(cnt, counts_acc.shape)

    @pl.when(i == _NBLK - 1)
    def _():
        pooled = pooled_acc[...] / jnp.maximum(counts_acc[...], 1.0)
        out_ref[...] = jnp.dot(pooled, wf_ref[...],
                               preferred_element_type=jnp.float32,
                         precision=lax.Precision.HIGHEST) + bf_ref[...]


def _row_spec(h):
    return pl.BlockSpec((128, h), lambda i: (i, 0))


_P_SPEC = pl.BlockSpec((_NC, 128, _H), lambda i: (0, i, 0))
_DINV_SPEC = pl.BlockSpec((128, 16), lambda i: (i, 0))
_FULL_W = pl.BlockSpec((_H, _H), lambda i: (0, 0))
_FULL_B = pl.BlockSpec((1, _H), lambda i: (0, 0))

_head_kernel = pl.pallas_call(
    _head_body,
    grid=(_NBLK,),
    in_specs=[_row_spec(_D), _FULL_W, _P_SPEC],
    out_specs=[_row_spec(_H), _DINV_SPEC],
    out_shape=[jax.ShapeDtypeStruct((_NPAD, _H), jnp.float32),
               jax.ShapeDtypeStruct((_NPAD, 16), jnp.float32)],
)

_mid_kernel = pl.pallas_call(
    _mid_body,
    grid=(_NBLK,),
    in_specs=[_P_SPEC, _row_spec(_H), _DINV_SPEC, _FULL_B, _FULL_W],
    out_specs=_row_spec(_H),
    out_shape=jax.ShapeDtypeStruct((_NPAD, _H), jnp.float32),
)

_pool_kernel = pl.pallas_call(
    _pool_body,
    grid=(_NBLK,),
    in_specs=[_P_SPEC, _row_spec(_H), _DINV_SPEC, _FULL_B,
              pl.BlockSpec((1, 1, 128), lambda i: (i, 0, 0)),
              pl.BlockSpec((_H, _OUT), lambda i: (0, 0)),
              pl.BlockSpec((1, _OUT), lambda i: (0, 0))],
    out_specs=pl.BlockSpec((_G, _OUT), lambda i: (0, 0)),
    out_shape=jax.ShapeDtypeStruct((_G, _OUT), jnp.float32),
    scratch_shapes=[pltpu.VMEM((_G, _H), jnp.float32),
                    pltpu.VMEM((_G, _H), jnp.float32)],
)


@jax.jit
def kernel(x, edge_index, edge_attr, batch, W0, b0, W1, b1, W2, b2, Wf, bf):
    del edge_attr

    src2 = jnp.concatenate(
        [edge_index[0], jnp.zeros((_EPAD - _E,), jnp.int32)]
    ).reshape(_NCHT, _CHUNK)
    dst2 = jnp.concatenate(
        [edge_index[1], jnp.full((_EPAD - _E,), _DUMP, jnp.int32)]
    ).reshape(_NCHT, _CHUNK)
    x_pad = jnp.zeros((_NPAD, _D), jnp.float32).at[:_N].set(x)
    batch2 = jnp.full((_NPAD,), -1, jnp.int32).at[:_N].set(batch)
    batch2 = batch2.reshape(_NBLK, 1, 128)
    zeros_nh = jnp.zeros((_NPAD, _H), jnp.float32)
    ones_ch = jnp.ones((_CHUNK, _H), jnp.float32)
    b0r = b0.reshape(1, _H)
    b1r = b1.reshape(1, _H)
    b2r = b2.reshape(1, _H)
    bfr = bf.reshape(1, _OUT)

    degp = _deg_kernel()(dst2, ones_ch, zeros_nh)
    s0, dinv8 = _head_kernel(x_pad, W0, degp)

    prop = _prop_kernel()
    p1 = prop(src2, dst2, s0, zeros_nh)
    s1 = _mid_kernel(p1, s0, dinv8, b0r, W1)
    p2 = prop(src2, dst2, s1, zeros_nh)
    s2 = _mid_kernel(p2, s1, dinv8, b1r, W2)
    p3 = prop(src2, dst2, s2, zeros_nh)

    return _pool_kernel(p3, s2, dinv8, b2r, batch2, Wf, bfr)

# --- scband reference (transcript-rebuilt; emitter-appended) ---
"""Pipeline reference for scband-gcnnet-6717328851283 (READ-ONLY COPY).

The authoritative reference and input builder live on the scoring server;
editing this copy changes nothing except your own understanding.
"""

import jax, jax.numpy as jnp
import numpy as np

N = 10000
E = 320000
D = 128
H = 128
OUT = 16
G = 64


def setup_inputs(seed: int = 0) -> dict:
    key = jax.random.key(seed)
    ks = jax.random.split(key, 12)
    x = jax.random.normal(ks[0], (N, D), dtype=jnp.float32)
    edge_index = jax.random.randint(ks[1], (2, E), 0, N, dtype=jnp.int32)
    edge_attr = jax.random.normal(ks[2], (E, 4), dtype=jnp.float32)
    batch = jnp.sort(jax.random.randint(ks[3], (N,), 0, G, dtype=jnp.int32))
    W0 = jax.random.normal(ks[4], (D, H), dtype=jnp.float32) * 0.05
    b0 = jnp.zeros((H,), dtype=jnp.float32)
    W1 = jax.random.normal(ks[5], (H, H), dtype=jnp.float32) * 0.05
    b1 = jnp.zeros((H,), dtype=jnp.float32)
    W2 = jax.random.normal(ks[6], (H, H), dtype=jnp.float32) * 0.05
    b2 = jnp.zeros((H,), dtype=jnp.float32)
    Wf = jax.random.normal(ks[7], (H, OUT), dtype=jnp.float32) * 0.05
    bf = jnp.zeros((OUT,), dtype=jnp.float32)
    return {"x": x, "edge_index": edge_index, "edge_attr": edge_attr, "batch": batch,
            "W0": W0, "b0": b0, "W1": W1, "b1": b1, "W2": W2, "b2": b2, "Wf": Wf, "bf": bf}


def _gcn_conv(x, src, dst, W, b):
    # GCNConv: linear transform, symmetric-normalized propagation with self-loops, bias
    h = x @ W
    deg = jax.ops.segment_sum(jnp.ones(src.shape[0], dtype=h.dtype), dst, num_segments=N)
    dinv = jnp.where(deg > 0, jax.lax.rsqrt(deg), 0.0)
    norm = dinv[src] * dinv[dst]
    out = jax.ops.segment_sum(h[src] * norm[:, None], dst, num_segments=N)
    return out + b


def reference(x, edge_index, edge_attr, batch, W0, b0, W1, b1, W2, b2, Wf, bf):
    # add self-loops once (shared across layers)
    loop = jnp.arange(N, dtype=edge_index.dtype)
    src = jnp.concatenate([edge_index[0], loop])
    dst = jnp.concatenate([edge_index[1], loop])
    h = x
    for (W, b) in ((W0, b0), (W1, b1), (W2, b2)):
        h = _gcn_conv(h, src, dst, W, b)
        h = jax.nn.relu(h)
    # global mean pool over graph assignment `batch`
    counts = jax.ops.segment_sum(jnp.ones((N,), dtype=h.dtype), batch, num_segments=G)
    pooled = jax.ops.segment_sum(h, batch, num_segments=G) / jnp.clip(counts, 1.0)[:, None]
    # dense_layers is empty for this config (non-set2set first fc never appended in __init__)
    logits = pooled @ Wf + bf
    return logits

if __name__ == "__main__":
    import jax
    _d = setup_inputs()
    print(jax.jit(kernel)(*tuple(_d.values())))

</pallas_src>

<mosaic_0001>
#map = affine_map<(d0, d1) -> (0, 0)>
#map1 = affine_map<(d0, d1) -> (0, 0, 0)>
module attributes {stable_mosaic.version = 14 : i64} {
  func.func @_prop_body(%arg0: i32, %arg1: i32, %arg2: memref<2560x128xi32, #tpu.memory_space<hbm>>, %arg3: memref<2560x128xi32, #tpu.memory_space<hbm>>, %arg4: memref<10112x128xf32, #tpu.memory_space<hbm>>, %arg5: memref<10112x128xf32, #tpu.memory_space<hbm>>, %arg6: memref<2x10112x128xf32, #tpu.memory_space<hbm>>, %arg7: memref<4x128xi32, #tpu.memory_space<vmem>>, %arg8: memref<80x128xi32, #tpu.memory_space<vmem>>, %arg9: memref<2x128x128xf32, #tpu.memory_space<vmem>>, %arg10: memref<10112x128xf32, #tpu.memory_space<vmem_shared>>, %arg11: memref<!tpu.dma_semaphore, #tpu.memory_space<semaphore_mem>>, %arg12: memref<!tpu.dma_semaphore, #tpu.memory_space<semaphore_mem>>, %arg13: memref<!tpu.dma_semaphore, #tpu.memory_space<semaphore_mem>>, %arg14: memref<!tpu.dma_semaphore, #tpu.memory_space<semaphore_mem>>, %arg15: memref<!tpu.dma_semaphore, #tpu.memory_space<semaphore_mem>>, %arg16: memref<!tpu.dma_semaphore, #tpu.memory_space<semaphore_mem>>, %arg17: memref<!tpu.dma_semaphore, #tpu.memory_space<semaphore_mem>>, %arg18: memref<!tpu.dma_semaphore, #tpu.memory_space<semaphore_mem>>) attributes {dimension_semantics = [#tpu.dimension_semantics<core_parallel>, #tpu.dimension_semantics<subcore_parallel>], iteration_bounds = array<i64: 2, 16>, scalar_prefetch = 0 : i64, scratch_operands = 12 : i64, tpu.core_type = #tpu.core_type<sc_vector_subcore>, window_params = [{transform_indices = #map}, {transform_indices = #map}, {transform_indices = #map}, {transform_indices = #map}, {transform_indices = #map1}]} {
    %eq3A = arith.constant 1 : i32
    %eq3A_0 = arith.cmpi eq, %arg0, %eq3A : i32
    %jit3A = arith.constant 80 : i32
    %jit3A_1 = arith.constant 80 : i32
    %select_n3A = arith.select %eq3A_0, %jit3A, %jit3A_1 : i32
    %mul3A = arith.constant 80 : i32
    %mul3A_2 = arith.muli %arg1, %mul3A : i32
    %mul3A_3 = arith.constant 80 : i32
    %mul3A_4 = arith.muli %arg1, %mul3A_3 : i32
    %add3A = arith.constant 1280 : i32
    %add3A_5 = arith.addi %add3A, %mul3A_4 : i32
    %select_n3A_6 = arith.select %eq3A_0, %mul3A_2, %add3A_5 : i32
    %convert_element_type3A = arith.extui %eq3A_0 : i1 to i32
    %cond3A = arith.constant 0 : i32
    %cond3A_7 = arith.cmpi ne, %convert_element_type3A, %cond3A : i32
    scf.if %cond3A_7 {
      %mul3A_182 = arith.constant 80 : i32
      %mul3A_183 = arith.muli %arg1, %mul3A_182 : i32
      "tpu.region"() ({
        %run_scoped3A = tpu.sem_alloc : memref<!tpu.dma_semaphore, #tpu.memory_space<semaphore_mem>>
        %dma_start3A_184 = arith.constant 0 : i32
        %dma_start3A_185 = arith.constant 0 : i32
        %dma_start3A_186 = tpu.memref_slice %arg8[%dma_start3A_184, %dma_start3A_185] : memref<80x128xi32, #tpu.memory_space<vmem>> -> memref<80x128xi32, #tpu.memory_space<vmem>>
        %dma_start3A_187 = arith.constant 0 : i32
        %dma_start3A_188 = tpu.memref_slice %arg3[%mul3A_183, %dma_start3A_187] : memref<2560x128xi32, #tpu.memory_space<hbm>> -> memref<80x128xi32, #tpu.memory_space<hbm>>
        %dma_start3A_189 = arith.constant 0 : i32
        %dma_start3A_190 = arith.constant 0 : i32
        %dma_start3A_191 = tpu.memref_slice %arg8[%dma_start3A_189, %dma_start3A_190] : memref<80x128xi32, #tpu.memory_space<vmem>> -> memref<80x128xi32, #tpu.memory_space<vmem>>
        %dma_start3A_192 = arith.constant 0 : i32
        %dma_start3A_193 = tpu.memref_slice %arg3[%mul3A_183, %dma_start3A_192] : memref<2560x128xi32, #tpu.memory_space<hbm>> -> memref<80x128xi32, #tpu.memory_space<hbm>>
        tpu.enqueue_dma source(%dma_start3A_193 : memref<80x128xi32, #tpu.memory_space<hbm>>) target(%dma_start3A_191 : memref<80x128xi32, #tpu.memory_space<vmem>>) target_semaphore(%run_scoped3A : memref<!tpu.dma_semaphore, #tpu.memory_space<semaphore_mem>>)
        %dma_wait3A_194 = arith.constant 0 : i32
        %dma_wait3A_195 = arith.constant 0 : i32
        %dma_wait3A_196 = tpu.memref_slice %arg8[%dma_wait3A_194, %dma_wait3A_195] : memref<80x128xi32, #tpu.memory_space<vmem>> -> memref<80x128xi32, #tpu.memory_space<vmem>>
        %dma_wait3A_197 = arith.constant 0 : i32
        %dma_wait3A_198 = tpu.memref_slice %arg3[%mul3A_183, %dma_wait3A_197] : memref<2560x128xi32, #tpu.memory_space<hbm>> -> memref<80x128xi32, #tpu.memory_space<hbm>>
        %dma_wait3A_199 = arith.constant 0 : i32
        %dma_wait3A_200 = arith.constant 0 : i32
        %dma_wait3A_201 = tpu.memref_slice %arg8[%dma_wait3A_199, %dma_wait3A_200] : memref<80x128xi32, #tpu.memory_space<vmem>> -> memref<80x128xi32, #tpu.memory_space<vmem>>
        %dma_wait3A_202 = arith.constant 0 : i32
        %dma_wait3A_203 = tpu.memref_slice %arg3[%mul3A_183, %dma_wait3A_202] : memref<2560x128xi32, #tpu.memory_space<hbm>> -> memref<80x128xi32, #tpu.memory_space<hbm>>
        tpu.wait_dma2 semaphore(%run_scoped3A : memref<!tpu.dma_semaphore, #tpu.memory_space<semaphore_mem>>) src(%dma_wait3A_203 : memref<80x128xi32, #tpu.memory_space<hbm>>) dst(%dma_wait3A_201 : memref<80x128xi32, #tpu.memory_space<vmem>>)
        tpu.yield
      }) : () -> ()
    } else {
    }
    %not3A = arith.constant true
    %not3A_8 = arith.xori %eq3A_0, %not3A : i1
    %convert_element_type3A_9 = arith.extui %not3A_8 : i1 to i32
    %cond3A_10 = arith.constant 0 : i32
    %cond3A_11 = arith.cmpi ne, %convert_element_type3A_9, %cond3A_10 : i32
    scf.if %cond3A_11 {
      %mul3A_182 = arith.constant 80 : i32
      %mul3A_183 = arith.muli %arg1, %mul3A_182 : i32
      %add3A_184 = arith.constant 1280 : i32
      %add3A_185 = arith.addi %add3A_184, %mul3A_183 : i32
      "tpu.region"() ({
        %run_scoped3A = tpu.sem_alloc : memref<!tpu.dma_semaphore, #tpu.memory_space<semaphore_mem>>
        %dma_start3A_186 = arith.constant 0 : i32
        %dma_start3A_187 = arith.constant 0 : i32
        %dma_start3A_188 = tpu.memref_slice %arg8[%dma_start3A_186, %dma_start3A_187] : memref<80x128xi32, #tpu.memory_space<vmem>> -> memref<80x128xi32, #tpu.memory_space<vmem>>
        %dma_start3A_189 = arith.constant 0 : i32
        %dma_start3A_190 = tpu.memref_slice %arg3[%add3A_185, %dma_start3A_189] : memref<2560x128xi32, #tpu.memory_space<hbm>> -> memref<80x128xi32, #tpu.memory_space<hbm>>
        %dma_start3A_191 = arith.constant 0 : i32
        %dma_start3A_192 = arith.constant 0 : i32
        %dma_start3A_193 = tpu.memref_slice %arg8[%dma_start3A_191, %dma_start3A_192] : memref<80x128xi32, #tpu.memory_space<vmem>> -> memref<80x128xi32, #tpu.memory_space<vmem>>
        %dma_start3A_194 = arith.constant 0 : i32
        %dma_start3A_195 = tpu.memref_slice %arg3[%add3A_185, %dma_start3A_194] : memref<2560x128xi32, #tpu.memory_space<hbm>> -> memref<80x128xi32, #tpu.memory_space<hbm>>
        tpu.enqueue_dma source(%dma_start3A_195 : memref<80x128xi32, #tpu.memory_space<hbm>>) target(%dma_start3A_193 : memref<80x128xi32, #tpu.memory_space<vmem>>) target_semaphore(%run_scoped3A : memref<!tpu.dma_semaphore, #tpu.memory_space<semaphore_mem>>)
        %dma_wait3A_196 = arith.constant 0 : i32
        %dma_wait3A_197 = arith.constant 0 : i32
        %dma_wait3A_198 = tpu.memref_slice %arg8[%dma_wait3A_196, %dma_wait3A_197] : memref<80x128xi32, #tpu.memory_space<vmem>> -> memref<80x128xi32, #tpu.memory_space<vmem>>
        %dma_wait3A_199 = arith.constant 0 : i32
        %dma_wait3A_200 = tpu.memref_slice %arg3[%add3A_185, %dma_wait3A_199] : memref<2560x128xi32, #tpu.memory_space<hbm>> -> memref<80x128xi32, #tpu.memory_space<hbm>>
        %dma_wait3A_201 = arith.constant 0 : i32
        %dma_wait3A_202 = arith.constant 0 : i32
        %dma_wait3A_203 = tpu.memref_slice %arg8[%dma_wait3A_201, %dma_wait3A_202] : memref<80x128xi32, #tpu.memory_space<vmem>> -> memref<80x128xi32, #tpu.memory_space<vmem>>
        %dma_wait3A_204 = arith.constant 0 : i32
        %dma_wait3A_205 = tpu.memref_slice %arg3[%add3A_185, %dma_wait3A_204] : memref<2560x128xi32, #tpu.memory_space<hbm>> -> memref<80x128xi32, #tpu.memory_space<hbm>>
        tpu.wait_dma2 semaphore(%run_scoped3A : memref<!tpu.dma_semaphore, #tpu.memory_space<semaphore_mem>>) src(%dma_wait3A_205 : memref<80x128xi32, #tpu.memory_space<hbm>>) dst(%dma_wait3A_203 : memref<80x128xi32, #tpu.memory_space<vmem>>)
        tpu.yield
      }) : () -> ()
    } else {
    }
    %add3A_12 = arith.constant 0 : i32
    %add3A_13 = arith.addi %select_n3A_6, %add3A_12 : i32
    %dma_start3A = arith.constant 0 : i32
    %dma_start3A_14 = arith.constant 0 : i32
    %dma_start3A_15 = tpu.memref_slice %arg7[%dma_start3A, %dma_start3A_14] : memref<4x128xi32, #tpu.memory_space<vmem>> -> memref<1x128xi32, #tpu.memory_space<vmem>>
    %dma_start3A_16 = tpu.memref_squeeze %dma_start3A_15 : memref<1x128xi32, #tpu.memory_space<vmem>> -> memref<128xi32, #tpu.memory_space<vmem>>
    %dma_start3A_17 = arith.constant 0 : i32
    %dma_start3A_18 = tpu.memref_slice %arg2[%add3A_13, %dma_start3A_17] : memref<2560x128xi32, #tpu.memory_space<hbm>> -> memref<1x128xi32, #tpu.memory_space<hbm>>
    %dma_start3A_19 = tpu.memref_squeeze %dma_start3A_18 : memref<1x128xi32, #tpu.memory_space<hbm>> -> memref<128xi32, #tpu.memory_space<hbm>>
    %dma_start3A_20 = arith.constant 0 : i32
    %dma_start3A_21 = tpu.memref_slice %arg7[%dma_start3A, %dma_start3A_20] : memref<4x128xi32, #tpu.memory_space<vmem>> -> memref<1x128xi32, #tpu.memory_space<vmem>>
    %dma_start3A_22 = tpu.memref_squeeze %dma_start3A_21 : memref<1x128xi32, #tpu.memory_space<vmem>> -> memref<128xi32, #tpu.memory_space<vmem>>
    %dma_start3A_23 = arith.constant 0 : i32
    %dma_start3A_24 = tpu.memref_slice %arg2[%add3A_13, %dma_start3A_23] : memref<2560x128xi32, #tpu.memory_space<hbm>> -> memref<1x128xi32, #tpu.memory_space<hbm>>
    %dma_start3A_25 = tpu.memref_squeeze %dma_start3A_24 : memref<1x128xi32, #tpu.memory_space<hbm>> -> memref<128xi32, #tpu.memory_space<hbm>>
    tpu.enqueue_dma source(%dma_start3A_25 : memref<128xi32, #tpu.memory_space<hbm>>) target(%dma_start3A_22 : memref<128xi32, #tpu.memory_space<vmem>>) target_semaphore(%arg15 : memref<!tpu.dma_semaphore, #tpu.memory_space<semaphore_mem>>)
    %add3A_26 = arith.constant 1 : i32
    %add3A_27 = arith.addi %select_n3A_6, %add3A_26 : i32
    %dma_start3A_28 = arith.constant 1 : i32
    %dma_start3A_29 = arith.constant 0 : i32
    %dma_start3A_30 = tpu.memref_slice %arg7[%dma_start3A_28, %dma_start3A_29] : memref<4x128xi32, #tpu.memory_space<vmem>> -> memref<1x128xi32, #tpu.memory_space<vmem>>
    %dma_start3A_31 = tpu.memref_squeeze %dma_start3A_30 : memref<1x128xi32, #tpu.memory_space<vmem>> -> memref<128xi32, #tpu.memory_space<vmem>>
    %dma_start3A_32 = arith.constant 0 : i32
    %dma_start3A_33 = tpu.memref_slice %arg2[%add3A_27, %dma_start3A_32] : memref<2560x128xi32, #tpu.memory_space<hbm>> -> memref<1x128xi32, #tpu.memory_space<hbm>>
    %dma_start3A_34 = tpu.memref_squeeze %dma_start3A_33 : memref<1x128xi32, #tpu.memory_space<hbm>> -> memref<128xi32, #tpu.memory_space<hbm>>
    %dma_start3A_35 = arith.constant 0 : i32
    %dma_start3A_36 = tpu.memref_slice %arg7[%dma_start3A_28, %dma_start3A_35] : memref<4x128xi32, #tpu.memory_space<vmem>> -> memref<1x128xi32, #tpu.memory_space<vmem>>
    %dma_start3A_37 = tpu.memref_squeeze %dma_start3A_36 : memref<1x128xi32, #tpu.memory_space<vmem>> -> memref<128xi32, #tpu.memory_space<vmem>>
    %dma_start3A_38 = arith.constant 0 : i32
    %dma_start3A_39 = tpu.memref_slice %arg2[%add3A_27, %dma_start3A_38] : memref<2560x128xi32, #tpu.memory_space<hbm>> -> memref<1x128xi32, #tpu.memory_space<hbm>>
    %dma_start3A_40 = tpu.memref_squeeze %dma_start3A_39 : memref<1x128xi32, #tpu.memory_space<hbm>> -> memref<128xi32, #tpu.memory_space<hbm>>
    tpu.enqueue_dma source(%dma_start3A_40 : memref<128xi32, #tpu.memory_space<hbm>>) target(%dma_start3A_37 : memref<128xi32, #tpu.memory_space<vmem>>) target_semaphore(%arg16 : memref<!tpu.dma_semaphore, #tpu.memory_space<semaphore_mem>>)
    %add3A_41 = arith.constant 2 : i32
    %add3A_42 = arith.addi %select_n3A_6, %add3A_41 : i32
    %dma_start3A_43 = arith.constant 2 : i32
    %dma_start3A_44 = arith.constant 0 : i32
    %dma_start3A_45 = tpu.memref_slice %arg7[%dma_start3A_43, %dma_start3A_44] : memref<4x128xi32, #tpu.memory_space<vmem>> -> memref<1x128xi32, #tpu.memory_space<vmem>>
    %dma_start3A_46 = tpu.memref_squeeze %dma_start3A_45 : memref<1x128xi32, #tpu.memory_space<vmem>> -> memref<128xi32, #tpu.memory_space<vmem>>
    %dma_start3A_47 = arith.constant 0 : i32
    %dma_start3A_48 = tpu.memref_slice %arg2[%add3A_42, %dma_start3A_47] : memref<2560x128xi32, #tpu.memory_space<hbm>> -> memref<1x128xi32, #tpu.memory_space<hbm>>
    %dma_start3A_49 = tpu.memref_squeeze %dma_start3A_48 : memref<1x128xi32, #tpu.memory_space<hbm>> -> memref<128xi32, #tpu.memory_space<hbm>>
    %dma_start3A_50 = arith.constant 0 : i32
    %dma_start3A_51 = tpu.memref_slice %arg7[%dma_start3A_43, %dma_start3A_50] : memref<4x128xi32, #tpu.memory_space<vmem>> -> memref<1x128xi32, #tpu.memory_space<vmem>>
    %dma_start3A_52 = tpu.memref_squeeze %dma_start3A_51 : memref<1x128xi32, #tpu.memory_space<vmem>> -> memref<128xi32, #tpu.memory_space<vmem>>
    %dma_start3A_53 = arith.constant 0 : i32
    %dma_start3A_54 = tpu.memref_slice %arg2[%add3A_42, %dma_start3A_53] : memref<2560x128xi32, #tpu.memory_space<hbm>> -> memref<1x128xi32, #tpu.memory_space<hbm>>
    %dma_start3A_55 = tpu.memref_squeeze %dma_start3A_54 : memref<1x128xi32, #tpu.memory_space<hbm>> -> memref<128xi32, #tpu.memory_space<hbm>>
    tpu.enqueue_dma source(%dma_start3A_55 : memref<128xi32, #tpu.memory_space<hbm>>) target(%dma_start3A_52 : memref<128xi32, #tpu.memory_space<vmem>>) target_semaphore(%arg17 : memref<!tpu.dma_semaphore, #tpu.memory_space<semaphore_mem>>)
    %add3A_56 = arith.constant 3 : i32
    %add3A_57 = arith.addi %select_n3A_6, %add3A_56 : i32
    %dma_start3A_58 = arith.constant 3 : i32
    %dma_start3A_59 = arith.constant 0 : i32
    %dma_start3A_60 = tpu.memref_slice %arg7[%dma_start3A_58, %dma_start3A_59] : memref<4x128xi32, #tpu.memory_space<vmem>> -> memref<1x128xi32, #tpu.memory_space<vmem>>
    %dma_start3A_61 = tpu.memref_squeeze %dma_start3A_60 : memref<1x128xi32, #tpu.memory_space<vmem>> -> memref<128xi32, #tpu.memory_space<vmem>>
    %dma_start3A_62 = arith.constant 0 : i32
    %dma_start3A_63 = tpu.memref_slice %arg2[%add3A_57, %dma_start3A_62] : memref<2560x128xi32, #tpu.memory_space<hbm>> -> memref<1x128xi32, #tpu.memory_space<hbm>>
    %dma_start3A_64 = tpu.memref_squeeze %dma_start3A_63 : memref<1x128xi32, #tpu.memory_space<hbm>> -> memref<128xi32, #tpu.memory_space<hbm>>
    %dma_start3A_65 = arith.constant 0 : i32
    %dma_start3A_66 = tpu.memref_slice %arg7[%dma_start3A_58, %dma_start3A_65] : memref<4x128xi32, #tpu.memory_space<vmem>> -> memref<1x128xi32, #tpu.memory_space<vmem>>
    %dma_start3A_67 = tpu.memref_squeeze %dma_start3A_66 : memref<1x128xi32, #tpu.memory_space<vmem>> -> memref<128xi32, #tpu.memory_space<vmem>>
    %dma_start3A_68 = arith.constant 0 : i32
    %dma_start3A_69 = tpu.memref_slice %arg2[%add3A_57, %dma_start3A_68] : memref<2560x128xi32, #tpu.memory_space<hbm>> -> memref<1x128xi32, #tpu.memory_space<hbm>>
    %dma_start3A_70 = tpu.memref_squeeze %dma_start3A_69 : memref<1x128xi32, #tpu.memory_space<hbm>> -> memref<128xi32, #tpu.memory_space<hbm>>
    tpu.enqueue_dma source(%dma_start3A_70 : memref<128xi32, #tpu.memory_space<hbm>>) target(%dma_start3A_67 : memref<128xi32, #tpu.memory_space<vmem>>) target_semaphore(%arg18 : memref<!tpu.dma_semaphore, #tpu.memory_space<semaphore_mem>>)
    %dma_wait3A = arith.constant 0 : i32
    %dma_wait3A_71 = arith.constant 0 : i32
    %dma_wait3A_72 = arith.constant 0 : i32
    %dma_wait3A_73 = tpu.memref_slice %arg7[%dma_wait3A_71, %dma_wait3A_72] : memref<4x128xi32, #tpu.memory_space<vmem>> -> memref<1x128xi32, #tpu.memory_space<vmem>>
    %dma_wait3A_74 = tpu.memref_squeeze %dma_wait3A_73 : memref<1x128xi32, #tpu.memory_space<vmem>> -> memref<128xi32, #tpu.memory_space<vmem>>
    %dma_wait3A_75 = arith.constant 0 : i32
    %dma_wait3A_76 = tpu.memref_slice %arg2[%dma_wait3A, %dma_wait3A_75] : memref<2560x128xi32, #tpu.memory_space<hbm>> -> memref<1x128xi32, #tpu.memory_space<hbm>>
    %dma_wait3A_77 = tpu.memref_squeeze %dma_wait3A_76 : memref<1x128xi32, #tpu.memory_space<hbm>> -> memref<128xi32, #tpu.memory_space<hbm>>
    %dma_wait3A_78 = arith.constant 0 : i32
    %dma_wait3A_79 = tpu.memref_slice %arg7[%dma_wait3A_71, %dma_wait3A_78] : memref<4x128xi32, #tpu.memory_space<vmem>> -> memref<1x128xi32, #tpu.memory_space<vmem>>
    %dma_wait3A_80 = tpu.memref_squeeze %dma_wait3A_79 : memref<1x128xi32, #tpu.memory_space<vmem>> -> memref<128xi32, #tpu.memory_space<vmem>>
    %dma_wait3A_81 = arith.constant 0 : i32
    %dma_wait3A_82 = tpu.memref_slice %arg2[%dma_wait3A, %dma_wait3A_81] : memref<2560x128xi32, #tpu.memory_space<hbm>> -> memref<1x128xi32, #tpu.memory_space<hbm>>
    %dma_wait3A_83 = tpu.memref_squeeze %dma_wait3A_82 : memref<1x128xi32, #tpu.memory_space<hbm>> -> memref<128xi32, #tpu.memory_space<hbm>>
    tpu.wait_dma2 semaphore(%arg15 : memref<!tpu.dma_semaphore, #tpu.memory_space<semaphore_mem>>) src(%dma_wait3A_83 : memref<128xi32, #tpu.memory_space<hbm>>) dst(%dma_wait3A_80 : memref<128xi32, #tpu.memory_space<vmem>>)
    %dma_start3A_84 = arith.constant 0 : i32
    %dma_start3A_85 = arith.constant 0 : i32
    %dma_start3A_86 = arith.constant 0 : i32
    %dma_start3A_87 = arith.constant 0 : i32
    %dma_start3A_88 = tpu.memref_slice %arg9[%dma_start3A_85, %dma_start3A_86, %dma_start3A_87] : memref<2x128x128xf32, #tpu.memory_space<vmem>> -> memref<1x128x128xf32, #tpu.memory_space<vmem>>
    %dma_start3A_89 = tpu.memref_squeeze %dma_start3A_88 : memref<1x128x128xf32, #tpu.memory_space<vmem>> -> memref<128x128xf32, #tpu.memory_space<vmem>>
    %dma_start3A_90 = arith.constant 0 : i32
    %dma_start3A_91 = tpu.memref_slice %arg7[%dma_start3A_84, %dma_start3A_90] : memref<4x128xi32, #tpu.memory_space<vmem>> -> memref<1x128xi32, #tpu.memory_space<vmem>>
    %dma_start3A_92 = tpu.memref_squeeze %dma_start3A_91 : memref<1x128xi32, #tpu.memory_space<vmem>> -> memref<128xi32, #tpu.memory_space<vmem>>
    %dma_start3A_93 = arith.constant 0 : i32
    %dma_start3A_94 = arith.constant 0 : i32
    %dma_start3A_95 = tpu.memref_slice %arg4[%dma_start3A_93, %dma_start3A_94] : memref<10112x128xf32, #tpu.memory_space<hbm>> -> memref<10112x128xf32, #tpu.memory_space<hbm>>
    tpu.enqueue_indirect_dma source(%dma_start3A_95 : memref<10112x128xf32, #tpu.memory_space<hbm>>) target(%dma_start3A_89 : memref<128x128xf32, #tpu.memory_space<vmem>>) offsets(%dma_start3A_92 : memref<128xi32, #tpu.memory_space<vmem>>) semaphore(%arg11 : memref<!tpu.dma_semaphore, #tpu.memory_space<semaphore_mem>>)
    %dma_wait3A_96 = arith.constant 0 : i32
    %dma_wait3A_97 = arith.constant 1 : i32
    %dma_wait3A_98 = arith.constant 0 : i32
    %dma_wait3A_99 = tpu.memref_slice %arg7[%dma_wait3A_97, %dma_wait3A_98] : memref<4x128xi32, #tpu.memory_space<vmem>> -> memref<1x128xi32, #tpu.memory_space<vmem>>
    %dma_wait3A_100 = tpu.memref_squeeze %dma_wait3A_99 : memref<1x128xi32, #tpu.memory_space<vmem>> -> memref<128xi32, #tpu.memory_space<vmem>>
    %dma_wait3A_101 = arith.constant 0 : i32
    %dma_wait3A_102 = tpu.memref_slice %arg2[%dma_wait3A_96, %dma_wait3A_101] : memref<2560x128xi32, #tpu.memory_space<hbm>> -> memref<1x128xi32, #tpu.memory_space<hbm>>
    %dma_wait3A_103 = tpu.memref_squeeze %dma_wait3A_102 : memref<1x128xi32, #tpu.memory_space<hbm>> -> memref<128xi32, #tpu.memory_space<hbm>>
    %dma_wait3A_104 = arith.constant 0 : i32
    %dma_wait3A_105 = tpu.memref_slice %arg7[%dma_wait3A_97, %dma_wait3A_104] : memref<4x128xi32, #tpu.memory_space<vmem>> -> memref<1x128xi32, #tpu.memory_space<vmem>>
    %dma_wait3A_106 = tpu.memref_squeeze %dma_wait3A_105 : memref<1x128xi32, #tpu.memory_space<vmem>> -> memref<128xi32, #tpu.memory_space<vmem>>
    %dma_wait3A_107 = arith.constant 0 : i32
    %dma_wait3A_108 = tpu.memref_slice %arg2[%dma_wait3A_96, %dma_wait3A_107] : memref<2560x128xi32, #tpu.memory_space<hbm>> -> memref<1x128xi32, #tpu.memory_space<hbm>>
    %dma_wait3A_109 = tpu.memref_squeeze %dma_wait3A_108 : memref<1x128xi32, #tpu.memory_space<hbm>> -> memref<128xi32, #tpu.memory_space<hbm>>
    tpu.wait_dma2 semaphore(%arg16 : memref<!tpu.dma_semaphore, #tpu.memory_space<semaphore_mem>>) src(%dma_wait3A_109 : memref<128xi32, #tpu.memory_space<hbm>>) dst(%dma_wait3A_106 : memref<128xi32, #tpu.memory_space<vmem>>)
    %dma_start3A_110 = arith.constant 1 : i32
    %dma_start3A_111 = arith.constant 1 : i32
    %dma_start3A_112 = arith.constant 0 : i32
    %dma_start3A_113 = arith.constant 0 : i32
    %dma_start3A_114 = tpu.memref_slice %arg9[%dma_start3A_111, %dma_start3A_112, %dma_start3A_113] : memref<2x128x128xf32, #tpu.memory_space<vmem>> -> memref<1x128x128xf32, #tpu.memory_space<vmem>>
    %dma_start3A_115 = tpu.memref_squeeze %dma_start3A_114 : memref<1x128x128xf32, #tpu.memory_space<vmem>> -> memref<128x128xf32, #tpu.memory_space<vmem>>
    %dma_start3A_116 = arith.constant 0 : i32
    %dma_start3A_117 = tpu.memref_slice %arg7[%dma_start3A_110, %dma_start3A_116] : memref<4x128xi32, #tpu.memory_space<vmem>> -> memref<1x128xi32, #tpu.memory_space<vmem>>
    %dma_start3A_118 = tpu.memref_squeeze %dma_start3A_117 : memref<1x128xi32, #tpu.memory_space<vmem>> -> memref<128xi32, #tpu.memory_space<vmem>>
    %dma_start3A_119 = arith.constant 0 : i32
    %dma_start3A_120 = arith.constant 0 : i32
    %dma_start3A_121 = tpu.memref_slice %arg4[%dma_start3A_119, %dma_start3A_120] : memref<10112x128xf32, #tpu.memory_space<hbm>> -> memref<10112x128xf32, #tpu.memory_space<hbm>>
    tpu.enqueue_indirect_dma source(%dma_start3A_121 : memref<10112x128xf32, #tpu.memory_space<hbm>>) target(%dma_start3A_115 : memref<128x128xf32, #tpu.memory_space<vmem>>) offsets(%dma_start3A_118 : memref<128xi32, #tpu.memory_space<vmem>>) semaphore(%arg12 : memref<!tpu.dma_semaphore, #tpu.memory_space<semaphore_mem>>)
    %mul3A_122 = arith.constant 632 : i32
    %mul3A_123 = arith.muli %arg1, %mul3A_122 : i32
    %mul3A_124 = arith.constant 632 : i32
    %mul3A_125 = arith.muli %arg1, %mul3A_124 : i32
    "tpu.region"() ({
      %run_scoped3A = tpu.sem_alloc : memref<!tpu.dma_semaphore, #tpu.memory_space<semaphore_mem>>
      %dma_start3A_182 = arith.constant 0 : i32
      %dma_start3A_183 = tpu.memref_slice %arg10[%mul3A_125, %dma_start3A_182] : memref<10112x128xf32, #tpu.memory_space<vmem_shared>> -> memref<632x128xf32, #tpu.memory_space<vmem_shared>>
      %dma_start3A_184 = arith.constant 0 : i32
      %dma_start3A_185 = tpu.memref_slice %arg5[%mul3A_123, %dma_start3A_184] : memref<10112x128xf32, #tpu.memory_space<hbm>> -> memref<632x128xf32, #tpu.memory_space<hbm>>
      tpu.enqueue_dma source(%dma_start3A_185 : memref<632x128xf32, #tpu.memory_space<hbm>>) target(%dma_start3A_183 : memref<632x128xf32, #tpu.memory_space<vmem_shared>>) target_semaphore(%run_scoped3A : memref<!tpu.dma_semaphore, #tpu.memory_space<semaphore_mem>>)
      %dma_wait3A_186 = arith.constant 0 : i32
      %dma_wait3A_187 = tpu.memref_slice %arg10[%mul3A_125, %dma_wait3A_186] : memref<10112x128xf32, #tpu.memory_space<vmem_shared>> -> memref<632x128xf32, #tpu.memory_space<vmem_shared>>
      %dma_wait3A_188 = arith.constant 0 : i32
      %dma_wait3A_189 = tpu.memref_slice %arg5[%mul3A_123, %dma_wait3A_188] : memref<10112x128xf32, #tpu.memory_space<hbm>> -> memref<632x128xf32, #tpu.memory_space<hbm>>
      tpu.wait_dma2 semaphore(%run_scoped3A : memref<!tpu.dma_semaphore, #tpu.memory_space<semaphore_mem>>) src(%dma_wait3A_189 : memref<632x128xf32, #tpu.memory_space<hbm>>) dst(%dma_wait3A_187 : memref<632x128xf32, #tpu.memory_space<vmem_shared>>)
      tpu.yield
    }) : () -> ()
    %barrier3A = arith.constant 0 : index
    tpu.barrier barrier_id(%barrier3A)
    %jit3A_126 = arith.constant 4 : i32
    %div3A = arith.divsi %select_n3A, %jit3A_126 : i32
    %sign3A = arith.constant 0 : i32
    %sign3A_127 = arith.cmpi sgt, %select_n3A, %sign3A : i32
    %sign3A_128 = arith.extui %sign3A_127 : i1 to i32
    %sign3A_129 = arith.constant 0 : i32
    %sign3A_130 = arith.cmpi slt, %select_n3A, %sign3A_129 : i32
    %sign3A_131 = arith.extui %sign3A_130 : i1 to i32
    %sign3A_132 = arith.subi %sign3A_128, %sign3A_131 : i32
    %sign3A_133 = arith.constant 0 : i32
    %sign3A_134 = arith.cmpi sgt, %jit3A_126, %sign3A_133 : i32
    %sign3A_135 = arith.extui %sign3A_134 : i1 to i32
    %sign3A_136 = arith.constant 0 : i32
    %sign3A_137 = arith.cmpi slt, %jit3A_126, %sign3A_136 : i32
    %sign3A_138 = arith.extui %sign3A_137 : i1 to i32
    %sign3A_139 = arith.subi %sign3A_135, %sign3A_138 : i32
    %ne3A = arith.cmpi ne, %sign3A_132, %sign3A_139 : i32
    %rem3A = arith.remsi %select_n3A, %jit3A_126 : i32
    %ne3A_140 = arith.constant 0 : i32
    %ne3A_141 = arith.cmpi ne, %rem3A, %ne3A_140 : i32
    %and3A = arith.andi %ne3A, %ne3A_141 : i1
    %sub3A = arith.constant 1 : i32
    %sub3A_142 = arith.subi %div3A, %sub3A : i32
    %select_n3A_143 = arith.select %and3A, %sub3A_142, %div3A : i32
    %while3A = arith.constant 0 : i32
    %while3A_144 = arith.constant 0 : i32
    %while3A_145 = arith.subi %select_n3A_143, %while3A_144 : i32
    %while3A_146 = arith.addi %while3A_144, %while3A_145 : i32
    %while3A_147 = arith.constant 1 : i32
    %while3A_148 = arith.divsi %while3A_145, %while3A_147 : i32
    %while3A_149 = arith.muli %while3A_148, %while3A_147 : i32
    %while3A_150 = arith.addi %while3A_144, %while3A_149 : i32
    %while3A_151 = arith.constant 1 : i32
    scf.for %while3A_182 = %while3A_144 to %while3A_150 step %while3A_151  : i32 {
      %mul3A_183 = arith.constant 4 : i32
      %mul3A_184 = arith.muli %while3A_182, %mul3A_183 : i32
      %add3A_185 = arith.constant 0 : i32
      %add3A_186 = arith.addi %mul3A_184, %add3A_185 : i32
      %add3A_187 = arith.constant 1 : i32
      %add3A_188 = arith.addi %add3A_186, %add3A_187 : i32
      %ge3A = arith.constant 2 : i32
      %ge3A_189 = arith.cmpi sge, %add3A_188, %ge3A : i32
      %lt3A = arith.cmpi slt, %add3A_188, %select_n3A : i32
      %and3A_190 = arith.andi %ge3A_189, %lt3A : i1
      %convert_element_type3A_191 = arith.extui %and3A_190 : i1 to i32
      %cond3A_192 = arith.constant 0 : i32
      %cond3A_193 = arith.cmpi ne, %convert_element_type3A_191, %cond3A_192 : i32
      scf.if %cond3A_193 {
        %dma_wait3A_349 = arith.constant 1 : i32
        %dma_wait3A_350 = arith.constant 0 : i32
        %dma_wait3A_351 = arith.constant 0 : i32
        %dma_wait3A_352 = arith.constant 0 : i32
        %dma_wait3A_353 = tpu.memref_slice %arg9[%dma_wait3A_349, %dma_wait3A_351, %dma_wait3A_352] : memref<2x128x128xf32, #tpu.memory_space<vmem>> -> memref<1x128x128xf32, #tpu.memory_space<vmem>>
        %dma_wait3A_354 = tpu.memref_squeeze %dma_wait3A_353 : memref<1x128x128xf32, #tpu.memory_space<vmem>> -> memref<128x128xf32, #tpu.memory_space<vmem>>
        %dma_wait3A_355 = arith.constant 0 : i32
        %dma_wait3A_356 = tpu.memref_slice %arg8[%dma_wait3A_350, %dma_wait3A_355] : memref<80x128xi32, #tpu.memory_space<vmem>> -> memref<1x128xi32, #tpu.memory_space<vmem>>
        %dma_wait3A_357 = tpu.memref_squeeze %dma_wait3A_356 : memref<1x128xi32, #tpu.memory_space<vmem>> -> memref<128xi32, #tpu.memory_space<vmem>>
        %dma_wait3A_358 = arith.constant 0 : i32
        %dma_wait3A_359 = arith.constant 0 : i32
        %dma_wait3A_360 = tpu.memref_slice %arg10[%dma_wait3A_358, %dma_wait3A_359] : memref<10112x128xf32, #tpu.memory_space<vmem_shared>> -> memref<10112x128xf32, #tpu.memory_space<vmem_shared>>
        tpu.wait_indirect_dma semaphore(%arg14 : memref<!tpu.dma_semaphore, #tpu.memory_space<semaphore_mem>>) src(%dma_wait3A_354 : memref<128x128xf32, #tpu.memory_space<vmem>>) dst(%dma_wait3A_360 : memref<10112x128xf32, #tpu.memory_space<vmem_shared>>)
        %dma_wait3A_361 = arith.constant 0 : i32
        %dma_wait3A_362 = arith.constant 1 : i32
        %dma_wait3A_363 = arith.constant 0 : i32
        %dma_wait3A_364 = tpu.memref_slice %arg7[%dma_wait3A_362, %dma_wait3A_363] : memref<4x128xi32, #tpu.memory_space<vmem>> -> memref<1x128xi32, #tpu.memory_space<vmem>>
        %dma_wait3A_365 = tpu.memref_squeeze %dma_wait3A_364 : memref<1x128xi32, #tpu.memory_space<vmem>> -> memref<128xi32, #tpu.memory_space<vmem>>
        %dma_wait3A_366 = arith.constant 0 : i32
        %dma_wait3A_367 = tpu.memref_slice %arg2[%dma_wait3A_361, %dma_wait3A_366] : memref<2560x128xi32, #tpu.memory_space<hbm>> -> memref<1x128xi32, #tpu.memory_space<hbm>>
        %dma_wait3A_368 = tpu.memref_squeeze %dma_wait3A_367 : memref<1x128xi32, #tpu.memory_space<hbm>> -> memref<128xi32, #tpu.memory_space<hbm>>
        %dma_wait3A_369 = arith.constant 0 : i32
        %dma_wait3A_370 = tpu.memref_slice %arg7[%dma_wait3A_362, %dma_wait3A_369] : memref<4x128xi32, #tpu.memory_space<vmem>> -> memref<1x128xi32, #tpu.memory_space<vmem>>
        %dma_wait3A_371 = tpu.memref_squeeze %dma_wait3A_370 : memref<1x128xi32, #tpu.memory_space<vmem>> -> memref<128xi32, #tpu.memory_space<vmem>>
        %dma_wait3A_372 = arith.constant 0 : i32
        %dma_wait3A_373 = tpu.memref_slice %arg2[%dma_wait3A_361, %dma_wait3A_372] : memref<2560x128xi32, #tpu.memory_space<hbm>> -> memref<1x128xi32, #tpu.memory_space<hbm>>
        %dma_wait3A_374 = tpu.memref_squeeze %dma_wait3A_373 : memref<1x128xi32, #tpu.memory_space<hbm>> -> memref<128xi32, #tpu.memory_space<hbm>>
        tpu.wait_dma2 semaphore(%arg16 : memref<!tpu.dma_semaphore, #tpu.memory_space<semaphore_mem>>) src(%dma_wait3A_374 : memref<128xi32, #tpu.memory_space<hbm>>) dst(%dma_wait3A_371 : memref<128xi32, #tpu.memory_space<vmem>>)
        %dma_start3A_375 = arith.constant 1 : i32
        %dma_start3A_376 = arith.constant 1 : i32
        %dma_start3A_377 = arith.constant 0 : i32
        %dma_start3A_378 = arith.constant 0 : i32
        %dma_start3A_379 = tpu.memref_slice %arg9[%dma_start3A_376, %dma_start3A_377, %dma_start3A_378] : memref<2x128x128xf32, #tpu.memory_space<vmem>> -> memref<1x128x128xf32, #tpu.memory_space<vmem>>
        %dma_start3A_380 = tpu.memref_squeeze %dma_start3A_379 : memref<1x128x128xf32, #tpu.memory_space<vmem>> -> memref<128x128xf32, #tpu.memory_space<vmem>>
        %dma_start3A_381 = arith.constant 0 : i32
        %dma_start3A_382 = tpu.memref_slice %arg7[%dma_start3A_375, %dma_start3A_381] : memref<4x128xi32, #tpu.memory_space<vmem>> -> memref<1x128xi32, #tpu.memory_space<vmem>>
        %dma_start3A_383 = tpu.memref_squeeze %dma_start3A_382 : memref<1x128xi32, #tpu.memory_space<vmem>> -> memref<128xi32, #tpu.memory_space<vmem>>
        %dma_start3A_384 = arith.constant 0 : i32
        %dma_start3A_385 = arith.constant 0 : i32
        %dma_start3A_386 = tpu.memref_slice %arg4[%dma_start3A_384, %dma_start3A_385] : memref<10112x128xf32, #tpu.memory_space<hbm>> -> memref<10112x128xf32, #tpu.memory_space<hbm>>
        tpu.enqueue_indirect_dma source(%dma_start3A_386 : memref<10112x128xf32, #tpu.memory_space<hbm>>) target(%dma_start3A_380 : memref<128x128xf32, #tpu.memory_space<vmem>>) offsets(%dma_start3A_383 : memref<128xi32, #tpu.memory_space<vmem>>) semaphore(%arg12 : memref<!tpu.dma_semaphore, #tpu.memory_space<semaphore_mem>>)
      } else {
      }
      %dma_wait3A_194 = arith.constant 0 : i32
      %dma_wait3A_195 = arith.constant 0 : i32
      %dma_wait3A_196 = arith.constant 0 : i32
      %dma_wait3A_197 = arith.constant 0 : i32
      %dma_wait3A_198 = tpu.memref_slice %arg9[%dma_wait3A_195, %dma_wait3A_196, %dma_wait3A_197] : memref<2x128x128xf32, #tpu.memory_space<vmem>> -> memref<1x128x128xf32, #tpu.memory_space<vmem>>
      %dma_wait3A_199 = tpu.memref_squeeze %dma_wait3A_198 : memref<1x128x128xf32, #tpu.memory_space<vmem>> -> memref<128x128xf32, #tpu.memory_space<vmem>>
      %dma_wait3A_200 = arith.constant 0 : i32
      %dma_wait3A_201 = tpu.memref_slice %arg7[%dma_wait3A_194, %dma_wait3A_200] : memref<4x128xi32, #tpu.memory_space<vmem>> -> memref<1x128xi32, #tpu.memory_space<vmem>>
      %dma_wait3A_202 = tpu.memref_squeeze %dma_wait3A_201 : memref<1x128xi32, #tpu.memory_space<vmem>> -> memref<128xi32, #tpu.memory_space<vmem>>
      %dma_wait3A_203 = arith.constant 0 : i32
      %dma_wait3A_204 = arith.constant 0 : i32
      %dma_wait3A_205 = tpu.memref_slice %arg4[%dma_wait3A_203, %dma_wait3A_204] : memref<10112x128xf32, #tpu.memory_space<hbm>> -> memref<10112x128xf32, #tpu.memory_space<hbm>>
      tpu.wait_indirect_dma semaphore(%arg11 : memref<!tpu.dma_semaphore, #tpu.memory_space<semaphore_mem>>) src(%dma_wait3A_205 : memref<10112x128xf32, #tpu.memory_space<hbm>>) dst(%dma_wait3A_199 : memref<128x128xf32, #tpu.memory_space<vmem>>)
      %add3A_206 = arith.constant 4 : i32
      %add3A_207 = arith.addi %add3A_186, %add3A_206 : i32
      %lt3A_208 = arith.cmpi slt, %add3A_207, %select_n3A : i32
      %convert_element_type3A_209 = arith.extui %lt3A_208 : i1 to i32
      %cond3A_210 = arith.constant 0 : i32
      %cond3A_211 = arith.cmpi ne, %convert_element_type3A_209, %cond3A_210 : i32
      scf.if %cond3A_211 {
        %add3A_349 = arith.constant 4 : i32
        %add3A_350 = arith.addi %add3A_186, %add3A_349 : i32
        %add3A_351 = arith.addi %select_n3A_6, %add3A_350 : i32
        %dma_start3A_352 = arith.constant 0 : i32
        %dma_start3A_353 = arith.constant 0 : i32
        %dma_start3A_354 = tpu.memref_slice %arg7[%dma_start3A_352, %dma_start3A_353] : memref<4x128xi32, #tpu.memory_space<vmem>> -> memref<1x128xi32, #tpu.memory_space<vmem>>
        %dma_start3A_355 = tpu.memref_squeeze %dma_start3A_354 : memref<1x128xi32, #tpu.memory_space<vmem>> -> memref<128xi32, #tpu.memory_space<vmem>>
        %dma_start3A_356 = arith.constant 0 : i32
        %dma_start3A_357 = tpu.memref_slice %arg2[%add3A_351, %dma_start3A_356] : memref<2560x128xi32, #tpu.memory_space<hbm>> -> memref<1x128xi32, #tpu.memory_space<hbm>>
        %dma_start3A_358 = tpu.memref_squeeze %dma_start3A_357 : memref<1x128xi32, #tpu.memory_space<hbm>> -> memref<128xi32, #tpu.memory_space<hbm>>
        %dma_start3A_359 = arith.constant 0 : i32
        %dma_start3A_360 = tpu.memref_slice %arg7[%dma_start3A_352, %dma_start3A_359] : memref<4x128xi32, #tpu.memory_space<vmem>> -> memref<1x128xi32, #tpu.memory_space<vmem>>
        %dma_start3A_361 = tpu.memref_squeeze %dma_start3A_360 : memref<1x128xi32, #tpu.memory_space<vmem>> -> memref<128xi32, #tpu.memory_space<vmem>>
        %dma_start3A_362 = arith.constant 0 : i32
        %dma_start3A_363 = tpu.memref_slice %arg2[%add3A_351, %dma_start3A_362] : memref<2560x128xi32, #tpu.memory_space<hbm>> -> memref<1x128xi32, #tpu.memory_space<hbm>>
        %dma_start3A_364 = tpu.memref_squeeze %dma_start3A_363 : memref<1x128xi32, #tpu.memory_space<hbm>> -> memref<128xi32, #tpu.memory_space<hbm>>
        tpu.enqueue_dma source(%dma_start3A_364 : memref<128xi32, #tpu.memory_space<hbm>>) target(%dma_start3A_361 : memref<128xi32, #tpu.memory_space<vmem>>) target_semaphore(%arg15 : memref<!tpu.dma_semaphore, #tpu.memory_space<semaphore_mem>>)
      } else {
      }
      %dma_start3A_212 = arith.constant 0 : i32
      %dma_start3A_213 = arith.constant 0 : i32
      %dma_start3A_214 = arith.constant 0 : i32
      %dma_start3A_215 = tpu.memref_slice %arg9[%dma_start3A_212, %dma_start3A_213, %dma_start3A_214] : memref<2x128x128xf32, #tpu.memory_space<vmem>> -> memref<1x128x128xf32, #tpu.memory_space<vmem>>
      %dma_start3A_216 = tpu.memref_squeeze %dma_start3A_215 : memref<1x128x128xf32, #tpu.memory_space<vmem>> -> memref<128x128xf32, #tpu.memory_space<vmem>>
      %dma_start3A_217 = arith.constant 0 : i32
      %dma_start3A_218 = tpu.memref_slice %arg8[%add3A_186, %dma_start3A_217] : memref<80x128xi32, #tpu.memory_space<vmem>> -> memref<1x128xi32, #tpu.memory_space<vmem>>
      %dma_start3A_219 = tpu.memref_squeeze %dma_start3A_218 : memref<1x128xi32, #tpu.memory_space<vmem>> -> memref<128xi32, #tpu.memory_space<vmem>>
      %dma_start3A_220 = arith.constant 0 : i32
      %dma_start3A_221 = arith.constant 0 : i32
      %dma_start3A_222 = tpu.memref_slice %arg10[%dma_start3A_220, %dma_start3A_221] : memref<10112x128xf32, #tpu.memory_space<vmem_shared>> -> memref<10112x128xf32, #tpu.memory_space<vmem_shared>>
      tpu.enqueue_indirect_dma source(%dma_start3A_216 : memref<128x128xf32, #tpu.memory_space<vmem>>) target(%dma_start3A_222 : memref<10112x128xf32, #tpu.memory_space<vmem_shared>>) offsets(%dma_start3A_219 : memref<128xi32, #tpu.memory_space<vmem>>) semaphore(%arg13 : memref<!tpu.dma_semaphore, #tpu.memory_space<semaphore_mem>>) {add = true}
      %mul3A_223 = arith.constant 4 : i32
      %mul3A_224 = arith.muli %while3A_182, %mul3A_223 : i32
      %add3A_225 = arith.constant 1 : i32
      %add3A_226 = arith.addi %mul3A_224, %add3A_225 : i32
      %add3A_227 = arith.constant 1 : i32
      %add3A_228 = arith.addi %add3A_226, %add3A_227 : i32
      %ge3A_229 = arith.constant 2 : i32
      %ge3A_230 = arith.cmpi sge, %add3A_228, %ge3A_229 : i32
      %lt3A_231 = arith.cmpi slt, %add3A_228, %select_n3A : i32
      %and3A_232 = arith.andi %ge3A_230, %lt3A_231 : i1
      %convert_element_type3A_233 = arith.extui %and3A_232 : i1 to i32
      %cond3A_234 = arith.constant 0 : i32
      %cond3A_235 = arith.cmpi ne, %convert_element_type3A_233, %cond3A_234 : i32
      scf.if %cond3A_235 {
        %dma_wait3A_349 = arith.constant 0 : i32
        %dma_wait3A_350 = arith.constant 0 : i32
        %dma_wait3A_351 = arith.constant 0 : i32
        %dma_wait3A_352 = arith.constant 0 : i32
        %dma_wait3A_353 = tpu.memref_slice %arg9[%dma_wait3A_349, %dma_wait3A_351, %dma_wait3A_352] : memref<2x128x128xf32, #tpu.memory_space<vmem>> -> memref<1x128x128xf32, #tpu.memory_space<vmem>>
        %dma_wait3A_354 = tpu.memref_squeeze %dma_wait3A_353 : memref<1x128x128xf32, #tpu.memory_space<vmem>> -> memref<128x128xf32, #tpu.memory_space<vmem>>
        %dma_wait3A_355 = arith.constant 0 : i32
        %dma_wait3A_356 = tpu.memref_slice %arg8[%dma_wait3A_350, %dma_wait3A_355] : memref<80x128xi32, #tpu.memory_space<vmem>> -> memref<1x128xi32, #tpu.memory_space<vmem>>
        %dma_wait3A_357 = tpu.memref_squeeze %dma_wait3A_356 : memref<1x128xi32, #tpu.memory_space<vmem>> -> memref<128xi32, #tpu.memory_space<vmem>>
        %dma_wait3A_358 = arith.constant 0 : i32
        %dma_wait3A_359 = arith.constant 0 : i32
        %dma_wait3A_360 = tpu.memref_slice %arg10[%dma_wait3A_358, %dma_wait3A_359] : memref<10112x128xf32, #tpu.memory_space<vmem_shared>> -> memref<10112x128xf32, #tpu.memory_space<vmem_shared>>
        tpu.wait_indirect_dma semaphore(%arg13 : memref<!tpu.dma_semaphore, #tpu.memory_space<semaphore_mem>>) src(%dma_wait3A_354 : memref<128x128xf32, #tpu.memory_space<vmem>>) dst(%dma_wait3A_360 : memref<10112x128xf32, #tpu.memory_space<vmem_shared>>)
        %dma_wait3A_361 = arith.constant 0 : i32
        %dma_wait3A_362 = arith.constant 2 : i32
        %dma_wait3A_363 = arith.constant 0 : i32
        %dma_wait3A_364 = tpu.memref_slice %arg7[%dma_wait3A_362, %dma_wait3A_363] : memref<4x128xi32, #tpu.memory_space<vmem>> -> memref<1x128xi32, #tpu.memory_space<vmem>>
        %dma_wait3A_365 = tpu.memref_squeeze %dma_wait3A_364 : memref<1x128xi32, #tpu.memory_space<vmem>> -> memref<128xi32, #tpu.memory_space<vmem>>
        %dma_wait3A_366 = arith.constant 0 : i32
        %dma_wait3A_367 = tpu.memref_slice %arg2[%dma_wait3A_361, %dma_wait3A_366] : memref<2560x128xi32, #tpu.memory_space<hbm>> -> memref<1x128xi32, #tpu.memory_space<hbm>>
        %dma_wait3A_368 = tpu.memref_squeeze %dma_wait3A_367 : memref<1x128xi32, #tpu.memory_space<hbm>> -> memref<128xi32, #tpu.memory_space<hbm>>
        %dma_wait3A_369 = arith.constant 0 : i32
        %dma_wait3A_370 = tpu.memref_slice %arg7[%dma_wait3A_362, %dma_wait3A_369] : memref<4x128xi32, #tpu.memory_space<vmem>> -> memref<1x128xi32, #tpu.memory_space<vmem>>
        %dma_wait3A_371 = tpu.memref_squeeze %dma_wait3A_370 : memref<1x128xi32, #tpu.memory_space<vmem>> -> memref<128xi32, #tpu.memory_space<vmem>>
        %dma_wait3A_372 = arith.constant 0 : i32
        %dma_wait3A_373 = tpu.memref_slice %arg2[%dma_wait3A_361, %dma_wait3A_372] : memref<2560x128xi32, #tpu.memory_space<hbm>> -> memref<1x128xi32, #tpu.memory_space<hbm>>
        %dma_wait3A_374 = tpu.memref_squeeze %dma_wait3A_373 : memref<1x128xi32, #tpu.memory_space<hbm>> -> memref<128xi32, #tpu.memory_space<hbm>>
        tpu.wait_dma2 semaphore(%arg17 : memref<!tpu.dma_semaphore, #tpu.memory_space<semaphore_mem>>) src(%dma_wait3A_374 : memref<128xi32, #tpu.memory_space<hbm>>) dst(%dma_wait3A_371 : memref<128xi32, #tpu.memory_space<vmem>>)
        %dma_start3A_375 = arith.constant 2 : i32
        %dma_start3A_376 = arith.constant 0 : i32
        %dma_start3A_377 = arith.constant 0 : i32
        %dma_start3A_378 = arith.constant 0 : i32
        %dma_start3A_379 = tpu.memref_slice %arg9[%dma_start3A_376, %dma_start3A_377, %dma_start3A_378] : memref<2x128x128xf32, #tpu.memory_space<vmem>> -> memref<1x128x128xf32, #tpu.memory_space<vmem>>
        %dma_start3A_380 = tpu.memref_squeeze %dma_start3A_379 : memref<1x128x128xf32, #tpu.memory_space<vmem>> -> memref<128x128xf32, #tpu.memory_space<vmem>>
        %dma_start3A_381 = arith.constant 0 : i32
        %dma_start3A_382 = tpu.memref_slice %arg7[%dma_start3A_375, %dma_start3A_381] : memref<4x128xi32, #tpu.memory_space<vmem>> -> memref<1x128xi32, #tpu.memory_space<vmem>>
        %dma_start3A_383 = tpu.memref_squeeze %dma_start3A_382 : memref<1x128xi32, #tpu.memory_space<vmem>> -> memref<128xi32, #tpu.memory_space<vmem>>
        %dma_start3A_384 = arith.constant 0 : i32
        %dma_start3A_385 = arith.constant 0 : i32
        %dma_start3A_386 = tpu.memref_slice %arg4[%dma_start3A_384, %dma_start3A_385] : memref<10112x128xf32, #tpu.memory_space<hbm>> -> memref<10112x128xf32, #tpu.memory_space<hbm>>
        tpu.enqueue_indirect_dma source(%dma_start3A_386 : memref<10112x128xf32, #tpu.memory_space<hbm>>) target(%dma_start3A_380 : memref<128x128xf32, #tpu.memory_space<vmem>>) offsets(%dma_start3A_383 : memref<128xi32, #tpu.memory_space<vmem>>) semaphore(%arg11 : memref<!tpu.dma_semaphore, #tpu.memory_space<semaphore_mem>>)
      } else {
      }
      %dma_wait3A_236 = arith.constant 1 : i32
      %dma_wait3A_237 = arith.constant 1 : i32
      %dma_wait3A_238 = arith.constant 0 : i32
      %dma_wait3A_239 = arith.constant 0 : i32
      %dma_wait3A_240 = tpu.memref_slice %arg9[%dma_wait3A_237, %dma_wait3A_238, %dma_wait3A_239] : memref<2x128x128xf32, #tpu.memory_space<vmem>> -> memref<1x128x128xf32, #tpu.memory_space<vmem>>
      %dma_wait3A_241 = tpu.memref_squeeze %dma_wait3A_240 : memref<1x128x128xf32, #tpu.memory_space<vmem>> -> memref<128x128xf32, #tpu.memory_space<vmem>>
      %dma_wait3A_242 = arith.constant 0 : i32
      %dma_wait3A_243 = tpu.memref_slice %arg7[%dma_wait3A_236, %dma_wait3A_242] : memref<4x128xi32, #tpu.memory_space<vmem>> -> memref<1x128xi32, #tpu.memory_space<vmem>>
      %dma_wait3A_244 = tpu.memref_squeeze %dma_wait3A_243 : memref<1x128xi32, #tpu.memory_space<vmem>> -> memref<128xi32, #tpu.memory_space<vmem>>
      %dma_wait3A_245 = arith.constant 0 : i32
      %dma_wait3A_246 = arith.constant 0 : i32
      %dma_wait3A_247 = tpu.memref_slice %arg4[%dma_wait3A_245, %dma_wait3A_246] : memref<10112x128xf32, #tpu.memory_space<hbm>> -> memref<10112x128xf32, #tpu.memory_space<hbm>>
      tpu.wait_indirect_dma semaphore(%arg12 : memref<!tpu.dma_semaphore, #tpu.memory_space<semaphore_mem>>) src(%dma_wait3A_247 : memref<10112x128xf32, #tpu.memory_space<hbm>>) dst(%dma_wait3A_241 : memref<128x128xf32, #tpu.memory_space<vmem>>)
      %add3A_248 = arith.constant 4 : i32
      %add3A_249 = arith.addi %add3A_226, %add3A_248 : i32
      %lt3A_250 = arith.cmpi slt, %add3A_249, %select_n3A : i32
      %convert_element_type3A_251 = arith.extui %lt3A_250 : i1 to i32
      %cond3A_252 = arith.constant 0 : i32
      %cond3A_253 = arith.cmpi ne, %convert_element_type3A_251, %cond3A_252 : i32
      scf.if %cond3A_253 {
        %add3A_349 = arith.constant 4 : i32
        %add3A_350 = arith.addi %add3A_226, %add3A_349 : i32
        %add3A_351 = arith.addi %select_n3A_6, %add3A_350 : i32
        %dma_start3A_352 = arith.constant 1 : i32
        %dma_start3A_353 = arith.constant 0 : i32
        %dma_start3A_354 = tpu.memref_slice %arg7[%dma_start3A_352, %dma_start3A_353] : memref<4x128xi32, #tpu.memory_space<vmem>> -> memref<1x128xi32, #tpu.memory_space<vmem>>
        %dma_start3A_355 = tpu.memref_squeeze %dma_start3A_354 : memref<1x128xi32, #tpu.memory_space<vmem>> -> memref<128xi32, #tpu.memory_space<vmem>>
        %dma_start3A_356 = arith.constant 0 : i32
        %dma_start3A_357 = tpu.memref_slice %arg2[%add3A_351, %dma_start3A_356] : memref<2560x128xi32, #tpu.memory_space<hbm>> -> memref<1x128xi32, #tpu.memory_space<hbm>>
        %dma_start3A_358 = tpu.memref_squeeze %dma_start3A_357 : memref<1x128xi32, #tpu.memory_space<hbm>> -> memref<128xi32, #tpu.memory_space<hbm>>
        %dma_start3A_359 = arith.constant 0 : i32
        %dma_start3A_360 = tpu.memref_slice %arg7[%dma_start3A_352, %dma_start3A_359] : memref<4x128xi32, #tpu.memory_space<vmem>> -> memref<1x128xi32, #tpu.memory_space<vmem>>
        %dma_start3A_361 = tpu.memref_squeeze %dma_start3A_360 : memref<1x128xi32, #tpu.memory_space<vmem>> -> memref<128xi32, #tpu.memory_space<vmem>>
        %dma_start3A_362 = arith.constant 0 : i32
        %dma_start3A_363 = tpu.memref_slice %arg2[%add3A_351, %dma_start3A_362] : memref<2560x128xi32, #tpu.memory_space<hbm>> -> memref<1x128xi32, #tpu.memory_space<hbm>>
        %dma_start3A_364 = tpu.memref_squeeze %dma_start3A_363 : memref<1x128xi32, #tpu.memory_space<hbm>> -> memref<128xi32, #tpu.memory_space<hbm>>
        tpu.enqueue_dma source(%dma_start3A_364 : memref<128xi32, #tpu.memory_space<hbm>>) target(%dma_start3A_361 : memref<128xi32, #tpu.memory_space<vmem>>) target_semaphore(%arg16 : memref<!tpu.dma_semaphore, #tpu.memory_space<semaphore_mem>>)
      } else {
      }
      %dma_start3A_254 = arith.constant 1 : i32
      %dma_start3A_255 = arith.constant 0 : i32
      %dma_start3A_256 = arith.constant 0 : i32
      %dma_start3A_257 = tpu.memref_slice %arg9[%dma_start3A_254, %dma_start3A_255, %dma_start3A_256] : memref<2x128x128xf32, #tpu.memory_space<vmem>> -> memref<1x128x128xf32, #tpu.memory_space<vmem>>
      %dma_start3A_258 = tpu.memref_squeeze %dma_start3A_257 : memref<1x128x128xf32, #tpu.memory_space<vmem>> -> memref<128x128xf32, #tpu.memory_space<vmem>>
      %dma_start3A_259 = arith.constant 0 : i32
      %dma_start3A_260 = tpu.memref_slice %arg8[%add3A_226, %dma_start3A_259] : memref<80x128xi32, #tpu.memory_space<vmem>> -> memref<1x128xi32, #tpu.memory_space<vmem>>
      %dma_start3A_261 = tpu.memref_squeeze %dma_start3A_260 : memref<1x128xi32, #tpu.memory_space<vmem>> -> memref<128xi32, #tpu.memory_space<vmem>>
      %dma_start3A_262 = arith.constant 0 : i32
      %dma_start3A_263 = arith.constant 0 : i32
      %dma_start3A_264 = tpu.memref_slice %arg10[%dma_start3A_262, %dma_start3A_263] : memref<10112x128xf32, #tpu.memory_space<vmem_shared>> -> memref<10112x128xf32, #tpu.memory_space<vmem_shared>>
      tpu.enqueue_indirect_dma source(%dma_start3A_258 : memref<128x128xf32, #tpu.memory_space<vmem>>) target(%dma_start3A_264 : memref<10112x128xf32, #tpu.memory_space<vmem_shared>>) offsets(%dma_start3A_261 : memref<128xi32, #tpu.memory_space<vmem>>) semaphore(%arg14 : memref<!tpu.dma_semaphore, #tpu.memory_space<semaphore_mem>>) {add = true}
      %mul3A_265 = arith.constant 4 : i32
      %mul3A_266 = arith.muli %while3A_182, %mul3A_265 : i32
      %add3A_267 = arith.constant 2 : i32
      %add3A_268 = arith.addi %mul3A_266, %add3A_267 : i32
      %add3A_269 = arith.constant 1 : i32
      %add3A_270 = arith.addi %add3A_268, %add3A_269 : i32
      %ge3A_271 = arith.constant 2 : i32
      %ge3A_272 = arith.cmpi sge, %add3A_270, %ge3A_271 : i32
      %lt3A_273 = arith.cmpi slt, %add3A_270, %select_n3A : i32
      %and3A_274 = arith.andi %ge3A_272, %lt3A_273 : i1
      %convert_element_type3A_275 = arith.extui %and3A_274 : i1 to i32
      %cond3A_276 = arith.constant 0 : i32
      %cond3A_277 = arith.cmpi ne, %convert_element_type3A_275, %cond3A_276 : i32
      scf.if %cond3A_277 {
        %dma_wait3A_349 = arith.constant 1 : i32
        %dma_wait3A_350 = arith.constant 0 : i32
        %dma_wait3A_351 = arith.constant 0 : i32
        %dma_wait3A_352 = arith.constant 0 : i32
        %dma_wait3A_353 = tpu.memref_slice %arg9[%dma_wait3A_349, %dma_wait3A_351, %dma_wait3A_352] : memref<2x128x128xf32, #tpu.memory_space<vmem>> -> memref<1x128x128xf32, #tpu.memory_space<vmem>>
        %dma_wait3A_354 = tpu.memref_squeeze %dma_wait3A_353 : memref<1x128x128xf32, #tpu.memory_space<vmem>> -> memref<128x128xf32, #tpu.memory_space<vmem>>
        %dma_wait3A_355 = arith.constant 0 : i32
        %dma_wait3A_356 = tpu.memref_slice %arg8[%dma_wait3A_350, %dma_wait3A_355] : memref<80x128xi32, #tpu.memory_space<vmem>> -> memref<1x128xi32, #tpu.memory_space<vmem>>
        %dma_wait3A_357 = tpu.memref_squeeze %dma_wait3A_356 : memref<1x128xi32, #tpu.memory_space<vmem>> -> memref<128xi32, #tpu.memory_space<vmem>>
        %dma_wait3A_358 = arith.constant 0 : i32
        %dma_wait3A_359 = arith.constant 0 : i32
        %dma_wait3A_360 = tpu.memref_slice %arg10[%dma_wait3A_358, %dma_wait3A_359] : memref<10112x128xf32, #tpu.memory_space<vmem_shared>> -> memref<10112x128xf32, #tpu.memory_space<vmem_shared>>
        tpu.wait_indirect_dma semaphore(%arg14 : memref<!tpu.dma_semaphore, #tpu.memory_space<semaphore_mem>>) src(%dma_wait3A_354 : memref<128x128xf32, #tpu.memory_space<vmem>>) dst(%dma_wait3A_360 : memref<10112x128xf32, #tpu.memory_space<vmem_shared>>)
        %dma_wait3A_361 = arith.constant 0 : i32
        %dma_wait3A_362 = arith.constant 3 : i32
        %dma_wait3A_363 = arith.constant 0 : i32
        %dma_wait3A_364 = tpu.memref_slice %arg7[%dma_wait3A_362, %dma_wait3A_363] : memref<4x128xi32, #tpu.memory_space<vmem>> -> memref<1x128xi32, #tpu.memory_space<vmem>>
        %dma_wait3A_365 = tpu.memref_squeeze %dma_wait3A_364 : memref<1x128xi32, #tpu.memory_space<vmem>> -> memref<128xi32, #tpu.memory_space<vmem>>
        %dma_wait3A_366 = arith.constant 0 : i32
        %dma_wait3A_367 = tpu.memref_slice %arg2[%dma_wait3A_361, %dma_wait3A_366] : memref<2560x128xi32, #tpu.memory_space<hbm>> -> memref<1x128xi32, #tpu.memory_space<hbm>>
        %dma_wait3A_368 = tpu.memref_squeeze %dma_wait3A_367 : memref<1x128xi32, #tpu.memory_space<hbm>> -> memref<128xi32, #tpu.memory_space<hbm>>
        %dma_wait3A_369 = arith.constant 0 : i32
        %dma_wait3A_370 = tpu.memref_slice %arg7[%dma_wait3A_362, %dma_wait3A_369] : memref<4x128xi32, #tpu.memory_space<vmem>> -> memref<1x128xi32, #tpu.memory_space<vmem>>
        %dma_wait3A_371 = tpu.memref_squeeze %dma_wait3A_370 : memref<1x128xi32, #tpu.memory_space<vmem>> -> memref<128xi32, #tpu.memory_space<vmem>>
        %dma_wait3A_372 = arith.constant 0 : i32
        %dma_wait3A_373 = tpu.memref_slice %arg2[%dma_wait3A_361, %dma_wait3A_372] : memref<2560x128xi32, #tpu.memory_space<hbm>> -> memref<1x128xi32, #tpu.memory_space<hbm>>
        %dma_wait3A_374 = tpu.memref_squeeze %dma_wait3A_373 : memref<1x128xi32, #tpu.memory_space<hbm>> -> memref<128xi32, #tpu.memory_space<hbm>>
        tpu.wait_dma2 semaphore(%arg18 : memref<!tpu.dma_semaphore, #tpu.memory_space<semaphore_mem>>) src(%dma_wait3A_374 : memref<128xi32, #tpu.memory_space<hbm>>) dst(%dma_wait3A_371 : memref<128xi32, #tpu.memory_space<vmem>>)
        %dma_start3A_375 = arith.constant 3 : i32
        %dma_start3A_376 = arith.constant 1 : i32
        %dma_start3A_377 = arith.constant 0 : i32
        %dma_start3A_378 = arith.constant 0 : i32
        %dma_start3A_379 = tpu.memref_slice %arg9[%dma_start3A_376, %dma_start3A_377, %dma_start3A_378] : memref<2x128x128xf32, #tpu.memory_space<vmem>> -> memref<1x128x128xf32, #tpu.memory_space<vmem>>
        %dma_start3A_380 = tpu.memref_squeeze %dma_start3A_379 : memref<1x128x128xf32, #tpu.memory_space<vmem>> -> memref<128x128xf32, #tpu.memory_space<vmem>>
        %dma_start3A_381 = arith.constant 0 : i32
        %dma_start3A_382 = tpu.memref_slice %arg7[%dma_start3A_375, %dma_start3A_381] : memref<4x128xi32, #tpu.memory_space<vmem>> -> memref<1x128xi32, #tpu.memory_space<vmem>>
        %dma_start3A_383 = tpu.memref_squeeze %dma_start3A_382 : memref<1x128xi32, #tpu.memory_space<vmem>> -> memref<128xi32, #tpu.memory_space<vmem>>
        %dma_start3A_384 = arith.constant 0 : i32
        %dma_start3A_385 = arith.constant 0 : i32
        %dma_start3A_386 = tpu.memref_slice %arg4[%dma_start3A_384, %dma_start3A_385] : memref<10112x128xf32, #tpu.memory_space<hbm>> -> memref<10112x128xf32, #tpu.memory_space<hbm>>
        tpu.enqueue_indirect_dma source(%dma_start3A_386 : memref<10112x128xf32, #tpu.memory_space<hbm>>) target(%dma_start3A_380 : memref<128x128xf32, #tpu.memory_space<vmem>>) offsets(%dma_start3A_383 : memref<128xi32, #tpu.memory_space<vmem>>) semaphore(%arg12 : memref<!tpu.dma_semaphore, #tpu.memory_space<semaphore_mem>>)
      } else {
      }
      %dma_wait3A_278 = arith.constant 2 : i32
      %dma_wait3A_279 = arith.constant 0 : i32
      %dma_wait3A_280 = arith.constant 0 : i32
      %dma_wait3A_281 = arith.constant 0 : i32
      %dma_wait3A_282 = tpu.memref_slice %arg9[%dma_wait3A_279, %dma_wait3A_280, %dma_wait3A_281] : memref<2x128x128xf32, #tpu.memory_space<vmem>> -> memref<1x128x128xf32, #tpu.memory_space<vmem>>
      %dma_wait3A_283 = tpu.memref_squeeze %dma_wait3A_282 : memref<1x128x128xf32, #tpu.memory_space<vmem>> -> memref<128x128xf32, #tpu.memory_space<vmem>>
      %dma_wait3A_284 = arith.constant 0 : i32
      %dma_wait3A_285 = tpu.memref_slice %arg7[%dma_wait3A_278, %dma_wait3A_284] : memref<4x128xi32, #tpu.memory_space<vmem>> -> memref<1x128xi32, #tpu.memory_space<vmem>>
      %dma_wait3A_286 = tpu.memref_squeeze %dma_wait3A_285 : memref<1x128xi32, #tpu.memory_space<vmem>> -> memref<128xi32, #tpu.memory_space<vmem>>
      %dma_wait3A_287 = arith.constant 0 : i32
      %dma_wait3A_288 = arith.constant 0 : i32
      %dma_wait3A_289 = tpu.memref_slice %arg4[%dma_wait3A_287, %dma_wait3A_288] : memref<10112x128xf32, #tpu.memory_space<hbm>> -> memref<10112x128xf32, #tpu.memory_space<hbm>>
      tpu.wait_indirect_dma semaphore(%arg11 : memref<!tpu.dma_semaphore, #tpu.memory_space<semaphore_mem>>) src(%dma_wait3A_289 : memref<10112x128xf32, #tpu.memory_space<hbm>>) dst(%dma_wait3A_283 : memref<128x128xf32, #tpu.memory_space<vmem>>)
      %add3A_290 = arith.constant 4 : i32
      %add3A_291 = arith.addi %add3A_268, %add3A_290 : i32
      %lt3A_292 = arith.cmpi slt, %add3A_291, %select_n3A : i32
      %convert_element_type3A_293 = arith.extui %lt3A_292 : i1 to i32
      %cond3A_294 = arith.constant 0 : i32
      %cond3A_295 = arith.cmpi ne, %convert_element_type3A_293, %cond3A_294 : i32
      scf.if %cond3A_295 {
        %add3A_349 = arith.constant 4 : i32
        %add3A_350 = arith.addi %add3A_268, %add3A_349 : i32
        %add3A_351 = arith.addi %select_n3A_6, %add3A_350 : i32
        %dma_start3A_352 = arith.constant 2 : i32
        %dma_start3A_353 = arith.constant 0 : i32
        %dma_start3A_354 = tpu.memref_slice %arg7[%dma_start3A_352, %dma_start3A_353] : memref<4x128xi32, #tpu.memory_space<vmem>> -> memref<1x128xi32, #tpu.memory_space<vmem>>
        %dma_start3A_355 = tpu.memref_squeeze %dma_start3A_354 : memref<1x128xi32, #tpu.memory_space<vmem>> -> memref<128xi32, #tpu.memory_space<vmem>>
        %dma_start3A_356 = arith.constant 0 : i32
        %dma_start3A_357 = tpu.memref_slice %arg2[%add3A_351, %dma_start3A_356] : memref<2560x128xi32, #tpu.memory_space<hbm>> -> memref<1x128xi32, #tpu.memory_space<hbm>>
        %dma_start3A_358 = tpu.memref_squeeze %dma_start3A_357 : memref<1x128xi32, #tpu.memory_space<hbm>> -> memref<128xi32, #tpu.memory_space<hbm>>
        %dma_start3A_359 = arith.constant 0 : i32
        %dma_start3A_360 = tpu.memref_slice %arg7[%dma_start3A_352, %dma_start3A_359] : memref<4x128xi32, #tpu.memory_space<vmem>> -> memref<1x128xi32, #tpu.memory_space<vmem>>
        %dma_start3A_361 = tpu.memref_squeeze %dma_start3A_360 : memref<1x128xi32, #tpu.memory_space<vmem>> -> memref<128xi32, #tpu.memory_space<vmem>>
        %dma_start3A_362 = arith.constant 0 : i32
        %dma_start3A_363 = tpu.memref_slice %arg2[%add3A_351, %dma_start3A_362] : memref<2560x128xi32, #tpu.memory_space<hbm>> -> memref<1x128xi32, #tpu.memory_space<hbm>>
        %dma_start3A_364 = tpu.memref_squeeze %dma_start3A_363 : memref<1x128xi32, #tpu.memory_space<hbm>> -> memref<128xi32, #tpu.memory_space<hbm>>
        tpu.enqueue_dma source(%dma_start3A_364 : memref<128xi32, #tpu.memory_space<hbm>>) target(%dma_start3A_361 : memref<128xi32, #tpu.memory_space<vmem>>) target_semaphore(%arg17 : memref<!tpu.dma_semaphore, #tpu.memory_space<semaphore_mem>>)
      } else {
      }
      %dma_start3A_296 = arith.constant 0 : i32
      %dma_start3A_297 = arith.constant 0 : i32
      %dma_start3A_298 = arith.constant 0 : i32
      %dma_start3A_299 = tpu.memref_slice %arg9[%dma_start3A_296, %dma_start3A_297, %dma_start3A_298] : memref<2x128x128xf32, #tpu.memory_space<vmem>> -> memref<1x128x128xf32, #tpu.memory_space<vmem>>
      %dma_start3A_300 = tpu.memref_squeeze %dma_start3A_299 : memref<1x128x128xf32, #tpu.memory_space<vmem>> -> memref<128x128xf32, #tpu.memory_space<vmem>>
      %dma_start3A_301 = arith.constant 0 : i32
      %dma_start3A_302 = tpu.memref_slice %arg8[%add3A_268, %dma_start3A_301] : memref<80x128xi32, #tpu.memory_space<vmem>> -> memref<1x128xi32, #tpu.memory_space<vmem>>
      %dma_start3A_303 = tpu.memref_squeeze %dma_start3A_302 : memref<1x128xi32, #tpu.memory_space<vmem>> -> memref<128xi32, #tpu.memory_space<vmem>>
      %dma_start3A_304 = arith.constant 0 : i32
      %dma_start3A_305 = arith.constant 0 : i32
      %dma_start3A_306 = tpu.memref_slice %arg10[%dma_start3A_304, %dma_start3A_305] : memref<10112x128xf32, #tpu.memory_space<vmem_shared>> -> memref<10112x128xf32, #tpu.memory_space<vmem_shared>>
      tpu.enqueue_indirect_dma source(%dma_start3A_300 : memref<128x128xf32, #tpu.memory_space<vmem>>) target(%dma_start3A_306 : memref<10112x128xf32, #tpu.memory_space<vmem_shared>>) offsets(%dma_start3A_303 : memref<128xi32, #tpu.memory_space<vmem>>) semaphore(%arg13 : memref<!tpu.dma_semaphore, #tpu.memory_space<semaphore_mem>>) {add = true}
      %mul3A_307 = arith.constant 4 : i32
      %mul3A_308 = arith.muli %while3A_182, %mul3A_307 : i32
      %add3A_309 = arith.constant 3 : i32
      %add3A_310 = arith.addi %mul3A_308, %add3A_309 : i32
      %add3A_311 = arith.constant 1 : i32
      %add3A_312 = arith.addi %add3A_310, %add3A_311 : i32
      %ge3A_313 = arith.constant 2 : i32
      %ge3A_314 = arith.cmpi sge, %add3A_312, %ge3A_313 : i32
      %lt3A_315 = arith.cmpi slt, %add3A_312, %select_n3A : i32
      %and3A_316 = arith.andi %ge3A_314, %lt3A_315 : i1
      %convert_element_type3A_317 = arith.extui %and3A_316 : i1 to i32
      %cond3A_318 = arith.constant 0 : i32
      %cond3A_319 = arith.cmpi ne, %convert_element_type3A_317, %cond3A_318 : i32
      scf.if %cond3A_319 {
        %dma_wait3A_349 = arith.constant 0 : i32
        %dma_wait3A_350 = arith.constant 0 : i32
        %dma_wait3A_351 = arith.constant 0 : i32
        %dma_wait3A_352 = arith.constant 0 : i32
        %dma_wait3A_353 = tpu.memref_slice %arg9[%dma_wait3A_349, %dma_wait3A_351, %dma_wait3A_352] : memref<2x128x128xf32, #tpu.memory_space<vmem>> -> memref<1x128x128xf32, #tpu.memory_space<vmem>>
        %dma_wait3A_354 = tpu.memref_squeeze %dma_wait3A_353 : memref<1x128x128xf32, #tpu.memory_space<vmem>> -> memref<128x128xf32, #tpu.memory_space<vmem>>
        %dma_wait3A_355 = arith.constant 0 : i32
        %dma_wait3A_356 = tpu.memref_slice %arg8[%dma_wait3A_350, %dma_wait3A_355] : memref<80x128xi32, #tpu.memory_space<vmem>> -> memref<1x128xi32, #tpu.memory_space<vmem>>
        %dma_wait3A_357 = tpu.memref_squeeze %dma_wait3A_356 : memref<1x128xi32, #tpu.memory_space<vmem>> -> memref<128xi32, #tpu.memory_space<vmem>>
        %dma_wait3A_358 = arith.constant 0 : i32
        %dma_wait3A_359 = arith.constant 0 : i32
        %dma_wait3A_360 = tpu.memref_slice %arg10[%dma_wait3A_358, %dma_wait3A_359] : memref<10112x128xf32, #tpu.memory_space<vmem_shared>> -> memref<10112x128xf32, #tpu.memory_space<vmem_shared>>
        tpu.wait_indirect_dma semaphore(%arg13 : memref<!tpu.dma_semaphore, #tpu.memory_space<semaphore_mem>>) src(%dma_wait3A_354 : memref<128x128xf32, #tpu.memory_space<vmem>>) dst(%dma_wait3A_360 : memref<10112x128xf32, #tpu.memory_space<vmem_shared>>)
        %dma_wait3A_361 = arith.constant 0 : i32
        %dma_wait3A_362 = arith.constant 0 : i32
        %dma_wait3A_363 = arith.constant 0 : i32
        %dma_wait3A_364 = tpu.memref_slice %arg7[%dma_wait3A_362, %dma_wait3A_363] : memref<4x128xi32, #tpu.memory_space<vmem>> -> memref<1x128xi32, #tpu.memory_space<vmem>>
        %dma_wait3A_365 = tpu.memref_squeeze %dma_wait3A_364 : memref<1x128xi32, #tpu.memory_space<vmem>> -> memref<128xi32, #tpu.memory_space<vmem>>
        %dma_wait3A_366 = arith.constant 0 : i32
        %dma_wait3A_367 = tpu.memref_slice %arg2[%dma_wait3A_361, %dma_wait3A_366] : memref<2560x128xi32, #tpu.memory_space<hbm>> -> memref<1x128xi32, #tpu.memory_space<hbm>>
        %dma_wait3A_368 = tpu.memref_squeeze %dma_wait3A_367 : memref<1x128xi32, #tpu.memory_space<hbm>> -> memref<128xi32, #tpu.memory_space<hbm>>
        %dma_wait3A_369 = arith.constant 0 : i32
        %dma_wait3A_370 = tpu.memref_slice %arg7[%dma_wait3A_362, %dma_wait3A_369] : memref<4x128xi32, #tpu.memory_space<vmem>> -> memref<1x128xi32, #tpu.memory_space<vmem>>
        %dma_wait3A_371 = tpu.memref_squeeze %dma_wait3A_370 : memref<1x128xi32, #tpu.memory_space<vmem>> -> memref<128xi32, #tpu.memory_space<vmem>>
        %dma_wait3A_372 = arith.constant 0 : i32
        %dma_wait3A_373 = tpu.memref_slice %arg2[%dma_wait3A_361, %dma_wait3A_372] : memref<2560x128xi32, #tpu.memory_space<hbm>> -> memref<1x128xi32, #tpu.memory_space<hbm>>
        %dma_wait3A_374 = tpu.memref_squeeze %dma_wait3A_373 : memref<1x128xi32, #tpu.memory_space<hbm>> -> memref<128xi32, #tpu.memory_space<hbm>>
        tpu.wait_dma2 semaphore(%arg15 : memref<!tpu.dma_semaphore, #tpu.memory_space<semaphore_mem>>) src(%dma_wait3A_374 : memref<128xi32, #tpu.memory_space<hbm>>) dst(%dma_wait3A_371 : memref<128xi32, #tpu.memory_space<vmem>>)
        %dma_start3A_375 = arith.constant 0 : i32
        %dma_start3A_376 = arith.constant 0 : i32
        %dma_start3A_377 = arith.constant 0 : i32
        %dma_start3A_378 = arith.constant 0 : i32
        %dma_start3A_379 = tpu.memref_slice %arg9[%dma_start3A_376, %dma_start3A_377, %dma_start3A_378] : memref<2x128x128xf32, #tpu.memory_space<vmem>> -> memref<1x128x128xf32, #tpu.memory_space<vmem>>
        %dma_start3A_380 = tpu.memref_squeeze %dma_start3A_379 : memref<1x128x128xf32, #tpu.memory_space<vmem>> -> memref<128x128xf32, #tpu.memory_space<vmem>>
        %dma_start3A_381 = arith.constant 0 : i32
        %dma_start3A_382 = tpu.memref_slice %arg7[%dma_start3A_375, %dma_start3A_381] : memref<4x128xi32, #tpu.memory_space<vmem>> -> memref<1x128xi32, #tpu.memory_space<vmem>>
        %dma_start3A_383 = tpu.memref_squeeze %dma_start3A_382 : memref<1x128xi32, #tpu.memory_space<vmem>> -> memref<128xi32, #tpu.memory_space<vmem>>
        %dma_start3A_384 = arith.constant 0 : i32
        %dma_start3A_385 = arith.constant 0 : i32
        %dma_start3A_386 = tpu.memref_slice %arg4[%dma_start3A_384, %dma_start3A_385] : memref<10112x128xf32, #tpu.memory_space<hbm>> -> memref<10112x128xf32, #tpu.memory_space<hbm>>
        tpu.enqueue_indirect_dma source(%dma_start3A_386 : memref<10112x128xf32, #tpu.memory_space<hbm>>) target(%dma_start3A_380 : memref<128x128xf32, #tpu.memory_space<vmem>>) offsets(%dma_start3A_383 : memref<128xi32, #tpu.memory_space<vmem>>) semaphore(%arg11 : memref<!tpu.dma_semaphore, #tpu.memory_space<semaphore_mem>>)
      } else {
      }
      %dma_wait3A_320 = arith.constant 3 : i32
      %dma_wait3A_321 = arith.constant 1 : i32
      %dma_wait3A_322 = arith.constant 0 : i32
      %dma_wait3A_323 = arith.constant 0 : i32
      %dma_wait3A_324 = tpu.memref_slice %arg9[%dma_wait3A_321, %dma_wait3A_322, %dma_wait3A_323] : memref<2x128x128xf32, #tpu.memory_space<vmem>> -> memref<1x128x128xf32, #tpu.memory_space<vmem>>
      %dma_wait3A_325 = tpu.memref_squeeze %dma_wait3A_324 : memref<1x128x128xf32, #tpu.memory_space<vmem>> -> memref<128x128xf32, #tpu.memory_space<vmem>>
      %dma_wait3A_326 = arith.constant 0 : i32
      %dma_wait3A_327 = tpu.memref_slice %arg7[%dma_wait3A_320, %dma_wait3A_326] : memref<4x128xi32, #tpu.memory_space<vmem>> -> memref<1x128xi32, #tpu.memory_space<vmem>>
      %dma_wait3A_328 = tpu.memref_squeeze %dma_wait3A_327 : memref<1x128xi32, #tpu.memory_space<vmem>> -> memref<128xi32, #tpu.memory_space<vmem>>
      %dma_wait3A_329 = arith.constant 0 : i32
      %dma_wait3A_330 = arith.constant 0 : i32
      %dma_wait3A_331 = tpu.memref_slice %arg4[%dma_wait3A_329, %dma_wait3A_330] : memref<10112x128xf32, #tpu.memory_space<hbm>> -> memref<10112x128xf32, #tpu.memory_space<hbm>>
      tpu.wait_indirect_dma semaphore(%arg12 : memref<!tpu.dma_semaphore, #tpu.memory_space<semaphore_mem>>) src(%dma_wait3A_331 : memref<10112x128xf32, #tpu.memory_space<hbm>>) dst(%dma_wait3A_325 : memref<128x128xf32, #tpu.memory_space<vmem>>)
      %add3A_332 = arith.constant 4 : i32
      %add3A_333 = arith.addi %add3A_310, %add3A_332 : i32
      %lt3A_334 = arith.cmpi slt, %add3A_333, %select_n3A : i32
      %convert_element_type3A_335 = arith.extui %lt3A_334 : i1 to i32
      %cond3A_336 = arith.constant 0 : i32
      %cond3A_337 = arith.cmpi ne, %convert_element_type3A_335, %cond3A_336 : i32
      scf.if %cond3A_337 {
        %add3A_349 = arith.constant 4 : i32
        %add3A_350 = arith.addi %add3A_310, %add3A_349 : i32
        %add3A_351 = arith.addi %select_n3A_6, %add3A_350 : i32
        %dma_start3A_352 = arith.constant 3 : i32
        %dma_start3A_353 = arith.constant 0 : i32
        %dma_start3A_354 = tpu.memref_slice %arg7[%dma_start3A_352, %dma_start3A_353] : memref<4x128xi32, #tpu.memory_space<vmem>> -> memref<1x128xi32, #tpu.memory_space<vmem>>
        %dma_start3A_355 = tpu.memref_squeeze %dma_start3A_354 : memref<1x128xi32, #tpu.memory_space<vmem>> -> memref<128xi32, #tpu.memory_space<vmem>>
        %dma_start3A_356 = arith.constant 0 : i32
        %dma_start3A_357 = tpu.memref_slice %arg2[%add3A_351, %dma_start3A_356] : memref<2560x128xi32, #tpu.memory_space<hbm>> -> memref<1x128xi32, #tpu.memory_space<hbm>>
        %dma_start3A_358 = tpu.memref_squeeze %dma_start3A_357 : memref<1x128xi32, #tpu.memory_space<hbm>> -> memref<128xi32, #tpu.memory_space<hbm>>
        %dma_start3A_359 = arith.constant 0 : i32
        %dma_start3A_360 = tpu.memref_slice %arg7[%dma_start3A_352, %dma_start3A_359] : memref<4x128xi32, #tpu.memory_space<vmem>> -> memref<1x128xi32, #tpu.memory_space<vmem>>
        %dma_start3A_361 = tpu.memref_squeeze %dma_start3A_360 : memref<1x128xi32, #tpu.memory_space<vmem>> -> memref<128xi32, #tpu.memory_space<vmem>>
        %dma_start3A_362 = arith.constant 0 : i32
        %dma_start3A_363 = tpu.memref_slice %arg2[%add3A_351, %dma_start3A_362] : memref<2560x128xi32, #tpu.memory_space<hbm>> -> memref<1x128xi32, #tpu.memory_space<hbm>>
        %dma_start3A_364 = tpu.memref_squeeze %dma_start3A_363 : memref<1x128xi32, #tpu.memory_space<hbm>> -> memref<128xi32, #tpu.memory_space<hbm>>
        tpu.enqueue_dma source(%dma_start3A_364 : memref<128xi32, #tpu.memory_space<hbm>>) target(%dma_start3A_361 : memref<128xi32, #tpu.memory_space<vmem>>) target_semaphore(%arg18 : memref<!tpu.dma_semaphore, #tpu.memory_space<semaphore_mem>>)
      } else {
      }
      %dma_start3A_338 = arith.constant 1 : i32
      %dma_start3A_339 = arith.constant 0 : i32
      %dma_start3A_340 = arith.constant 0 : i32
      %dma_start3A_341 = tpu.memref_slice %arg9[%dma_start3A_338, %dma_start3A_339, %dma_start3A_340] : memref<2x128x128xf32, #tpu.memory_space<vmem>> -> memref<1x128x128xf32, #tpu.memory_space<vmem>>
      %dma_start3A_342 = tpu.memref_squeeze %dma_start3A_341 : memref<1x128x128xf32, #tpu.memory_space<vmem>> -> memref<128x128xf32, #tpu.memory_space<vmem>>
      %dma_start3A_343 = arith.constant 0 : i32
      %dma_start3A_344 = tpu.memref_slice %arg8[%add3A_310, %dma_start3A_343] : memref<80x128xi32, #tpu.memory_space<vmem>> -> memref<1x128xi32, #tpu.memory_space<vmem>>
      %dma_start3A_345 = tpu.memref_squeeze %dma_start3A_344 : memref<1x128xi32, #tpu.memory_space<vmem>> -> memref<128xi32, #tpu.memory_space<vmem>>
      %dma_start3A_346 = arith.constant 0 : i32
      %dma_start3A_347 = arith.constant 0 : i32
      %dma_start3A_348 = tpu.memref_slice %arg10[%dma_start3A_346, %dma_start3A_347] : memref<10112x128xf32, #tpu.memory_space<vmem_shared>> -> memref<10112x128xf32, #tpu.memory_space<vmem_shared>>
      tpu.enqueue_indirect_dma source(%dma_start3A_342 : memref<128x128xf32, #tpu.memory_space<vmem>>) target(%dma_start3A_348 : memref<10112x128xf32, #tpu.memory_space<vmem_shared>>) offsets(%dma_start3A_345 : memref<128xi32, #tpu.memory_space<vmem>>) semaphore(%arg14 : memref<!tpu.dma_semaphore, #tpu.memory_space<semaphore_mem>>) {add = true}
    }
    %while3A_152 = arith.constant 1 : i32
    scf.for %while3A_182 = %while3A_150 to %while3A_146 step %while3A_152  : i32 {
      %mul3A_183 = arith.constant 4 : i32
      %mul3A_184 = arith.muli %while3A_182, %mul3A_183 : i32
      %add3A_185 = arith.constant 0 : i32
      %add3A_186 = arith.addi %mul3A_184, %add3A_185 : i32
      %add3A_187 = arith.constant 1 : i32
      %add3A_188 = arith.addi %add3A_186, %add3A_187 : i32
      %ge3A = arith.constant 2 : i32
      %ge3A_189 = arith.cmpi sge, %add3A_188, %ge3A : i32
      %lt3A = arith.cmpi slt, %add3A_188, %select_n3A : i32
      %and3A_190 = arith.andi %ge3A_189, %lt3A : i1
      %convert_element_type3A_191 = arith.extui %and3A_190 : i1 to i32
      %cond3A_192 = arith.constant 0 : i32
      %cond3A_193 = arith.cmpi ne, %convert_element_type3A_191, %cond3A_192 : i32
      scf.if %cond3A_193 {
        %dma_wait3A_349 = arith.constant 1 : i32
        %dma_wait3A_350 = arith.constant 0 : i32
        %dma_wait3A_351 = arith.constant 0 : i32
        %dma_wait3A_352 = arith.constant 0 : i32
        %dma_wait3A_353 = tpu.memref_slice %arg9[%dma_wait3A_349, %dma_wait3A_351, %dma_wait3A_352] : memref<2x128x128xf32, #tpu.memory_space<vmem>> -> memref<1x128x128xf32, #tpu.memory_space<vmem>>
        %dma_wait3A_354 = tpu.memref_squeeze %dma_wait3A_353 : memref<1x128x128xf32, #tpu.memory_space<vmem>> -> memref<128x128xf32, #tpu.memory_space<vmem>>
        %dma_wait3A_355 = arith.constant 0 : i32
        %dma_wait3A_356 = tpu.memref_slice %arg8[%dma_wait3A_350, %dma_wait3A_355] : memref<80x128xi32, #tpu.memory_space<vmem>> -> memref<1x128xi32, #tpu.memory_space<vmem>>
        %dma_wait3A_357 = tpu.memref_squeeze %dma_wait3A_356 : memref<1x128xi32, #tpu.memory_space<vmem>> -> memref<128xi32, #tpu.memory_space<vmem>>
        %dma_wait3A_358 = arith.constant 0 : i32
        %dma_wait3A_359 = arith.constant 0 : i32
        %dma_wait3A_360 = tpu.memref_slice %arg10[%dma_wait3A_358, %dma_wait3A_359] : memref<10112x128xf32, #tpu.memory_space<vmem_shared>> -> memref<10112x128xf32, #tpu.memory_space<vmem_shared>>
        tpu.wait_indirect_dma semaphore(%arg14 : memref<!tpu.dma_semaphore, #tpu.memory_space<semaphore_mem>>) src(%dma_wait3A_354 : memref<128x128xf32, #tpu.memory_space<vmem>>) dst(%dma_wait3A_360 : memref<10112x128xf32, #tpu.memory_space<vmem_shared>>)
        %dma_wait3A_361 = arith.constant 0 : i32
        %dma_wait3A_362 = arith.constant 1 : i32
        %dma_wait3A_363 = arith.constant 0 : i32
        %dma_wait3A_364 = tpu.memref_slice %arg7[%dma_wait3A_362, %dma_wait3A_363] : memref<4x128xi32, #tpu.memory_space<vmem>> -> memref<1x128xi32, #tpu.memory_space<vmem>>
        %dma_wait3A_365 = tpu.memref_squeeze %dma_wait3A_364 : memref<1x128xi32, #tpu.memory_space<vmem>> -> memref<128xi32, #tpu.memory_space<vmem>>
        %dma_wait3A_366 = arith.constant 0 : i32
        %dma_wait3A_367 = tpu.memref_slice %arg2[%dma_wait3A_361, %dma_wait3A_366] : memref<2560x128xi32, #tpu.memory_space<hbm>> -> memref<1x128xi32, #tpu.memory_space<hbm>>
        %dma_wait3A_368 = tpu.memref_squeeze %dma_wait3A_367 : memref<1x128xi32, #tpu.memory_space<hbm>> -> memref<128xi32, #tpu.memory_space<hbm>>
        %dma_wait3A_369 = arith.constant 0 : i32
        %dma_wait3A_370 = tpu.memref_slice %arg7[%dma_wait3A_362, %dma_wait3A_369] : memref<4x128xi32, #tpu.memory_space<vmem>> -> memref<1x128xi32, #tpu.memory_space<vmem>>
        %dma_wait3A_371 = tpu.memref_squeeze %dma_wait3A_370 : memref<1x128xi32, #tpu.memory_space<vmem>> -> memref<128xi32, #tpu.memory_space<vmem>>
        %dma_wait3A_372 = arith.constant 0 : i32
        %dma_wait3A_373 = tpu.memref_slice %arg2[%dma_wait3A_361, %dma_wait3A_372] : memref<2560x128xi32, #tpu.memory_space<hbm>> -> memref<1x128xi32, #tpu.memory_space<hbm>>
        %dma_wait3A_374 = tpu.memref_squeeze %dma_wait3A_373 : memref<1x128xi32, #tpu.memory_space<hbm>> -> memref<128xi32, #tpu.memory_space<hbm>>
        tpu.wait_dma2 semaphore(%arg16 : memref<!tpu.dma_semaphore, #tpu.memory_space<semaphore_mem>>) src(%dma_wait3A_374 : memref<128xi32, #tpu.memory_space<hbm>>) dst(%dma_wait3A_371 : memref<128xi32, #tpu.memory_space<vmem>>)
        %dma_start3A_375 = arith.constant 1 : i32
        %dma_start3A_376 = arith.constant 1 : i32
        %dma_start3A_377 = arith.constant 0 : i32
        %dma_start3A_378 = arith.constant 0 : i32
        %dma_start3A_379 = tpu.memref_slice %arg9[%dma_start3A_376, %dma_start3A_377, %dma_start3A_378] : memref<2x128x128xf32, #tpu.memory_space<vmem>> -> memref<1x128x128xf32, #tpu.memory_space<vmem>>
        %dma_start3A_380 = tpu.memref_squeeze %dma_start3A_379 : memref<1x128x128xf32, #tpu.memory_space<vmem>> -> memref<128x128xf32, #tpu.memory_space<vmem>>
        %dma_start3A_381 = arith.constant 0 : i32
        %dma_start3A_382 = tpu.memref_slice %arg7[%dma_start3A_375, %dma_start3A_381] : memref<4x128xi32, #tpu.memory_space<vmem>> -> memref<1x128xi32, #tpu.memory_space<vmem>>
        %dma_start3A_383 = tpu.memref_squeeze %dma_start3A_382 : memref<1x128xi32, #tpu.memory_space<vmem>> -> memref<128xi32, #tpu.memory_space<vmem>>
        %dma_start3A_384 = arith.constant 0 : i32
        %dma_start3A_385 = arith.constant 0 : i32
        %dma_start3A_386 = tpu.memref_slice %arg4[%dma_start3A_384, %dma_start3A_385] : memref<10112x128xf32, #tpu.memory_space<hbm>> -> memref<10112x128xf32, #tpu.memory_space<hbm>>
        tpu.enqueue_indirect_dma source(%dma_start3A_386 : memref<10112x128xf32, #tpu.memory_space<hbm>>) target(%dma_start3A_380 : memref<128x128xf32, #tpu.memory_space<vmem>>) offsets(%dma_start3A_383 : memref<128xi32, #tpu.memory_space<vmem>>) semaphore(%arg12 : memref<!tpu.dma_semaphore, #tpu.memory_space<semaphore_mem>>)
      } else {
      }
      %dma_wait3A_194 = arith.constant 0 : i32
      %dma_wait3A_195 = arith.constant 0 : i32
      %dma_wait3A_196 = arith.constant 0 : i32
      %dma_wait3A_197 = arith.constant 0 : i32
      %dma_wait3A_198 = tpu.memref_slice %arg9[%dma_wait3A_195, %dma_wait3A_196, %dma_wait3A_197] : memref<2x128x128xf32, #tpu.memory_space<vmem>> -> memref<1x128x128xf32, #tpu.memory_space<vmem>>
      %dma_wait3A_199 = tpu.memref_squeeze %dma_wait3A_198 : memref<1x128x128xf32, #tpu.memory_space<vmem>> -> memref<128x128xf32, #tpu.memory_space<vmem>>
      %dma_wait3A_200 = arith.constant 0 : i32
      %dma_wait3A_201 = tpu.memref_slice %arg7[%dma_wait3A_194, %dma_wait3A_200] : memref<4x128xi32, #tpu.memory_space<vmem>> -> memref<1x128xi32, #tpu.memory_space<vmem>>
      %dma_wait3A_202 = tpu.memref_squeeze %dma_wait3A_201 : memref<1x128xi32, #tpu.memory_space<vmem>> -> memref<128xi32, #tpu.memory_space<vmem>>
      %dma_wait3A_203 = arith.constant 0 : i32
      %dma_wait3A_204 = arith.constant 0 : i32
      %dma_wait3A_205 = tpu.memref_slice %arg4[%dma_wait3A_203, %dma_wait3A_204] : memref<10112x128xf32, #tpu.memory_space<hbm>> -> memref<10112x128xf32, #tpu.memory_space<hbm>>
      tpu.wait_indirect_dma semaphore(%arg11 : memref<!tpu.dma_semaphore, #tpu.memory_space<semaphore_mem>>) src(%dma_wait3A_205 : memref<10112x128xf32, #tpu.memory_space<hbm>>) dst(%dma_wait3A_199 : memref<128x128xf32, #tpu.memory_space<vmem>>)
      %add3A_206 = arith.constant 4 : i32
      %add3A_207 = arith.addi %add3A_186, %add3A_206 : i32
      %lt3A_208 = arith.cmpi slt, %add3A_207, %select_n3A : i32
      %convert_element_type3A_209 = arith.extui %lt3A_208 : i1 to i32
      %cond3A_210 = arith.constant 0 : i32
      %cond3A_211 = arith.cmpi ne, %convert_element_type3A_209, %cond3A_210 : i32
      scf.if %cond3A_211 {
        %add3A_349 = arith.constant 4 : i32
        %add3A_350 = arith.addi %add3A_186, %add3A_349 : i32
        %add3A_351 = arith.addi %select_n3A_6, %add3A_350 : i32
        %dma_start3A_352 = arith.constant 0 : i32
        %dma_start3A_353 = arith.constant 0 : i32
        %dma_start3A_354 = tpu.memref_slice %arg7[%dma_start3A_352, %dma_start3A_353] : memref<4x128xi32, #tpu.memory_space<vmem>> -> memref<1x128xi32, #tpu.memory_space<vmem>>
        %dma_start3A_355 = tpu.memref_squeeze %dma_start3A_354 : memref<1x128xi32, #tpu.memory_space<vmem>> -> memref<128xi32, #tpu.memory_space<vmem>>
        %dma_start3A_356 = arith.constant 0 : i32
        %dma_start3A_357 = tpu.memref_slice %arg2[%add3A_351, %dma_start3A_356] : memref<2560x128xi32, #tpu.memory_space<hbm>> -> memref<1x128xi32, #tpu.memory_space<hbm>>
        %dma_start3A_358 = tpu.memref_squeeze %dma_start3A_357 : memref<1x128xi32, #tpu.memory_space<hbm>> -> memref<128xi32, #tpu.memory_space<hbm>>
        %dma_start3A_359 = arith.constant 0 : i32
        %dma_start3A_360 = tpu.memref_slice %arg7[%dma_start3A_352, %dma_start3A_359] : memref<4x128xi32, #tpu.memory_space<vmem>> -> memref<1x128xi32, #tpu.memory_space<vmem>>
        %dma_start3A_361 = tpu.memref_squeeze %dma_start3A_360 : memref<1x128xi32, #tpu.memory_space<vmem>> -> memref<128xi32, #tpu.memory_space<vmem>>
        %dma_start3A_362 = arith.constant 0 : i32
        %dma_start3A_363 = tpu.memref_slice %arg2[%add3A_351, %dma_start3A_362] : memref<2560x128xi32, #tpu.memory_space<hbm>> -> memref<1x128xi32, #tpu.memory_space<hbm>>
        %dma_start3A_364 = tpu.memref_squeeze %dma_start3A_363 : memref<1x128xi32, #tpu.memory_space<hbm>> -> memref<128xi32, #tpu.memory_space<hbm>>
        tpu.enqueue_dma source(%dma_start3A_364 : memref<128xi32, #tpu.memory_space<hbm>>) target(%dma_start3A_361 : memref<128xi32, #tpu.memory_space<vmem>>) target_semaphore(%arg15 : memref<!tpu.dma_semaphore, #tpu.memory_space<semaphore_mem>>)
      } else {
      }
      %dma_start3A_212 = arith.constant 0 : i32
      %dma_start3A_213 = arith.constant 0 : i32
      %dma_start3A_214 = arith.constant 0 : i32
      %dma_start3A_215 = tpu.memref_slice %arg9[%dma_start3A_212, %dma_start3A_213, %dma_start3A_214] : memref<2x128x128xf32, #tpu.memory_space<vmem>> -> memref<1x128x128xf32, #tpu.memory_space<vmem>>
      %dma_start3A_216 = tpu.memref_squeeze %dma_start3A_215 : memref<1x128x128xf32, #tpu.memory_space<vmem>> -> memref<128x128xf32, #tpu.memory_space<vmem>>
      %dma_start3A_217 = arith.constant 0 : i32
      %dma_start3A_218 = tpu.memref_slice %arg8[%add3A_186, %dma_start3A_217] : memref<80x128xi32, #tpu.memory_space<vmem>> -> memref<1x128xi32, #tpu.memory_space<vmem>>
      %dma_start3A_219 = tpu.memref_squeeze %dma_start3A_218 : memref<1x128xi32, #tpu.memory_space<vmem>> -> memref<128xi32, #tpu.memory_space<vmem>>
      %dma_start3A_220 = arith.constant 0 : i32
      %dma_start3A_221 = arith.constant 0 : i32
      %dma_start3A_222 = tpu.memref_slice %arg10[%dma_start3A_220, %dma_start3A_221] : memref<10112x128xf32, #tpu.memory_space<vmem_shared>> -> memref<10112x128xf32, #tpu.memory_space<vmem_shared>>
      tpu.enqueue_indirect_dma source(%dma_start3A_216 : memref<128x128xf32, #tpu.memory_space<vmem>>) target(%dma_start3A_222 : memref<10112x128xf32, #tpu.memory_space<vmem_shared>>) offsets(%dma_start3A_219 : memref<128xi32, #tpu.memory_space<vmem>>) semaphore(%arg13 : memref<!tpu.dma_semaphore, #tpu.memory_space<semaphore_mem>>) {add = true}
      %mul3A_223 = arith.constant 4 : i32
      %mul3A_224 = arith.muli %while3A_182, %mul3A_223 : i32
      %add3A_225 = arith.constant 1 : i32
      %add3A_226 = arith.addi %mul3A_224, %add3A_225 : i32
      %add3A_227 = arith.constant 1 : i32
      %add3A_228 = arith.addi %add3A_226, %add3A_227 : i32
      %ge3A_229 = arith.constant 2 : i32
      %ge3A_230 = arith.cmpi sge, %add3A_228, %ge3A_229 : i32
      %lt3A_231 = arith.cmpi slt, %add3A_228, %select_n3A : i32
      %and3A_232 = arith.andi %ge3A_230, %lt3A_231 : i1
      %convert_element_type3A_233 = arith.extui %and3A_232 : i1 to i32
      %cond3A_234 = arith.constant 0 : i32
      %cond3A_235 = arith.cmpi ne, %convert_element_type3A_233, %cond3A_234 : i32
      scf.if %cond3A_235 {
        %dma_wait3A_349 = arith.constant 0 : i32
        %dma_wait3A_350 = arith.constant 0 : i32
        %dma_wait3A_351 = arith.constant 0 : i32
        %dma_wait3A_352 = arith.constant 0 : i32
        %dma_wait3A_353 = tpu.memref_slice %arg9[%dma_wait3A_349, %dma_wait3A_351, %dma_wait3A_352] : memref<2x128x128xf32, #tpu.memory_space<vmem>> -> memref<1x128x128xf32, #tpu.memory_space<vmem>>
        %dma_wait3A_354 = tpu.memref_squeeze %dma_wait3A_353 : memref<1x128x128xf32, #tpu.memory_space<vmem>> -> memref<128x128xf32, #tpu.memory_space<vmem>>
        %dma_wait3A_355 = arith.constant 0 : i32
        %dma_wait3A_356 = tpu.memref_slice %arg8[%dma_wait3A_350, %dma_wait3A_355] : memref<80x128xi32, #tpu.memory_space<vmem>> -> memref<1x128xi32, #tpu.memory_space<vmem>>
        %dma_wait3A_357 = tpu.memref_squeeze %dma_wait3A_356 : memref<1x128xi32, #tpu.memory_space<vmem>> -> memref<128xi32, #tpu.memory_space<vmem>>
        %dma_wait3A_358 = arith.constant 0 : i32
        %dma_wait3A_359 = arith.constant 0 : i32
        %dma_wait3A_360 = tpu.memref_slice %arg10[%dma_wait3A_358, %dma_wait3A_359] : memref<10112x128xf32, #tpu.memory_space<vmem_shared>> -> memref<10112x128xf32, #tpu.memory_space<vmem_shared>>
        tpu.wait_indirect_dma semaphore(%arg13 : memref<!tpu.dma_semaphore, #tpu.memory_space<semaphore_mem>>) src(%dma_wait3A_354 : memref<128x128xf32, #tpu.memory_space<vmem>>) dst(%dma_wait3A_360 : memref<10112x128xf32, #tpu.memory_space<vmem_shared>>)
        %dma_wait3A_361 = arith.constant 0 : i32
        %dma_wait3A_362 = arith.constant 2 : i32
        %dma_wait3A_363 = arith.constant 0 : i32
        %dma_wait3A_364 = tpu.memref_slice %arg7[%dma_wait3A_362, %dma_wait3A_363] : memref<4x128xi32, #tpu.memory_space<vmem>> -> memref<1x128xi32, #tpu.memory_space<vmem>>
        %dma_wait3A_365 = tpu.memref_squeeze %dma_wait3A_364 : memref<1x128xi32, #tpu.memory_space<vmem>> -> memref<128xi32, #tpu.memory_space<vmem>>
        %dma_wait3A_366 = arith.constant 0 : i32
        %dma_wait3A_367 = tpu.memref_slice %arg2[%dma_wait3A_361, %dma_wait3A_366] : memref<2560x128xi32, #tpu.memory_space<hbm>> -> memref<1x128xi32, #tpu.memory_space<hbm>>
        %dma_wait3A_368 = tpu.memref_squeeze %dma_wait3A_367 : memref<1x128xi32, #tpu.memory_space<hbm>> -> memref<128xi32, #tpu.memory_space<hbm>>
        %dma_wait3A_369 = arith.constant 0 : i32
        %dma_wait3A_370 = tpu.memref_slice %arg7[%dma_wait3A_362, %dma_wait3A_369] : memref<4x128xi32, #tpu.memory_space<vmem>> -> memref<1x128xi32, #tpu.memory_space<vmem>>
        %dma_wait3A_371 = tpu.memref_squeeze %dma_wait3A_370 : memref<1x128xi32, #tpu.memory_space<vmem>> -> memref<128xi32, #tpu.memory_space<vmem>>
        %dma_wait3A_372 = arith.constant 0 : i32
        %dma_wait3A_373 = tpu.memref_slice %arg2[%dma_wait3A_361, %dma_wait3A_372] : memref<2560x128xi32, #tpu.memory_space<hbm>> -> memref<1x128xi32, #tpu.memory_space<hbm>>
        %dma_wait3A_374 = tpu.memref_squeeze %dma_wait3A_373 : memref<1x128xi32, #tpu.memory_space<hbm>> -> memref<128xi32, #tpu.memory_space<hbm>>
        tpu.wait_dma2 semaphore(%arg17 : memref<!tpu.dma_semaphore, #tpu.memory_space<semaphore_mem>>) src(%dma_wait3A_374 : memref<128xi32, #tpu.memory_space<hbm>>) dst(%dma_wait3A_371 : memref<128xi32, #tpu.memory_space<vmem>>)
        %dma_start3A_375 = arith.constant 2 : i32
        %dma_start3A_376 = arith.constant 0 : i32
        %dma_start3A_377 = arith.constant 0 : i32
        %dma_start3A_378 = arith.constant 0 : i32
        %dma_start3A_379 = tpu.memref_slice %arg9[%dma_start3A_376, %dma_start3A_377, %dma_start3A_378] : memref<2x128x128xf32, #tpu.memory_space<vmem>> -> memref<1x128x128xf32, #tpu.memory_space<vmem>>
        %dma_start3A_380 = tpu.memref_squeeze %dma_start3A_379 : memref<1x128x128xf32, #tpu.memory_space<vmem>> -> memref<128x128xf32, #tpu.memory_space<vmem>>
        %dma_start3A_381 = arith.constant 0 : i32
        %dma_start3A_382 = tpu.memref_slice %arg7[%dma_start3A_375, %dma_start3A_381] : memref<4x128xi32, #tpu.memory_space<vmem>> -> memref<1x128xi32, #tpu.memory_space<vmem>>
        %dma_start3A_383 = tpu.memref_squeeze %dma_start3A_382 : memref<1x128xi32, #tpu.memory_space<vmem>> -> memref<128xi32, #tpu.memory_space<vmem>>
        %dma_start3A_384 = arith.constant 0 : i32
        %dma_start3A_385 = arith.constant 0 : i32
        %dma_start3A_386 = tpu.memref_slice %arg4[%dma_start3A_384, %dma_start3A_385] : memref<10112x128xf32, #tpu.memory_space<hbm>> -> memref<10112x128xf32, #tpu.memory_space<hbm>>
        tpu.enqueue_indirect_dma source(%dma_start3A_386 : memref<10112x128xf32, #tpu.memory_space<hbm>>) target(%dma_start3A_380 : memref<128x128xf32, #tpu.memory_space<vmem>>) offsets(%dma_start3A_383 : memref<128xi32, #tpu.memory_space<vmem>>) semaphore(%arg11 : memref<!tpu.dma_semaphore, #tpu.memory_space<semaphore_mem>>)
      } else {
      }
      %dma_wait3A_236 = arith.constant 1 : i32
      %dma_wait3A_237 = arith.constant 1 : i32
      %dma_wait3A_238 = arith.constant 0 : i32
      %dma_wait3A_239 = arith.constant 0 : i32
      %dma_wait3A_240 = tpu.memref_slice %arg9[%dma_wait3A_237, %dma_wait3A_238, %dma_wait3A_239] : memref<2x128x128xf32, #tpu.memory_space<vmem>> -> memref<1x128x128xf32, #tpu.memory_space<vmem>>
      %dma_wait3A_241 = tpu.memref_squeeze %dma_wait3A_240 : memref<1x128x128xf32, #tpu.memory_space<vmem>> -> memref<128x128xf32, #tpu.memory_space<vmem>>
      %dma_wait3A_242 = arith.constant 0 : i32
      %dma_wait3A_243 = tpu.memref_slice %arg7[%dma_wait3A_236, %dma_wait3A_242] : memref<4x128xi32, #tpu.memory_space<vmem>> -> memref<1x128xi32, #tpu.memory_space<vmem>>
      %dma_wait3A_244 = tpu.memref_squeeze %dma_wait3A_243 : memref<1x128xi32, #tpu.memory_space<vmem>> -> memref<128xi32, #tpu.memory_space<vmem>>
      %dma_wait3A_245 = arith.constant 0 : i32
      %dma_wait3A_246 = arith.constant 0 : i32
      %dma_wait3A_247 = tpu.memref_slice %arg4[%dma_wait3A_245, %dma_wait3A_246] : memref<10112x128xf32, #tpu.memory_space<hbm>> -> memref<10112x128xf32, #tpu.memory_space<hbm>>
      tpu.wait_indirect_dma semaphore(%arg12 : memref<!tpu.dma_semaphore, #tpu.memory_space<semaphore_mem>>) src(%dma_wait3A_247 : memref<10112x128xf32, #tpu.memory_space<hbm>>) dst(%dma_wait3A_241 : memref<128x128xf32, #tpu.memory_space<vmem>>)
      %add3A_248 = arith.constant 4 : i32
      %add3A_249 = arith.addi %add3A_226, %add3A_248 : i32
      %lt3A_250 = arith.cmpi slt, %add3A_249, %select_n3A : i32
      %convert_element_type3A_251 = arith.extui %lt3A_250 : i1 to i32
      %cond3A_252 = arith.constant 0 : i32
      %cond3A_253 = arith.cmpi ne, %convert_element_type3A_251, %cond3A_252 : i32
      scf.if %cond3A_253 {
        %add3A_349 = arith.constant 4 : i32
        %add3A_350 = arith.addi %add3A_226, %add3A_349 : i32
        %add3A_351 = arith.addi %select_n3A_6, %add3A_350 : i32
        %dma_start3A_352 = arith.constant 1 : i32
        %dma_start3A_353 = arith.constant 0 : i32
        %dma_start3A_354 = tpu.memref_slice %arg7[%dma_start3A_352, %dma_start3A_353] : memref<4x128xi32, #tpu.memory_space<vmem>> -> memref<1x128xi32, #tpu.memory_space<vmem>>
        %dma_start3A_355 = tpu.memref_squeeze %dma_start3A_354 : memref<1x128xi32, #tpu.memory_space<vmem>> -> memref<128xi32, #tpu.memory_space<vmem>>
        %dma_start3A_356 = arith.constant 0 : i32
        %dma_start3A_357 = tpu.memref_slice %arg2[%add3A_351, %dma_start3A_356] : memref<2560x128xi32, #tpu.memory_space<hbm>> -> memref<1x128xi32, #tpu.memory_space<hbm>>
        %dma_start3A_358 = tpu.memref_squeeze %dma_start3A_357 : memref<1x128xi32, #tpu.memory_space<hbm>> -> memref<128xi32, #tpu.memory_space<hbm>>
        %dma_start3A_359 = arith.constant 0 : i32
        %dma_start3A_360 = tpu.memref_slice %arg7[%dma_start3A_352, %dma_start3A_359] : memref<4x128xi32, #tpu.memory_space<vmem>> -> memref<1x128xi32, #tpu.memory_space<vmem>>
        %dma_start3A_361 = tpu.memref_squeeze %dma_start3A_360 : memref<1x128xi32, #tpu.memory_space<vmem>> -> memref<128xi32, #tpu.memory_space<vmem>>
        %dma_start3A_362 = arith.constant 0 : i32
        %dma_start3A_363 = tpu.memref_slice %arg2[%add3A_351, %dma_start3A_362] : memref<2560x128xi32, #tpu.memory_space<hbm>> -> memref<1x128xi32, #tpu.memory_space<hbm>>
        %dma_start3A_364 = tpu.memref_squeeze %dma_start3A_363 : memref<1x128xi32, #tpu.memory_space<hbm>> -> memref<128xi32, #tpu.memory_space<hbm>>
        tpu.enqueue_dma source(%dma_start3A_364 : memref<128xi32, #tpu.memory_space<hbm>>) target(%dma_start3A_361 : memref<128xi32, #tpu.memory_space<vmem>>) target_semaphore(%arg16 : memref<!tpu.dma_semaphore, #tpu.memory_space<semaphore_mem>>)
      } else {
      }
      %dma_start3A_254 = arith.constant 1 : i32
      %dma_start3A_255 = arith.constant 0 : i32
      %dma_start3A_256 = arith.constant 0 : i32
      %dma_start3A_257 = tpu.memref_slice %arg9[%dma_start3A_254, %dma_start3A_255, %dma_start3A_256] : memref<2x128x128xf32, #tpu.memory_space<vmem>> -> memref<1x128x128xf32, #tpu.memory_space<vmem>>
      %dma_start3A_258 = tpu.memref_squeeze %dma_start3A_257 : memref<1x128x128xf32, #tpu.memory_space<vmem>> -> memref<128x128xf32, #tpu.memory_space<vmem>>
      %dma_start3A_259 = arith.constant 0 : i32
      %dma_start3A_260 = tpu.memref_slice %arg8[%add3A_226, %dma_start3A_259] : memref<80x128xi32, #tpu.memory_space<vmem>> -> memref<1x128xi32, #tpu.memory_space<vmem>>
      %dma_start3A_261 = tpu.memref_squeeze %dma_start3A_260 : memref<1x128xi32, #tpu.memory_space<vmem>> -> memref<128xi32, #tpu.memory_space<vmem>>
      %dma_start3A_262 = arith.constant 0 : i32
      %dma_start3A_263 = arith.constant 0 : i32
      %dma_start3A_264 = tpu.memref_slice %arg10[%dma_start3A_262, %dma_start3A_263] : memref<10112x128xf32, #tpu.memory_space<vmem_shared>> -> memref<10112x128xf32, #tpu.memory_space<vmem_shared>>
      tpu.enqueue_indirect_dma source(%dma_start3A_258 : memref<128x128xf32, #tpu.memory_space<vmem>>) target(%dma_start3A_264 : memref<10112x128xf32, #tpu.memory_space<vmem_shared>>) offsets(%dma_start3A_261 : memref<128xi32, #tpu.memory_space<vmem>>) semaphore(%arg14 : memref<!tpu.dma_semaphore, #tpu.memory_space<semaphore_mem>>) {add = true}
      %mul3A_265 = arith.constant 4 : i32
      %mul3A_266 = arith.muli %while3A_182, %mul3A_265 : i32
      %add3A_267 = arith.constant 2 : i32
      %add3A_268 = arith.addi %mul3A_266, %add3A_267 : i32
      %add3A_269 = arith.constant 1 : i32
      %add3A_270 = arith.addi %add3A_268, %add3A_269 : i32
      %ge3A_271 = arith.constant 2 : i32
      %ge3A_272 = arith.cmpi sge, %add3A_270, %ge3A_271 : i32
      %lt3A_273 = arith.cmpi slt, %add3A_270, %select_n3A : i32
      %and3A_274 = arith.andi %ge3A_272, %lt3A_273 : i1
      %convert_element_type3A_275 = arith.extui %and3A_274 : i1 to i32
      %cond3A_276 = arith.constant 0 : i32
      %cond3A_277 = arith.cmpi ne, %convert_element_type3A_275, %cond3A_276 : i32
      scf.if %cond3A_277 {
        %dma_wait3A_349 = arith.constant 1 : i32
        %dma_wait3A_350 = arith.constant 0 : i32
        %dma_wait3A_351 = arith.constant 0 : i32
        %dma_wait3A_352 = arith.constant 0 : i32
        %dma_wait3A_353 = tpu.memref_slice %arg9[%dma_wait3A_349, %dma_wait3A_351, %dma_wait3A_352] : memref<2x128x128xf32, #tpu.memory_space<vmem>> -> memref<1x128x128xf32, #tpu.memory_space<vmem>>
        %dma_wait3A_354 = tpu.memref_squeeze %dma_wait3A_353 : memref<1x128x128xf32, #tpu.memory_space<vmem>> -> memref<128x128xf32, #tpu.memory_space<vmem>>
        %dma_wait3A_355 = arith.constant 0 : i32
        %dma_wait3A_356 = tpu.memref_slice %arg8[%dma_wait3A_350, %dma_wait3A_355] : memref<80x128xi32, #tpu.memory_space<vmem>> -> memref<1x128xi32, #tpu.memory_space<vmem>>
        %dma_wait3A_357 = tpu.memref_squeeze %dma_wait3A_356 : memref<1x128xi32, #tpu.memory_space<vmem>> -> memref<128xi32, #tpu.memory_space<vmem>>
        %dma_wait3A_358 = arith.constant 0 : i32
        %dma_wait3A_359 = arith.constant 0 : i32
        %dma_wait3A_360 = tpu.memref_slice %arg10[%dma_wait3A_358, %dma_wait3A_359] : memref<10112x128xf32, #tpu.memory_space<vmem_shared>> -> memref<10112x128xf32, #tpu.memory_space<vmem_shared>>
        tpu.wait_indirect_dma semaphore(%arg14 : memref<!tpu.dma_semaphore, #tpu.memory_space<semaphore_mem>>) src(%dma_wait3A_354 : memref<128x128xf32, #tpu.memory_space<vmem>>) dst(%dma_wait3A_360 : memref<10112x128xf32, #tpu.memory_space<vmem_shared>>)
        %dma_wait3A_361 = arith.constant 0 : i32
        %dma_wait3A_362 = arith.constant 3 : i32
        %dma_wait3A_363 = arith.constant 0 : i32
        %dma_wait3A_364 = tpu.memref_slice %arg7[%dma_wait3A_362, %dma_wait3A_363] : memref<4x128xi32, #tpu.memory_space<vmem>> -> memref<1x128xi32, #tpu.memory_space<vmem>>
        %dma_wait3A_365 = tpu.memref_squeeze %dma_wait3A_364 : memref<1x128xi32, #tpu.memory_space<vmem>> -> memref<128xi32, #tpu.memory_space<vmem>>
        %dma_wait3A_366 = arith.constant 0 : i32
        %dma_wait3A_367 = tpu.memref_slice %arg2[%dma_wait3A_361, %dma_wait3A_366] : memref<2560x128xi32, #tpu.memory_space<hbm>> -> memref<1x128xi32, #tpu.memory_space<hbm>>
        %dma_wait3A_368 = tpu.memref_squeeze %dma_wait3A_367 : memref<1x128xi32, #tpu.memory_space<hbm>> -> memref<128xi32, #tpu.memory_space<hbm>>
        %dma_wait3A_369 = arith.constant 0 : i32
        %dma_wait3A_370 = tpu.memref_slice %arg7[%dma_wait3A_362, %dma_wait3A_369] : memref<4x128xi32, #tpu.memory_space<vmem>> -> memref<1x128xi32, #tpu.memory_space<vmem>>
        %dma_wait3A_371 = tpu.memref_squeeze %dma_wait3A_370 : memref<1x128xi32, #tpu.memory_space<vmem>> -> memref<128xi32, #tpu.memory_space<vmem>>
        %dma_wait3A_372 = arith.constant 0 : i32
        %dma_wait3A_373 = tpu.memref_slice %arg2[%dma_wait3A_361, %dma_wait3A_372] : memref<2560x128xi32, #tpu.memory_space<hbm>> -> memref<1x128xi32, #tpu.memory_space<hbm>>
        %dma_wait3A_374 = tpu.memref_squeeze %dma_wait3A_373 : memref<1x128xi32, #tpu.memory_space<hbm>> -> memref<128xi32, #tpu.memory_space<hbm>>
        tpu.wait_dma2 semaphore(%arg18 : memref<!tpu.dma_semaphore, #tpu.memory_space<semaphore_mem>>) src(%dma_wait3A_374 : memref<128xi32, #tpu.memory_space<hbm>>) dst(%dma_wait3A_371 : memref<128xi32, #tpu.memory_space<vmem>>)
        %dma_start3A_375 = arith.constant 3 : i32
        %dma_start3A_376 = arith.constant 1 : i32
        %dma_start3A_377 = arith.constant 0 : i32
        %dma_start3A_378 = arith.constant 0 : i32
        %dma_start3A_379 = tpu.memref_slice %arg9[%dma_start3A_376, %dma_start3A_377, %dma_start3A_378] : memref<2x128x128xf32, #tpu.memory_space<vmem>> -> memref<1x128x128xf32, #tpu.memory_space<vmem>>
        %dma_start3A_380 = tpu.memref_squeeze %dma_start3A_379 : memref<1x128x128xf32, #tpu.memory_space<vmem>> -> memref<128x128xf32, #tpu.memory_space<vmem>>
        %dma_start3A_381 = arith.constant 0 : i32
        %dma_start3A_382 = tpu.memref_slice %arg7[%dma_start3A_375, %dma_start3A_381] : memref<4x128xi32, #tpu.memory_space<vmem>> -> memref<1x128xi32, #tpu.memory_space<vmem>>
        %dma_start3A_383 = tpu.memref_squeeze %dma_start3A_382 : memref<1x128xi32, #tpu.memory_space<vmem>> -> memref<128xi32, #tpu.memory_space<vmem>>
        %dma_start3A_384 = arith.constant 0 : i32
        %dma_start3A_385 = arith.constant 0 : i32
        %dma_start3A_386 = tpu.memref_slice %arg4[%dma_start3A_384, %dma_start3A_385] : memref<10112x128xf32, #tpu.memory_space<hbm>> -> memref<10112x128xf32, #tpu.memory_space<hbm>>
        tpu.enqueue_indirect_dma source(%dma_start3A_386 : memref<10112x128xf32, #tpu.memory_space<hbm>>) target(%dma_start3A_380 : memref<128x128xf32, #tpu.memory_space<vmem>>) offsets(%dma_start3A_383 : memref<128xi32, #tpu.memory_space<vmem>>) semaphore(%arg12 : memref<!tpu.dma_semaphore, #tpu.memory_space<semaphore_mem>>)
      } else {
      }
      %dma_wait3A_278 = arith.constant 2 : i32
      %dma_wait3A_279 = arith.constant 0 : i32
      %dma_wait3A_280 = arith.constant 0 : i32
      %dma_wait3A_281 = arith.constant 0 : i32
      %dma_wait3A_282 = tpu.memref_slice %arg9[%dma_wait3A_279, %dma_wait3A_280, %dma_wait3A_281] : memref<2x128x128xf32, #tpu.memory_space<vmem>> -> memref<1x128x128xf32, #tpu.memory_space<vmem>>
      %dma_wait3A_283 = tpu.memref_squeeze %dma_wait3A_282 : memref<1x128x128xf32, #tpu.memory_space<vmem>> -> memref<128x128xf32, #tpu.memory_space<vmem>>
      %dma_wait3A_284 = arith.constant 0 : i32
      %dma_wait3A_285 = tpu.memref_slice %arg7[%dma_wait3A_278, %dma_wait3A_284] : memref<4x128xi32, #tpu.memory_space<vmem>> -> memref<1x128xi32, #tpu.memory_space<vmem>>
      %dma_wait3A_286 = tpu.memref_squeeze %dma_wait3A_285 : memref<1x128xi32, #tpu.memory_space<vmem>> -> memref<128xi32, #tpu.memory_space<vmem>>
      %dma_wait3A_287 = arith.constant 0 : i32
      %dma_wait3A_288 = arith.constant 0 : i32
      %dma_wait3A_289 = tpu.memref_slice %arg4[%dma_wait3A_287, %dma_wait3A_288] : memref<10112x128xf32, #tpu.memory_space<hbm>> -> memref<10112x128xf32, #tpu.memory_space<hbm>>
      tpu.wait_indirect_dma semaphore(%arg11 : memref<!tpu.dma_semaphore, #tpu.memory_space<semaphore_mem>>) src(%dma_wait3A_289 : memref<10112x128xf32, #tpu.memory_space<hbm>>) dst(%dma_wait3A_283 : memref<128x128xf32, #tpu.memory_space<vmem>>)
      %add3A_290 = arith.constant 4 : i32
      %add3A_291 = arith.addi %add3A_268, %add3A_290 : i32
      %lt3A_292 = arith.cmpi slt, %add3A_291, %select_n3A : i32
      %convert_element_type3A_293 = arith.extui %lt3A_292 : i1 to i32
      %cond3A_294 = arith.constant 0 : i32
      %cond3A_295 = arith.cmpi ne, %convert_element_type3A_293, %cond3A_294 : i32
      scf.if %cond3A_295 {
        %add3A_349 = arith.constant 4 : i32
        %add3A_350 = arith.addi %add3A_268, %add3A_349 : i32
        %add3A_351 = arith.addi %select_n3A_6, %add3A_350 : i32
        %dma_start3A_352 = arith.constant 2 : i32
        %dma_start3A_353 = arith.constant 0 : i32
        %dma_start3A_354 = tpu.memref_slice %arg7[%dma_start3A_352, %dma_start3A_353] : memref<4x128xi32, #tpu.memory_space<vmem>> -> memref<1x128xi32, #tpu.memory_space<vmem>>
        %dma_start3A_355 = tpu.memref_squeeze %dma_start3A_354 : memref<1x128xi32, #tpu.memory_space<vmem>> -> memref<128xi32, #tpu.memory_space<vmem>>
        %dma_start3A_356 = arith.constant 0 : i32
        %dma_start3A_357 = tpu.memref_slice %arg2[%add3A_351, %dma_start3A_356] : memref<2560x128xi32, #tpu.memory_space<hbm>> -> memref<1x128xi32, #tpu.memory_space<hbm>>
        %dma_start3A_358 = tpu.memref_squeeze %dma_start3A_357 : memref<1x128xi32, #tpu.memory_space<hbm>> -> memref<128xi32, #tpu.memory_space<hbm>>
        %dma_start3A_359 = arith.constant 0 : i32
        %dma_start3A_360 = tpu.memref_slice %arg7[%dma_start3A_352, %dma_start3A_359] : memref<4x128xi32, #tpu.memory_space<vmem>> -> memref<1x128xi32, #tpu.memory_space<vmem>>
        %dma_start3A_361 = tpu.memref_squeeze %dma_start3A_360 : memref<1x128xi32, #tpu.memory_space<vmem>> -> memref<128xi32, #tpu.memory_space<vmem>>
        %dma_start3A_362 = arith.constant 0 : i32
        %dma_start3A_363 = tpu.memref_slice %arg2[%add3A_351, %dma_start3A_362] : memref<2560x128xi32, #tpu.memory_space<hbm>> -> memref<1x128xi32, #tpu.memory_space<hbm>>
        %dma_start3A_364 = tpu.memref_squeeze %dma_start3A_363 : memref<1x128xi32, #tpu.memory_space<hbm>> -> memref<128xi32, #tpu.memory_space<hbm>>
        tpu.enqueue_dma source(%dma_start3A_364 : memref<128xi32, #tpu.memory_space<hbm>>) target(%dma_start3A_361 : memref<128xi32, #tpu.memory_space<vmem>>) target_semaphore(%arg17 : memref<!tpu.dma_semaphore, #tpu.memory_space<semaphore_mem>>)
      } else {
      }
      %dma_start3A_296 = arith.constant 0 : i32
      %dma_start3A_297 = arith.constant 0 : i32
      %dma_start3A_298 = arith.constant 0 : i32
      %dma_start3A_299 = tpu.memref_slice %arg9[%dma_start3A_296, %dma_start3A_297, %dma_start3A_298] : memref<2x128x128xf32, #tpu.memory_space<vmem>> -> memref<1x128x128xf32, #tpu.memory_space<vmem>>
      %dma_start3A_300 = tpu.memref_squeeze %dma_start3A_299 : memref<1x128x128xf32, #tpu.memory_space<vmem>> -> memref<128x128xf32, #tpu.memory_space<vmem>>
      %dma_start3A_301 = arith.constant 0 : i32
      %dma_start3A_302 = tpu.memref_slice %arg8[%add3A_268, %dma_start3A_301] : memref<80x128xi32, #tpu.memory_space<vmem>> -> memref<1x128xi32, #tpu.memory_space<vmem>>
      %dma_start3A_303 = tpu.memref_squeeze %dma_start3A_302 : memref<1x128xi32, #tpu.memory_space<vmem>> -> memref<128xi32, #tpu.memory_space<vmem>>
      %dma_start3A_304 = arith.constant 0 : i32
      %dma_start3A_305 = arith.constant 0 : i32
      %dma_start3A_306 = tpu.memref_slice %arg10[%dma_start3A_304, %dma_start3A_305] : memref<10112x128xf32, #tpu.memory_space<vmem_shared>> -> memref<10112x128xf32, #tpu.memory_space<vmem_shared>>
      tpu.enqueue_indirect_dma source(%dma_start3A_300 : memref<128x128xf32, #tpu.memory_space<vmem>>) target(%dma_start3A_306 : memref<10112x128xf32, #tpu.memory_space<vmem_shared>>) offsets(%dma_start3A_303 : memref<128xi32, #tpu.memory_space<vmem>>) semaphore(%arg13 : memref<!tpu.dma_semaphore, #tpu.memory_space<semaphore_mem>>) {add = true}
      %mul3A_307 = arith.constant 4 : i32
      %mul3A_308 = arith.muli %while3A_182, %mul3A_307 : i32
      %add3A_309 = arith.constant 3 : i32
      %add3A_310 = arith.addi %mul3A_308, %add3A_309 : i32
      %add3A_311 = arith.constant 1 : i32
      %add3A_312 = arith.addi %add3A_310, %add3A_311 : i32
      %ge3A_313 = arith.constant 2 : i32
      %ge3A_314 = arith.cmpi sge, %add3A_312, %ge3A_313 : i32
      %lt3A_315 = arith.cmpi slt, %add3A_312, %select_n3A : i32
      %and3A_316 = arith.andi %ge3A_314, %lt3A_315 : i1
      %convert_element_type3A_317 = arith.extui %and3A_316 : i1 to i32
      %cond3A_318 = arith.constant 0 : i32
      %cond3A_319 = arith.cmpi ne, %convert_element_type3A_317, %cond3A_318 : i32
      scf.if %cond3A_319 {
        %dma_wait3A_349 = arith.constant 0 : i32
        %dma_wait3A_350 = arith.constant 0 : i32
        %dma_wait3A_351 = arith.constant 0 : i32
        %dma_wait3A_352 = arith.constant 0 : i32
        %dma_wait3A_353 = tpu.memref_slice %arg9[%dma_wait3A_349, %dma_wait3A_351, %dma_wait3A_352] : memref<2x128x128xf32, #tpu.memory_space<vmem>> -> memref<1x128x128xf32, #tpu.memory_space<vmem>>
        %dma_wait3A_354 = tpu.memref_squeeze %dma_wait3A_353 : memref<1x128x128xf32, #tpu.memory_space<vmem>> -> memref<128x128xf32, #tpu.memory_space<vmem>>
        %dma_wait3A_355 = arith.constant 0 : i32
        %dma_wait3A_356 = tpu.memref_slice %arg8[%dma_wait3A_350, %dma_wait3A_355] : memref<80x128xi32, #tpu.memory_space<vmem>> -> memref<1x128xi32, #tpu.memory_space<vmem>>
        %dma_wait3A_357 = tpu.memref_squeeze %dma_wait3A_356 : memref<1x128xi32, #tpu.memory_space<vmem>> -> memref<128xi32, #tpu.memory_space<vmem>>
        %dma_wait3A_358 = arith.constant 0 : i32
        %dma_wait3A_359 = arith.constant 0 : i32
        %dma_wait3A_360 = tpu.memref_slice %arg10[%dma_wait3A_358, %dma_wait3A_359] : memref<10112x128xf32, #tpu.memory_space<vmem_shared>> -> memref<10112x128xf32, #tpu.memory_space<vmem_shared>>
        tpu.wait_indirect_dma semaphore(%arg13 : memref<!tpu.dma_semaphore, #tpu.memory_space<semaphore_mem>>) src(%dma_wait3A_354 : memref<128x128xf32, #tpu.memory_space<vmem>>) dst(%dma_wait3A_360 : memref<10112x128xf32, #tpu.memory_space<vmem_shared>>)
        %dma_wait3A_361 = arith.constant 0 : i32
        %dma_wait3A_362 = arith.constant 0 : i32
        %dma_wait3A_363 = arith.constant 0 : i32
        %dma_wait3A_364 = tpu.memref_slice %arg7[%dma_wait3A_362, %dma_wait3A_363] : memref<4x128xi32, #tpu.memory_space<vmem>> -> memref<1x128xi32, #tpu.memory_space<vmem>>
        %dma_wait3A_365 = tpu.memref_squeeze %dma_wait3A_364 : memref<1x128xi32, #tpu.memory_space<vmem>> -> memref<128xi32, #tpu.memory_space<vmem>>
        %dma_wait3A_366 = arith.constant 0 : i32
        %dma_wait3A_367 = tpu.memref_slice %arg2[%dma_wait3A_361, %dma_wait3A_366] : memref<2560x128xi32, #tpu.memory_space<hbm>> -> memref<1x128xi32, #tpu.memory_space<hbm>>
        %dma_wait3A_368 = tpu.memref_squeeze %dma_wait3A_367 : memref<1x128xi32, #tpu.memory_space<hbm>> -> memref<128xi32, #tpu.memory_space<hbm>>
        %dma_wait3A_369 = arith.constant 0 : i32
        %dma_wait3A_370 = tpu.memref_slice %arg7[%dma_wait3A_362, %dma_wait3A_369] : memref<4x128xi32, #tpu.memory_space<vmem>> -> memref<1x128xi32, #tpu.memory_space<vmem>>
        %dma_wait3A_371 = tpu.memref_squeeze %dma_wait3A_370 : memref<1x128xi32, #tpu.memory_space<vmem>> -> memref<128xi32, #tpu.memory_space<vmem>>
        %dma_wait3A_372 = arith.constant 0 : i32
        %dma_wait3A_373 = tpu.memref_slice %arg2[%dma_wait3A_361, %dma_wait3A_372] : memref<2560x128xi32, #tpu.memory_space<hbm>> -> memref<1x128xi32, #tpu.memory_space<hbm>>
        %dma_wait3A_374 = tpu.memref_squeeze %dma_wait3A_373 : memref<1x128xi32, #tpu.memory_space<hbm>> -> memref<128xi32, #tpu.memory_space<hbm>>
        tpu.wait_dma2 semaphore(%arg15 : memref<!tpu.dma_semaphore, #tpu.memory_space<semaphore_mem>>) src(%dma_wait3A_374 : memref<128xi32, #tpu.memory_space<hbm>>) dst(%dma_wait3A_371 : memref<128xi32, #tpu.memory_space<vmem>>)
        %dma_start3A_375 = arith.constant 0 : i32
        %dma_start3A_376 = arith.constant 0 : i32
        %dma_start3A_377 = arith.constant 0 : i32
        %dma_start3A_378 = arith.constant 0 : i32
        %dma_start3A_379 = tpu.memref_slice %arg9[%dma_start3A_376, %dma_start3A_377, %dma_start3A_378] : memref<2x128x128xf32, #tpu.memory_space<vmem>> -> memref<1x128x128xf32, #tpu.memory_space<vmem>>
        %dma_start3A_380 = tpu.memref_squeeze %dma_start3A_379 : memref<1x128x128xf32, #tpu.memory_space<vmem>> -> memref<128x128xf32, #tpu.memory_space<vmem>>
        %dma_start3A_381 = arith.constant 0 : i32
        %dma_start3A_382 = tpu.memref_slice %arg7[%dma_start3A_375, %dma_start3A_381] : memref<4x128xi32, #tpu.memory_space<vmem>> -> memref<1x128xi32, #tpu.memory_space<vmem>>
        %dma_start3A_383 = tpu.memref_squeeze %dma_start3A_382 : memref<1x128xi32, #tpu.memory_space<vmem>> -> memref<128xi32, #tpu.memory_space<vmem>>
        %dma_start3A_384 = arith.constant 0 : i32
        %dma_start3A_385 = arith.constant 0 : i32
        %dma_start3A_386 = tpu.memref_slice %arg4[%dma_start3A_384, %dma_start3A_385] : memref<10112x128xf32, #tpu.memory_space<hbm>> -> memref<10112x128xf32, #tpu.memory_space<hbm>>
        tpu.enqueue_indirect_dma source(%dma_start3A_386 : memref<10112x128xf32, #tpu.memory_space<hbm>>) target(%dma_start3A_380 : memref<128x128xf32, #tpu.memory_space<vmem>>) offsets(%dma_start3A_383 : memref<128xi32, #tpu.memory_space<vmem>>) semaphore(%arg11 : memref<!tpu.dma_semaphore, #tpu.memory_space<semaphore_mem>>)
      } else {
      }
      %dma_wait3A_320 = arith.constant 3 : i32
      %dma_wait3A_321 = arith.constant 1 : i32
      %dma_wait3A_322 = arith.constant 0 : i32
      %dma_wait3A_323 = arith.constant 0 : i32
      %dma_wait3A_324 = tpu.memref_slice %arg9[%dma_wait3A_321, %dma_wait3A_322, %dma_wait3A_323] : memref<2x128x128xf32, #tpu.memory_space<vmem>> -> memref<1x128x128xf32, #tpu.memory_space<vmem>>
      %dma_wait3A_325 = tpu.memref_squeeze %dma_wait3A_324 : memref<1x128x128xf32, #tpu.memory_space<vmem>> -> memref<128x128xf32, #tpu.memory_space<vmem>>
      %dma_wait3A_326 = arith.constant 0 : i32
      %dma_wait3A_327 = tpu.memref_slice %arg7[%dma_wait3A_320, %dma_wait3A_326] : memref<4x128xi32, #tpu.memory_space<vmem>> -> memref<1x128xi32, #tpu.memory_space<vmem>>
      %dma_wait3A_328 = tpu.memref_squeeze %dma_wait3A_327 : memref<1x128xi32, #tpu.memory_space<vmem>> -> memref<128xi32, #tpu.memory_space<vmem>>
      %dma_wait3A_329 = arith.constant 0 : i32
      %dma_wait3A_330 = arith.constant 0 : i32
      %dma_wait3A_331 = tpu.memref_slice %arg4[%dma_wait3A_329, %dma_wait3A_330] : memref<10112x128xf32, #tpu.memory_space<hbm>> -> memref<10112x128xf32, #tpu.memory_space<hbm>>
      tpu.wait_indirect_dma semaphore(%arg12 : memref<!tpu.dma_semaphore, #tpu.memory_space<semaphore_mem>>) src(%dma_wait3A_331 : memref<10112x128xf32, #tpu.memory_space<hbm>>) dst(%dma_wait3A_325 : memref<128x128xf32, #tpu.memory_space<vmem>>)
      %add3A_332 = arith.constant 4 : i32
      %add3A_333 = arith.addi %add3A_310, %add3A_332 : i32
      %lt3A_334 = arith.cmpi slt, %add3A_333, %select_n3A : i32
      %convert_element_type3A_335 = arith.extui %lt3A_334 : i1 to i32
      %cond3A_336 = arith.constant 0 : i32
      %cond3A_337 = arith.cmpi ne, %convert_element_type3A_335, %cond3A_336 : i32
      scf.if %cond3A_337 {
        %add3A_349 = arith.constant 4 : i32
        %add3A_350 = arith.addi %add3A_310, %add3A_349 : i32
        %add3A_351 = arith.addi %select_n3A_6, %add3A_350 : i32
        %dma_start3A_352 = arith.constant 3 : i32
        %dma_start3A_353 = arith.constant 0 : i32
        %dma_start3A_354 = tpu.memref_slice %arg7[%dma_start3A_352, %dma_start3A_353] : memref<4x128xi32, #tpu.memory_space<vmem>> -> memref<1x128xi32, #tpu.memory_space<vmem>>
        %dma_start3A_355 = tpu.memref_squeeze %dma_start3A_354 : memref<1x128xi32, #tpu.memory_space<vmem>> -> memref<128xi32, #tpu.memory_space<vmem>>
        %dma_start3A_356 = arith.constant 0 : i32
        %dma_start3A_357 = tpu.memref_slice %arg2[%add3A_351, %dma_start3A_356] : memref<2560x128xi32, #tpu.memory_space<hbm>> -> memref<1x128xi32, #tpu.memory_space<hbm>>
        %dma_start3A_358 = tpu.memref_squeeze %dma_start3A_357 : memref<1x128xi32, #tpu.memory_space<hbm>> -> memref<128xi32, #tpu.memory_space<hbm>>
        %dma_start3A_359 = arith.constant 0 : i32
        %dma_start3A_360 = tpu.memref_slice %arg7[%dma_start3A_352, %dma_start3A_359] : memref<4x128xi32, #tpu.memory_space<vmem>> -> memref<1x128xi32, #tpu.memory_space<vmem>>
        %dma_start3A_361 = tpu.memref_squeeze %dma_start3A_360 : memref<1x128xi32, #tpu.memory_space<vmem>> -> memref<128xi32, #tpu.memory_space<vmem>>
        %dma_start3A_362 = arith.constant 0 : i32
        %dma_start3A_363 = tpu.memref_slice %arg2[%add3A_351, %dma_start3A_362] : memref<2560x128xi32, #tpu.memory_space<hbm>> -> memref<1x128xi32, #tpu.memory_space<hbm>>
        %dma_start3A_364 = tpu.memref_squeeze %dma_start3A_363 : memref<1x128xi32, #tpu.memory_space<hbm>> -> memref<128xi32, #tpu.memory_space<hbm>>
        tpu.enqueue_dma source(%dma_start3A_364 : memref<128xi32, #tpu.memory_space<hbm>>) target(%dma_start3A_361 : memref<128xi32, #tpu.memory_space<vmem>>) target_semaphore(%arg18 : memref<!tpu.dma_semaphore, #tpu.memory_space<semaphore_mem>>)
      } else {
      }
      %dma_start3A_338 = arith.constant 1 : i32
      %dma_start3A_339 = arith.constant 0 : i32
      %dma_start3A_340 = arith.constant 0 : i32
      %dma_start3A_341 = tpu.memref_slice %arg9[%dma_start3A_338, %dma_start3A_339, %dma_start3A_340] : memref<2x128x128xf32, #tpu.memory_space<vmem>> -> memref<1x128x128xf32, #tpu.memory_space<vmem>>
      %dma_start3A_342 = tpu.memref_squeeze %dma_start3A_341 : memref<1x128x128xf32, #tpu.memory_space<vmem>> -> memref<128x128xf32, #tpu.memory_space<vmem>>
      %dma_start3A_343 = arith.constant 0 : i32
      %dma_start3A_344 = tpu.memref_slice %arg8[%add3A_310, %dma_start3A_343] : memref<80x128xi32, #tpu.memory_space<vmem>> -> memref<1x128xi32, #tpu.memory_space<vmem>>
      %dma_start3A_345 = tpu.memref_squeeze %dma_start3A_344 : memref<1x128xi32, #tpu.memory_space<vmem>> -> memref<128xi32, #tpu.memory_space<vmem>>
      %dma_start3A_346 = arith.constant 0 : i32
      %dma_start3A_347 = arith.constant 0 : i32
      %dma_start3A_348 = tpu.memref_slice %arg10[%dma_start3A_346, %dma_start3A_347] : memref<10112x128xf32, #tpu.memory_space<vmem_shared>> -> memref<10112x128xf32, #tpu.memory_space<vmem_shared>>
      tpu.enqueue_indirect_dma source(%dma_start3A_342 : memref<128x128xf32, #tpu.memory_space<vmem>>) target(%dma_start3A_348 : memref<10112x128xf32, #tpu.memory_space<vmem_shared>>) offsets(%dma_start3A_345 : memref<128xi32, #tpu.memory_space<vmem>>) semaphore(%arg14 : memref<!tpu.dma_semaphore, #tpu.memory_space<semaphore_mem>>) {add = true}
    }
    %dma_wait3A_153 = arith.constant 0 : i32
    %dma_wait3A_154 = arith.constant 0 : i32
    %dma_wait3A_155 = arith.constant 0 : i32
    %dma_wait3A_156 = arith.constant 0 : i32
    %dma_wait3A_157 = tpu.memref_slice %arg9[%dma_wait3A_153, %dma_wait3A_155, %dma_wait3A_156] : memref<2x128x128xf32, #tpu.memory_space<vmem>> -> memref<1x128x128xf32, #tpu.memory_space<vmem>>
    %dma_wait3A_158 = tpu.memref_squeeze %dma_wait3A_157 : memref<1x128x128xf32, #tpu.memory_space<vmem>> -> memref<128x128xf32, #tpu.memory_space<vmem>>
    %dma_wait3A_159 = arith.constant 0 : i32
    %dma_wait3A_160 = tpu.memref_slice %arg8[%dma_wait3A_154, %dma_wait3A_159] : memref<80x128xi32, #tpu.memory_space<vmem>> -> memref<1x128xi32, #tpu.memory_space<vmem>>
    %dma_wait3A_161 = tpu.memref_squeeze %dma_wait3A_160 : memref<1x128xi32, #tpu.memory_space<vmem>> -> memref<128xi32, #tpu.memory_space<vmem>>
    %dma_wait3A_162 = arith.constant 0 : i32
    %dma_wait3A_163 = arith.constant 0 : i32
    %dma_wait3A_164 = tpu.memref_slice %arg10[%dma_wait3A_162, %dma_wait3A_163] : memref<10112x128xf32, #tpu.memory_space<vmem_shared>> -> memref<10112x128xf32, #tpu.memory_space<vmem_shared>>
    tpu.wait_indirect_dma semaphore(%arg13 : memref<!tpu.dma_semaphore, #tpu.memory_space<semaphore_mem>>) src(%dma_wait3A_158 : memref<128x128xf32, #tpu.memory_space<vmem>>) dst(%dma_wait3A_164 : memref<10112x128xf32, #tpu.memory_space<vmem_shared>>)
    %dma_wait3A_165 = arith.constant 1 : i32
    %dma_wait3A_166 = arith.constant 0 : i32
    %dma_wait3A_167 = arith.constant 0 : i32
    %dma_wait3A_168 = arith.constant 0 : i32
    %dma_wait3A_169 = tpu.memref_slice %arg9[%dma_wait3A_165, %dma_wait3A_167, %dma_wait3A_168] : memref<2x128x128xf32, #tpu.memory_space<vmem>> -> memref<1x128x128xf32, #tpu.memory_space<vmem>>
    %dma_wait3A_170 = tpu.memref_squeeze %dma_wait3A_169 : memref<1x128x128xf32, #tpu.memory_space<vmem>> -> memref<128x128xf32, #tpu.memory_space<vmem>>
    %dma_wait3A_171 = arith.constant 0 : i32
    %dma_wait3A_172 = tpu.memref_slice %arg8[%dma_wait3A_166, %dma_wait3A_171] : memref<80x128xi32, #tpu.memory_space<vmem>> -> memref<1x128xi32, #tpu.memory_space<vmem>>
    %dma_wait3A_173 = tpu.memref_squeeze %dma_wait3A_172 : memref<1x128xi32, #tpu.memory_space<vmem>> -> memref<128xi32, #tpu.memory_space<vmem>>
    %dma_wait3A_174 = arith.constant 0 : i32
    %dma_wait3A_175 = arith.constant 0 : i32
    %dma_wait3A_176 = tpu.memref_slice %arg10[%dma_wait3A_174, %dma_wait3A_175] : memref<10112x128xf32, #tpu.memory_space<vmem_shared>> -> memref<10112x128xf32, #tpu.memory_space<vmem_shared>>
    tpu.wait_indirect_dma semaphore(%arg14 : memref<!tpu.dma_semaphore, #tpu.memory_space<semaphore_mem>>) src(%dma_wait3A_170 : memref<128x128xf32, #tpu.memory_space<vmem>>) dst(%dma_wait3A_176 : memref<10112x128xf32, #tpu.memory_space<vmem_shared>>)
    %barrier3A_177 = arith.constant 0 : index
    tpu.barrier barrier_id(%barrier3A_177)
    %mul3A_178 = arith.constant 632 : i32
    %mul3A_179 = arith.muli %arg1, %mul3A_178 : i32
    %mul3A_180 = arith.constant 632 : i32
    %mul3A_181 = arith.muli %arg1, %mul3A_180 : i32
    "tpu.region"() ({
      %run_scoped3A = tpu.sem_alloc : memref<!tpu.dma_semaphore, #tpu.memory_space<semaphore_mem>>
      %dma_start3A_182 = arith.constant 0 : i32
      %dma_start3A_183 = tpu.memref_slice %arg6[%arg0, %mul3A_181, %dma_start3A_182] : memref<2x10112x128xf32, #tpu.memory_space<hbm>> -> memref<1x632x128xf32, #tpu.memory_space<hbm>>
      %dma_start3A_184 = tpu.memref_squeeze %dma_start3A_183 : memref<1x632x128xf32, #tpu.memory_space<hbm>> -> memref<632x128xf32, #tpu.memory_space<hbm>>
      %dma_start3A_185 = arith.constant 0 : i32
      %dma_start3A_186 = tpu.memref_slice %arg10[%mul3A_179, %dma_start3A_185] : memref<10112x128xf32, #tpu.memory_space<vmem_shared>> -> memref<632x128xf32, #tpu.memory_space<vmem_shared>>
      tpu.enqueue_dma source(%dma_start3A_186 : memref<632x128xf32, #tpu.memory_space<vmem_shared>>) target(%dma_start3A_184 : memref<632x128xf32, #tpu.memory_space<hbm>>) target_semaphore(%run_scoped3A : memref<!tpu.dma_semaphore, #tpu.memory_space<semaphore_mem>>)
      %dma_wait3A_187 = arith.constant 0 : i32
      %dma_wait3A_188 = tpu.memref_slice %arg6[%arg0, %mul3A_181, %dma_wait3A_187] : memref<2x10112x128xf32, #tpu.memory_space<hbm>> -> memref<1x632x128xf32, #tpu.memory_space<hbm>>
      %dma_wait3A_189 = tpu.memref_squeeze %dma_wait3A_188 : memref<1x632x128xf32, #tpu.memory_space<hbm>> -> memref<632x128xf32, #tpu.memory_space<hbm>>
      %dma_wait3A_190 = arith.constant 0 : i32
      %dma_wait3A_191 = tpu.memref_slice %arg10[%mul3A_179, %dma_wait3A_190] : memref<10112x128xf32, #tpu.memory_space<vmem_shared>> -> memref<632x128xf32, #tpu.memory_space<vmem_shared>>
      tpu.wait_dma2 semaphore(%run_scoped3A : memref<!tpu.dma_semaphore, #tpu.memory_space<semaphore_mem>>) src(%dma_wait3A_191 : memref<632x128xf32, #tpu.memory_space<vmem_shared>>) dst(%dma_wait3A_189 : memref<632x128xf32, #tpu.memory_space<hbm>>)
      tpu.yield
    }) : () -> ()
    return
  }
}

#map = affine_map<(d0, d1) -> (0, 0)>
#map1 = affine_map<(d0, d1) -> (0, 0, 0)>
module attributes {stable_mosaic.version = 14 : i64} {
  func.func @_prop_body(%arg0: i32, %arg1: i32, %arg2: memref<2560x128xi32, #tpu.memory_space<hbm>>, %arg3: memref<2560x128xi32, #tpu.memory_space<hbm>>, %arg4: memref<10112x128xf32, #tpu.memory_space<hbm>>, %arg5: memref<10112x128xf32, #tpu.memory_space<hbm>>, %arg6: memref<2x10112x128xf32, #tpu.memory_space<hbm>>, %arg7: memref<4x128xi32, #tpu.memory_space<vmem>>, %arg8: memref<80x128xi32, #tpu.memory_space<vmem>>, %arg9: memref<2x128x128xf32, #tpu.memory_space<vmem>>, %arg10: memref<10112x128xf32, #tpu.memory_space<vmem_shared>>, %arg11: memref<!tpu.dma_semaphore, #tpu.memory_space<semaphore_mem>>, %arg12: memref<!tpu.dma_semaphore, #tpu.memory_space<semaphore_mem>>, %arg13: memref<!tpu.dma_semaphore, #tpu.memory_space<semaphore_mem>>, %arg14: memref<!tpu.dma_semaphore, #tpu.memory_space<semaphore_mem>>, %arg15: memref<!tpu.dma_semaphore, #tpu.memory_space<semaphore_mem>>, %arg16: memref<!tpu.dma_semaphore, #tpu.memory_space<semaphore_mem>>, %arg17: memref<!tpu.dma_semaphore, #tpu.memory_space<semaphore_mem>>, %arg18: memref<!tpu.dma_semaphore, #tpu.memory_space<semaphore_mem>>) attributes {dimension_semantics = [#tpu.dimension_semantics<core_parallel>, #tpu.dimension_semantics<subcore_parallel>], iteration_bounds = array<i64: 2, 16>, scalar_prefetch = 0 : i64, scratch_operands = 12 : i64, tpu.core_type = #tpu.core_type<sc_vector_subcore>, window_params = [{transform_indices = #map}, {transform_indices = #map}, {transform_indices = #map}, {transform_indices = #map}, {transform_indices = #map1}]} {
    %eq3A = arith.constant 1 : i32
    %eq3A_0 = arith.cmpi eq, %arg0, %eq3A : i32
    %jit3A = arith.constant 80 : i32
    %jit3A_1 = arith.constant 80 : i32
    %select_n3A = arith.select %eq3A_0, %jit3A, %jit3A_1 : i32
    %mul3A = arith.constant 80 : i32
    %mul3A_2 = arith.muli %arg1, %mul3A : i32
    %mul3A_3 = arith.constant 80 : i32
    %mul3A_4 = arith.muli %arg1, %mul3A_3 : i32
    %add3A = arith.constant 1280 : i32
    %add3A_5 = arith.addi %add3A, %mul3A_4 : i32
    %select_n3A_6 = arith.select %eq3A_0, %mul3A_2, %add3A_5 : i32
    %convert_element_type3A = arith.extui %eq3A_0 : i1 to i32
    %cond3A = arith.constant 0 : i32
    %cond3A_7 = arith.cmpi ne, %convert_element_type3A, %cond3A : i32
    scf.if %cond3A_7 {
      %mul3A_182 = arith.constant 80 : i32
      %mul3A_183 = arith.muli %arg1, %mul3A_182 : i32
      "tpu.region"() ({
        %run_scoped3A = tpu.sem_alloc : memref<!tpu.dma_semaphore, #tpu.memory_space<semaphore_mem>>
        %dma_start3A_184 = arith.constant 0 : i32
        %dma_start3A_185 = arith.constant 0 : i32
        %dma_start3A_186 = tpu.memref_slice %arg8[%dma_start3A_184, %dma_start3A_185] : memref<80x128xi32, #tpu.memory_space<vmem>> -> memref<80x128xi32, #tpu.memory_space<vmem>>
        %dma_start3A_187 = arith.constant 0 : i32
        %dma_start3A_188 = tpu.memref_slice %arg3[%mul3A_183, %dma_start3A_187] : memref<2560x128xi32, #tpu.memory_space<hbm>> -> memref<80x128xi32, #tpu.memory_space<hbm>>
        %dma_start3A_189 = arith.constant 0 : i32
        %dma_start3A_190 = arith.constant 0 : i32
        %dma_start3A_191 = tpu.memref_slice %arg8[%dma_start3A_189, %dma_start3A_190] : memref<80x128xi32, #tpu.memory_space<vmem>> -> memref<80x128xi32, #tpu.memory_space<vmem>>
        %dma_start3A_192 = arith.constant 0 : i32
        %dma_start3A_193 = tpu.memref_slice %arg3[%mul3A_183, %dma_start3A_192] : memref<2560x128xi32, #tpu.memory_space<hbm>> -> memref<80x128xi32, #tpu.memory_space<hbm>>
        tpu.enqueue_dma source(%dma_start3A_193 : memref<80x128xi32, #tpu.memory_space<hbm>>) target(%dma_start3A_191 : memref<80x128xi32, #tpu.memory_space<vmem>>) target_semaphore(%run_scoped3A : memref<!tpu.dma_semaphore, #tpu.memory_space<semaphore_mem>>)
        %dma_wait3A_194 = arith.constant 0 : i32
        %dma_wait3A_195 = arith.constant 0 : i32
        %dma_wait3A_196 = tpu.memref_slice %arg8[%dma_wait3A_194, %dma_wait3A_195] : memref<80x128xi32, #tpu.memory_space<vmem>> -> memref<80x128xi32, #tpu.memory_space<vmem>>
        %dma_wait3A_197 = arith.constant 0 : i32
        %dma_wait3A_198 = tpu.memref_slice %arg3[%mul3A_183, %dma_wait3A_197] : memref<2560x128xi32, #tpu.memory_space<hbm>> -> memref<80x128xi32, #tpu.memory_space<hbm>>
        %dma_wait3A_199 = arith.constant 0 : i32
        %dma_wait3A_200 = arith.constant 0 : i32
        %dma_wait3A_201 = tpu.memref_slice %arg8[%dma_wait3A_199, %dma_wait3A_200] : memref<80x128xi32, #tpu.memory_space<vmem>> -> memref<80x128xi32, #tpu.memory_space<vmem>>
        %dma_wait3A_202 = arith.constant 0 : i32
        %dma_wait3A_203 = tpu.memref_slice %arg3[%mul3A_183, %dma_wait3A_202] : memref<2560x128xi32, #tpu.memory_space<hbm>> -> memref<80x128xi32, #tpu.memory_space<hbm>>
        tpu.wait_dma2 semaphore(%run_scoped3A : memref<!tpu.dma_semaphore, #tpu.memory_space<semaphore_mem>>) src(%dma_wait3A_203 : memref<80x128xi32, #tpu.memory_space<hbm>>) dst(%dma_wait3A_201 : memref<80x128xi32, #tpu.memory_space<vmem>>)
        tpu.yield
      }) : () -> ()
    } else {
    }
    %not3A = arith.constant true
    %not3A_8 = arith.xori %eq3A_0, %not3A : i1
    %convert_element_type3A_9 = arith.extui %not3A_8 : i1 to i32
    %cond3A_10 = arith.constant 0 : i32
    %cond3A_11 = arith.cmpi ne, %convert_element_type3A_9, %cond3A_10 : i32
    scf.if %cond3A_11 {
      %mul3A_182 = arith.constant 80 : i32
      %mul3A_183 = arith.muli %arg1, %mul3A_182 : i32
      %add3A_184 = arith.constant 1280 : i32
      %add3A_185 = arith.addi %add3A_184, %mul3A_183 : i32
      "tpu.region"() ({
        %run_scoped3A = tpu.sem_alloc : memref<!tpu.dma_semaphore, #tpu.memory_space<semaphore_mem>>
        %dma_start3A_186 = arith.constant 0 : i32
        %dma_start3A_187 = arith.constant 0 : i32
        %dma_start3A_188 = tpu.memref_slice %arg8[%dma_start3A_186, %dma_start3A_187] : memref<80x128xi32, #tpu.memory_space<vmem>> -> memref<80x128xi32, #tpu.memory_space<vmem>>
        %dma_start3A_189 = arith.constant 0 : i32
        %dma_start3A_190 = tpu.memref_slice %arg3[%add3A_185, %dma_start3A_189] : memref<2560x128xi32, #tpu.memory_space<hbm>> -> memref<80x128xi32, #tpu.memory_space<hbm>>
        %dma_start3A_191 = arith.constant 0 : i32
        %dma_start3A_192 = arith.constant 0 : i32
        %dma_start3A_193 = tpu.memref_slice %arg8[%dma_start3A_191, %dma_start3A_192] : memref<80x128xi32, #tpu.memory_space<vmem>> -> memref<80x128xi32, #tpu.memory_space<vmem>>
        %dma_start3A_194 = arith.constant 0 : i32
        %dma_start3A_195 = tpu.memref_slice %arg3[%add3A_185, %dma_start3A_194] : memref<2560x128xi32, #tpu.memory_space<hbm>> -> memref<80x128xi32, #tpu.memory_space<hbm>>
        tpu.enqueue_dma source(%dma_start3A_195 : memref<80x128xi32, #tpu.memory_space<hbm>>) target(%dma_start3A_193 : memref<80x128xi32, #tpu.memory_space<vmem>>) target_semaphore(%run_scoped3A : memref<!tpu.dma_semaphore, #tpu.memory_space<semaphore_mem>>)
        %dma_wait3A_196 = arith.constant 0 : i32
        %dma_wait3A_197 = arith.constant 0 : i32
        %dma_wait3A_198 = tpu.memref_slice %arg8[%dma_wait3A_196, %dma_wait3A_197] : memref<80x128xi32, #tpu.memory_space<vmem>> -> memref<80x128xi32, #tpu.memory_space<vmem>>
        %dma_wait3A_199 = arith.constant 0 : i32
        %dma_wait3A_200 = tpu.memref_slice %arg3[%add3A_185, %dma_wait3A_199] : memref<2560x128xi32, #tpu.memory_space<hbm>> -> memref<80x128xi32, #tpu.memory_space<hbm>>
        %dma_wait3A_201 = arith.constant 0 : i32
        %dma_wait3A_202 = arith.constant 0 : i32
        %dma_wait3A_203 = tpu.memref_slice %arg8[%dma_wait3A_201, %dma_wait3A_202] : memref<80x128xi32, #tpu.memory_space<vmem>> -> memref<80x128xi32, #tpu.memory_space<vmem>>
        %dma_wait3A_204 = arith.constant 0 : i32
        %dma_wait3A_205 = tpu.memref_slice %arg3[%add3A_185, %dma_wait3A_204] : memref<2560x128xi32, #tpu.memory_space<hbm>> -> memref<80x128xi32, #tpu.memory_space<hbm>>
        tpu.wait_dma2 semaphore(%run_scoped3A : memref<!tpu.dma_semaphore, #tpu.memory_space<semaphore_mem>>) src(%dma_wait3A_205 : memref<80x128xi32, #tpu.memory_space<hbm>>) dst(%dma_wait3A_203 : memref<80x128xi32, #tpu.memory_space<vmem>>)
        tpu.yield
      }) : () -> ()
    } else {
    }
    %add3A_12 = arith.constant 0 : i32
    %add3A_13 = arith.addi %select_n3A_6, %add3A_12 : i32
    %dma_start3A = arith.constant 0 : i32
    %dma_start3A_14 = arith.constant 0 : i32
    %dma_start3A_15 = tpu.memref_slice %arg7[%dma_start3A, %dma_start3A_14] : memref<4x128xi32, #tpu.memory_space<vmem>> -> memref<1x128xi32, #tpu.memory_space<vmem>>
    %dma_start3A_16 = tpu.memref_squeeze %dma_start3A_15 : memref<1x128xi32, #tpu.memory_space<vmem>> -> memref<128xi32, #tpu.memory_space<vmem>>
    %dma_start3A_17 = arith.constant 0 : i32
    %dma_start3A_18 = tpu.memref_slice %arg2[%add3A_13, %dma_start3A_17] : memref<2560x128xi32, #tpu.memory_space<hbm>> -> memref<1x128xi32, #tpu.memory_space<hbm>>
    %dma_start3A_19 = tpu.memref_squeeze %dma_start3A_18 : memref<1x128xi32, #tpu.memory_space<hbm>> -> memref<128xi32, #tpu.memory_space<hbm>>
    %dma_start3A_20 = arith.constant 0 : i32
    %dma_start3A_21 = tpu.memref_slice %arg7[%dma_start3A, %dma_start3A_20] : memref<4x128xi32, #tpu.memory_space<vmem>> -> memref<1x128xi32, #tpu.memory_space<vmem>>
    %dma_start3A_22 = tpu.memref_squeeze %dma_start3A_21 : memref<1x128xi32, #tpu.memory_space<vmem>> -> memref<128xi32, #tpu.memory_space<vmem>>
    %dma_start3A_23 = arith.constant 0 : i32
    %dma_start3A_24 = tpu.memref_slice %arg2[%add3A_13, %dma_start3A_23] : memref<2560x128xi32, #tpu.memory_space<hbm>> -> memref<1x128xi32, #tpu.memory_space<hbm>>
    %dma_start3A_25 = tpu.memref_squeeze %dma_start3A_24 : memref<1x128xi32, #tpu.memory_space<hbm>> -> memref<128xi32, #tpu.memory_space<hbm>>
    tpu.enqueue_dma source(%dma_start3A_25 : memref<128xi32, #tpu.memory_space<hbm>>) target(%dma_start3A_22 : memref<128xi32, #tpu.memory_space<vmem>>) target_semaphore(%arg15 : memref<!tpu.dma_semaphore, #tpu.memory_space<semaphore_mem>>)
    %add3A_26 = arith.constant 1 : i32
    %add3A_27 = arith.addi %select_n3A_6, %add3A_26 : i32
    %dma_start3A_28 = arith.constant 1 : i32
    %dma_start3A_29 = arith.constant 0 : i32
    %dma_start3A_30 = tpu.memref_slice %arg7[%dma_start3A_28, %dma_start3A_29] : memref<4x128xi32, #tpu.memory_space<vmem>> -> memref<1x128xi32, #tpu.memory_space<vmem>>
    %dma_start3A_31 = tpu.memref_squeeze %dma_start3A_30 : memref<1x128xi32, #tpu.memory_space<vmem>> -> memref<128xi32, #tpu.memory_space<vmem>>
    %dma_start3A_32 = arith.constant 0 : i32
    %dma_start3A_33 = tpu.memref_slice %arg2[%add3A_27, %dma_start3A_32] : memref<2560x128xi32, #tpu.memory_space<hbm>> -> memref<1x128xi32, #tpu.memory_space<hbm>>
    %dma_start3A_34 = tpu.memref_squeeze %dma_start3A_33 : memref<1x128xi32, #tpu.memory_space<hbm>> -> memref<128xi32, #tpu.memory_space<hbm>>
    %dma_start3A_35 = arith.constant 0 : i32
    %dma_start3A_36 = tpu.memref_slice %arg7[%dma_start3A_28, %dma_start3A_35] : memref<4x128xi32, #tpu.memory_space<vmem>> -> memref<1x128xi32, #tpu.memory_space<vmem>>
    %dma_start3A_37 = tpu.memref_squeeze %dma_start3A_36 : memref<1x128xi32, #tpu.memory_space<vmem>> -> memref<128xi32, #tpu.memory_space<vmem>>
    %dma_start3A_38 = arith.constant 0 : i32
    %dma_start3A_39 = tpu.memref_slice %arg2[%add3A_27, %dma_start3A_38] : memref<2560x128xi32, #tpu.memory_space<hbm>> -> memref<1x128xi32, #tpu.memory_space<hbm>>
    %dma_start3A_40 = tpu.memref_squeeze %dma_start3A_39 : memref<1x128xi32, #tpu.memory_space<hbm>> -> memref<128xi32, #tpu.memory_space<hbm>>
    tpu.enqueue_dma source(%dma_start3A_40 : memref<128xi32, #tpu.memory_space<hbm>>) target(%dma_start3A_37 : memref<128xi32, #tpu.memory_space<vmem>>) target_semaphore(%arg16 : memref<!tpu.dma_semaphore, #tpu.memory_space<semaphore_mem>>)
    %add3A_41 = arith.constant 2 : i32
    %add3A_42 = arith.addi %select_n3A_6, %add3A_41 : i32
    %dma_start3A_43 = arith.constant 2 : i32
    %dma_start3A_44 = arith.constant 0 : i32
    %dma_start3A_45 = tpu.memref_slice %arg7[%dma_start3A_43, %dma_start3A_44] : memref<4x128xi32, #tpu.memory_space<vmem>> -> memref<1x128xi32, #tpu.memory_space<vmem>>
    %dma_start3A_46 = tpu.memref_squeeze %dma_start3A_45 : memref<1x128xi32, #tpu.memory_space<vmem>> -> memref<128xi32, #tpu.memory_space<vmem>>
    %dma_start3A_47 = arith.constant 0 : i32
    %dma_start3A_48 = tpu.memref_slice %arg2[%add3A_42, %dma_start3A_47] : memref<2560x128xi32, #tpu.memory_space<hbm>> -> memref<1x128xi32, #tpu.memory_space<hbm>>
    %dma_start3A_49 = tpu.memref_squeeze %dma_start3A_48 : memref<1x128xi32, #tpu.memory_space<hbm>> -> memref<128xi32, #tpu.memory_space<hbm>>
    %dma_start3A_50 = arith.constant 0 : i32
    %dma_start3A_51 = tpu.memref_slice %arg7[%dma_start3A_43, %dma_start3A_50] : memref<4x128xi32, #tpu.memory_space<vmem>> -> memref<1x128xi32, #tpu.memory_space<vmem>>
    %dma_start3A_52 = tpu.memref_squeeze %dma_start3A_51 : memref<1x128xi32, #tpu.memory_space<vmem>> -> memref<128xi32, #tpu.memory_space<vmem>>
    %dma_start3A_53 = arith.constant 0 : i32
    %dma_start3A_54 = tpu.memref_slice %arg2[%add3A_42, %dma_start3A_53] : memref<2560x128xi32, #tpu.memory_space<hbm>> -> memref<1x128xi32, #tpu.memory_space<hbm>>
    %dma_start3A_55 = tpu.memref_squeeze %dma_start3A_54 : memref<1x128xi32, #tpu.memory_space<hbm>> -> memref<128xi32, #tpu.memory_space<hbm>>
    tpu.enqueue_dma source(%dma_start3A_55 : memref<128xi32, #tpu.memory_space<hbm>>) target(%dma_start3A_52 : memref<128xi32, #tpu.memory_space<vmem>>) target_semaphore(%arg17 : memref<!tpu.dma_semaphore, #tpu.memory_space<semaphore_mem>>)
    %add3A_56 = arith.constant 3 : i32
    %add3A_57 = arith.addi %select_n3A_6, %add3A_56 : i32
    %dma_start3A_58 = arith.constant 3 : i32
    %dma_start3A_59 = arith.constant 0 : i32
    %dma_start3A_60 = tpu.memref_slice %arg7[%dma_start3A_58, %dma_start3A_59] : memref<4x128xi32, #tpu.memory_space<vmem>> -> memref<1x128xi32, #tpu.memory_space<vmem>>
    %dma_start3A_61 = tpu.memref_squeeze %dma_start3A_60 : memref<1x128xi32, #tpu.memory_space<vmem>> -> memref<128xi32, #tpu.memory_space<vmem>>
    %dma_start3A_62 = arith.constant 0 : i32
    %dma_start3A_63 = tpu.memref_slice %arg2[%add3A_57, %dma_start3A_62] : memref<2560x128xi32, #tpu.memory_space<hbm>> -> memref<1x128xi32, #tpu.memory_space<hbm>>
    %dma_start3A_64 = tpu.memref_squeeze %dma_start3A_63 : memref<1x128xi32, #tpu.memory_space<hbm>> -> memref<128xi32, #tpu.memory_space<hbm>>
    %dma_start3A_65 = arith.constant 0 : i32
    %dma_start3A_66 = tpu.memref_slice %arg7[%dma_start3A_58, %dma_start3A_65] : memref<4x128xi32, #tpu.memory_space<vmem>> -> memref<1x128xi32, #tpu.memory_space<vmem>>
    %dma_start3A_67 = tpu.memref_squeeze %dma_start3A_66 : memref<1x128xi32, #tpu.memory_space<vmem>> -> memref<128xi32, #tpu.memory_space<vmem>>
    %dma_start3A_68 = arith.constant 0 : i32
    %dma_start3A_69 = tpu.memref_slice %arg2[%add3A_57, %dma_start3A_68] : memref<2560x128xi32, #tpu.memory_space<hbm>> -> memref<1x128xi32, #tpu.memory_space<hbm>>
    %dma_start3A_70 = tpu.memref_squeeze %dma_start3A_69 : memref<1x128xi32, #tpu.memory_space<hbm>> -> memref<128xi32, #tpu.memory_space<hbm>>
    tpu.enqueue_dma source(%dma_start3A_70 : memref<128xi32, #tpu.memory_space<hbm>>) target(%dma_start3A_67 : memref<128xi32, #tpu.memory_space<vmem>>) target_semaphore(%arg18 : memref<!tpu.dma_semaphore, #tpu.memory_space<semaphore_mem>>)
    %dma_wait3A = arith.constant 0 : i32
    %dma_wait3A_71 = arith.constant 0 : i32
    %dma_wait3A_72 = arith.constant 0 : i32
    %dma_wait3A_73 = tpu.memref_slice %arg7[%dma_wait3A_71, %dma_wait3A_72] : memref<4x128xi32, #tpu.memory_space<vmem>> -> memref<1x128xi32, #tpu.memory_space<vmem>>
    %dma_wait3A_74 = tpu.memref_squeeze %dma_wait3A_73 : memref<1x128xi32, #tpu.memory_space<vmem>> -> memref<128xi32, #tpu.memory_space<vmem>>
    %dma_wait3A_75 = arith.constant 0 : i32
    %dma_wait3A_76 = tpu.memref_slice %arg2[%dma_wait3A, %dma_wait3A_75] : memref<2560x128xi32, #tpu.memory_space<hbm>> -> memref<1x128xi32, #tpu.memory_space<hbm>>
    %dma_wait3A_77 = tpu.memref_squeeze %dma_wait3A_76 : memref<1x128xi32, #tpu.memory_space<hbm>> -> memref<128xi32, #tpu.memory_space<hbm>>
    %dma_wait3A_78 = arith.constant 0 : i32
    %dma_wait3A_79 = tpu.memref_slice %arg7[%dma_wait3A_71, %dma_wait3A_78] : memref<4x128xi32, #tpu.memory_space<vmem>> -> memref<1x128xi32, #tpu.memory_space<vmem>>
    %dma_wait3A_80 = tpu.memref_squeeze %dma_wait3A_79 : memref<1x128xi32, #tpu.memory_space<vmem>> -> memref<128xi32, #tpu.memory_space<vmem>>
    %dma_wait3A_81 = arith.constant 0 : i32
    %dma_wait3A_82 = tpu.memref_slice %arg2[%dma_wait3A, %dma_wait3A_81] : memref<2560x128xi32, #tpu.memory_space<hbm>> -> memref<1x128xi32, #tpu.memory_space<hbm>>
    %dma_wait3A_83 = tpu.memref_squeeze %dma_wait3A_82 : memref<1x128xi32, #tpu.memory_space<hbm>> -> memref<128xi32, #tpu.memory_space<hbm>>
    tpu.wait_dma2 semaphore(%arg15 : memref<!tpu.dma_semaphore, #tpu.memory_space<semaphore_mem>>) src(%dma_wait3A_83 : memref<128xi32, #tpu.memory_space<hbm>>) dst(%dma_wait3A_80 : memref<128xi32, #tpu.memory_space<vmem>>)
    %dma_start3A_84 = arith.constant 0 : i32
    %dma_start3A_85 = arith.constant 0 : i32
    %dma_start3A_86 = arith.constant 0 : i32
    %dma_start3A_87 = arith.constant 0 : i32
    %dma_start3A_88 = tpu.memref_slice %arg9[%dma_start3A_85, %dma_start3A_86, %dma_start3A_87] : memref<2x128x128xf32, #tpu.memory_space<vmem>> -> memref<1x128x128xf32, #tpu.memory_space<vmem>>
    %dma_start3A_89 = tpu.memref_squeeze %dma_start3A_88 : memref<1x128x128xf32, #tpu.memory_space<vmem>> -> memref<128x128xf32, #tpu.memory_space<vmem>>
    %dma_start3A_90 = arith.constant 0 : i32
    %dma_start3A_91 = tpu.memref_slice %arg7[%dma_start3A_84, %dma_start3A_90] : memref<4x128xi32, #tpu.memory_space<vmem>> -> memref<1x128xi32, #tpu.memory_space<vmem>>
    %dma_start3A_92 = tpu.memref_squeeze %dma_start3A_91 : memref<1x128xi32, #tpu.memory_space<vmem>> -> memref<128xi32, #tpu.memory_space<vmem>>
    %dma_start3A_93 = arith.constant 0 : i32
    %dma_start3A_94 = arith.constant 0 : i32
    %dma_start3A_95 = tpu.memref_slice %arg4[%dma_start3A_93, %dma_start3A_94] : memref<10112x128xf32, #tpu.memory_space<hbm>> -> memref<10112x128xf32, #tpu.memory_space<hbm>>
    tpu.enqueue_indirect_dma source(%dma_start3A_95 : memref<10112x128xf32, #tpu.memory_space<hbm>>) target(%dma_start3A_89 : memref<128x128xf32, #tpu.memory_space<vmem>>) offsets(%dma_start3A_92 : memref<128xi32, #tpu.memory_space<vmem>>) semaphore(%arg11 : memref<!tpu.dma_semaphore, #tpu.memory_space<semaphore_mem>>)
    %dma_wait3A_96 = arith.constant 0 : i32
    %dma_wait3A_97 = arith.constant 1 : i32
    %dma_wait3A_98 = arith.constant 0 : i32
    %dma_wait3A_99 = tpu.memref_slice %arg7[%dma_wait3A_97, %dma_wait3A_98] : memref<4x128xi32, #tpu.memory_space<vmem>> -> memref<1x128xi32, #tpu.memory_space<vmem>>
    %dma_wait3A_100 = tpu.memref_squeeze %dma_wait3A_99 : memref<1x128xi32, #tpu.memory_space<vmem>> -> memref<128xi32, #tpu.memory_space<vmem>>
    %dma_wait3A_101 = arith.constant 0 : i32
    %dma_wait3A_102 = tpu.memref_slice %arg2[%dma_wait3A_96, %dma_wait3A_101] : memref<2560x128xi32, #tpu.memory_space<hbm>> -> memref<1x128xi32, #tpu.memory_space<hbm>>
    %dma_wait3A_103 = tpu.memref_squeeze %dma_wait3A_102 : memref<1x128xi32, #tpu.memory_space<hbm>> -> memref<128xi32, #tpu.memory_space<hbm>>
    %dma_wait3A_104 = arith.constant 0 : i32
    %dma_wait3A_105 = tpu.memref_slice %arg7[%dma_wait3A_97, %dma_wait3A_104] : memref<4x128xi32, #tpu.memory_space<vmem>> -> memref<1x128xi32, #tpu.memory_space<vmem>>
    %dma_wait3A_106 = tpu.memref_squeeze %dma_wait3A_105 : memref<1x128xi32, #tpu.memory_space<vmem>> -> memref<128xi32, #tpu.memory_space<vmem>>
    %dma_wait3A_107 = arith.constant 0 : i32
    %dma_wait3A_108 = tpu.memref_slice %arg2[%dma_wait3A_96, %dma_wait3A_107] : memref<2560x128xi32, #tpu.memory_space<hbm>> -> memref<1x128xi32, #tpu.memory_space<hbm>>
    %dma_wait3A_109 = tpu.memref_squeeze %dma_wait3A_108 : memref<1x128xi32, #tpu.memory_space<hbm>> -> memref<128xi32, #tpu.memory_space<hbm>>
    tpu.wait_dma2 semaphore(%arg16 : memref<!tpu.dma_semaphore, #tpu.memory_space<semaphore_mem>>) src(%dma_wait3A_109 : memref<128xi32, #tpu.memory_space<hbm>>) dst(%dma_wait3A_106 : memref<128xi32, #tpu.memory_space<vmem>>)
    %dma_start3A_110 = arith.constant 1 : i32
    %dma_start3A_111 = arith.constant 1 : i32
    %dma_start3A_112 = arith.constant 0 : i32
    %dma_start3A_113 = arith.constant 0 : i32
    %dma_start3A_114 = tpu.memref_slice %arg9[%dma_start3A_111, %dma_start3A_112, %dma_start3A_113] : memref<2x128x128xf32, #tpu.memory_space<vmem>> -> memref<1x128x128xf32, #tpu.memory_space<vmem>>
    %dma_start3A_115 = tpu.memref_squeeze %dma_start3A_114 : memref<1x128x128xf32, #tpu.memory_space<vmem>> -> memref<128x128xf32, #tpu.memory_space<vmem>>
    %dma_start3A_116 = arith.constant 0 : i32
    %dma_start3A_117 = tpu.memref_slice %arg7[%dma_start3A_110, %dma_start3A_116] : memref<4x128xi32, #tpu.memory_space<vmem>> -> memref<1x128xi32, #tpu.memory_space<vmem>>
    %dma_start3A_118 = tpu.memref_squeeze %dma_start3A_117 : memref<1x128xi32, #tpu.memory_space<vmem>> -> memref<128xi32, #tpu.memory_space<vmem>>
    %dma_start3A_119 = arith.constant 0 : i32
    %dma_start3A_120 = arith.constant 0 : i32
    %dma_start3A_121 = tpu.memref_slice %arg4[%dma_start3A_119, %dma_start3A_120] : memref<10112x128xf32, #tpu.memory_space<hbm>> -> memref<10112x128xf32, #tpu.memory_space<hbm>>
    tpu.enqueue_indirect_dma source(%dma_start3A_121 : memref<10112x128xf32, #tpu.memory_space<hbm>>) target(%dma_start3A_115 : memref<128x128xf32, #tpu.memory_space<vmem>>) offsets(%dma_start3A_118 : memref<128xi32, #tpu.memory_space<vmem>>) semaphore(%arg12 : memref<!tpu.dma_semaphore, #tpu.memory_space<semaphore_mem>>)
    %mul3A_122 = arith.constant 632 : i32
    %mul3A_123 = arith.muli %arg1, %mul3A_122 : i32
    %mul3A_124 = arith.constant 632 : i32
    %mul3A_125 = arith.muli %arg1, %mul3A_124 : i32
    "tpu.region"() ({
      %run_scoped3A = tpu.sem_alloc : memref<!tpu.dma_semaphore, #tpu.memory_space<semaphore_mem>>
      %dma_start3A_182 = arith.constant 0 : i32
      %dma_start3A_183 = tpu.memref_slice %arg10[%mul3A_125, %dma_start3A_182] : memref<10112x128xf32, #tpu.memory_space<vmem_shared>> -> memref<632x128xf32, #tpu.memory_space<vmem_shared>>
      %dma_start3A_184 = arith.constant 0 : i32
      %dma_start3A_185 = tpu.memref_slice %arg5[%mul3A_123, %dma_start3A_184] : memref<10112x128xf32, #tpu.memory_space<hbm>> -> memref<632x128xf32, #tpu.memory_space<hbm>>
      tpu.enqueue_dma source(%dma_start3A_185 : memref<632x128xf32, #tpu.memory_space<hbm>>) target(%dma_start3A_183 : memref<632x128xf32, #tpu.memory_space<vmem_shared>>) target_semaphore(%run_scoped3A : memref<!tpu.dma_semaphore, #tpu.memory_space<semaphore_mem>>)
      %dma_wait3A_186 = arith.constant 0 : i32
      %dma_wait3A_187 = tpu.memref_slice %arg10[%mul3A_125, %dma_wait3A_186] : memref<10112x128xf32, #tpu.memory_space<vmem_shared>> -> memref<632x128xf32, #tpu.memory_space<vmem_shared>>
      %dma_wait3A_188 = arith.constant 0 : i32
      %dma_wait3A_189 = tpu.memref_slice %arg5[%mul3A_123, %dma_wait3A_188] : memref<10112x128xf32, #tpu.memory_space<hbm>> -> memref<632x128xf32, #tpu.memory_space<hbm>>
      tpu.wait_dma2 semaphore(%run_scoped3A : memref<!tpu.dma_semaphore, #tpu.memory_space<semaphore_mem>>) src(%dma_wait3A_189 : memref<632x128xf32, #tpu.memory_space<hbm>>) dst(%dma_wait3A_187 : memref<632x128xf32, #tpu.memory_space<vmem_shared>>)
      tpu.yield
    }) : () -> ()
    %barrier3A = arith.constant 0 : index
    tpu.barrier barrier_id(%barrier3A)
    %jit3A_126 = arith.constant 4 : i32
    %div3A = arith.divsi %select_n3A, %jit3A_126 : i32
    %sign3A = arith.constant 0 : i32
    %sign3A_127 = arith.cmpi sgt, %select_n3A, %sign3A : i32
    %sign3A_128 = arith.extui %sign3A_127 : i1 to i32
    %sign3A_129 = arith.constant 0 : i32
    %sign3A_130 = arith.cmpi slt, %select_n3A, %sign3A_129 : i32
    %sign3A_131 = arith.extui %sign3A_130 : i1 to i32
    %sign3A_132 = arith.subi %sign3A_128, %sign3A_131 : i32
    %sign3A_133 = arith.constant 0 : i32
    %sign3A_134 = arith.cmpi sgt, %jit3A_126, %sign3A_133 : i32
    %sign3A_135 = arith.extui %sign3A_134 : i1 to i32
    %sign3A_136 = arith.constant 0 : i32
    %sign3A_137 = arith.cmpi slt, %jit3A_126, %sign3A_136 : i32
    %sign3A_138 = arith.extui %sign3A_137 : i1 to i32
    %sign3A_139 = arith.subi %sign3A_135, %sign3A_138 : i32
    %ne3A = arith.cmpi ne, %sign3A_132, %sign3A_139 : i32
    %rem3A = arith.remsi %select_n3A, %jit3A_126 : i32
    %ne3A_140 = arith.constant 0 : i32
    %ne3A_141 = arith.cmpi ne, %rem3A, %ne3A_140 : i32
    %and3A = arith.andi %ne3A, %ne3A_141 : i1
    %sub3A = arith.constant 1 : i32
    %sub3A_142 = arith.subi %div3A, %sub3A : i32
    %select_n3A_143 = arith.select %and3A, %sub3A_142, %div3A : i32
    %while3A = arith.constant 0 : i32
    %while3A_144 = arith.constant 0 : i32
    %while3A_145 = arith.subi %select_n3A_143, %while3A_144 : i32
    %while3A_146 = arith.addi %while3A_144, %while3A_145 : i32
    %while3A_147 = arith.constant 1 : i32
    %while3A_148 = arith.divsi %while3A_145, %while3A_147 : i32
    %while3A_149 = arith.muli %while3A_148, %while3A_147 : i32
    %while3A_150 = arith.addi %while3A_144, %while3A_149 : i32
    %while3A_151 = arith.constant 1 : i32
    scf.for %while3A_182 = %while3A_144 to %while3A_150 step %while3A_151  : i32 {
      %mul3A_183 = arith.constant 4 : i32
      %mul3A_184 = arith.muli %while3A_182, %mul3A_183 : i32
      %add3A_185 = arith.constant 0 : i32
      %add3A_186 = arith.addi %mul3A_184, %add3A_185 : i32
      %add3A_187 = arith.constant 1 : i32
      %add3A_188 = arith.addi %add3A_186, %add3A_187 : i32
      %ge3A = arith.constant 2 : i32
      %ge3A_189 = arith.cmpi sge, %add3A_188, %ge3A : i32
      %lt3A = arith.cmpi slt, %add3A_188, %select_n3A : i32
      %and3A_190 = arith.andi %ge3A_189, %lt3A : i1
      %convert_element_type3A_191 = arith.extui %and3A_190 : i1 to i32
      %cond3A_192 = arith.constant 0 : i32
      %cond3A_193 = arith.cmpi ne, %convert_element_type3A_191, %cond3A_192 : i32
      scf.if %cond3A_193 {
        %dma_wait3A_349 = arith.constant 1 : i32
        %dma_wait3A_350 = arith.constant 0 : i32
        %dma_wait3A_351 = arith.constant 0 : i32
        %dma_wait3A_352 = arith.constant 0 : i32
        %dma_wait3A_353 = tpu.memref_slice %arg9[%dma_wait3A_349, %dma_wait3A_351, %dma_wait3A_352] : memref<2x128x128xf32, #tpu.memory_space<vmem>> -> memref<1x128x128xf32, #tpu.memory_space<vmem>>
        %dma_wait3A_354 = tpu.memref_squeeze %dma_wait3A_353 : memref<1x128x128xf32, #tpu.memory_space<vmem>> -> memref<128x128xf32, #tpu.memory_space<vmem>>
        %dma_wait3A_355 = arith.constant 0 : i32
        %dma_wait3A_356 = tpu.memref_slice %arg8[%dma_wait3A_350, %dma_wait3A_355] : memref<80x128xi32, #tpu.memory_space<vmem>> -> memref<1x128xi32, #tpu.memory_space<vmem>>
        %dma_wait3A_357 = tpu.memref_squeeze %dma_wait3A_356 : memref<1x128xi32, #tpu.memory_space<vmem>> -> memref<128xi32, #tpu.memory_space<vmem>>
        %dma_wait3A_358 = arith.constant 0 : i32
        %dma_wait3A_359 = arith.constant 0 : i32
        %dma_wait3A_360 = tpu.memref_slice %arg10[%dma_wait3A_358, %dma_wait3A_359] : memref<10112x128xf32, #tpu.memory_space<vmem_shared>> -> memref<10112x128xf32, #tpu.memory_space<vmem_shared>>
        tpu.wait_indirect_dma semaphore(%arg14 : memref<!tpu.dma_semaphore, #tpu.memory_space<semaphore_mem>>) src(%dma_wait3A_354 : memref<128x128xf32, #tpu.memory_space<vmem>>) dst(%dma_wait3A_360 : memref<10112x128xf32, #tpu.memory_space<vmem_shared>>)
        %dma_wait3A_361 = arith.constant 0 : i32
        %dma_wait3A_362 = arith.constant 1 : i32
        %dma_wait3A_363 = arith.constant 0 : i32
        %dma_wait3A_364 = tpu.memref_slice %arg7[%dma_wait3A_362, %dma_wait3A_363] : memref<4x128xi32, #tpu.memory_space<vmem>> -> memref<1x128xi32, #tpu.memory_space<vmem>>
        %dma_wait3A_365 = tpu.memref_squeeze %dma_wait3A_364 : memref<1x128xi32, #tpu.memory_space<vmem>> -> memref<128xi32, #tpu.memory_space<vmem>>
        %dma_wait3A_366 = arith.constant 0 : i32
        %dma_wait3A_367 = tpu.memref_slice %arg2[%dma_wait3A_361, %dma_wait3A_366] : memref<2560x128xi32, #tpu.memory_space<hbm>> -> memref<1x128xi32, #tpu.memory_space<hbm>>
        %dma_wait3A_368 = tpu.memref_squeeze %dma_wait3A_367 : memref<1x128xi32, #tpu.memory_space<hbm>> -> memref<128xi32, #tpu.memory_space<hbm>>
        %dma_wait3A_369 = arith.constant 0 : i32
        %dma_wait3A_370 = tpu.memref_slice %arg7[%dma_wait3A_362, %dma_wait3A_369] : memref<4x128xi32, #tpu.memory_space<vmem>> -> memref<1x128xi32, #tpu.memory_space<vmem>>
        %dma_wait3A_371 = tpu.memref_squeeze %dma_wait3A_370 : memref<1x128xi32, #tpu.memory_space<vmem>> -> memref<128xi32, #tpu.memory_space<vmem>>
        %dma_wait3A_372 = arith.constant 0 : i32
        %dma_wait3A_373 = tpu.memref_slice %arg2[%dma_wait3A_361, %dma_wait3A_372] : memref<2560x128xi32, #tpu.memory_space<hbm>> -> memref<1x128xi32, #tpu.memory_space<hbm>>
        %dma_wait3A_374 = tpu.memref_squeeze %dma_wait3A_373 : memref<1x128xi32, #tpu.memory_space<hbm>> -> memref<128xi32, #tpu.memory_space<hbm>>
        tpu.wait_dma2 semaphore(%arg16 : memref<!tpu.dma_semaphore, #tpu.memory_space<semaphore_mem>>) src(%dma_wait3A_374 : memref<128xi32, #tpu.memory_space<hbm>>) dst(%dma_wait3A_371 : memref<128xi32, #tpu.memory_space<vmem>>)
        %dma_start3A_375 = arith.constant 1 : i32
        %dma_start3A_376 = arith.constant 1 : i32
        %dma_start3A_377 = arith.constant 0 : i32
        %dma_start3A_378 = arith.constant 0 : i32
        %dma_start3A_379 = tpu.memref_slice %arg9[%dma_start3A_376, %dma_start3A_377, %dma_start3A_378] : memref<2x128x128xf32, #tpu.memory_space<vmem>> -> memref<1x128x128xf32, #tpu.memory_space<vmem>>
        %dma_start3A_380 = tpu.memref_squeeze %dma_start3A_379 : memref<1x128x128xf32, #tpu.memory_space<vmem>> -> memref<128x128xf32, #tpu.memory_space<vmem>>
        %dma_start3A_381 = arith.constant 0 : i32
        %dma_start3A_382 = tpu.memref_slice %arg7[%dma_start3A_375, %dma_start3A_381] : memref<4x128xi32, #tpu.memory_space<vmem>> -> memref<1x128xi32, #tpu.memory_space<vmem>>
        %dma_start3A_383 = tpu.memref_squeeze %dma_start3A_382 : memref<1x128xi32, #tpu.memory_space<vmem>> -> memref<128xi32, #tpu.memory_space<vmem>>
        %dma_start3A_384 = arith.constant 0 : i32
        %dma_start3A_385 = arith.constant 0 : i32
        %dma_start3A_386 = tpu.memref_slice %arg4[%dma_start3A_384, %dma_start3A_385] : memref<10112x128xf32, #tpu.memory_space<hbm>> -> memref<10112x128xf32, #tpu.memory_space<hbm>>
        tpu.enqueue_indirect_dma source(%dma_start3A_386 : memref<10112x128xf32, #tpu.memory_space<hbm>>) target(%dma_start3A_380 : memref<128x128xf32, #tpu.memory_space<vmem>>) offsets(%dma_start3A_383 : memref<128xi32, #tpu.memory_space<vmem>>) semaphore(%arg12 : memref<!tpu.dma_semaphore, #tpu.memory_space<semaphore_mem>>)
      } else {
      }
      %dma_wait3A_194 = arith.constant 0 : i32
      %dma_wait3A_195 = arith.constant 0 : i32
      %dma_wait3A_196 = arith.constant 0 : i32
      %dma_wait3A_197 = arith.constant 0 : i32
      %dma_wait3A_198 = tpu.memref_slice %arg9[%dma_wait3A_195, %dma_wait3A_196, %dma_wait3A_197] : memref<2x128x128xf32, #tpu.memory_space<vmem>> -> memref<1x128x128xf32, #tpu.memory_space<vmem>>
      %dma_wait3A_199 = tpu.memref_squeeze %dma_wait3A_198 : memref<1x128x128xf32, #tpu.memory_space<vmem>> -> memref<128x128xf32, #tpu.memory_space<vmem>>
      %dma_wait3A_200 = arith.constant 0 : i32
      %dma_wait3A_201 = tpu.memref_slice %arg7[%dma_wait3A_194, %dma_wait3A_200] : memref<4x128xi32, #tpu.memory_space<vmem>> -> memref<1x128xi32, #tpu.memory_space<vmem>>
      %dma_wait3A_202 = tpu.memref_squeeze %dma_wait3A_201 : memref<1x128xi32, #tpu.memory_space<vmem>> -> memref<128xi32, #tpu.memory_space<vmem>>
      %dma_wait3A_203 = arith.constant 0 : i32
      %dma_wait3A_204 = arith.constant 0 : i32
      %dma_wait3A_205 = tpu.memref_slice %arg4[%dma_wait3A_203, %dma_wait3A_204] : memref<10112x128xf32, #tpu.memory_space<hbm>> -> memref<10112x128xf32, #tpu.memory_space<hbm>>
      tpu.wait_indirect_dma semaphore(%arg11 : memref<!tpu.dma_semaphore, #tpu.memory_space<semaphore_mem>>) src(%dma_wait3A_205 : memref<10112x128xf32, #tpu.memory_space<hbm>>) dst(%dma_wait3A_199 : memref<128x128xf32, #tpu.memory_space<vmem>>)
      %add3A_206 = arith.constant 4 : i32
      %add3A_207 = arith.addi %add3A_186, %add3A_206 : i32
      %lt3A_208 = arith.cmpi slt, %add3A_207, %select_n3A : i32
      %convert_element_type3A_209 = arith.extui %lt3A_208 : i1 to i32
      %cond3A_210 = arith.constant 0 : i32
      %cond3A_211 = arith.cmpi ne, %convert_element_type3A_209, %cond3A_210 : i32
      scf.if %cond3A_211 {
        %add3A_349 = arith.constant 4 : i32
        %add3A_350 = arith.addi %add3A_186, %add3A_349 : i32
        %add3A_351 = arith.addi %select_n3A_6, %add3A_350 : i32
        %dma_start3A_352 = arith.constant 0 : i32
        %dma_start3A_353 = arith.constant 0 : i32
        %dma_start3A_354 = tpu.memref_slice %arg7[%dma_start3A_352, %dma_start3A_353] : memref<4x128xi32, #tpu.memory_space<vmem>> -> memref<1x128xi32, #tpu.memory_space<vmem>>
        %dma_start3A_355 = tpu.memref_squeeze %dma_start3A_354 : memref<1x128xi32, #tpu.memory_space<vmem>> -> memref<128xi32, #tpu.memory_space<vmem>>
        %dma_start3A_356 = arith.constant 0 : i32
        %dma_start3A_357 = tpu.memref_slice %arg2[%add3A_351, %dma_start3A_356] : memref<2560x128xi32, #tpu.memory_space<hbm>> -> memref<1x128xi32, #tpu.memory_space<hbm>>
        %dma_start3A_358 = tpu.memref_squeeze %dma_start3A_357 : memref<1x128xi32, #tpu.memory_space<hbm>> -> memref<128xi32, #tpu.memory_space<hbm>>
        %dma_start3A_359 = arith.constant 0 : i32
        %dma_start3A_360 = tpu.memref_slice %arg7[%dma_start3A_352, %dma_start3A_359] : memref<4x128xi32, #tpu.memory_space<vmem>> -> memref<1x128xi32, #tpu.memory_space<vmem>>
        %dma_start3A_361 = tpu.memref_squeeze %dma_start3A_360 : memref<1x128xi32, #tpu.memory_space<vmem>> -> memref<128xi32, #tpu.memory_space<vmem>>
        %dma_start3A_362 = arith.constant 0 : i32
        %dma_start3A_363 = tpu.memref_slice %arg2[%add3A_351, %dma_start3A_362] : memref<2560x128xi32, #tpu.memory_space<hbm>> -> memref<1x128xi32, #tpu.memory_space<hbm>>
        %dma_start3A_364 = tpu.memref_squeeze %dma_start3A_363 : memref<1x128xi32, #tpu.memory_space<hbm>> -> memref<128xi32, #tpu.memory_space<hbm>>
        tpu.enqueue_dma source(%dma_start3A_364 : memref<128xi32, #tpu.memory_space<hbm>>) target(%dma_start3A_361 : memref<128xi32, #tpu.memory_space<vmem>>) target_semaphore(%arg15 : memref<!tpu.dma_semaphore, #tpu.memory_space<semaphore_mem>>)
      } else {
      }
      %dma_start3A_212 = arith.constant 0 : i32
      %dma_start3A_213 = arith.constant 0 : i32
      %dma_start3A_214 = arith.constant 0 : i32
      %dma_start3A_215 = tpu.memref_slice %arg9[%dma_start3A_212, %dma_start3A_213, %dma_start3A_214] : memref<2x128x128xf32, #tpu.memory_space<vmem>> -> memref<1x128x128xf32, #tpu.memory_space<vmem>>
      %dma_start3A_216 = tpu.memref_squeeze %dma_start3A_215 : memref<1x128x128xf32, #tpu.memory_space<vmem>> -> memref<128x128xf32, #tpu.memory_space<vmem>>
      %dma_start3A_217 = arith.constant 0 : i32
      %dma_start3A_218 = tpu.memref_slice %arg8[%add3A_186, %dma_start3A_217] : memref<80x128xi32, #tpu.memory_space<vmem>> -> memref<1x128xi32, #tpu.memory_space<vmem>>
      %dma_start3A_219 = tpu.memref_squeeze %dma_start3A_218 : memref<1x128xi32, #tpu.memory_space<vmem>> -> memref<128xi32, #tpu.memory_space<vmem>>
      %dma_start3A_220 = arith.constant 0 : i32
      %dma_start3A_221 = arith.constant 0 : i32
      %dma_start3A_222 = tpu.memref_slice %arg10[%dma_start3A_220, %dma_start3A_221] : memref<10112x128xf32, #tpu.memory_space<vmem_shared>> -> memref<10112x128xf32, #tpu.memory_space<vmem_shared>>
      tpu.enqueue_indirect_dma source(%dma_start3A_216 : memref<128x128xf32, #tpu.memory_space<vmem>>) target(%dma_start3A_222 : memref<10112x128xf32, #tpu.memory_space<vmem_shared>>) offsets(%dma_start3A_219 : memref<128xi32, #tpu.memory_space<vmem>>) semaphore(%arg13 : memref<!tpu.dma_semaphore, #tpu.memory_space<semaphore_mem>>) {add = true}
      %mul3A_223 = arith.constant 4 : i32
      %mul3A_224 = arith.muli %while3A_182, %mul3A_223 : i32
      %add3A_225 = arith.constant 1 : i32
      %add3A_226 = arith.addi %mul3A_224, %add3A_225 : i32
      %add3A_227 = arith.constant 1 : i32
      %add3A_228 = arith.addi %add3A_226, %add3A_227 : i32
      %ge3A_229 = arith.constant 2 : i32
      %ge3A_230 = arith.cmpi sge, %add3A_228, %ge3A_229 : i32
      %lt3A_231 = arith.cmpi slt, %add3A_228, %select_n3A : i32
      %and3A_232 = arith.andi %ge3A_230, %lt3A_231 : i1
      %convert_element_type3A_233 = arith.extui %and3A_232 : i1 to i32
      %cond3A_234 = arith.constant 0 : i32
      %cond3A_235 = arith.cmpi ne, %convert_element_type3A_233, %cond3A_234 : i32
      scf.if %cond3A_235 {
        %dma_wait3A_349 = arith.constant 0 : i32
        %dma_wait3A_350 = arith.constant 0 : i32
        %dma_wait3A_351 = arith.constant 0 : i32
        %dma_wait3A_352 = arith.constant 0 : i32
        %dma_wait3A_353 = tpu.memref_slice %arg9[%dma_wait3A_349, %dma_wait3A_351, %dma_wait3A_352] : memref<2x128x128xf32, #tpu.memory_space<vmem>> -> memref<1x128x128xf32, #tpu.memory_space<vmem>>
        %dma_wait3A_354 = tpu.memref_squeeze %dma_wait3A_353 : memref<1x128x128xf32, #tpu.memory_space<vmem>> -> memref<128x128xf32, #tpu.memory_space<vmem>>
        %dma_wait3A_355 = arith.constant 0 : i32
        %dma_wait3A_356 = tpu.memref_slice %arg8[%dma_wait3A_350, %dma_wait3A_355] : memref<80x128xi32, #tpu.memory_space<vmem>> -> memref<1x128xi32, #tpu.memory_space<vmem>>
        %dma_wait3A_357 = tpu.memref_squeeze %dma_wait3A_356 : memref<1x128xi32, #tpu.memory_space<vmem>> -> memref<128xi32, #tpu.memory_space<vmem>>
        %dma_wait3A_358 = arith.constant 0 : i32
        %dma_wait3A_359 = arith.constant 0 : i32
        %dma_wait3A_360 = tpu.memref_slice %arg10[%dma_wait3A_358, %dma_wait3A_359] : memref<10112x128xf32, #tpu.memory_space<vmem_shared>> -> memref<10112x128xf32, #tpu.memory_space<vmem_shared>>
        tpu.wait_indirect_dma semaphore(%arg13 : memref<!tpu.dma_semaphore, #tpu.memory_space<semaphore_mem>>) src(%dma_wait3A_354 : memref<128x128xf32, #tpu.memory_space<vmem>>) dst(%dma_wait3A_360 : memref<10112x128xf32, #tpu.memory_space<vmem_shared>>)
        %dma_wait3A_361 = arith.constant 0 : i32
        %dma_wait3A_362 = arith.constant 2 : i32
        %dma_wait3A_363 = arith.constant 0 : i32
        %dma_wait3A_364 = tpu.memref_slice %arg7[%dma_wait3A_362, %dma_wait3A_363] : memref<4x128xi32, #tpu.memory_space<vmem>> -> memref<1x128xi32, #tpu.memory_space<vmem>>
        %dma_wait3A_365 = tpu.memref_squeeze %dma_wait3A_364 : memref<1x128xi32, #tpu.memory_space<vmem>> -> memref<128xi32, #tpu.memory_space<vmem>>
        %dma_wait3A_366 = arith.constant 0 : i32
        %dma_wait3A_367 = tpu.memref_slice %arg2[%dma_wait3A_361, %dma_wait3A_366] : memref<2560x128xi32, #tpu.memory_space<hbm>> -> memref<1x128xi32, #tpu.memory_space<hbm>>
        %dma_wait3A_368 = tpu.memref_squeeze %dma_wait3A_367 : memref<1x128xi32, #tpu.memory_space<hbm>> -> memref<128xi32, #tpu.memory_space<hbm>>
        %dma_wait3A_369 = arith.constant 0 : i32
        %dma_wait3A_370 = tpu.memref_slice %arg7[%dma_wait3A_362, %dma_wait3A_369] : memref<4x128xi32, #tpu.memory_space<vmem>> -> memref<1x128xi32, #tpu.memory_space<vmem>>
        %dma_wait3A_371 = tpu.memref_squeeze %dma_wait3A_370 : memref<1x128xi32, #tpu.memory_space<vmem>> -> memref<128xi32, #tpu.memory_space<vmem>>
        %dma_wait3A_372 = arith.constant 0 : i32
        %dma_wait3A_373 = tpu.memref_slice %arg2[%dma_wait3A_361, %dma_wait3A_372] : memref<2560x128xi32, #tpu.memory_space<hbm>> -> memref<1x128xi32, #tpu.memory_space<hbm>>
        %dma_wait3A_374 = tpu.memref_squeeze %dma_wait3A_373 : memref<1x128xi32, #tpu.memory_space<hbm>> -> memref<128xi32, #tpu.memory_space<hbm>>
        tpu.wait_dma2 semaphore(%arg17 : memref<!tpu.dma_semaphore, #tpu.memory_space<semaphore_mem>>) src(%dma_wait3A_374 : memref<128xi32, #tpu.memory_space<hbm>>) dst(%dma_wait3A_371 : memref<128xi32, #tpu.memory_space<vmem>>)
        %dma_start3A_375 = arith.constant 2 : i32
        %dma_start3A_376 = arith.constant 0 : i32
        %dma_start3A_377 = arith.constant 0 : i32
        %dma_start3A_378 = arith.constant 0 : i32
        %dma_start3A_379 = tpu.memref_slice %arg9[%dma_start3A_376, %dma_start3A_377, %dma_start3A_378] : memref<2x128x128xf32, #tpu.memory_space<vmem>> -> memref<1x128x128xf32, #tpu.memory_space<vmem>>
        %dma_start3A_380 = tpu.memref_squeeze %dma_start3A_379 : memref<1x128x128xf32, #tpu.memory_space<vmem>> -> memref<128x128xf32, #tpu.memory_space<vmem>>
        %dma_start3A_381 = arith.constant 0 : i32
        %dma_start3A_382 = tpu.memref_slice %arg7[%dma_start3A_375, %dma_start3A_381] : memref<4x128xi32, #tpu.memory_space<vmem>> -> memref<1x128xi32, #tpu.memory_space<vmem>>
        %dma_start3A_383 = tpu.memref_squeeze %dma_start3A_382 : memref<1x128xi32, #tpu.memory_space<vmem>> -> memref<128xi32, #tpu.memory_space<vmem>>
        %dma_start3A_384 = arith.constant 0 : i32
        %dma_start3A_385 = arith.constant 0 : i32
        %dma_start3A_386 = tpu.memref_slice %arg4[%dma_start3A_384, %dma_start3A_385] : memref<10112x128xf32, #tpu.memory_space<hbm>> -> memref<10112x128xf32, #tpu.memory_space<hbm>>
        tpu.enqueue_indirect_dma source(%dma_start3A_386 : memref<10112x128xf32, #tpu.memory_space<hbm>>) target(%dma_start3A_380 : memref<128x128xf32, #tpu.memory_space<vmem>>) offsets(%dma_start3A_383 : memref<128xi32, #tpu.memory_space<vmem>>) semaphore(%arg11 : memref<!tpu.dma_semaphore, #tpu.memory_space<semaphore_mem>>)
      } else {
      }
      %dma_wait3A_236 = arith.constant 1 : i32
      %dma_wait3A_237 = arith.constant 1 : i32
      %dma_wait3A_238 = arith.constant 0 : i32
      %dma_wait3A_239 = arith.constant 0 : i32
      %dma_wait3A_240 = tpu.memref_slice %arg9[%dma_wait3A_237, %dma_wait3A_238, %dma_wait3A_239] : memref<2x128x128xf32, #tpu.memory_space<vmem>> -> memref<1x128x128xf32, #tpu.memory_space<vmem>>
      %dma_wait3A_241 = tpu.memref_squeeze %dma_wait3A_240 : memref<1x128x128xf32, #tpu.memory_space<vmem>> -> memref<128x128xf32, #tpu.memory_space<vmem>>
      %dma_wait3A_242 = arith.constant 0 : i32
      %dma_wait3A_243 = tpu.memref_slice %arg7[%dma_wait3A_236, %dma_wait3A_242] : memref<4x128xi32, #tpu.memory_space<vmem>> -> memref<1x128xi32, #tpu.memory_space<vmem>>
      %dma_wait3A_244 = tpu.memref_squeeze %dma_wait3A_243 : memref<1x128xi32, #tpu.memory_space<vmem>> -> memref<128xi32, #tpu.memory_space<vmem>>
      %dma_wait3A_245 = arith.constant 0 : i32
      %dma_wait3A_246 = arith.constant 0 : i32
      %dma_wait3A_247 = tpu.memref_slice %arg4[%dma_wait3A_245, %dma_wait3A_246] : memref<10112x128xf32, #tpu.memory_space<hbm>> -> memref<10112x128xf32, #tpu.memory_space<hbm>>
      tpu.wait_indirect_dma semaphore(%arg12 : memref<!tpu.dma_semaphore, #tpu.memory_space<semaphore_mem>>) src(%dma_wait3A_247 : memref<10112x128xf32, #tpu.memory_space<hbm>>) dst(%dma_wait3A_241 : memref<128x128xf32, #tpu.memory_space<vmem>>)
      %add3A_248 = arith.constant 4 : i32
      %add3A_249 = arith.addi %add3A_226, %add3A_248 : i32
      %lt3A_250 = arith.cmpi slt, %add3A_249, %select_n3A : i32
      %convert_element_type3A_251 = arith.extui %lt3A_250 : i1 to i32
      %cond3A_252 = arith.constant 0 : i32
      %cond3A_253 = arith.cmpi ne, %convert_element_type3A_251, %cond3A_252 : i32
      scf.if %cond3A_253 {
        %add3A_349 = arith.constant 4 : i32
        %add3A_350 = arith.addi %add3A_226, %add3A_349 : i32
        %add3A_351 = arith.addi %select_n3A_6, %add3A_350 : i32
        %dma_start3A_352 = arith.constant 1 : i32
        %dma_start3A_353 = arith.constant 0 : i32
        %dma_start3A_354 = tpu.memref_slice %arg7[%dma_start3A_352, %dma_start3A_353] : memref<4x128xi32, #tpu.memory_space<vmem>> -> memref<1x128xi32, #tpu.memory_space<vmem>>
        %dma_start3A_355 = tpu.memref_squeeze %dma_start3A_354 : memref<1x128xi32, #tpu.memory_space<vmem>> -> memref<128xi32, #tpu.memory_space<vmem>>
        %dma_start3A_356 = arith.constant 0 : i32
        %dma_start3A_357 = tpu.memref_slice %arg2[%add3A_351, %dma_start3A_356] : memref<2560x128xi32, #tpu.memory_space<hbm>> -> memref<1x128xi32, #tpu.memory_space<hbm>>
        %dma_start3A_358 = tpu.memref_squeeze %dma_start3A_357 : memref<1x128xi32, #tpu.memory_space<hbm>> -> memref<128xi32, #tpu.memory_space<hbm>>
        %dma_start3A_359 = arith.constant 0 : i32
        %dma_start3A_360 = tpu.memref_slice %arg7[%dma_start3A_352, %dma_start3A_359] : memref<4x128xi32, #tpu.memory_space<vmem>> -> memref<1x128xi32, #tpu.memory_space<vmem>>
        %dma_start3A_361 = tpu.memref_squeeze %dma_start3A_360 : memref<1x128xi32, #tpu.memory_space<vmem>> -> memref<128xi32, #tpu.memory_space<vmem>>
        %dma_start3A_362 = arith.constant 0 : i32
        %dma_start3A_363 = tpu.memref_slice %arg2[%add3A_351, %dma_start3A_362] : memref<2560x128xi32, #tpu.memory_space<hbm>> -> memref<1x128xi32, #tpu.memory_space<hbm>>
        %dma_start3A_364 = tpu.memref_squeeze %dma_start3A_363 : memref<1x128xi32, #tpu.memory_space<hbm>> -> memref<128xi32, #tpu.memory_space<hbm>>
        tpu.enqueue_dma source(%dma_start3A_364 : memref<128xi32, #tpu.memory_space<hbm>>) target(%dma_start3A_361 : memref<128xi32, #tpu.memory_space<vmem>>) target_semaphore(%arg16 : memref<!tpu.dma_semaphore, #tpu.memory_space<semaphore_mem>>)
      } else {
      }
      %dma_start3A_254 = arith.constant 1 : i32
      %dma_start3A_255 = arith.constant 0 : i32
      %dma_start3A_256 = arith.constant 0 : i32
      %dma_start3A_257 = tpu.memref_slice %arg9[%dma_start3A_254, %dma_start3A_255, %dma_start3A_256] : memref<2x128x128xf32, #tpu.memory_space<vmem>> -> memref<1x128x128xf32, #tpu.memory_space<vmem>>
      %dma_start3A_258 = tpu.memref_squeeze %dma_start3A_257 : memref<1x128x128xf32, #tpu.memory_space<vmem>> -> memref<128x128xf32, #tpu.memory_space<vmem>>
      %dma_start3A_259 = arith.constant 0 : i32
      %dma_start3A_260 = tpu.memref_slice %arg8[%add3A_226, %dma_start3A_259] : memref<80x128xi32, #tpu.memory_space<vmem>> -> memref<1x128xi32, #tpu.memory_space<vmem>>
      %dma_start3A_261 = tpu.memref_squeeze %dma_start3A_260 : memref<1x128xi32, #tpu.memory_space<vmem>> -> memref<128xi32, #tpu.memory_space<vmem>>
      %dma_start3A_262 = arith.constant 0 : i32
      %dma_start3A_263 = arith.constant 0 : i32
      %dma_start3A_264 = tpu.memref_slice %arg10[%dma_start3A_262, %dma_start3A_263] : memref<10112x128xf32, #tpu.memory_space<vmem_shared>> -> memref<10112x128xf32, #tpu.memory_space<vmem_shared>>
      tpu.enqueue_indirect_dma source(%dma_start3A_258 : memref<128x128xf32, #tpu.memory_space<vmem>>) target(%dma_start3A_264 : memref<10112x128xf32, #tpu.memory_space<vmem_shared>>) offsets(%dma_start3A_261 : memref<128xi32, #tpu.memory_space<vmem>>) semaphore(%arg14 : memref<!tpu.dma_semaphore, #tpu.memory_space<semaphore_mem>>) {add = true}
      %mul3A_265 = arith.constant 4 : i32
      %mul3A_266 = arith.muli %while3A_182, %mul3A_265 : i32
      %add3A_267 = arith.constant 2 : i32
      %add3A_268 = arith.addi %mul3A_266, %add3A_267 : i32
      %add3A_269 = arith.constant 1 : i32
      %add3A_270 = arith.addi %add3A_268, %add3A_269 : i32
      %ge3A_271 = arith.constant 2 : i32
      %ge3A_272 = arith.cmpi sge, %add3A_270, %ge3A_271 : i32
      %lt3A_273 = arith.cmpi slt, %add3A_270, %select_n3A : i32
      %and3A_274 = arith.andi %ge3A_272, %lt3A_273 : i1
      %convert_element_type3A_275 = arith.extui %and3A_274 : i1 to i32
      %cond3A_276 = arith.constant 0 : i32
      %cond3A_277 = arith.cmpi ne, %convert_element_type3A_275, %cond3A_276 : i32
      scf.if %cond3A_277 {
        %dma_wait3A_349 = arith.constant 1 : i32
        %dma_wait3A_350 = arith.constant 0 : i32
        %dma_wait3A_351 = arith.constant 0 : i32
        %dma_wait3A_352 = arith.constant 0 : i32
        %dma_wait3A_353 = tpu.memref_slice %arg9[%dma_wait3A_349, %dma_wait3A_351, %dma_wait3A_352] : memref<2x128x128xf32, #tpu.memory_space<vmem>> -> memref<1x128x128xf32, #tpu.memory_space<vmem>>
        %dma_wait3A_354 = tpu.memref_squeeze %dma_wait3A_353 : memref<1x128x128xf32, #tpu.memory_space<vmem>> -> memref<128x128xf32, #tpu.memory_space<vmem>>
        %dma_wait3A_355 = arith.constant 0 : i32
        %dma_wait3A_356 = tpu.memref_slice %arg8[%dma_wait3A_350, %dma_wait3A_355] : memref<80x128xi32, #tpu.memory_space<vmem>> -> memref<1x128xi32, #tpu.memory_space<vmem>>
        %dma_wait3A_357 = tpu.memref_squeeze %dma_wait3A_356 : memref<1x128xi32, #tpu.memory_space<vmem>> -> memref<128xi32, #tpu.memory_space<vmem>>
        %dma_wait3A_358 = arith.constant 0 : i32
        %dma_wait3A_359 = arith.constant 0 : i32
        %dma_wait3A_360 = tpu.memref_slice %arg10[%dma_wait3A_358, %dma_wait3A_359] : memref<10112x128xf32, #tpu.memory_space<vmem_shared>> -> memref<10112x128xf32, #tpu.memory_space<vmem_shared>>
        tpu.wait_indirect_dma semaphore(%arg14 : memref<!tpu.dma_semaphore, #tpu.memory_space<semaphore_mem>>) src(%dma_wait3A_354 : memref<128x128xf32, #tpu.memory_space<vmem>>) dst(%dma_wait3A_360 : memref<10112x128xf32, #tpu.memory_space<vmem_shared>>)
        %dma_wait3A_361 = arith.constant 0 : i32
        %dma_wait3A_362 = arith.constant 3 : i32
        %dma_wait3A_363 = arith.constant 0 : i32
        %dma_wait3A_364 = tpu.memref_slice %arg7[%dma_wait3A_362, %dma_wait3A_363] : memref<4x128xi32, #tpu.memory_space<vmem>> -> memref<1x128xi32, #tpu.memory_space<vmem>>
        %dma_wait3A_365 = tpu.memref_squeeze %dma_wait3A_364 : memref<1x128xi32, #tpu.memory_space<vmem>> -> memref<128xi32, #tpu.memory_space<vmem>>
        %dma_wait3A_366 = arith.constant 0 : i32
        %dma_wait3A_367 = tpu.memref_slice %arg2[%dma_wait3A_361, %dma_wait3A_366] : memref<2560x128xi32, #tpu.memory_space<hbm>> -> memref<1x128xi32, #tpu.memory_space<hbm>>
        %dma_wait3A_368 = tpu.memref_squeeze %dma_wait3A_367 : memref<1x128xi32, #tpu.memory_space<hbm>> -> memref<128xi32, #tpu.memory_space<hbm>>
        %dma_wait3A_369 = arith.constant 0 : i32
        %dma_wait3A_370 = tpu.memref_slice %arg7[%dma_wait3A_362, %dma_wait3A_369] : memref<4x128xi32, #tpu.memory_space<vmem>> -> memref<1x128xi32, #tpu.memory_space<vmem>>
        %dma_wait3A_371 = tpu.memref_squeeze %dma_wait3A_370 : memref<1x128xi32, #tpu.memory_space<vmem>> -> memref<128xi32, #tpu.memory_space<vmem>>
        %dma_wait3A_372 = arith.constant 0 : i32
        %dma_wait3A_373 = tpu.memref_slice %arg2[%dma_wait3A_361, %dma_wait3A_372] : memref<2560x128xi32, #tpu.memory_space<hbm>> -> memref<1x128xi32, #tpu.memory_space<hbm>>
        %dma_wait3A_374 = tpu.memref_squeeze %dma_wait3A_373 : memref<1x128xi32, #tpu.memory_space<hbm>> -> memref<128xi32, #tpu.memory_space<hbm>>
        tpu.wait_dma2 semaphore(%arg18 : memref<!tpu.dma_semaphore, #tpu.memory_space<semaphore_mem>>) src(%dma_wait3A_374 : memref<128xi32, #tpu.memory_space<hbm>>) dst(%dma_wait3A_371 : memref<128xi32, #tpu.memory_space<vmem>>)
        %dma_start3A_375 = arith.constant 3 : i32
        %dma_start3A_376 = arith.constant 1 : i32
        %dma_start3A_377 = arith.constant 0 : i32
        %dma_start3A_378 = arith.constant 0 : i32
        %dma_start3A_379 = tpu.memref_slice %arg9[%dma_start3A_376, %dma_start3A_377, %dma_start3A_378] : memref<2x128x128xf32, #tpu.memory_space<vmem>> -> memref<1x128x128xf32, #tpu.memory_space<vmem>>
        %dma_start3A_380 = tpu.memref_squeeze %dma_start3A_379 : memref<1x128x128xf32, #tpu.memory_space<vmem>> -> memref<128x128xf32, #tpu.memory_space<vmem>>
        %dma_start3A_381 = arith.constant 0 : i32
        %dma_start3A_382 = tpu.memref_slice %arg7[%dma_start3A_375, %dma_start3A_381] : memref<4x128xi32, #tpu.memory_space<vmem>> -> memref<1x128xi32, #tpu.memory_space<vmem>>
        %dma_start3A_383 = tpu.memref_squeeze %dma_start3A_382 : memref<1x128xi32, #tpu.memory_space<vmem>> -> memref<128xi32, #tpu.memory_space<vmem>>
        %dma_start3A_384 = arith.constant 0 : i32
        %dma_start3A_385 = arith.constant 0 : i32
        %dma_start3A_386 = tpu.memref_slice %arg4[%dma_start3A_384, %dma_start3A_385] : memref<10112x128xf32, #tpu.memory_space<hbm>> -> memref<10112x128xf32, #tpu.memory_space<hbm>>
        tpu.enqueue_indirect_dma source(%dma_start3A_386 : memref<10112x128xf32, #tpu.memory_space<hbm>>) target(%dma_start3A_380 : memref<128x128xf32, #tpu.memory_space<vmem>>) offsets(%dma_start3A_383 : memref<128xi32, #tpu.memory_space<vmem>>) semaphore(%arg12 : memref<!tpu.dma_semaphore, #tpu.memory_space<semaphore_mem>>)
      } else {
      }
      %dma_wait3A_278 = arith.constant 2 : i32
      %dma_wait3A_279 = arith.constant 0 : i32
      %dma_wait3A_280 = arith.constant 0 : i32
      %dma_wait3A_281 = arith.constant 0 : i32
      %dma_wait3A_282 = tpu.memref_slice %arg9[%dma_wait3A_279, %dma_wait3A_280, %dma_wait3A_281] : memref<2x128x128xf32, #tpu.memory_space<vmem>> -> memref<1x128x128xf32, #tpu.memory_space<vmem>>
      %dma_wait3A_283 = tpu.memref_squeeze %dma_wait3A_282 : memref<1x128x128xf32, #tpu.memory_space<vmem>> -> memref<128x128xf32, #tpu.memory_space<vmem>>
      %dma_wait3A_284 = arith.constant 0 : i32
      %dma_wait3A_285 = tpu.memref_slice %arg7[%dma_wait3A_278, %dma_wait3A_284] : memref<4x128xi32, #tpu.memory_space<vmem>> -> memref<1x128xi32, #tpu.memory_space<vmem>>
      %dma_wait3A_286 = tpu.memref_squeeze %dma_wait3A_285 : memref<1x128xi32, #tpu.memory_space<vmem>> -> memref<128xi32, #tpu.memory_space<vmem>>
      %dma_wait3A_287 = arith.constant 0 : i32
      %dma_wait3A_288 = arith.constant 0 : i32
      %dma_wait3A_289 = tpu.memref_slice %arg4[%dma_wait3A_287, %dma_wait3A_288] : memref<10112x128xf32, #tpu.memory_space<hbm>> -> memref<10112x128xf32, #tpu.memory_space<hbm>>
      tpu.wait_indirect_dma semaphore(%arg11 : memref<!tpu.dma_semaphore, #tpu.memory_space<semaphore_mem>>) src(%dma_wait3A_289 : memref<10112x128xf32, #tpu.memory_space<hbm>>) dst(%dma_wait3A_283 : memref<128x128xf32, #tpu.memory_space<vmem>>)
      %add3A_290 = arith.constant 4 : i32
      %add3A_291 = arith.addi %add3A_268, %add3A_290 : i32
      %lt3A_292 = arith.cmpi slt, %add3A_291, %select_n3A : i32
      %convert_element_type3A_293 = arith.extui %lt3A_292 : i1 to i32
      %cond3A_294 = arith.constant 0 : i32
      %cond3A_295 = arith.cmpi ne, %convert_element_type3A_293, %cond3A_294 : i32
      scf.if %cond3A_295 {
        %add3A_349 = arith.constant 4 : i32
        %add3A_350 = arith.addi %add3A_268, %add3A_349 : i32
        %add3A_351 = arith.addi %select_n3A_6, %add3A_350 : i32
        %dma_start3A_352 = arith.constant 2 : i32
        %dma_start3A_353 = arith.constant 0 : i32
        %dma_start3A_354 = tpu.memref_slice %arg7[%dma_start3A_352, %dma_start3A_353] : memref<4x128xi32, #tpu.memory_space<vmem>> -> memref<1x128xi32, #tpu.memory_space<vmem>>
        %dma_start3A_355 = tpu.memref_squeeze %dma_start3A_354 : memref<1x128xi32, #tpu.memory_space<vmem>> -> memref<128xi32, #tpu.memory_space<vmem>>
        %dma_start3A_356 = arith.constant 0 : i32
        %dma_start3A_357 = tpu.memref_slice %arg2[%add3A_351, %dma_start3A_356] : memref<2560x128xi32, #tpu.memory_space<hbm>> -> memref<1x128xi32, #tpu.memory_space<hbm>>
        %dma_start3A_358 = tpu.memref_squeeze %dma_start3A_357 : memref<1x128xi32, #tpu.memory_space<hbm>> -> memref<128xi32, #tpu.memory_space<hbm>>
        %dma_start3A_359 = arith.constant 0 : i32
        %dma_start3A_360 = tpu.memref_slice %arg7[%dma_start3A_352, %dma_start3A_359] : memref<4x128xi32, #tpu.memory_space<vmem>> -> memref<1x128xi32, #tpu.memory_space<vmem>>
        %dma_start3A_361 = tpu.memref_squeeze %dma_start3A_360 : memref<1x128xi32, #tpu.memory_space<vmem>> -> memref<128xi32, #tpu.memory_space<vmem>>
        %dma_start3A_362 = arith.constant 0 : i32
        %dma_start3A_363 = tpu.memref_slice %arg2[%add3A_351, %dma_start3A_362] : memref<2560x128xi32, #tpu.memory_space<hbm>> -> memref<1x128xi32, #tpu.memory_space<hbm>>
        %dma_start3A_364 = tpu.memref_squeeze %dma_start3A_363 : memref<1x128xi32, #tpu.memory_space<hbm>> -> memref<128xi32, #tpu.memory_space<hbm>>
        tpu.enqueue_dma source(%dma_start3A_364 : memref<128xi32, #tpu.memory_space<hbm>>) target(%dma_start3A_361 : memref<128xi32, #tpu.memory_space<vmem>>) target_semaphore(%arg17 : memref<!tpu.dma_semaphore, #tpu.memory_space<semaphore_mem>>)
      } else {
      }
      %dma_start3A_296 = arith.constant 0 : i32
      %dma_start3A_297 = arith.constant 0 : i32
      %dma_start3A_298 = arith.constant 0 : i32
      %dma_start3A_299 = tpu.memref_slice %arg9[%dma_start3A_296, %dma_start3A_297, %dma_start3A_298] : memref<2x128x128xf32, #tpu.memory_space<vmem>> -> memref<1x128x128xf32, #tpu.memory_space<vmem>>
      %dma_start3A_300 = tpu.memref_squeeze %dma_start3A_299 : memref<1x128x128xf32, #tpu.memory_space<vmem>> -> memref<128x128xf32, #tpu.memory_space<vmem>>
      %dma_start3A_301 = arith.constant 0 : i32
      %dma_start3A_302 = tpu.memref_slice %arg8[%add3A_268, %dma_start3A_301] : memref<80x128xi32, #tpu.memory_space<vmem>> -> memref<1x128xi32, #tpu.memory_space<vmem>>
      %dma_start3A_303 = tpu.memref_squeeze %dma_start3A_302 : memref<1x128xi32, #tpu.memory_space<vmem>> -> memref<128xi32, #tpu.memory_space<vmem>>
      %dma_start3A_304 = arith.constant 0 : i32
      %dma_start3A_305 = arith.constant 0 : i32
      %dma_start3A_306 = tpu.memref_slice %arg10[%dma_start3A_304, %dma_start3A_305] : memref<10112x128xf32, #tpu.memory_space<vmem_shared>> -> memref<10112x128xf32, #tpu.memory_space<vmem_shared>>
      tpu.enqueue_indirect_dma source(%dma_start3A_300 : memref<128x128xf32, #tpu.memory_space<vmem>>) target(%dma_start3A_306 : memref<10112x128xf32, #tpu.memory_space<vmem_shared>>) offsets(%dma_start3A_303 : memref<128xi32, #tpu.memory_space<vmem>>) semaphore(%arg13 : memref<!tpu.dma_semaphore, #tpu.memory_space<semaphore_mem>>) {add = true}
      %mul3A_307 = arith.constant 4 : i32
      %mul3A_308 = arith.muli %while3A_182, %mul3A_307 : i32
      %add3A_309 = arith.constant 3 : i32
      %add3A_310 = arith.addi %mul3A_308, %add3A_309 : i32
      %add3A_311 = arith.constant 1 : i32
      %add3A_312 = arith.addi %add3A_310, %add3A_311 : i32
      %ge3A_313 = arith.constant 2 : i32
      %ge3A_314 = arith.cmpi sge, %add3A_312, %ge3A_313 : i32
      %lt3A_315 = arith.cmpi slt, %add3A_312, %select_n3A : i32
      %and3A_316 = arith.andi %ge3A_314, %lt3A_315 : i1
      %convert_element_type3A_317 = arith.extui %and3A_316 : i1 to i32
      %cond3A_318 = arith.constant 0 : i32
      %cond3A_319 = arith.cmpi ne, %convert_element_type3A_317, %cond3A_318 : i32
      scf.if %cond3A_319 {
        %dma_wait3A_349 = arith.constant 0 : i32
        %dma_wait3A_350 = arith.constant 0 : i32
        %dma_wait3A_351 = arith.constant 0 : i32
        %dma_wait3A_352 = arith.constant 0 : i32
        %dma_wait3A_353 = tpu.memref_slice %arg9[%dma_wait3A_349, %dma_wait3A_351, %dma_wait3A_352] : memref<2x128x128xf32, #tpu.memory_space<vmem>> -> memref<1x128x128xf32, #tpu.memory_space<vmem>>
        %dma_wait3A_354 = tpu.memref_squeeze %dma_wait3A_353 : memref<1x128x128xf32, #tpu.memory_space<vmem>> -> memref<128x128xf32, #tpu.memory_space<vmem>>
        %dma_wait3A_355 = arith.constant 0 : i32
        %dma_wait3A_356 = tpu.memref_slice %arg8[%dma_wait3A_350, %dma_wait3A_355] : memref<80x128xi32, #tpu.memory_space<vmem>> -> memref<1x128xi32, #tpu.memory_space<vmem>>
        %dma_wait3A_357 = tpu.memref_squeeze %dma_wait3A_356 : memref<1x128xi32, #tpu.memory_space<vmem>> -> memref<128xi32, #tpu.memory_space<vmem>>
        %dma_wait3A_358 = arith.constant 0 : i32
        %dma_wait3A_359 = arith.constant 0 : i32
        %dma_wait3A_360 = tpu.memref_slice %arg10[%dma_wait3A_358, %dma_wait3A_359] : memref<10112x128xf32, #tpu.memory_space<vmem_shared>> -> memref<10112x128xf32, #tpu.memory_space<vmem_shared>>
        tpu.wait_indirect_dma semaphore(%arg13 : memref<!tpu.dma_semaphore, #tpu.memory_space<semaphore_mem>>) src(%dma_wait3A_354 : memref<128x128xf32, #tpu.memory_space<vmem>>) dst(%dma_wait3A_360 : memref<10112x128xf32, #tpu.memory_space<vmem_shared>>)
        %dma_wait3A_361 = arith.constant 0 : i32
        %dma_wait3A_362 = arith.constant 0 : i32
        %dma_wait3A_363 = arith.constant 0 : i32
        %dma_wait3A_364 = tpu.memref_slice %arg7[%dma_wait3A_362, %dma_wait3A_363] : memref<4x128xi32, #tpu.memory_space<vmem>> -> memref<1x128xi32, #tpu.memory_space<vmem>>
        %dma_wait3A_365 = tpu.memref_squeeze %dma_wait3A_364 : memref<1x128xi32, #tpu.memory_space<vmem>> -> memref<128xi32, #tpu.memory_space<vmem>>
        %dma_wait3A_366 = arith.constant 0 : i32
        %dma_wait3A_367 = tpu.memref_slice %arg2[%dma_wait3A_361, %dma_wait3A_366] : memref<2560x128xi32, #tpu.memory_space<hbm>> -> memref<1x128xi32, #tpu.memory_space<hbm>>
        %dma_wait3A_368 = tpu.memref_squeeze %dma_wait3A_367 : memref<1x128xi32, #tpu.memory_space<hbm>> -> memref<128xi32, #tpu.memory_space<hbm>>
        %dma_wait3A_369 = arith.constant 0 : i32
        %dma_wait3A_370 = tpu.memref_slice %arg7[%dma_wait3A_362, %dma_wait3A_369] : memref<4x128xi32, #tpu.memory_space<vmem>> -> memref<1x128xi32, #tpu.memory_space<vmem>>
        %dma_wait3A_371 = tpu.memref_squeeze %dma_wait3A_370 : memref<1x128xi32, #tpu.memory_space<vmem>> -> memref<128xi32, #tpu.memory_space<vmem>>
        %dma_wait3A_372 = arith.constant 0 : i32
        %dma_wait3A_373 = tpu.memref_slice %arg2[%dma_wait3A_361, %dma_wait3A_372] : memref<2560x128xi32, #tpu.memory_space<hbm>> -> memref<1x128xi32, #tpu.memory_space<hbm>>
        %dma_wait3A_374 = tpu.memref_squeeze %dma_wait3A_373 : memref<1x128xi32, #tpu.memory_space<hbm>> -> memref<128xi32, #tpu.memory_space<hbm>>
        tpu.wait_dma2 semaphore(%arg15 : memref<!tpu.dma_semaphore, #tpu.memory_space<semaphore_mem>>) src(%dma_wait3A_374 : memref<128xi32, #tpu.memory_space<hbm>>) dst(%dma_wait3A_371 : memref<128xi32, #tpu.memory_space<vmem>>)
        %dma_start3A_375 = arith.constant 0 : i32
        %dma_start3A_376 = arith.constant 0 : i32
        %dma_start3A_377 = arith.constant 0 : i32
        %dma_start3A_378 = arith.constant 0 : i32
        %dma_start3A_379 = tpu.memref_slice %arg9[%dma_start3A_376, %dma_start3A_377, %dma_start3A_378] : memref<2x128x128xf32, #tpu.memory_space<vmem>> -> memref<1x128x128xf32, #tpu.memory_space<vmem>>
        %dma_start3A_380 = tpu.memref_squeeze %dma_start3A_379 : memref<1x128x128xf32, #tpu.memory_space<vmem>> -> memref<128x128xf32, #tpu.memory_space<vmem>>
        %dma_start3A_381 = arith.constant 0 : i32
        %dma_start3A_382 = tpu.memref_slice %arg7[%dma_start3A_375, %dma_start3A_381] : memref<4x128xi32, #tpu.memory_space<vmem>> -> memref<1x128xi32, #tpu.memory_space<vmem>>
        %dma_start3A_383 = tpu.memref_squeeze %dma_start3A_382 : memref<1x128xi32, #tpu.memory_space<vmem>> -> memref<128xi32, #tpu.memory_space<vmem>>
        %dma_start3A_384 = arith.constant 0 : i32
        %dma_start3A_385 = arith.constant 0 : i32
        %dma_start3A_386 = tpu.memref_slice %arg4[%dma_start3A_384, %dma_start3A_385] : memref<10112x128xf32, #tpu.memory_space<hbm>> -> memref<10112x128xf32, #tpu.memory_space<hbm>>
        tpu.enqueue_indirect_dma source(%dma_start3A_386 : memref<10112x128xf32, #tpu.memory_space<hbm>>) target(%dma_start3A_380 : memref<128x128xf32, #tpu.memory_space<vmem>>) offsets(%dma_start3A_383 : memref<128xi32, #tpu.memory_space<vmem>>) semaphore(%arg11 : memref<!tpu.dma_semaphore, #tpu.memory_space<semaphore_mem>>)
      } else {
      }
      %dma_wait3A_320 = arith.constant 3 : i32
      %dma_wait3A_321 = arith.constant 1 : i32
      %dma_wait3A_322 = arith.constant 0 : i32
      %dma_wait3A_323 = arith.constant 0 : i32
      %dma_wait3A_324 = tpu.memref_slice %arg9[%dma_wait3A_321, %dma_wait3A_322, %dma_wait3A_323] : memref<2x128x128xf32, #tpu.memory_space<vmem>> -> memref<1x128x128xf32, #tpu.memory_space<vmem>>
      %dma_wait3A_325 = tpu.memref_squeeze %dma_wait3A_324 : memref<1x128x128xf32, #tpu.memory_space<vmem>> -> memref<128x128xf32, #tpu.memory_space<vmem>>
      %dma_wait3A_326 = arith.constant 0 : i32
      %dma_wait3A_327 = tpu.memref_slice %arg7[%dma_wait3A_320, %dma_wait3A_326] : memref<4x128xi32, #tpu.memory_space<vmem>> -> memref<1x128xi32, #tpu.memory_space<vmem>>
      %dma_wait3A_328 = tpu.memref_squeeze %dma_wait3A_327 : memref<1x128xi32, #tpu.memory_space<vmem>> -> memref<128xi32, #tpu.memory_space<vmem>>
      %dma_wait3A_329 = arith.constant 0 : i32
      %dma_wait3A_330 = arith.constant 0 : i32
      %dma_wait3A_331 = tpu.memref_slice %arg4[%dma_wait3A_329, %dma_wait3A_330] : memref<10112x128xf32, #tpu.memory_space<hbm>> -> memref<10112x128xf32, #tpu.memory_space<hbm>>
      tpu.wait_indirect_dma semaphore(%arg12 : memref<!tpu.dma_semaphore, #tpu.memory_space<semaphore_mem>>) src(%dma_wait3A_331 : memref<10112x128xf32, #tpu.memory_space<hbm>>) dst(%dma_wait3A_325 : memref<128x128xf32, #tpu.memory_space<vmem>>)
      %add3A_332 = arith.constant 4 : i32
      %add3A_333 = arith.addi %add3A_310, %add3A_332 : i32
      %lt3A_334 = arith.cmpi slt, %add3A_333, %select_n3A : i32
      %convert_element_type3A_335 = arith.extui %lt3A_334 : i1 to i32
      %cond3A_336 = arith.constant 0 : i32
      %cond3A_337 = arith.cmpi ne, %convert_element_type3A_335, %cond3A_336 : i32
      scf.if %cond3A_337 {
        %add3A_349 = arith.constant 4 : i32
        %add3A_350 = arith.addi %add3A_310, %add3A_349 : i32
        %add3A_351 = arith.addi %select_n3A_6, %add3A_350 : i32
        %dma_start3A_352 = arith.constant 3 : i32
        %dma_start3A_353 = arith.constant 0 : i32
        %dma_start3A_354 = tpu.memref_slice %arg7[%dma_start3A_352, %dma_start3A_353] : memref<4x128xi32, #tpu.memory_space<vmem>> -> memref<1x128xi32, #tpu.memory_space<vmem>>
        %dma_start3A_355 = tpu.memref_squeeze %dma_start3A_354 : memref<1x128xi32, #tpu.memory_space<vmem>> -> memref<128xi32, #tpu.memory_space<vmem>>
        %dma_start3A_356 = arith.constant 0 : i32
        %dma_start3A_357 = tpu.memref_slice %arg2[%add3A_351, %dma_start3A_356] : memref<2560x128xi32, #tpu.memory_space<hbm>> -> memref<1x128xi32, #tpu.memory_space<hbm>>
        %dma_start3A_358 = tpu.memref_squeeze %dma_start3A_357 : memref<1x128xi32, #tpu.memory_space<hbm>> -> memref<128xi32, #tpu.memory_space<hbm>>
        %dma_start3A_359 = arith.constant 0 : i32
        %dma_start3A_360 = tpu.memref_slice %arg7[%dma_start3A_352, %dma_start3A_359] : memref<4x128xi32, #tpu.memory_space<vmem>> -> memref<1x128xi32, #tpu.memory_space<vmem>>
        %dma_start3A_361 = tpu.memref_squeeze %dma_start3A_360 : memref<1x128xi32, #tpu.memory_space<vmem>> -> memref<128xi32, #tpu.memory_space<vmem>>
        %dma_start3A_362 = arith.constant 0 : i32
        %dma_start3A_363 = tpu.memref_slice %arg2[%add3A_351, %dma_start3A_362] : memref<2560x128xi32, #tpu.memory_space<hbm>> -> memref<1x128xi32, #tpu.memory_space<hbm>>
        %dma_start3A_364 = tpu.memref_squeeze %dma_start3A_363 : memref<1x128xi32, #tpu.memory_space<hbm>> -> memref<128xi32, #tpu.memory_space<hbm>>
        tpu.enqueue_dma source(%dma_start3A_364 : memref<128xi32, #tpu.memory_space<hbm>>) target(%dma_start3A_361 : memref<128xi32, #tpu.memory_space<vmem>>) target_semaphore(%arg18 : memref<!tpu.dma_semaphore, #tpu.memory_space<semaphore_mem>>)
      } else {
      }
      %dma_start3A_338 = arith.constant 1 : i32
      %dma_start3A_339 = arith.constant 0 : i32
      %dma_start3A_340 = arith.constant 0 : i32
      %dma_start3A_341 = tpu.memref_slice %arg9[%dma_start3A_338, %dma_start3A_339, %dma_start3A_340] : memref<2x128x128xf32, #tpu.memory_space<vmem>> -> memref<1x128x128xf32, #tpu.memory_space<vmem>>
      %dma_start3A_342 = tpu.memref_squeeze %dma_start3A_341 : memref<1x128x128xf32, #tpu.memory_space<vmem>> -> memref<128x128xf32, #tpu.memory_space<vmem>>
      %dma_start3A_343 = arith.constant 0 : i32
      %dma_start3A_344 = tpu.memref_slice %arg8[%add3A_310, %dma_start3A_343] : memref<80x128xi32, #tpu.memory_space<vmem>> -> memref<1x128xi32, #tpu.memory_space<vmem>>
      %dma_start3A_345 = tpu.memref_squeeze %dma_start3A_344 : memref<1x128xi32, #tpu.memory_space<vmem>> -> memref<128xi32, #tpu.memory_space<vmem>>
      %dma_start3A_346 = arith.constant 0 : i32
      %dma_start3A_347 = arith.constant 0 : i32
      %dma_start3A_348 = tpu.memref_slice %arg10[%dma_start3A_346, %dma_start3A_347] : memref<10112x128xf32, #tpu.memory_space<vmem_shared>> -> memref<10112x128xf32, #tpu.memory_space<vmem_shared>>
      tpu.enqueue_indirect_dma source(%dma_start3A_342 : memref<128x128xf32, #tpu.memory_space<vmem>>) target(%dma_start3A_348 : memref<10112x128xf32, #tpu.memory_space<vmem_shared>>) offsets(%dma_start3A_345 : memref<128xi32, #tpu.memory_space<vmem>>) semaphore(%arg14 : memref<!tpu.dma_semaphore, #tpu.memory_space<semaphore_mem>>) {add = true}
    }
    %while3A_152 = arith.constant 1 : i32
    scf.for %while3A_182 = %while3A_150 to %while3A_146 step %while3A_152  : i32 {
      %mul3A_183 = arith.constant 4 : i32
      %mul3A_184 = arith.muli %while3A_182, %mul3A_183 : i32
      %add3A_185 = arith.constant 0 : i32
      %add3A_186 = arith.addi %mul3A_184, %add3A_185 : i32
      %add3A_187 = arith.constant 1 : i32
      %add3A_188 = arith.addi %add3A_186, %add3A_187 : i32
      %ge3A = arith.constant 2 : i32
      %ge3A_189 = arith.cmpi sge, %add3A_188, %ge3A : i32
      %lt3A = arith.cmpi slt, %add3A_188, %select_n3A : i32
      %and3A_190 = arith.andi %ge3A_189, %lt3A : i1
      %convert_element_type3A_191 = arith.extui %and3A_190 : i1 to i32
      %cond3A_192 = arith.constant 0 : i32
      %cond3A_193 = arith.cmpi ne, %convert_element_type3A_191, %cond3A_192 : i32
      scf.if %cond3A_193 {
        %dma_wait3A_349 = arith.constant 1 : i32
        %dma_wait3A_350 = arith.constant 0 : i32
        %dma_wait3A_351 = arith.constant 0 : i32
        %dma_wait3A_352 = arith.constant 0 : i32
        %dma_wait3A_353 = tpu.memref_slice %arg9[%dma_wait3A_349, %dma_wait3A_351, %dma_wait3A_352] : memref<2x128x128xf32, #tpu.memory_space<vmem>> -> memref<1x128x128xf32, #tpu.memory_space<vmem>>
        %dma_wait3A_354 = tpu.memref_squeeze %dma_wait3A_353 : memref<1x128x128xf32, #tpu.memory_space<vmem>> -> memref<128x128xf32, #tpu.memory_space<vmem>>
        %dma_wait3A_355 = arith.constant 0 : i32
        %dma_wait3A_356 = tpu.memref_slice %arg8[%dma_wait3A_350, %dma_wait3A_355] : memref<80x128xi32, #tpu.memory_space<vmem>> -> memref<1x128xi32, #tpu.memory_space<vmem>>
        %dma_wait3A_357 = tpu.memref_squeeze %dma_wait3A_356 : memref<1x128xi32, #tpu.memory_space<vmem>> -> memref<128xi32, #tpu.memory_space<vmem>>
        %dma_wait3A_358 = arith.constant 0 : i32
        %dma_wait3A_359 = arith.constant 0 : i32
        %dma_wait3A_360 = tpu.memref_slice %arg10[%dma_wait3A_358, %dma_wait3A_359] : memref<10112x128xf32, #tpu.memory_space<vmem_shared>> -> memref<10112x128xf32, #tpu.memory_space<vmem_shared>>
        tpu.wait_indirect_dma semaphore(%arg14 : memref<!tpu.dma_semaphore, #tpu.memory_space<semaphore_mem>>) src(%dma_wait3A_354 : memref<128x128xf32, #tpu.memory_space<vmem>>) dst(%dma_wait3A_360 : memref<10112x128xf32, #tpu.memory_space<vmem_shared>>)
        %dma_wait3A_361 = arith.constant 0 : i32
        %dma_wait3A_362 = arith.constant 1 : i32
        %dma_wait3A_363 = arith.constant 0 : i32
        %dma_wait3A_364 = tpu.memref_slice %arg7[%dma_wait3A_362, %dma_wait3A_363] : memref<4x128xi32, #tpu.memory_space<vmem>> -> memref<1x128xi32, #tpu.memory_space<vmem>>
        %dma_wait3A_365 = tpu.memref_squeeze %dma_wait3A_364 : memref<1x128xi32, #tpu.memory_space<vmem>> -> memref<128xi32, #tpu.memory_space<vmem>>
        %dma_wait3A_366 = arith.constant 0 : i32
        %dma_wait3A_367 = tpu.memref_slice %arg2[%dma_wait3A_361, %dma_wait3A_366] : memref<2560x128xi32, #tpu.memory_space<hbm>> -> memref<1x128xi32, #tpu.memory_space<hbm>>
        %dma_wait3A_368 = tpu.memref_squeeze %dma_wait3A_367 : memref<1x128xi32, #tpu.memory_space<hbm>> -> memref<128xi32, #tpu.memory_space<hbm>>
        %dma_wait3A_369 = arith.constant 0 : i32
        %dma_wait3A_370 = tpu.memref_slice %arg7[%dma_wait3A_362, %dma_wait3A_369] : memref<4x128xi32, #tpu.memory_space<vmem>> -> memref<1x128xi32, #tpu.memory_space<vmem>>
        %dma_wait3A_371 = tpu.memref_squeeze %dma_wait3A_370 : memref<1x128xi32, #tpu.memory_space<vmem>> -> memref<128xi32, #tpu.memory_space<vmem>>
        %dma_wait3A_372 = arith.constant 0 : i32
        %dma_wait3A_373 = tpu.memref_slice %arg2[%dma_wait3A_361, %dma_wait3A_372] : memref<2560x128xi32, #tpu.memory_space<hbm>> -> memref<1x128xi32, #tpu.memory_space<hbm>>
        %dma_wait3A_374 = tpu.memref_squeeze %dma_wait3A_373 : memref<1x128xi32, #tpu.memory_space<hbm>> -> memref<128xi32, #tpu.memory_space<hbm>>
        tpu.wait_dma2 semaphore(%arg16 : memref<!tpu.dma_semaphore, #tpu.memory_space<semaphore_mem>>) src(%dma_wait3A_374 : memref<128xi32, #tpu.memory_space<hbm>>) dst(%dma_wait3A_371 : memref<128xi32, #tpu.memory_space<vmem>>)
        %dma_start3A_375 = arith.constant 1 : i32
        %dma_start3A_376 = arith.constant 1 : i32
        %dma_start3A_377 = arith.constant 0 : i32
        %dma_start3A_378 = arith.constant 0 : i32
        %dma_start3A_379 = tpu.memref_slice %arg9[%dma_start3A_376, %dma_start3A_377, %dma_start3A_378] : memref<2x128x128xf32, #tpu.memory_space<vmem>> -> memref<1x128x128xf32, #tpu.memory_space<vmem>>
        %dma_start3A_380 = tpu.memref_squeeze %dma_start3A_379 : memref<1x128x128xf32, #tpu.memory_space<vmem>> -> memref<128x128xf32, #tpu.memory_space<vmem>>
        %dma_start3A_381 = arith.constant 0 : i32
        %dma_start3A_382 = tpu.memref_slice %arg7[%dma_start3A_375, %dma_start3A_381] : memref<4x128xi32, #tpu.memory_space<vmem>> -> memref<1x128xi32, #tpu.memory_space<vmem>>
        %dma_start3A_383 = tpu.memref_squeeze %dma_start3A_382 : memref<1x128xi32, #tpu.memory_space<vmem>> -> memref<128xi32, #tpu.memory_space<vmem>>
        %dma_start3A_384 = arith.constant 0 : i32
        %dma_start3A_385 = arith.constant 0 : i32
        %dma_start3A_386 = tpu.memref_slice %arg4[%dma_start3A_384, %dma_start3A_385] : memref<10112x128xf32, #tpu.memory_space<hbm>> -> memref<10112x128xf32, #tpu.memory_space<hbm>>
        tpu.enqueue_indirect_dma source(%dma_start3A_386 : memref<10112x128xf32, #tpu.memory_space<hbm>>) target(%dma_start3A_380 : memref<128x128xf32, #tpu.memory_space<vmem>>) offsets(%dma_start3A_383 : memref<128xi32, #tpu.memory_space<vmem>>) semaphore(%arg12 : memref<!tpu.dma_semaphore, #tpu.memory_space<semaphore_mem>>)
      } else {
      }
      %dma_wait3A_194 = arith.constant 0 : i32
      %dma_wait3A_195 = arith.constant 0 : i32
      %dma_wait3A_196 = arith.constant 0 : i32
      %dma_wait3A_197 = arith.constant 0 : i32
      %dma_wait3A_198 = tpu.memref_slice %arg9[%dma_wait3A_195, %dma_wait3A_196, %dma_wait3A_197] : memref<2x128x128xf32, #tpu.memory_space<vmem>> -> memref<1x128x128xf32, #tpu.memory_space<vmem>>
      %dma_wait3A_199 = tpu.memref_squeeze %dma_wait3A_198 : memref<1x128x128xf32, #tpu.memory_space<vmem>> -> memref<128x128xf32, #tpu.memory_space<vmem>>
      %dma_wait3A_200 = arith.constant 0 : i32
      %dma_wait3A_201 = tpu.memref_slice %arg7[%dma_wait3A_194, %dma_wait3A_200] : memref<4x128xi32, #tpu.memory_space<vmem>> -> memref<1x128xi32, #tpu.memory_space<vmem>>
      %dma_wait3A_202 = tpu.memref_squeeze %dma_wait3A_201 : memref<1x128xi32, #tpu.memory_space<vmem>> -> memref<128xi32, #tpu.memory_space<vmem>>
      %dma_wait3A_203 = arith.constant 0 : i32
      %dma_wait3A_204 = arith.constant 0 : i32
      %dma_wait3A_205 = tpu.memref_slice %arg4[%dma_wait3A_203, %dma_wait3A_204] : memref<10112x128xf32, #tpu.memory_space<hbm>> -> memref<10112x128xf32, #tpu.memory_space<hbm>>
      tpu.wait_indirect_dma semaphore(%arg11 : memref<!tpu.dma_semaphore, #tpu.memory_space<semaphore_mem>>) src(%dma_wait3A_205 : memref<10112x128xf32, #tpu.memory_space<hbm>>) dst(%dma_wait3A_199 : memref<128x128xf32, #tpu.memory_space<vmem>>)
      %add3A_206 = arith.constant 4 : i32
      %add3A_207 = arith.addi %add3A_186, %add3A_206 : i32
      %lt3A_208 = arith.cmpi slt, %add3A_207, %select_n3A : i32
      %convert_element_type3A_209 = arith.extui %lt3A_208 : i1 to i32
      %cond3A_210 = arith.constant 0 : i32
      %cond3A_211 = arith.cmpi ne, %convert_element_type3A_209, %cond3A_210 : i32
      scf.if %cond3A_211 {
        %add3A_349 = arith.constant 4 : i32
        %add3A_350 = arith.addi %add3A_186, %add3A_349 : i32
        %add3A_351 = arith.addi %select_n3A_6, %add3A_350 : i32
        %dma_start3A_352 = arith.constant 0 : i32
        %dma_start3A_353 = arith.constant 0 : i32
        %dma_start3A_354 = tpu.memref_slice %arg7[%dma_start3A_352, %dma_start3A_353] : memref<4x128xi32, #tpu.memory_space<vmem>> -> memref<1x128xi32, #tpu.memory_space<vmem>>
        %dma_start3A_355 = tpu.memref_squeeze %dma_start3A_354 : memref<1x128xi32, #tpu.memory_space<vmem>> -> memref<128xi32, #tpu.memory_space<vmem>>
        %dma_start3A_356 = arith.constant 0 : i32
        %dma_start3A_357 = tpu.memref_slice %arg2[%add3A_351, %dma_start3A_356] : memref<2560x128xi32, #tpu.memory_space<hbm>> -> memref<1x128xi32, #tpu.memory_space<hbm>>
        %dma_start3A_358 = tpu.memref_squeeze %dma_start3A_357 : memref<1x128xi32, #tpu.memory_space<hbm>> -> memref<128xi32, #tpu.memory_space<hbm>>
        %dma_start3A_359 = arith.constant 0 : i32
        %dma_start3A_360 = tpu.memref_slice %arg7[%dma_start3A_352, %dma_start3A_359] : memref<4x128xi32, #tpu.memory_space<vmem>> -> memref<1x128xi32, #tpu.memory_space<vmem>>
        %dma_start3A_361 = tpu.memref_squeeze %dma_start3A_360 : memref<1x128xi32, #tpu.memory_space<vmem>> -> memref<128xi32, #tpu.memory_space<vmem>>
        %dma_start3A_362 = arith.constant 0 : i32
        %dma_start3A_363 = tpu.memref_slice %arg2[%add3A_351, %dma_start3A_362] : memref<2560x128xi32, #tpu.memory_space<hbm>> -> memref<1x128xi32, #tpu.memory_space<hbm>>
        %dma_start3A_364 = tpu.memref_squeeze %dma_start3A_363 : memref<1x128xi32, #tpu.memory_space<hbm>> -> memref<128xi32, #tpu.memory_space<hbm>>
        tpu.enqueue_dma source(%dma_start3A_364 : memref<128xi32, #tpu.memory_space<hbm>>) target(%dma_start3A_361 : memref<128xi32, #tpu.memory_space<vmem>>) target_semaphore(%arg15 : memref<!tpu.dma_semaphore, #tpu.memory_space<semaphore_mem>>)
      } else {
      }
      %dma_start3A_212 = arith.constant 0 : i32
      %dma_start3A_213 = arith.constant 0 : i32
      %dma_start3A_214 = arith.constant 0 : i32
      %dma_start3A_215 = tpu.memref_slice %arg9[%dma_start3A_212, %dma_start3A_213, %dma_start3A_214] : memref<2x128x128xf32, #tpu.memory_space<vmem>> -> memref<1x128x128xf32, #tpu.memory_space<vmem>>
      %dma_start3A_216 = tpu.memref_squeeze %dma_start3A_215 : memref<1x128x128xf32, #tpu.memory_space<vmem>> -> memref<128x128xf32, #tpu.memory_space<vmem>>
      %dma_start3A_217 = arith.constant 0 : i32
      %dma_start3A_218 = tpu.memref_slice %arg8[%add3A_186, %dma_start3A_217] : memref<80x128xi32, #tpu.memory_space<vmem>> -> memref<1x128xi32, #tpu.memory_space<vmem>>
      %dma_start3A_219 = tpu.memref_squeeze %dma_start3A_218 : memref<1x128xi32, #tpu.memory_space<vmem>> -> memref<128xi32, #tpu.memory_space<vmem>>
      %dma_start3A_220 = arith.constant 0 : i32
      %dma_start3A_221 = arith.constant 0 : i32
      %dma_start3A_222 = tpu.memref_slice %arg10[%dma_start3A_220, %dma_start3A_221] : memref<10112x128xf32, #tpu.memory_space<vmem_shared>> -> memref<10112x128xf32, #tpu.memory_space<vmem_shared>>
      tpu.enqueue_indirect_dma source(%dma_start3A_216 : memref<128x128xf32, #tpu.memory_space<vmem>>) target(%dma_start3A_222 : memref<10112x128xf32, #tpu.memory_space<vmem_shared>>) offsets(%dma_start3A_219 : memref<128xi32, #tpu.memory_space<vmem>>) semaphore(%arg13 : memref<!tpu.dma_semaphore, #tpu.memory_space<semaphore_mem>>) {add = true}
      %mul3A_223 = arith.constant 4 : i32
      %mul3A_224 = arith.muli %while3A_182, %mul3A_223 : i32
      %add3A_225 = arith.constant 1 : i32
      %add3A_226 = arith.addi %mul3A_224, %add3A_225 : i32
      %add3A_227 = arith.constant 1 : i32
      %add3A_228 = arith.addi %add3A_226, %add3A_227 : i32
      %ge3A_229 = arith.constant 2 : i32
      %ge3A_230 = arith.cmpi sge, %add3A_228, %ge3A_229 : i32
      %lt3A_231 = arith.cmpi slt, %add3A_228, %select_n3A : i32
      %and3A_232 = arith.andi %ge3A_230, %lt3A_231 : i1
      %convert_element_type3A_233 = arith.extui %and3A_232 : i1 to i32
      %cond3A_234 = arith.constant 0 : i32
      %cond3A_235 = arith.cmpi ne, %convert_element_type3A_233, %cond3A_234 : i32
      scf.if %cond3A_235 {
        %dma_wait3A_349 = arith.constant 0 : i32
        %dma_wait3A_350 = arith.constant 0 : i32
        %dma_wait3A_351 = arith.constant 0 : i32
        %dma_wait3A_352 = arith.constant 0 : i32
        %dma_wait3A_353 = tpu.memref_slice %arg9[%dma_wait3A_349, %dma_wait3A_351, %dma_wait3A_352] : memref<2x128x128xf32, #tpu.memory_space<vmem>> -> memref<1x128x128xf32, #tpu.memory_space<vmem>>
        %dma_wait3A_354 = tpu.memref_squeeze %dma_wait3A_353 : memref<1x128x128xf32, #tpu.memory_space<vmem>> -> memref<128x128xf32, #tpu.memory_space<vmem>>
        %dma_wait3A_355 = arith.constant 0 : i32
        %dma_wait3A_356 = tpu.memref_slice %arg8[%dma_wait3A_350, %dma_wait3A_355] : memref<80x128xi32, #tpu.memory_space<vmem>> -> memref<1x128xi32, #tpu.memory_space<vmem>>
        %dma_wait3A_357 = tpu.memref_squeeze %dma_wait3A_356 : memref<1x128xi32, #tpu.memory_space<vmem>> -> memref<128xi32, #tpu.memory_space<vmem>>
        %dma_wait3A_358 = arith.constant 0 : i32
        %dma_wait3A_359 = arith.constant 0 : i32
        %dma_wait3A_360 = tpu.memref_slice %arg10[%dma_wait3A_358, %dma_wait3A_359] : memref<10112x128xf32, #tpu.memory_space<vmem_shared>> -> memref<10112x128xf32, #tpu.memory_space<vmem_shared>>
        tpu.wait_indirect_dma semaphore(%arg13 : memref<!tpu.dma_semaphore, #tpu.memory_space<semaphore_mem>>) src(%dma_wait3A_354 : memref<128x128xf32, #tpu.memory_space<vmem>>) dst(%dma_wait3A_360 : memref<10112x128xf32, #tpu.memory_space<vmem_shared>>)
        %dma_wait3A_361 = arith.constant 0 : i32
        %dma_wait3A_362 = arith.constant 2 : i32
        %dma_wait3A_363 = arith.constant 0 : i32
        %dma_wait3A_364 = tpu.memref_slice %arg7[%dma_wait3A_362, %dma_wait3A_363] : memref<4x128xi32, #tpu.memory_space<vmem>> -> memref<1x128xi32, #tpu.memory_space<vmem>>
        %dma_wait3A_365 = tpu.memref_squeeze %dma_wait3A_364 : memref<1x128xi32, #tpu.memory_space<vmem>> -> memref<128xi32, #tpu.memory_space<vmem>>
        %dma_wait3A_366 = arith.constant 0 : i32
        %dma_wait3A_367 = tpu.memref_slice %arg2[%dma_wait3A_361, %dma_wait3A_366] : memref<2560x128xi32, #tpu.memory_space<hbm>> -> memref<1x128xi32, #tpu.memory_space<hbm>>
        %dma_wait3A_368 = tpu.memref_squeeze %dma_wait3A_367 : memref<1x128xi32, #tpu.memory_space<hbm>> -> memref<128xi32, #tpu.memory_space<hbm>>
        %dma_wait3A_369 = arith.constant 0 : i32
        %dma_wait3A_370 = tpu.memref_slice %arg7[%dma_wait3A_362, %dma_wait3A_369] : memref<4x128xi32, #tpu.memory_space<vmem>> -> memref<1x128xi32, #tpu.memory_space<vmem>>
        %dma_wait3A_371 = tpu.memref_squeeze %dma_wait3A_370 : memref<1x128xi32, #tpu.memory_space<vmem>> -> memref<128xi32, #tpu.memory_space<vmem>>
        %dma_wait3A_372 = arith.constant 0 : i32
        %dma_wait3A_373 = tpu.memref_slice %arg2[%dma_wait3A_361, %dma_wait3A_372] : memref<2560x128xi32, #tpu.memory_space<hbm>> -> memref<1x128xi32, #tpu.memory_space<hbm>>
        %dma_wait3A_374 = tpu.memref_squeeze %dma_wait3A_373 : memref<1x128xi32, #tpu.memory_space<hbm>> -> memref<128xi32, #tpu.memory_space<hbm>>
        tpu.wait_dma2 semaphore(%arg17 : memref<!tpu.dma_semaphore, #tpu.memory_space<semaphore_mem>>) src(%dma_wait3A_374 : memref<128xi32, #tpu.memory_space<hbm>>) dst(%dma_wait3A_371 : memref<128xi32, #tpu.memory_space<vmem>>)
        %dma_start3A_375 = arith.constant 2 : i32
        %dma_start3A_376 = arith.constant 0 : i32
        %dma_start3A_377 = arith.constant 0 : i32
        %dma_start3A_378 = arith.constant 0 : i32
        %dma_start3A_379 = tpu.memref_slice %arg9[%dma_start3A_376, %dma_start3A_377, %dma_start3A_378] : memref<2x128x128xf32, #tpu.memory_space<vmem>> -> memref<1x128x128xf32, #tpu.memory_space<vmem>>
        %dma_start3A_380 = tpu.memref_squeeze %dma_start3A_379 : memref<1x128x128xf32, #tpu.memory_space<vmem>> -> memref<128x128xf32, #tpu.memory_space<vmem>>
        %dma_start3A_381 = arith.constant 0 : i32
        %dma_start3A_382 = tpu.memref_slice %arg7[%dma_start3A_375, %dma_start3A_381] : memref<4x128xi32, #tpu.memory_space<vmem>> -> memref<1x128xi32, #tpu.memory_space<vmem>>
        %dma_start3A_383 = tpu.memref_squeeze %dma_start3A_382 : memref<1x128xi32, #tpu.memory_space<vmem>> -> memref<128xi32, #tpu.memory_space<vmem>>
        %dma_start3A_384 = arith.constant 0 : i32
        %dma_start3A_385 = arith.constant 0 : i32
        %dma_start3A_386 = tpu.memref_slice %arg4[%dma_start3A_384, %dma_start3A_385] : memref<10112x128xf32, #tpu.memory_space<hbm>> -> memref<10112x128xf32, #tpu.memory_space<hbm>>
        tpu.enqueue_indirect_dma source(%dma_start3A_386 : memref<10112x128xf32, #tpu.memory_space<hbm>>) target(%dma_start3A_380 : memref<128x128xf32, #tpu.memory_space<vmem>>) offsets(%dma_start3A_383 : memref<128xi32, #tpu.memory_space<vmem>>) semaphore(%arg11 : memref<!tpu.dma_semaphore, #tpu.memory_space<semaphore_mem>>)
      } else {
      }
      %dma_wait3A_236 = arith.constant 1 : i32
      %dma_wait3A_237 = arith.constant 1 : i32
      %dma_wait3A_238 = arith.constant 0 : i32
      %dma_wait3A_239 = arith.constant 0 : i32
      %dma_wait3A_240 = tpu.memref_slice %arg9[%dma_wait3A_237, %dma_wait3A_238, %dma_wait3A_239] : memref<2x128x128xf32, #tpu.memory_space<vmem>> -> memref<1x128x128xf32, #tpu.memory_space<vmem>>
      %dma_wait3A_241 = tpu.memref_squeeze %dma_wait3A_240 : memref<1x128x128xf32, #tpu.memory_space<vmem>> -> memref<128x128xf32, #tpu.memory_space<vmem>>
      %dma_wait3A_242 = arith.constant 0 : i32
      %dma_wait3A_243 = tpu.memref_slice %arg7[%dma_wait3A_236, %dma_wait3A_242] : memref<4x128xi32, #tpu.memory_space<vmem>> -> memref<1x128xi32, #tpu.memory_space<vmem>>
      %dma_wait3A_244 = tpu.memref_squeeze %dma_wait3A_243 : memref<1x128xi32, #tpu.memory_space<vmem>> -> memref<128xi32, #tpu.memory_space<vmem>>
      %dma_wait3A_245 = arith.constant 0 : i32
      %dma_wait3A_246 = arith.constant 0 : i32
      %dma_wait3A_247 = tpu.memref_slice %arg4[%dma_wait3A_245, %dma_wait3A_246] : memref<10112x128xf32, #tpu.memory_space<hbm>> -> memref<10112x128xf32, #tpu.memory_space<hbm>>
      tpu.wait_indirect_dma semaphore(%arg12 : memref<!tpu.dma_semaphore, #tpu.memory_space<semaphore_mem>>) src(%dma_wait3A_247 : memref<10112x128xf32, #tpu.memory_space<hbm>>) dst(%dma_wait3A_241 : memref<128x128xf32, #tpu.memory_space<vmem>>)
      %add3A_248 = arith.constant 4 : i32
      %add3A_249 = arith.addi %add3A_226, %add3A_248 : i32
      %lt3A_250 = arith.cmpi slt, %add3A_249, %select_n3A : i32
      %convert_element_type3A_251 = arith.extui %lt3A_250 : i1 to i32
      %cond3A_252 = arith.constant 0 : i32
      %cond3A_253 = arith.cmpi ne, %convert_element_type3A_251, %cond3A_252 : i32
      scf.if %cond3A_253 {
        %add3A_349 = arith.constant 4 : i32
        %add3A_350 = arith.addi %add3A_226, %add3A_349 : i32
        %add3A_351 = arith.addi %select_n3A_6, %add3A_350 : i32
        %dma_start3A_352 = arith.constant 1 : i32
        %dma_start3A_353 = arith.constant 0 : i32
        %dma_start3A_354 = tpu.memref_slice %arg7[%dma_start3A_352, %dma_start3A_353] : memref<4x128xi32, #tpu.memory_space<vmem>> -> memref<1x128xi32, #tpu.memory_space<vmem>>
        %dma_start3A_355 = tpu.memref_squeeze %dma_start3A_354 : memref<1x128xi32, #tpu.memory_space<vmem>> -> memref<128xi32, #tpu.memory_space<vmem>>
        %dma_start3A_356 = arith.constant 0 : i32
        %dma_start3A_357 = tpu.memref_slice %arg2[%add3A_351, %dma_start3A_356] : memref<2560x128xi32, #tpu.memory_space<hbm>> -> memref<1x128xi32, #tpu.memory_space<hbm>>
        %dma_start3A_358 = tpu.memref_squeeze %dma_start3A_357 : memref<1x128xi32, #tpu.memory_space<hbm>> -> memref<128xi32, #tpu.memory_space<hbm>>
        %dma_start3A_359 = arith.constant 0 : i32
        %dma_start3A_360 = tpu.memref_slice %arg7[%dma_start3A_352, %dma_start3A_359] : memref<4x128xi32, #tpu.memory_space<vmem>> -> memref<1x128xi32, #tpu.memory_space<vmem>>
        %dma_start3A_361 = tpu.memref_squeeze %dma_start3A_360 : memref<1x128xi32, #tpu.memory_space<vmem>> -> memref<128xi32, #tpu.memory_space<vmem>>
        %dma_start3A_362 = arith.constant 0 : i32
        %dma_start3A_363 = tpu.memref_slice %arg2[%add3A_351, %dma_start3A_362] : memref<2560x128xi32, #tpu.memory_space<hbm>> -> memref<1x128xi32, #tpu.memory_space<hbm>>
        %dma_start3A_364 = tpu.memref_squeeze %dma_start3A_363 : memref<1x128xi32, #tpu.memory_space<hbm>> -> memref<128xi32, #tpu.memory_space<hbm>>
        tpu.enqueue_dma source(%dma_start3A_364 : memref<128xi32, #tpu.memory_space<hbm>>) target(%dma_start3A_361 : memref<128xi32, #tpu.memory_space<vmem>>) target_semaphore(%arg16 : memref<!tpu.dma_semaphore, #tpu.memory_space<semaphore_mem>>)
      } else {
      }
      %dma_start3A_254 = arith.constant 1 : i32
      %dma_start3A_255 = arith.constant 0 : i32
      %dma_start3A_256 = arith.constant 0 : i32
      %dma_start3A_257 = tpu.memref_slice %arg9[%dma_start3A_254, %dma_start3A_255, %dma_start3A_256] : memref<2x128x128xf32, #tpu.memory_space<vmem>> -> memref<1x128x128xf32, #tpu.memory_space<vmem>>
      %dma_start3A_258 = tpu.memref_squeeze %dma_start3A_257 : memref<1x128x128xf32, #tpu.memory_space<vmem>> -> memref<128x128xf32, #tpu.memory_space<vmem>>
      %dma_start3A_259 = arith.constant 0 : i32
      %dma_start3A_260 = tpu.memref_slice %arg8[%add3A_226, %dma_start3A_259] : memref<80x128xi32, #tpu.memory_space<vmem>> -> memref<1x128xi32, #tpu.memory_space<vmem>>
      %dma_start3A_261 = tpu.memref_squeeze %dma_start3A_260 : memref<1x128xi32, #tpu.memory_space<vmem>> -> memref<128xi32, #tpu.memory_space<vmem>>
      %dma_start3A_262 = arith.constant 0 : i32
      %dma_start3A_263 = arith.constant 0 : i32
      %dma_start3A_264 = tpu.memref_slice %arg10[%dma_start3A_262, %dma_start3A_263] : memref<10112x128xf32, #tpu.memory_space<vmem_shared>> -> memref<10112x128xf32, #tpu.memory_space<vmem_shared>>
      tpu.enqueue_indirect_dma source(%dma_start3A_258 : memref<128x128xf32, #tpu.memory_space<vmem>>) target(%dma_start3A_264 : memref<10112x128xf32, #tpu.memory_space<vmem_shared>>) offsets(%dma_start3A_261 : memref<128xi32, #tpu.memory_space<vmem>>) semaphore(%arg14 : memref<!tpu.dma_semaphore, #tpu.memory_space<semaphore_mem>>) {add = true}
      %mul3A_265 = arith.constant 4 : i32
      %mul3A_266 = arith.muli %while3A_182, %mul3A_265 : i32
      %add3A_267 = arith.constant 2 : i32
      %add3A_268 = arith.addi %mul3A_266, %add3A_267 : i32
      %add3A_269 = arith.constant 1 : i32
      %add3A_270 = arith.addi %add3A_268, %add3A_269 : i32
      %ge3A_271 = arith.constant 2 : i32
      %ge3A_272 = arith.cmpi sge, %add3A_270, %ge3A_271 : i32
      %lt3A_273 = arith.cmpi slt, %add3A_270, %select_n3A : i32
      %and3A_274 = arith.andi %ge3A_272, %lt3A_273 : i1
      %convert_element_type3A_275 = arith.extui %and3A_274 : i1 to i32
      %cond3A_276 = arith.constant 0 : i32
      %cond3A_277 = arith.cmpi ne, %convert_element_type3A_275, %cond3A_276 : i32
      scf.if %cond3A_277 {
        %dma_wait3A_349 = arith.constant 1 : i32
        %dma_wait3A_350 = arith.constant 0 : i32
        %dma_wait3A_351 = arith.constant 0 : i32
        %dma_wait3A_352 = arith.constant 0 : i32
        %dma_wait3A_353 = tpu.memref_slice %arg9[%dma_wait3A_349, %dma_wait3A_351, %dma_wait3A_352] : memref<2x128x128xf32, #tpu.memory_space<vmem>> -> memref<1x128x128xf32, #tpu.memory_space<vmem>>
        %dma_wait3A_354 = tpu.memref_squeeze %dma_wait3A_353 : memref<1x128x128xf32, #tpu.memory_space<vmem>> -> memref<128x128xf32, #tpu.memory_space<vmem>>
        %dma_wait3A_355 = arith.constant 0 : i32
        %dma_wait3A_356 = tpu.memref_slice %arg8[%dma_wait3A_350, %dma_wait3A_355] : memref<80x128xi32, #tpu.memory_space<vmem>> -> memref<1x128xi32, #tpu.memory_space<vmem>>
        %dma_wait3A_357 = tpu.memref_squeeze %dma_wait3A_356 : memref<1x128xi32, #tpu.memory_space<vmem>> -> memref<128xi32, #tpu.memory_space<vmem>>
        %dma_wait3A_358 = arith.constant 0 : i32
        %dma_wait3A_359 = arith.constant 0 : i32
        %dma_wait3A_360 = tpu.memref_slice %arg10[%dma_wait3A_358, %dma_wait3A_359] : memref<10112x128xf32, #tpu.memory_space<vmem_shared>> -> memref<10112x128xf32, #tpu.memory_space<vmem_shared>>
        tpu.wait_indirect_dma semaphore(%arg14 : memref<!tpu.dma_semaphore, #tpu.memory_space<semaphore_mem>>) src(%dma_wait3A_354 : memref<128x128xf32, #tpu.memory_space<vmem>>) dst(%dma_wait3A_360 : memref<10112x128xf32, #tpu.memory_space<vmem_shared>>)
        %dma_wait3A_361 = arith.constant 0 : i32
        %dma_wait3A_362 = arith.constant 3 : i32
        %dma_wait3A_363 = arith.constant 0 : i32
        %dma_wait3A_364 = tpu.memref_slice %arg7[%dma_wait3A_362, %dma_wait3A_363] : memref<4x128xi32, #tpu.memory_space<vmem>> -> memref<1x128xi32, #tpu.memory_space<vmem>>
        %dma_wait3A_365 = tpu.memref_squeeze %dma_wait3A_364 : memref<1x128xi32, #tpu.memory_space<vmem>> -> memref<128xi32, #tpu.memory_space<vmem>>
        %dma_wait3A_366 = arith.constant 0 : i32
        %dma_wait3A_367 = tpu.memref_slice %arg2[%dma_wait3A_361, %dma_wait3A_366] : memref<2560x128xi32, #tpu.memory_space<hbm>> -> memref<1x128xi32, #tpu.memory_space<hbm>>
        %dma_wait3A_368 = tpu.memref_squeeze %dma_wait3A_367 : memref<1x128xi32, #tpu.memory_space<hbm>> -> memref<128xi32, #tpu.memory_space<hbm>>
        %dma_wait3A_369 = arith.constant 0 : i32
        %dma_wait3A_370 = tpu.memref_slice %arg7[%dma_wait3A_362, %dma_wait3A_369] : memref<4x128xi32, #tpu.memory_space<vmem>> -> memref<1x128xi32, #tpu.memory_space<vmem>>
        %dma_wait3A_371 = tpu.memref_squeeze %dma_wait3A_370 : memref<1x128xi32, #tpu.memory_space<vmem>> -> memref<128xi32, #tpu.memory_space<vmem>>
        %dma_wait3A_372 = arith.constant 0 : i32
        %dma_wait3A_373 = tpu.memref_slice %arg2[%dma_wait3A_361, %dma_wait3A_372] : memref<2560x128xi32, #tpu.memory_space<hbm>> -> memref<1x128xi32, #tpu.memory_space<hbm>>
        %dma_wait3A_374 = tpu.memref_squeeze %dma_wait3A_373 : memref<1x128xi32, #tpu.memory_space<hbm>> -> memref<128xi32, #tpu.memory_space<hbm>>
        tpu.wait_dma2 semaphore(%arg18 : memref<!tpu.dma_semaphore, #tpu.memory_space<semaphore_mem>>) src(%dma_wait3A_374 : memref<128xi32, #tpu.memory_space<hbm>>) dst(%dma_wait3A_371 : memref<128xi32, #tpu.memory_space<vmem>>)
        %dma_start3A_375 = arith.constant 3 : i32
        %dma_start3A_376 = arith.constant 1 : i32
        %dma_start3A_377 = arith.constant 0 : i32
        %dma_start3A_378 = arith.constant 0 : i32
        %dma_start3A_379 = tpu.memref_slice %arg9[%dma_start3A_376, %dma_start3A_377, %dma_start3A_378] : memref<2x128x128xf32, #tpu.memory_space<vmem>> -> memref<1x128x128xf32, #tpu.memory_space<vmem>>
        %dma_start3A_380 = tpu.memref_squeeze %dma_start3A_379 : memref<1x128x128xf32, #tpu.memory_space<vmem>> -> memref<128x128xf32, #tpu.memory_space<vmem>>
        %dma_start3A_381 = arith.constant 0 : i32
        %dma_start3A_382 = tpu.memref_slice %arg7[%dma_start3A_375, %dma_start3A_381] : memref<4x128xi32, #tpu.memory_space<vmem>> -> memref<1x128xi32, #tpu.memory_space<vmem>>
        %dma_start3A_383 = tpu.memref_squeeze %dma_start3A_382 : memref<1x128xi32, #tpu.memory_space<vmem>> -> memref<128xi32, #tpu.memory_space<vmem>>
        %dma_start3A_384 = arith.constant 0 : i32
        %dma_start3A_385 = arith.constant 0 : i32
        %dma_start3A_386 = tpu.memref_slice %arg4[%dma_start3A_384, %dma_start3A_385] : memref<10112x128xf32, #tpu.memory_space<hbm>> -> memref<10112x128xf32, #tpu.memory_space<hbm>>
        tpu.enqueue_indirect_dma source(%dma_start3A_386 : memref<10112x128xf32, #tpu.memory_space<hbm>>) target(%dma_start3A_380 : memref<128x128xf32, #tpu.memory_space<vmem>>) offsets(%dma_start3A_383 : memref<128xi32, #tpu.memory_space<vmem>>) semaphore(%arg12 : memref<!tpu.dma_semaphore, #tpu.memory_space<semaphore_mem>>)
      } else {
      }
      %dma_wait3A_278 = arith.constant 2 : i32
      %dma_wait3A_279 = arith.constant 0 : i32
      %dma_wait3A_280 = arith.constant 0 : i32
      %dma_wait3A_281 = arith.constant 0 : i32
      %dma_wait3A_282 = tpu.memref_slice %arg9[%dma_wait3A_279, %dma_wait3A_280, %dma_wait3A_281] : memref<2x128x128xf32, #tpu.memory_space<vmem>> -> memref<1x128x128xf32, #tpu.memory_space<vmem>>
      %dma_wait3A_283 = tpu.memref_squeeze %dma_wait3A_282 : memref<1x128x128xf32, #tpu.memory_space<vmem>> -> memref<128x128xf32, #tpu.memory_space<vmem>>
      %dma_wait3A_284 = arith.constant 0 : i32
      %dma_wait3A_285 = tpu.memref_slice %arg7[%dma_wait3A_278, %dma_wait3A_284] : memref<4x128xi32, #tpu.memory_space<vmem>> -> memref<1x128xi32, #tpu.memory_space<vmem>>
      %dma_wait3A_286 = tpu.memref_squeeze %dma_wait3A_285 : memref<1x128xi32, #tpu.memory_space<vmem>> -> memref<128xi32, #tpu.memory_space<vmem>>
      %dma_wait3A_287 = arith.constant 0 : i32
      %dma_wait3A_288 = arith.constant 0 : i32
      %dma_wait3A_289 = tpu.memref_slice %arg4[%dma_wait3A_287, %dma_wait3A_288] : memref<10112x128xf32, #tpu.memory_space<hbm>> -> memref<10112x128xf32, #tpu.memory_space<hbm>>
      tpu.wait_indirect_dma semaphore(%arg11 : memref<!tpu.dma_semaphore, #tpu.memory_space<semaphore_mem>>) src(%dma_wait3A_289 : memref<10112x128xf32, #tpu.memory_space<hbm>>) dst(%dma_wait3A_283 : memref<128x128xf32, #tpu.memory_space<vmem>>)
      %add3A_290 = arith.constant 4 : i32
      %add3A_291 = arith.addi %add3A_268, %add3A_290 : i32
      %lt3A_292 = arith.cmpi slt, %add3A_291, %select_n3A : i32
      %convert_element_type3A_293 = arith.extui %lt3A_292 : i1 to i32
      %cond3A_294 = arith.constant 0 : i32
      %cond3A_295 = arith.cmpi ne, %convert_element_type3A_293, %cond3A_294 : i32
      scf.if %cond3A_295 {
        %add3A_349 = arith.constant 4 : i32
        %add3A_350 = arith.addi %add3A_268, %add3A_349 : i32
        %add3A_351 = arith.addi %select_n3A_6, %add3A_350 : i32
        %dma_start3A_352 = arith.constant 2 : i32
        %dma_start3A_353 = arith.constant 0 : i32
        %dma_start3A_354 = tpu.memref_slice %arg7[%dma_start3A_352, %dma_start3A_353] : memref<4x128xi32, #tpu.memory_space<vmem>> -> memref<1x128xi32, #tpu.memory_space<vmem>>
        %dma_start3A_355 = tpu.memref_squeeze %dma_start3A_354 : memref<1x128xi32, #tpu.memory_space<vmem>> -> memref<128xi32, #tpu.memory_space<vmem>>
        %dma_start3A_356 = arith.constant 0 : i32
        %dma_start3A_357 = tpu.memref_slice %arg2[%add3A_351, %dma_start3A_356] : memref<2560x128xi32, #tpu.memory_space<hbm>> -> memref<1x128xi32, #tpu.memory_space<hbm>>
        %dma_start3A_358 = tpu.memref_squeeze %dma_start3A_357 : memref<1x128xi32, #tpu.memory_space<hbm>> -> memref<128xi32, #tpu.memory_space<hbm>>
        %dma_start3A_359 = arith.constant 0 : i32
        %dma_start3A_360 = tpu.memref_slice %arg7[%dma_start3A_352, %dma_start3A_359] : memref<4x128xi32, #tpu.memory_space<vmem>> -> memref<1x128xi32, #tpu.memory_space<vmem>>
        %dma_start3A_361 = tpu.memref_squeeze %dma_start3A_360 : memref<1x128xi32, #tpu.memory_space<vmem>> -> memref<128xi32, #tpu.memory_space<vmem>>
        %dma_start3A_362 = arith.constant 0 : i32
        %dma_start3A_363 = tpu.memref_slice %arg2[%add3A_351, %dma_start3A_362] : memref<2560x128xi32, #tpu.memory_space<hbm>> -> memref<1x128xi32, #tpu.memory_space<hbm>>
        %dma_start3A_364 = tpu.memref_squeeze %dma_start3A_363 : memref<1x128xi32, #tpu.memory_space<hbm>> -> memref<128xi32, #tpu.memory_space<hbm>>
        tpu.enqueue_dma source(%dma_start3A_364 : memref<128xi32, #tpu.memory_space<hbm>>) target(%dma_start3A_361 : memref<128xi32, #tpu.memory_space<vmem>>) target_semaphore(%arg17 : memref<!tpu.dma_semaphore, #tpu.memory_space<semaphore_mem>>)
      } else {
      }
      %dma_start3A_296 = arith.constant 0 : i32
      %dma_start3A_297 = arith.constant 0 : i32
      %dma_start3A_298 = arith.constant 0 : i32
      %dma_start3A_299 = tpu.memref_slice %arg9[%dma_start3A_296, %dma_start3A_297, %dma_start3A_298] : memref<2x128x128xf32, #tpu.memory_space<vmem>> -> memref<1x128x128xf32, #tpu.memory_space<vmem>>
      %dma_start3A_300 = tpu.memref_squeeze %dma_start3A_299 : memref<1x128x128xf32, #tpu.memory_space<vmem>> -> memref<128x128xf32, #tpu.memory_space<vmem>>
      %dma_start3A_301 = arith.constant 0 : i32
      %dma_start3A_302 = tpu.memref_slice %arg8[%add3A_268, %dma_start3A_301] : memref<80x128xi32, #tpu.memory_space<vmem>> -> memref<1x128xi32, #tpu.memory_space<vmem>>
      %dma_start3A_303 = tpu.memref_squeeze %dma_start3A_302 : memref<1x128xi32, #tpu.memory_space<vmem>> -> memref<128xi32, #tpu.memory_space<vmem>>
      %dma_start3A_304 = arith.constant 0 : i32
      %dma_start3A_305 = arith.constant 0 : i32
      %dma_start3A_306 = tpu.memref_slice %arg10[%dma_start3A_304, %dma_start3A_305] : memref<10112x128xf32, #tpu.memory_space<vmem_shared>> -> memref<10112x128xf32, #tpu.memory_space<vmem_shared>>
      tpu.enqueue_indirect_dma source(%dma_start3A_300 : memref<128x128xf32, #tpu.memory_space<vmem>>) target(%dma_start3A_306 : memref<10112x128xf32, #tpu.memory_space<vmem_shared>>) offsets(%dma_start3A_303 : memref<128xi32, #tpu.memory_space<vmem>>) semaphore(%arg13 : memref<!tpu.dma_semaphore, #tpu.memory_space<semaphore_mem>>) {add = true}
      %mul3A_307 = arith.constant 4 : i32
      %mul3A_308 = arith.muli %while3A_182, %mul3A_307 : i32
      %add3A_309 = arith.constant 3 : i32
      %add3A_310 = arith.addi %mul3A_308, %add3A_309 : i32
      %add3A_311 = arith.constant 1 : i32
      %add3A_312 = arith.addi %add3A_310, %add3A_311 : i32
      %ge3A_313 = arith.constant 2 : i32
      %ge3A_314 = arith.cmpi sge, %add3A_312, %ge3A_313 : i32
      %lt3A_315 = arith.cmpi slt, %add3A_312, %select_n3A : i32
      %and3A_316 = arith.andi %ge3A_314, %lt3A_315 : i1
      %convert_element_type3A_317 = arith.extui %and3A_316 : i1 to i32
      %cond3A_318 = arith.constant 0 : i32
      %cond3A_319 = arith.cmpi ne, %convert_element_type3A_317, %cond3A_318 : i32
      scf.if %cond3A_319 {
        %dma_wait3A_349 = arith.constant 0 : i32
        %dma_wait3A_350 = arith.constant 0 : i32
        %dma_wait3A_351 = arith.constant 0 : i32
        %dma_wait3A_352 = arith.constant 0 : i32
        %dma_wait3A_353 = tpu.memref_slice %arg9[%dma_wait3A_349, %dma_wait3A_351, %dma_wait3A_352] : memref<2x128x128xf32, #tpu.memory_space<vmem>> -> memref<1x128x128xf32, #tpu.memory_space<vmem>>
        %dma_wait3A_354 = tpu.memref_squeeze %dma_wait3A_353 : memref<1x128x128xf32, #tpu.memory_space<vmem>> -> memref<128x128xf32, #tpu.memory_space<vmem>>
        %dma_wait3A_355 = arith.constant 0 : i32
        %dma_wait3A_356 = tpu.memref_slice %arg8[%dma_wait3A_350, %dma_wait3A_355] : memref<80x128xi32, #tpu.memory_space<vmem>> -> memref<1x128xi32, #tpu.memory_space<vmem>>
        %dma_wait3A_357 = tpu.memref_squeeze %dma_wait3A_356 : memref<1x128xi32, #tpu.memory_space<vmem>> -> memref<128xi32, #tpu.memory_space<vmem>>
        %dma_wait3A_358 = arith.constant 0 : i32
        %dma_wait3A_359 = arith.constant 0 : i32
        %dma_wait3A_360 = tpu.memref_slice %arg10[%dma_wait3A_358, %dma_wait3A_359] : memref<10112x128xf32, #tpu.memory_space<vmem_shared>> -> memref<10112x128xf32, #tpu.memory_space<vmem_shared>>
        tpu.wait_indirect_dma semaphore(%arg13 : memref<!tpu.dma_semaphore, #tpu.memory_space<semaphore_mem>>) src(%dma_wait3A_354 : memref<128x128xf32, #tpu.memory_space<vmem>>) dst(%dma_wait3A_360 : memref<10112x128xf32, #tpu.memory_space<vmem_shared>>)
        %dma_wait3A_361 = arith.constant 0 : i32
        %dma_wait3A_362 = arith.constant 0 : i32
        %dma_wait3A_363 = arith.constant 0 : i32
        %dma_wait3A_364 = tpu.memref_slice %arg7[%dma_wait3A_362, %dma_wait3A_363] : memref<4x128xi32, #tpu.memory_space<vmem>> -> memref<1x128xi32, #tpu.memory_space<vmem>>
        %dma_wait3A_365 = tpu.memref_squeeze %dma_wait3A_364 : memref<1x128xi32, #tpu.memory_space<vmem>> -> memref<128xi32, #tpu.memory_space<vmem>>
        %dma_wait3A_366 = arith.constant 0 : i32
        %dma_wait3A_367 = tpu.memref_slice %arg2[%dma_wait3A_361, %dma_wait3A_366] : memref<2560x128xi32, #tpu.memory_space<hbm>> -> memref<1x128xi32, #tpu.memory_space<hbm>>
        %dma_wait3A_368 = tpu.memref_squeeze %dma_wait3A_367 : memref<1x128xi32, #tpu.memory_space<hbm>> -> memref<128xi32, #tpu.memory_space<hbm>>
        %dma_wait3A_369 = arith.constant 0 : i32
        %dma_wait3A_370 = tpu.memref_slice %arg7[%dma_wait3A_362, %dma_wait3A_369] : memref<4x128xi32, #tpu.memory_space<vmem>> -> memref<1x128xi32, #tpu.memory_space<vmem>>
        %dma_wait3A_371 = tpu.memref_squeeze %dma_wait3A_370 : memref<1x128xi32, #tpu.memory_space<vmem>> -> memref<128xi32, #tpu.memory_space<vmem>>
        %dma_wait3A_372 = arith.constant 0 : i32
        %dma_wait3A_373 = tpu.memref_slice %arg2[%dma_wait3A_361, %dma_wait3A_372] : memref<2560x128xi32, #tpu.memory_space<hbm>> -> memref<1x128xi32, #tpu.memory_space<hbm>>
        %dma_wait3A_374 = tpu.memref_squeeze %dma_wait3A_373 : memref<1x128xi32, #tpu.memory_space<hbm>> -> memref<128xi32, #tpu.memory_space<hbm>>
        tpu.wait_dma2 semaphore(%arg15 : memref<!tpu.dma_semaphore, #tpu.memory_space<semaphore_mem>>) src(%dma_wait3A_374 : memref<128xi32, #tpu.memory_space<hbm>>) dst(%dma_wait3A_371 : memref<128xi32, #tpu.memory_space<vmem>>)
        %dma_start3A_375 = arith.constant 0 : i32
        %dma_start3A_376 = arith.constant 0 : i32
        %dma_start3A_377 = arith.constant 0 : i32
        %dma_start3A_378 = arith.constant 0 : i32
        %dma_start3A_379 = tpu.memref_slice %arg9[%dma_start3A_376, %dma_start3A_377, %dma_start3A_378] : memref<2x128x128xf32, #tpu.memory_space<vmem>> -> memref<1x128x128xf32, #tpu.memory_space<vmem>>
        %dma_start3A_380 = tpu.memref_squeeze %dma_start3A_379 : memref<1x128x128xf32, #tpu.memory_space<vmem>> -> memref<128x128xf32, #tpu.memory_space<vmem>>
        %dma_start3A_381 = arith.constant 0 : i32
        %dma_start3A_382 = tpu.memref_slice %arg7[%dma_start3A_375, %dma_start3A_381] : memref<4x128xi32, #tpu.memory_space<vmem>> -> memref<1x128xi32, #tpu.memory_space<vmem>>
        %dma_start3A_383 = tpu.memref_squeeze %dma_start3A_382 : memref<1x128xi32, #tpu.memory_space<vmem>> -> memref<128xi32, #tpu.memory_space<vmem>>
        %dma_start3A_384 = arith.constant 0 : i32
        %dma_start3A_385 = arith.constant 0 : i32
        %dma_start3A_386 = tpu.memref_slice %arg4[%dma_start3A_384, %dma_start3A_385] : memref<10112x128xf32, #tpu.memory_space<hbm>> -> memref<10112x128xf32, #tpu.memory_space<hbm>>
        tpu.enqueue_indirect_dma source(%dma_start3A_386 : memref<10112x128xf32, #tpu.memory_space<hbm>>) target(%dma_start3A_380 : memref<128x128xf32, #tpu.memory_space<vmem>>) offsets(%dma_start3A_383 : memref<128xi32, #tpu.memory_space<vmem>>) semaphore(%arg11 : memref<!tpu.dma_semaphore, #tpu.memory_space<semaphore_mem>>)
      } else {
      }
      %dma_wait3A_320 = arith.constant 3 : i32
      %dma_wait3A_321 = arith.constant 1 : i32
      %dma_wait3A_322 = arith.constant 0 : i32
      %dma_wait3A_323 = arith.constant 0 : i32
      %dma_wait3A_324 = tpu.memref_slice %arg9[%dma_wait3A_321, %dma_wait3A_322, %dma_wait3A_323] : memref<2x128x128xf32, #tpu.memory_space<vmem>> -> memref<1x128x128xf32, #tpu.memory_space<vmem>>
      %dma_wait3A_325 = tpu.memref_squeeze %dma_wait3A_324 : memref<1x128x128xf32, #tpu.memory_space<vmem>> -> memref<128x128xf32, #tpu.memory_space<vmem>>
      %dma_wait3A_326 = arith.constant 0 : i32
      %dma_wait3A_327 = tpu.memref_slice %arg7[%dma_wait3A_320, %dma_wait3A_326] : memref<4x128xi32, #tpu.memory_space<vmem>> -> memref<1x128xi32, #tpu.memory_space<vmem>>
      %dma_wait3A_328 = tpu.memref_squeeze %dma_wait3A_327 : memref<1x128xi32, #tpu.memory_space<vmem>> -> memref<128xi32, #tpu.memory_space<vmem>>
      %dma_wait3A_329 = arith.constant 0 : i32
      %dma_wait3A_330 = arith.constant 0 : i32
      %dma_wait3A_331 = tpu.memref_slice %arg4[%dma_wait3A_329, %dma_wait3A_330] : memref<10112x128xf32, #tpu.memory_space<hbm>> -> memref<10112x128xf32, #tpu.memory_space<hbm>>
      tpu.wait_indirect_dma semaphore(%arg12 : memref<!tpu.dma_semaphore, #tpu.memory_space<semaphore_mem>>) src(%dma_wait3A_331 : memref<10112x128xf32, #tpu.memory_space<hbm>>) dst(%dma_wait3A_325 : memref<128x128xf32, #tpu.memory_space<vmem>>)
      %add3A_332 = arith.constant 4 : i32
      %add3A_333 = arith.addi %add3A_310, %add3A_332 : i32
      %lt3A_334 = arith.cmpi slt, %add3A_333, %select_n3A : i32
      %convert_element_type3A_335 = arith.extui %lt3A_334 : i1 to i32
      %cond3A_336 = arith.constant 0 : i32
      %cond3A_337 = arith.cmpi ne, %convert_element_type3A_335, %cond3A_336 : i32
      scf.if %cond3A_337 {
        %add3A_349 = arith.constant 4 : i32
        %add3A_350 = arith.addi %add3A_310, %add3A_349 : i32
        %add3A_351 = arith.addi %select_n3A_6, %add3A_350 : i32
        %dma_start3A_352 = arith.constant 3 : i32
        %dma_start3A_353 = arith.constant 0 : i32
        %dma_start3A_354 = tpu.memref_slice %arg7[%dma_start3A_352, %dma_start3A_353] : memref<4x128xi32, #tpu.memory_space<vmem>> -> memref<1x128xi32, #tpu.memory_space<vmem>>
        %dma_start3A_355 = tpu.memref_squeeze %dma_start3A_354 : memref<1x128xi32, #tpu.memory_space<vmem>> -> memref<128xi32, #tpu.memory_space<vmem>>
        %dma_start3A_356 = arith.constant 0 : i32
        %dma_start3A_357 = tpu.memref_slice %arg2[%add3A_351, %dma_start3A_356] : memref<2560x128xi32, #tpu.memory_space<hbm>> -> memref<1x128xi32, #tpu.memory_space<hbm>>
        %dma_start3A_358 = tpu.memref_squeeze %dma_start3A_357 : memref<1x128xi32, #tpu.memory_space<hbm>> -> memref<128xi32, #tpu.memory_space<hbm>>
        %dma_start3A_359 = arith.constant 0 : i32
        %dma_start3A_360 = tpu.memref_slice %arg7[%dma_start3A_352, %dma_start3A_359] : memref<4x128xi32, #tpu.memory_space<vmem>> -> memref<1x128xi32, #tpu.memory_space<vmem>>
        %dma_start3A_361 = tpu.memref_squeeze %dma_start3A_360 : memref<1x128xi32, #tpu.memory_space<vmem>> -> memref<128xi32, #tpu.memory_space<vmem>>
        %dma_start3A_362 = arith.constant 0 : i32
        %dma_start3A_363 = tpu.memref_slice %arg2[%add3A_351, %dma_start3A_362] : memref<2560x128xi32, #tpu.memory_space<hbm>> -> memref<1x128xi32, #tpu.memory_space<hbm>>
        %dma_start3A_364 = tpu.memref_squeeze %dma_start3A_363 : memref<1x128xi32, #tpu.memory_space<hbm>> -> memref<128xi32, #tpu.memory_space<hbm>>
        tpu.enqueue_dma source(%dma_start3A_364 : memref<128xi32, #tpu.memory_space<hbm>>) target(%dma_start3A_361 : memref<128xi32, #tpu.memory_space<vmem>>) target_semaphore(%arg18 : memref<!tpu.dma_semaphore, #tpu.memory_space<semaphore_mem>>)
      } else {
      }
      %dma_start3A_338 = arith.constant 1 : i32
      %dma_start3A_339 = arith.constant 0 : i32
      %dma_start3A_340 = arith.constant 0 : i32
      %dma_start3A_341 = tpu.memref_slice %arg9[%dma_start3A_338, %dma_start3A_339, %dma_start3A_340] : memref<2x128x128xf32, #tpu.memory_space<vmem>> -> memref<1x128x128xf32, #tpu.memory_space<vmem>>
      %dma_start3A_342 = tpu.memref_squeeze %dma_start3A_341 : memref<1x128x128xf32, #tpu.memory_space<vmem>> -> memref<128x128xf32, #tpu.memory_space<vmem>>
      %dma_start3A_343 = arith.constant 0 : i32
      %dma_start3A_344 = tpu.memref_slice %arg8[%add3A_310, %dma_start3A_343] : memref<80x128xi32, #tpu.memory_space<vmem>> -> memref<1x128xi32, #tpu.memory_space<vmem>>
      %dma_start3A_345 = tpu.memref_squeeze %dma_start3A_344 : memref<1x128xi32, #tpu.memory_space<vmem>> -> memref<128xi32, #tpu.memory_space<vmem>>
      %dma_start3A_346 = arith.constant 0 : i32
      %dma_start3A_347 = arith.constant 0 : i32
      %dma_start3A_348 = tpu.memref_slice %arg10[%dma_start3A_346, %dma_start3A_347] : memref<10112x128xf32, #tpu.memory_space<vmem_shared>> -> memref<10112x128xf32, #tpu.memory_space<vmem_shared>>
      tpu.enqueue_indirect_dma source(%dma_start3A_342 : memref<128x128xf32, #tpu.memory_space<vmem>>) target(%dma_start3A_348 : memref<10112x128xf32, #tpu.memory_space<vmem_shared>>) offsets(%dma_start3A_345 : memref<128xi32, #tpu.memory_space<vmem>>) semaphore(%arg14 : memref<!tpu.dma_semaphore, #tpu.memory_space<semaphore_mem>>) {add = true}
    }
    %dma_wait3A_153 = arith.constant 0 : i32
    %dma_wait3A_154 = arith.constant 0 : i32
    %dma_wait3A_155 = arith.constant 0 : i32
    %dma_wait3A_156 = arith.constant 0 : i32
    %dma_wait3A_157 = tpu.memref_slice %arg9[%dma_wait3A_153, %dma_wait3A_155, %dma_wait3A_156] : memref<2x128x128xf32, #tpu.memory_space<vmem>> -> memref<1x128x128xf32, #tpu.memory_space<vmem>>
    %dma_wait3A_158 = tpu.memref_squeeze %dma_wait3A_157 : memref<1x128x128xf32, #tpu.memory_space<vmem>> -> memref<128x128xf32, #tpu.memory_space<vmem>>
    %dma_wait3A_159 = arith.constant 0 : i32
    %dma_wait3A_160 = tpu.memref_slice %arg8[%dma_wait3A_154, %dma_wait3A_159] : memref<80x128xi32, #tpu.memory_space<vmem>> -> memref<1x128xi32, #tpu.memory_space<vmem>>
    %dma_wait3A_161 = tpu.memref_squeeze %dma_wait3A_160 : memref<1x128xi32, #tpu.memory_space<vmem>> -> memref<128xi32, #tpu.memory_space<vmem>>
    %dma_wait3A_162 = arith.constant 0 : i32
    %dma_wait3A_163 = arith.constant 0 : i32
    %dma_wait3A_164 = tpu.memref_slice %arg10[%dma_wait3A_162, %dma_wait3A_163] : memref<10112x128xf32, #tpu.memory_space<vmem_shared>> -> memref<10112x128xf32, #tpu.memory_space<vmem_shared>>
    tpu.wait_indirect_dma semaphore(%arg13 : memref<!tpu.dma_semaphore, #tpu.memory_space<semaphore_mem>>) src(%dma_wait3A_158 : memref<128x128xf32, #tpu.memory_space<vmem>>) dst(%dma_wait3A_164 : memref<10112x128xf32, #tpu.memory_space<vmem_shared>>)
    %dma_wait3A_165 = arith.constant 1 : i32
    %dma_wait3A_166 = arith.constant 0 : i32
    %dma_wait3A_167 = arith.constant 0 : i32
    %dma_wait3A_168 = arith.constant 0 : i32
    %dma_wait3A_169 = tpu.memref_slice %arg9[%dma_wait3A_165, %dma_wait3A_167, %dma_wait3A_168] : memref<2x128x128xf32, #tpu.memory_space<vmem>> -> memref<1x128x128xf32, #tpu.memory_space<vmem>>
    %dma_wait3A_170 = tpu.memref_squeeze %dma_wait3A_169 : memref<1x128x128xf32, #tpu.memory_space<vmem>> -> memref<128x128xf32, #tpu.memory_space<vmem>>
    %dma_wait3A_171 = arith.constant 0 : i32
    %dma_wait3A_172 = tpu.memref_slice %arg8[%dma_wait3A_166, %dma_wait3A_171] : memref<80x128xi32, #tpu.memory_space<vmem>> -> memref<1x128xi32, #tpu.memory_space<vmem>>
    %dma_wait3A_173 = tpu.memref_squeeze %dma_wait3A_172 : memref<1x128xi32, #tpu.memory_space<vmem>> -> memref<128xi32, #tpu.memory_space<vmem>>
    %dma_wait3A_174 = arith.constant 0 : i32
    %dma_wait3A_175 = arith.constant 0 : i32
    %dma_wait3A_176 = tpu.memref_slice %arg10[%dma_wait3A_174, %dma_wait3A_175] : memref<10112x128xf32, #tpu.memory_space<vmem_shared>> -> memref<10112x128xf32, #tpu.memory_space<vmem_shared>>
    tpu.wait_indirect_dma semaphore(%arg14 : memref<!tpu.dma_semaphore, #tpu.memory_space<semaphore_mem>>) src(%dma_wait3A_170 : memref<128x128xf32, #tpu.memory_space<vmem>>) dst(%dma_wait3A_176 : memref<10112x128xf32, #tpu.memory_space<vmem_shared>>)
    %barrier3A_177 = arith.constant 0 : index
    tpu.barrier barrier_id(%barrier3A_177)
    %mul3A_178 = arith.constant 632 : i32
    %mul3A_179 = arith.muli %arg1, %mul3A_178 : i32
    %mul3A_180 = arith.constant 632 : i32
    %mul3A_181 = arith.muli %arg1, %mul3A_180 : i32
    "tpu.region"() ({
      %run_scoped3A = tpu.sem_alloc : memref<!tpu.dma_semaphore, #tpu.memory_space<semaphore_mem>>
      %dma_start3A_182 = arith.constant 0 : i32
      %dma_start3A_183 = tpu.memref_slice %arg6[%arg0, %mul3A_181, %dma_start3A_182] : memref<2x10112x128xf32, #tpu.memory_space<hbm>> -> memref<1x632x128xf32, #tpu.memory_space<hbm>>
      %dma_start3A_184 = tpu.memref_squeeze %dma_start3A_183 : memref<1x632x128xf32, #tpu.memory_space<hbm>> -> memref<632x128xf32, #tpu.memory_space<hbm>>
      %dma_start3A_185 = arith.constant 0 : i32
      %dma_start3A_186 = tpu.memref_slice %arg10[%mul3A_179, %dma_start3A_185] : memref<10112x128xf32, #tpu.memory_space<vmem_shared>> -> memref<632x128xf32, #tpu.memory_space<vmem_shared>>
      tpu.enqueue_dma source(%dma_start3A_186 : memref<632x128xf32, #tpu.memory_space<vmem_shared>>) target(%dma_start3A_184 : memref<632x128xf32, #tpu.memory_space<hbm>>) target_semaphore(%run_scoped3A : memref<!tpu.dma_semaphore, #tpu.memory_space<semaphore_mem>>)
      %dma_wait3A_187 = arith.constant 0 : i32
      %dma_wait3A_188 = tpu.memref_slice %arg6[%arg0, %mul3A_181, %dma_wait3A_187] : memref<2x10112x128xf32, #tpu.memory_space<hbm>> -> memref<1x632x128xf32, #tpu.memory_space<hbm>>
      %dma_wait3A_189 = tpu.memref_squeeze %dma_wait3A_188 : memref<1x632x128xf32, #tpu.memory_space<hbm>> -> memref<632x128xf32, #tpu.memory_space<hbm>>
      %dma_wait3A_190 = arith.constant 0 : i32
      %dma_wait3A_191 = tpu.memref_slice %arg10[%mul3A_179, %dma_wait3A_190] : memref<10112x128xf32, #tpu.memory_space<vmem_shared>> -> memref<632x128xf32, #tpu.memory_space<vmem_shared>>
      tpu.wait_dma2 semaphore(%run_scoped3A : memref<!tpu.dma_semaphore, #tpu.memory_space<semaphore_mem>>) src(%dma_wait3A_191 : memref<632x128xf32, #tpu.memory_space<vmem_shared>>) dst(%dma_wait3A_189 : memref<632x128xf32, #tpu.memory_space<hbm>>)
      tpu.yield
    }) : () -> ()
    return
  }
}

#map = affine_map<(d0, d1) -> (0, 0)>
#map1 = affine_map<(d0, d1) -> (0, 0, 0)>
module attributes {stable_mosaic.version = 14 : i64} {
  func.func @_deg_body(%arg0: i32, %arg1: i32, %arg2: memref<2560x128xi32, #tpu.memory_space<hbm>>, %arg3: memref<128x128xf32, #tpu.memory_space<hbm>>, %arg4: memref<10112x128xf32, #tpu.memory_space<hbm>>, %arg5: memref<2x10112x128xf32, #tpu.memory_space<hbm>>, %arg6: memref<80x128xi32, #tpu.memory_space<vmem>>, %arg7: memref<128x128xf32, #tpu.memory_space<vmem>>, %arg8: memref<10112x128xf32, #tpu.memory_space<vmem_shared>>) attributes {dimension_semantics = [#tpu.dimension_semantics<core_parallel>, #tpu.dimension_semantics<subcore_parallel>], iteration_bounds = array<i64: 2, 16>, scalar_prefetch = 0 : i64, scratch_operands = 3 : i64, tpu.core_type = #tpu.core_type<sc_vector_subcore>, window_params = [{transform_indices = #map}, {transform_indices = #map}, {transform_indices = #map}, {transform_indices = #map1}]} {
    %mul3A = arith.constant 16 : i32
    %mul3A_0 = arith.muli %arg0, %mul3A : i32
    %add3A = arith.addi %mul3A_0, %arg1 : i32
    %mul3A_1 = arith.constant 80 : i32
    %mul3A_2 = arith.muli %add3A, %mul3A_1 : i32
    "tpu.region"() ({
      %run_scoped3A = tpu.sem_alloc : memref<!tpu.dma_semaphore, #tpu.memory_space<semaphore_mem>>
      %dma_start3A = arith.constant 0 : i32
      %dma_start3A_17 = tpu.memref_slice %arg2[%mul3A_2, %dma_start3A] : memref<2560x128xi32, #tpu.memory_space<hbm>> -> memref<80x128xi32, #tpu.memory_space<hbm>>
      %dma_start3A_18 = arith.constant 0 : i32
      %dma_start3A_19 = tpu.memref_slice %arg2[%mul3A_2, %dma_start3A_18] : memref<2560x128xi32, #tpu.memory_space<hbm>> -> memref<80x128xi32, #tpu.memory_space<hbm>>
      tpu.enqueue_dma source(%dma_start3A_19 : memref<80x128xi32, #tpu.memory_space<hbm>>) target(%arg6 : memref<80x128xi32, #tpu.memory_space<vmem>>) target_semaphore(%run_scoped3A : memref<!tpu.dma_semaphore, #tpu.memory_space<semaphore_mem>>)
      %dma_wait3A = arith.constant 0 : i32
      %dma_wait3A_20 = tpu.memref_slice %arg2[%mul3A_2, %dma_wait3A] : memref<2560x128xi32, #tpu.memory_space<hbm>> -> memref<80x128xi32, #tpu.memory_space<hbm>>
      %dma_wait3A_21 = arith.constant 0 : i32
      %dma_wait3A_22 = tpu.memref_slice %arg2[%mul3A_2, %dma_wait3A_21] : memref<2560x128xi32, #tpu.memory_space<hbm>> -> memref<80x128xi32, #tpu.memory_space<hbm>>
      tpu.wait_dma2 semaphore(%run_scoped3A : memref<!tpu.dma_semaphore, #tpu.memory_space<semaphore_mem>>) src(%dma_wait3A_22 : memref<80x128xi32, #tpu.memory_space<hbm>>) dst(%arg6 : memref<80x128xi32, #tpu.memory_space<vmem>>)
      tpu.yield
    }) : () -> ()
    "tpu.region"() ({
      %run_scoped3A = tpu.sem_alloc : memref<!tpu.dma_semaphore, #tpu.memory_space<semaphore_mem>>
      tpu.enqueue_dma source(%arg3 : memref<128x128xf32, #tpu.memory_space<hbm>>) target(%arg7 : memref<128x128xf32, #tpu.memory_space<vmem>>) target_semaphore(%run_scoped3A : memref<!tpu.dma_semaphore, #tpu.memory_space<semaphore_mem>>)
      tpu.wait_dma2 semaphore(%run_scoped3A : memref<!tpu.dma_semaphore, #tpu.memory_space<semaphore_mem>>) src(%arg3 : memref<128x128xf32, #tpu.memory_space<hbm>>) dst(%arg7 : memref<128x128xf32, #tpu.memory_space<vmem>>)
      tpu.yield
    }) : () -> ()
    %mul3A_3 = arith.constant 632 : i32
    %mul3A_4 = arith.muli %arg1, %mul3A_3 : i32
    %mul3A_5 = arith.constant 632 : i32
    %mul3A_6 = arith.muli %arg1, %mul3A_5 : i32
    "tpu.region"() ({
      %run_scoped3A = tpu.sem_alloc : memref<!tpu.dma_semaphore, #tpu.memory_space<semaphore_mem>>
      %dma_start3A = arith.constant 0 : i32
      %dma_start3A_17 = tpu.memref_slice %arg8[%mul3A_6, %dma_start3A] : memref<10112x128xf32, #tpu.memory_space<vmem_shared>> -> memref<632x128xf32, #tpu.memory_space<vmem_shared>>
      %dma_start3A_18 = arith.constant 0 : i32
      %dma_start3A_19 = tpu.memref_slice %arg4[%mul3A_4, %dma_start3A_18] : memref<10112x128xf32, #tpu.memory_space<hbm>> -> memref<632x128xf32, #tpu.memory_space<hbm>>
      tpu.enqueue_dma source(%dma_start3A_19 : memref<632x128xf32, #tpu.memory_space<hbm>>) target(%dma_start3A_17 : memref<632x128xf32, #tpu.memory_space<vmem_shared>>) target_semaphore(%run_scoped3A : memref<!tpu.dma_semaphore, #tpu.memory_space<semaphore_mem>>)
      %dma_wait3A = arith.constant 0 : i32
      %dma_wait3A_20 = tpu.memref_slice %arg8[%mul3A_6, %dma_wait3A] : memref<10112x128xf32, #tpu.memory_space<vmem_shared>> -> memref<632x128xf32, #tpu.memory_space<vmem_shared>>
      %dma_wait3A_21 = arith.constant 0 : i32
      %dma_wait3A_22 = tpu.memref_slice %arg4[%mul3A_4, %dma_wait3A_21] : memref<10112x128xf32, #tpu.memory_space<hbm>> -> memref<632x128xf32, #tpu.memory_space<hbm>>
      tpu.wait_dma2 semaphore(%run_scoped3A : memref<!tpu.dma_semaphore, #tpu.memory_space<semaphore_mem>>) src(%dma_wait3A_22 : memref<632x128xf32, #tpu.memory_space<hbm>>) dst(%dma_wait3A_20 : memref<632x128xf32, #tpu.memory_space<vmem_shared>>)
      tpu.yield
    }) : () -> ()
    %barrier3A = arith.constant 0 : index
    tpu.barrier barrier_id(%barrier3A)
    %scan3A = arith.constant 0 : i32
    %scan3A_7 = arith.constant 0 : i32
    %scan3A_8 = arith.constant 80 : i32
    %scan3A_9 = arith.addi %scan3A_7, %scan3A_8 : i32
    %scan3A_10 = arith.constant 1 : i32
    scf.for %scan3A_17 = %scan3A_7 to %scan3A_9 step %scan3A_10  : i32 {
      "tpu.region"() ({
        %run_scoped3A = tpu.sem_alloc : memref<!tpu.dma_semaphore, #tpu.memory_space<semaphore_mem>>
        %dma_start3A = arith.constant 0 : i32
        %dma_start3A_18 = tpu.memref_slice %arg6[%scan3A_17, %dma_start3A] : memref<80x128xi32, #tpu.memory_space<vmem>> -> memref<1x128xi32, #tpu.memory_space<vmem>>
        %dma_start3A_19 = tpu.memref_squeeze %dma_start3A_18 : memref<1x128xi32, #tpu.memory_space<vmem>> -> memref<128xi32, #tpu.memory_space<vmem>>
        %dma_start3A_20 = arith.constant 0 : i32
        %dma_start3A_21 = arith.constant 0 : i32
        %dma_start3A_22 = tpu.memref_slice %arg8[%dma_start3A_20, %dma_start3A_21] : memref<10112x128xf32, #tpu.memory_space<vmem_shared>> -> memref<10112x128xf32, #tpu.memory_space<vmem_shared>>
        tpu.enqueue_indirect_dma source(%arg7 : memref<128x128xf32, #tpu.memory_space<vmem>>) target(%dma_start3A_22 : memref<10112x128xf32, #tpu.memory_space<vmem_shared>>) offsets(%dma_start3A_19 : memref<128xi32, #tpu.memory_space<vmem>>) semaphore(%run_scoped3A : memref<!tpu.dma_semaphore, #tpu.memory_space<semaphore_mem>>) {add = true}
        %dma_wait3A = arith.constant 0 : i32
        %dma_wait3A_23 = tpu.memref_slice %arg6[%scan3A_17, %dma_wait3A] : memref<80x128xi32, #tpu.memory_space<vmem>> -> memref<1x128xi32, #tpu.memory_space<vmem>>
        %dma_wait3A_24 = tpu.memref_squeeze %dma_wait3A_23 : memref<1x128xi32, #tpu.memory_space<vmem>> -> memref<128xi32, #tpu.memory_space<vmem>>
        %dma_wait3A_25 = arith.constant 0 : i32
        %dma_wait3A_26 = arith.constant 0 : i32
        %dma_wait3A_27 = tpu.memref_slice %arg8[%dma_wait3A_25, %dma_wait3A_26] : memref<10112x128xf32, #tpu.memory_space<vmem_shared>> -> memref<10112x128xf32, #tpu.memory_space<vmem_shared>>
        tpu.wait_indirect_dma semaphore(%run_scoped3A : memref<!tpu.dma_semaphore, #tpu.memory_space<semaphore_mem>>) src(%arg7 : memref<128x128xf32, #tpu.memory_space<vmem>>) dst(%dma_wait3A_27 : memref<10112x128xf32, #tpu.memory_space<vmem_shared>>)
        tpu.yield
      }) : () -> ()
    }
    %scan3A_11 = arith.constant 80 : i32
    %barrier3A_12 = arith.constant 0 : index
    tpu.barrier barrier_id(%barrier3A_12)
    %mul3A_13 = arith.constant 632 : i32
    %mul3A_14 = arith.muli %arg1, %mul3A_13 : i32
    %mul3A_15 = arith.constant 632 : i32
    %mul3A_16 = arith.muli %arg1, %mul3A_15 : i32
    "tpu.region"() ({
      %run_scoped3A = tpu.sem_alloc : memref<!tpu.dma_semaphore, #tpu.memory_space<semaphore_mem>>
      %dma_start3A = arith.constant 0 : i32
      %dma_start3A_17 = tpu.memref_slice %arg5[%arg0, %mul3A_16, %dma_start3A] : memref<2x10112x128xf32, #tpu.memory_space<hbm>> -> memref<1x632x128xf32, #tpu.memory_space<hbm>>
      %dma_start3A_18 = tpu.memref_squeeze %dma_start3A_17 : memref<1x632x128xf32, #tpu.memory_space<hbm>> -> memref<632x128xf32, #tpu.memory_space<hbm>>
      %dma_start3A_19 = arith.constant 0 : i32
      %dma_start3A_20 = tpu.memref_slice %arg8[%mul3A_14, %dma_start3A_19] : memref<10112x128xf32, #tpu.memory_space<vmem_shared>> -> memref<632x128xf32, #tpu.memory_space<vmem_shared>>
      tpu.enqueue_dma source(%dma_start3A_20 : memref<632x128xf32, #tpu.memory_space<vmem_shared>>) target(%dma_start3A_18 : memref<632x128xf32, #tpu.memory_space<hbm>>) target_semaphore(%run_scoped3A : memref<!tpu.dma_semaphore, #tpu.memory_space<semaphore_mem>>)
      %dma_wait3A = arith.constant 0 : i32
      %dma_wait3A_21 = tpu.memref_slice %arg5[%arg0, %mul3A_16, %dma_wait3A] : memref<2x10112x128xf32, #tpu.memory_space<hbm>> -> memref<1x632x128xf32, #tpu.memory_space<hbm>>
      %dma_wait3A_22 = tpu.memref_squeeze %dma_wait3A_21 : memref<1x632x128xf32, #tpu.memory_space<hbm>> -> memref<632x128xf32, #tpu.memory_space<hbm>>
      %dma_wait3A_23 = arith.constant 0 : i32
      %dma_wait3A_24 = tpu.memref_slice %arg8[%mul3A_14, %dma_wait3A_23] : memref<10112x128xf32, #tpu.memory_space<vmem_shared>> -> memref<632x128xf32, #tpu.memory_space<vmem_shared>>
      tpu.wait_dma2 semaphore(%run_scoped3A : memref<!tpu.dma_semaphore, #tpu.memory_space<semaphore_mem>>) src(%dma_wait3A_24 : memref<632x128xf32, #tpu.memory_space<vmem_shared>>) dst(%dma_wait3A_22 : memref<632x128xf32, #tpu.memory_space<hbm>>)
      tpu.yield
    }) : () -> ()
    return
  }
}

#map = affine_map<(d0, d1) -> (0, 0)>
#map1 = affine_map<(d0, d1) -> (0, 0, 0)>
module attributes {stable_mosaic.version = 14 : i64} {
  func.func @_prop_body(%arg0: i32, %arg1: i32, %arg2: memref<2560x128xi32, #tpu.memory_space<hbm>>, %arg3: memref<2560x128xi32, #tpu.memory_space<hbm>>, %arg4: memref<10112x128xf32, #tpu.memory_space<hbm>>, %arg5: memref<10112x128xf32, #tpu.memory_space<hbm>>, %arg6: memref<2x10112x128xf32, #tpu.memory_space<hbm>>, %arg7: memref<4x128xi32, #tpu.memory_space<vmem>>, %arg8: memref<80x128xi32, #tpu.memory_space<vmem>>, %arg9: memref<2x128x128xf32, #tpu.memory_space<vmem>>, %arg10: memref<10112x128xf32, #tpu.memory_space<vmem_shared>>, %arg11: memref<!tpu.dma_semaphore, #tpu.memory_space<semaphore_mem>>, %arg12: memref<!tpu.dma_semaphore, #tpu.memory_space<semaphore_mem>>, %arg13: memref<!tpu.dma_semaphore, #tpu.memory_space<semaphore_mem>>, %arg14: memref<!tpu.dma_semaphore, #tpu.memory_space<semaphore_mem>>, %arg15: memref<!tpu.dma_semaphore, #tpu.memory_space<semaphore_mem>>, %arg16: memref<!tpu.dma_semaphore, #tpu.memory_space<semaphore_mem>>, %arg17: memref<!tpu.dma_semaphore, #tpu.memory_space<semaphore_mem>>, %arg18: memref<!tpu.dma_semaphore, #tpu.memory_space<semaphore_mem>>) attributes {dimension_semantics = [#tpu.dimension_semantics<core_parallel>, #tpu.dimension_semantics<subcore_parallel>], iteration_bounds = array<i64: 2, 16>, scalar_prefetch = 0 : i64, scratch_operands = 12 : i64, tpu.core_type = #tpu.core_type<sc_vector_subcore>, window_params = [{transform_indices = #map}, {transform_indices = #map}, {transform_indices = #map}, {transform_indices = #map}, {transform_indices = #map1}]} {
    %eq3A = arith.constant 1 : i32
    %eq3A_0 = arith.cmpi eq, %arg0, %eq3A : i32
    %jit3A = arith.constant 80 : i32
    %jit3A_1 = arith.constant 80 : i32
    %select_n3A = arith.select %eq3A_0, %jit3A, %jit3A_1 : i32
    %mul3A = arith.constant 80 : i32
    %mul3A_2 = arith.muli %arg1, %mul3A : i32
    %mul3A_3 = arith.constant 80 : i32
    %mul3A_4 = arith.muli %arg1, %mul3A_3 : i32
    %add3A = arith.constant 1280 : i32
    %add3A_5 = arith.addi %add3A, %mul3A_4 : i32
    %select_n3A_6 = arith.select %eq3A_0, %mul3A_2, %add3A_5 : i32
    %convert_element_type3A = arith.extui %eq3A_0 : i1 to i32
    %cond3A = arith.constant 0 : i32
    %cond3A_7 = arith.cmpi ne, %convert_element_type3A, %cond3A : i32
    scf.if %cond3A_7 {
      %mul3A_182 = arith.constant 80 : i32
      %mul3A_183 = arith.muli %arg1, %mul3A_182 : i32
      "tpu.region"() ({
        %run_scoped3A = tpu.sem_alloc : memref<!tpu.dma_semaphore, #tpu.memory_space<semaphore_mem>>
        %dma_start3A_184 = arith.constant 0 : i32
        %dma_start3A_185 = arith.constant 0 : i32
        %dma_start3A_186 = tpu.memref_slice %arg8[%dma_start3A_184, %dma_start3A_185] : memref<80x128xi32, #tpu.memory_space<vmem>> -> memref<80x128xi32, #tpu.memory_space<vmem>>
        %dma_start3A_187 = arith.constant 0 : i32
        %dma_start3A_188 = tpu.memref_slice %arg3[%mul3A_183, %dma_start3A_187] : memref<2560x128xi32, #tpu.memory_space<hbm>> -> memref<80x128xi32, #tpu.memory_space<hbm>>
        %dma_start3A_189 = arith.constant 0 : i32
        %dma_start3A_190 = arith.constant 0 : i32
        %dma_start3A_191 = tpu.memref_slice %arg8[%dma_start3A_189, %dma_start3A_190] : memref<80x128xi32, #tpu.memory_space<vmem>> -> memref<80x128xi32, #tpu.memory_space<vmem>>
        %dma_start3A_192 = arith.constant 0 : i32
        %dma_start3A_193 = tpu.memref_slice %arg3[%mul3A_183, %dma_start3A_192] : memref<2560x128xi32, #tpu.memory_space<hbm>> -> memref<80x128xi32, #tpu.memory_space<hbm>>
        tpu.enqueue_dma source(%dma_start3A_193 : memref<80x128xi32, #tpu.memory_space<hbm>>) target(%dma_start3A_191 : memref<80x128xi32, #tpu.memory_space<vmem>>) target_semaphore(%run_scoped3A : memref<!tpu.dma_semaphore, #tpu.memory_space<semaphore_mem>>)
        %dma_wait3A_194 = arith.constant 0 : i32
        %dma_wait3A_195 = arith.constant 0 : i32
        %dma_wait3A_196 = tpu.memref_slice %arg8[%dma_wait3A_194, %dma_wait3A_195] : memref<80x128xi32, #tpu.memory_space<vmem>> -> memref<80x128xi32, #tpu.memory_space<vmem>>
        %dma_wait3A_197 = arith.constant 0 : i32
        %dma_wait3A_198 = tpu.memref_slice %arg3[%mul3A_183, %dma_wait3A_197] : memref<2560x128xi32, #tpu.memory_space<hbm>> -> memref<80x128xi32, #tpu.memory_space<hbm>>
        %dma_wait3A_199 = arith.constant 0 : i32
        %dma_wait3A_200 = arith.constant 0 : i32
        %dma_wait3A_201 = tpu.memref_slice %arg8[%dma_wait3A_199, %dma_wait3A_200] : memref<80x128xi32, #tpu.memory_space<vmem>> -> memref<80x128xi32, #tpu.memory_space<vmem>>
        %dma_wait3A_202 = arith.constant 0 : i32
        %dma_wait3A_203 = tpu.memref_slice %arg3[%mul3A_183, %dma_wait3A_202] : memref<2560x128xi32, #tpu.memory_space<hbm>> -> memref<80x128xi32, #tpu.memory_space<hbm>>
        tpu.wait_dma2 semaphore(%run_scoped3A : memref<!tpu.dma_semaphore, #tpu.memory_space<semaphore_mem>>) src(%dma_wait3A_203 : memref<80x128xi32, #tpu.memory_space<hbm>>) dst(%dma_wait3A_201 : memref<80x128xi32, #tpu.memory_space<vmem>>)
        tpu.yield
      }) : () -> ()
    } else {
    }
    %not3A = arith.constant true
    %not3A_8 = arith.xori %eq3A_0, %not3A : i1
    %convert_element_type3A_9 = arith.extui %not3A_8 : i1 to i32
    %cond3A_10 = arith.constant 0 : i32
    %cond3A_11 = arith.cmpi ne, %convert_element_type3A_9, %cond3A_10 : i32
    scf.if %cond3A_11 {
      %mul3A_182 = arith.constant 80 : i32
      %mul3A_183 = arith.muli %arg1, %mul3A_182 : i32
      %add3A_184 = arith.constant 1280 : i32
      %add3A_185 = arith.addi %add3A_184, %mul3A_183 : i32
      "tpu.region"() ({
        %run_scoped3A = tpu.sem_alloc : memref<!tpu.dma_semaphore, #tpu.memory_space<semaphore_mem>>
        %dma_start3A_186 = arith.constant 0 : i32
        %dma_start3A_187 = arith.constant 0 : i32
        %dma_start3A_188 = tpu.memref_slice %arg8[%dma_start3A_186, %dma_start3A_187] : memref<80x128xi32, #tpu.memory_space<vmem>> -> memref<80x128xi32, #tpu.memory_space<vmem>>
        %dma_start3A_189 = arith.constant 0 : i32
        %dma_start3A_190 = tpu.memref_slice %arg3[%add3A_185, %dma_start3A_189] : memref<2560x128xi32, #tpu.memory_space<hbm>> -> memref<80x128xi32, #tpu.memory_space<hbm>>
        %dma_start3A_191 = arith.constant 0 : i32
        %dma_start3A_192 = arith.constant 0 : i32
        %dma_start3A_193 = tpu.memref_slice %arg8[%dma_start3A_191, %dma_start3A_192] : memref<80x128xi32, #tpu.memory_space<vmem>> -> memref<80x128xi32, #tpu.memory_space<vmem>>
        %dma_start3A_194 = arith.constant 0 : i32
        %dma_start3A_195 = tpu.memref_slice %arg3[%add3A_185, %dma_start3A_194] : memref<2560x128xi32, #tpu.memory_space<hbm>> -> memref<80x128xi32, #tpu.memory_space<hbm>>
        tpu.enqueue_dma source(%dma_start3A_195 : memref<80x128xi32, #tpu.memory_space<hbm>>) target(%dma_start3A_193 : memref<80x128xi32, #tpu.memory_space<vmem>>) target_semaphore(%run_scoped3A : memref<!tpu.dma_semaphore, #tpu.memory_space<semaphore_mem>>)
        %dma_wait3A_196 = arith.constant 0 : i32
        %dma_wait3A_197 = arith.constant 0 : i32
        %dma_wait3A_198 = tpu.memref_slice %arg8[%dma_wait3A_196, %dma_wait3A_197] : memref<80x128xi32, #tpu.memory_space<vmem>> -> memref<80x128xi32, #tpu.memory_space<vmem>>
        %dma_wait3A_199 = arith.constant 0 : i32
        %dma_wait3A_200 = tpu.memref_slice %arg3[%add3A_185, %dma_wait3A_199] : memref<2560x128xi32, #tpu.memory_space<hbm>> -> memref<80x128xi32, #tpu.memory_space<hbm>>
        %dma_wait3A_201 = arith.constant 0 : i32
        %dma_wait3A_202 = arith.constant 0 : i32
        %dma_wait3A_203 = tpu.memref_slice %arg8[%dma_wait3A_201, %dma_wait3A_202] : memref<80x128xi32, #tpu.memory_space<vmem>> -> memref<80x128xi32, #tpu.memory_space<vmem>>
        %dma_wait3A_204 = arith.constant 0 : i32
        %dma_wait3A_205 = tpu.memref_slice %arg3[%add3A_185, %dma_wait3A_204] : memref<2560x128xi32, #tpu.memory_space<hbm>> -> memref<80x128xi32, #tpu.memory_space<hbm>>
        tpu.wait_dma2 semaphore(%run_scoped3A : memref<!tpu.dma_semaphore, #tpu.memory_space<semaphore_mem>>) src(%dma_wait3A_205 : memref<80x128xi32, #tpu.memory_space<hbm>>) dst(%dma_wait3A_203 : memref<80x128xi32, #tpu.memory_space<vmem>>)
        tpu.yield
      }) : () -> ()
    } else {
    }
    %add3A_12 = arith.constant 0 : i32
    %add3A_13 = arith.addi %select_n3A_6, %add3A_12 : i32
    %dma_start3A = arith.constant 0 : i32
    %dma_start3A_14 = arith.constant 0 : i32
    %dma_start3A_15 = tpu.memref_slice %arg7[%dma_start3A, %dma_start3A_14] : memref<4x128xi32, #tpu.memory_space<vmem>> -> memref<1x128xi32, #tpu.memory_space<vmem>>
    %dma_start3A_16 = tpu.memref_squeeze %dma_start3A_15 : memref<1x128xi32, #tpu.memory_space<vmem>> -> memref<128xi32, #tpu.memory_space<vmem>>
    %dma_start3A_17 = arith.constant 0 : i32
    %dma_start3A_18 = tpu.memref_slice %arg2[%add3A_13, %dma_start3A_17] : memref<2560x128xi32, #tpu.memory_space<hbm>> -> memref<1x128xi32, #tpu.memory_space<hbm>>
    %dma_start3A_19 = tpu.memref_squeeze %dma_start3A_18 : memref<1x128xi32, #tpu.memory_space<hbm>> -> memref<128xi32, #tpu.memory_space<hbm>>
    %dma_start3A_20 = arith.constant 0 : i32
    %dma_start3A_21 = tpu.memref_slice %arg7[%dma_start3A, %dma_start3A_20] : memref<4x128xi32, #tpu.memory_space<vmem>> -> memref<1x128xi32, #tpu.memory_space<vmem>>
    %dma_start3A_22 = tpu.memref_squeeze %dma_start3A_21 : memref<1x128xi32, #tpu.memory_space<vmem>> -> memref<128xi32, #tpu.memory_space<vmem>>
    %dma_start3A_23 = arith.constant 0 : i32
    %dma_start3A_24 = tpu.memref_slice %arg2[%add3A_13, %dma_start3A_23] : memref<2560x128xi32, #tpu.memory_space<hbm>> -> memref<1x128xi32, #tpu.memory_space<hbm>>
    %dma_start3A_25 = tpu.memref_squeeze %dma_start3A_24 : memref<1x128xi32, #tpu.memory_space<hbm>> -> memref<128xi32, #tpu.memory_space<hbm>>
    tpu.enqueue_dma source(%dma_start3A_25 : memref<128xi32, #tpu.memory_space<hbm>>) target(%dma_start3A_22 : memref<128xi32, #tpu.memory_space<vmem>>) target_semaphore(%arg15 : memref<!tpu.dma_semaphore, #tpu.memory_space<semaphore_mem>>)
    %add3A_26 = arith.constant 1 : i32
    %add3A_27 = arith.addi %select_n3A_6, %add3A_26 : i32
    %dma_start3A_28 = arith.constant 1 : i32
    %dma_start3A_29 = arith.constant 0 : i32
    %dma_start3A_30 = tpu.memref_slice %arg7[%dma_start3A_28, %dma_start3A_29] : memref<4x128xi32, #tpu.memory_space<vmem>> -> memref<1x128xi32, #tpu.memory_space<vmem>>
    %dma_start3A_31 = tpu.memref_squeeze %dma_start3A_30 : memref<1x128xi32, #tpu.memory_space<vmem>> -> memref<128xi32, #tpu.memory_space<vmem>>
    %dma_start3A_32 = arith.constant 0 : i32
    %dma_start3A_33 = tpu.memref_slice %arg2[%add3A_27, %dma_start3A_32] : memref<2560x128xi32, #tpu.memory_space<hbm>> -> memref<1x128xi32, #tpu.memory_space<hbm>>
    %dma_start3A_34 = tpu.memref_squeeze %dma_start3A_33 : memref<1x128xi32, #tpu.memory_space<hbm>> -> memref<128xi32, #tpu.memory_space<hbm>>
    %dma_start3A_35 = arith.constant 0 : i32
    %dma_start3A_36 = tpu.memref_slice %arg7[%dma_start3A_28, %dma_start3A_35] : memref<4x128xi32, #tpu.memory_space<vmem>> -> memref<1x128xi32, #tpu.memory_space<vmem>>
    %dma_start3A_37 = tpu.memref_squeeze %dma_start3A_36 : memref<1x128xi32, #tpu.memory_space<vmem>> -> memref<128xi32, #tpu.memory_space<vmem>>
    %dma_start3A_38 = arith.constant 0 : i32
    %dma_start3A_39 = tpu.memref_slice %arg2[%add3A_27, %dma_start3A_38] : memref<2560x128xi32, #tpu.memory_space<hbm>> -> memref<1x128xi32, #tpu.memory_space<hbm>>
    %dma_start3A_40 = tpu.memref_squeeze %dma_start3A_39 : memref<1x128xi32, #tpu.memory_space<hbm>> -> memref<128xi32, #tpu.memory_space<hbm>>
    tpu.enqueue_dma source(%dma_start3A_40 : memref<128xi32, #tpu.memory_space<hbm>>) target(%dma_start3A_37 : memref<128xi32, #tpu.memory_space<vmem>>) target_semaphore(%arg16 : memref<!tpu.dma_semaphore, #tpu.memory_space<semaphore_mem>>)
    %add3A_41 = arith.constant 2 : i32
    %add3A_42 = arith.addi %select_n3A_6, %add3A_41 : i32
    %dma_start3A_43 = arith.constant 2 : i32
    %dma_start3A_44 = arith.constant 0 : i32
    %dma_start3A_45 = tpu.memref_slice %arg7[%dma_start3A_43, %dma_start3A_44] : memref<4x128xi32, #tpu.memory_space<vmem>> -> memref<1x128xi32, #tpu.memory_space<vmem>>
    %dma_start3A_46 = tpu.memref_squeeze %dma_start3A_45 : memref<1x128xi32, #tpu.memory_space<vmem>> -> memref<128xi32, #tpu.memory_space<vmem>>
    %dma_start3A_47 = arith.constant 0 : i32
    %dma_start3A_48 = tpu.memref_slice %arg2[%add3A_42, %dma_start3A_47] : memref<2560x128xi32, #tpu.memory_space<hbm>> -> memref<1x128xi32, #tpu.memory_space<hbm>>
    %dma_start3A_49 = tpu.memref_squeeze %dma_start3A_48 : memref<1x128xi32, #tpu.memory_space<hbm>> -> memref<128xi32, #tpu.memory_space<hbm>>
    %dma_start3A_50 = arith.constant 0 : i32
    %dma_start3A_51 = tpu.memref_slice %arg7[%dma_start3A_43, %dma_start3A_50] : memref<4x128xi32, #tpu.memory_space<vmem>> -> memref<1x128xi32, #tpu.memory_space<vmem>>
    %dma_start3A_52 = tpu.memref_squeeze %dma_start3A_51 : memref<1x128xi32, #tpu.memory_space<vmem>> -> memref<128xi32, #tpu.memory_space<vmem>>
    %dma_start3A_53 = arith.constant 0 : i32
    %dma_start3A_54 = tpu.memref_slice %arg2[%add3A_42, %dma_start3A_53] : memref<2560x128xi32, #tpu.memory_space<hbm>> -> memref<1x128xi32, #tpu.memory_space<hbm>>
    %dma_start3A_55 = tpu.memref_squeeze %dma_start3A_54 : memref<1x128xi32, #tpu.memory_space<hbm>> -> memref<128xi32, #tpu.memory_space<hbm>>
    tpu.enqueue_dma source(%dma_start3A_55 : memref<128xi32, #tpu.memory_space<hbm>>) target(%dma_start3A_52 : memref<128xi32, #tpu.memory_space<vmem>>) target_semaphore(%arg17 : memref<!tpu.dma_semaphore, #tpu.memory_space<semaphore_mem>>)
    %add3A_56 = arith.constant 3 : i32
    %add3A_57 = arith.addi %select_n3A_6, %add3A_56 : i32
    %dma_start3A_58 = arith.constant 3 : i32
    %dma_start3A_59 = arith.constant 0 : i32
    %dma_start3A_60 = tpu.memref_slice %arg7[%dma_start3A_58, %dma_start3A_59] : memref<4x128xi32, #tpu.memory_space<vmem>> -> memref<1x128xi32, #tpu.memory_space<vmem>>
    %dma_start3A_61 = tpu.memref_squeeze %dma_start3A_60 : memref<1x128xi32, #tpu.memory_space<vmem>> -> memref<128xi32, #tpu.memory_space<vmem>>
    %dma_start3A_62 = arith.constant 0 : i32
    %dma_start3A_63 = tpu.memref_slice %arg2[%add3A_57, %dma_start3A_62] : memref<2560x128xi32, #tpu.memory_space<hbm>> -> memref<1x128xi32, #tpu.memory_space<hbm>>
    %dma_start3A_64 = tpu.memref_squeeze %dma_start3A_63 : memref<1x128xi32, #tpu.memory_space<hbm>> -> memref<128xi32, #tpu.memory_space<hbm>>
    %dma_start3A_65 = arith.constant 0 : i32
    %dma_start3A_66 = tpu.memref_slice %arg7[%dma_start3A_58, %dma_start3A_65] : memref<4x128xi32, #tpu.memory_space<vmem>> -> memref<1x128xi32, #tpu.memory_space<vmem>>
    %dma_start3A_67 = tpu.memref_squeeze %dma_start3A_66 : memref<1x128xi32, #tpu.memory_space<vmem>> -> memref<128xi32, #tpu.memory_space<vmem>>
    %dma_start3A_68 = arith.constant 0 : i32
    %dma_start3A_69 = tpu.memref_slice %arg2[%add3A_57, %dma_start3A_68] : memref<2560x128xi32, #tpu.memory_space<hbm>> -> memref<1x128xi32, #tpu.memory_space<hbm>>
    %dma_start3A_70 = tpu.memref_squeeze %dma_start3A_69 : memref<1x128xi32, #tpu.memory_space<hbm>> -> memref<128xi32, #tpu.memory_space<hbm>>
    tpu.enqueue_dma source(%dma_start3A_70 : memref<128xi32, #tpu.memory_space<hbm>>) target(%dma_start3A_67 : memref<128xi32, #tpu.memory_space<vmem>>) target_semaphore(%arg18 : memref<!tpu.dma_semaphore, #tpu.memory_space<semaphore_mem>>)
    %dma_wait3A = arith.constant 0 : i32
    %dma_wait3A_71 = arith.constant 0 : i32
    %dma_wait3A_72 = arith.constant 0 : i32
    %dma_wait3A_73 = tpu.memref_slice %arg7[%dma_wait3A_71, %dma_wait3A_72] : memref<4x128xi32, #tpu.memory_space<vmem>> -> memref<1x128xi32, #tpu.memory_space<vmem>>
    %dma_wait3A_74 = tpu.memref_squeeze %dma_wait3A_73 : memref<1x128xi32, #tpu.memory_space<vmem>> -> memref<128xi32, #tpu.memory_space<vmem>>
    %dma_wait3A_75 = arith.constant 0 : i32
    %dma_wait3A_76 = tpu.memref_slice %arg2[%dma_wait3A, %dma_wait3A_75] : memref<2560x128xi32, #tpu.memory_space<hbm>> -> memref<1x128xi32, #tpu.memory_space<hbm>>
    %dma_wait3A_77 = tpu.memref_squeeze %dma_wait3A_76 : memref<1x128xi32, #tpu.memory_space<hbm>> -> memref<128xi32, #tpu.memory_space<hbm>>
    %dma_wait3A_78 = arith.constant 0 : i32
    %dma_wait3A_79 = tpu.memref_slice %arg7[%dma_wait3A_71, %dma_wait3A_78] : memref<4x128xi32, #tpu.memory_space<vmem>> -> memref<1x128xi32, #tpu.memory_space<vmem>>
    %dma_wait3A_80 = tpu.memref_squeeze %dma_wait3A_79 : memref<1x128xi32, #tpu.memory_space<vmem>> -> memref<128xi32, #tpu.memory_space<vmem>>
    %dma_wait3A_81 = arith.constant 0 : i32
    %dma_wait3A_82 = tpu.memref_slice %arg2[%dma_wait3A, %dma_wait3A_81] : memref<2560x128xi32, #tpu.memory_space<hbm>> -> memref<1x128xi32, #tpu.memory_space<hbm>>
    %dma_wait3A_83 = tpu.memref_squeeze %dma_wait3A_82 : memref<1x128xi32, #tpu.memory_space<hbm>> -> memref<128xi32, #tpu.memory_space<hbm>>
    tpu.wait_dma2 semaphore(%arg15 : memref<!tpu.dma_semaphore, #tpu.memory_space<semaphore_mem>>) src(%dma_wait3A_83 : memref<128xi32, #tpu.memory_space<hbm>>) dst(%dma_wait3A_80 : memref<128xi32, #tpu.memory_space<vmem>>)
    %dma_start3A_84 = arith.constant 0 : i32
    %dma_start3A_85 = arith.constant 0 : i32
    %dma_start3A_86 = arith.constant 0 : i32
    %dma_start3A_87 = arith.constant 0 : i32
    %dma_start3A_88 = tpu.memref_slice %arg9[%dma_start3A_85, %dma_start3A_86, %dma_start3A_87] : memref<2x128x128xf32, #tpu.memory_space<vmem>> -> memref<1x128x128xf32, #tpu.memory_space<vmem>>
    %dma_start3A_89 = tpu.memref_squeeze %dma_start3A_88 : memref<1x128x128xf32, #tpu.memory_space<vmem>> -> memref<128x128xf32, #tpu.memory_space<vmem>>
    %dma_start3A_90 = arith.constant 0 : i32
    %dma_start3A_91 = tpu.memref_slice %arg7[%dma_start3A_84, %dma_start3A_90] : memref<4x128xi32, #tpu.memory_space<vmem>> -> memref<1x128xi32, #tpu.memory_space<vmem>>
    %dma_start3A_92 = tpu.memref_squeeze %dma_start3A_91 : memref<1x128xi32, #tpu.memory_space<vmem>> -> memref<128xi32, #tpu.memory_space<vmem>>
    %dma_start3A_93 = arith.constant 0 : i32
    %dma_start3A_94 = arith.constant 0 : i32
    %dma_start3A_95 = tpu.memref_slice %arg4[%dma_start3A_93, %dma_start3A_94] : memref<10112x128xf32, #tpu.memory_space<hbm>> -> memref<10112x128xf32, #tpu.memory_space<hbm>>
    tpu.enqueue_indirect_dma source(%dma_start3A_95 : memref<10112x128xf32, #tpu.memory_space<hbm>>) target(%dma_start3A_89 : memref<128x128xf32, #tpu.memory_space<vmem>>) offsets(%dma_start3A_92 : memref<128xi32, #tpu.memory_space<vmem>>) semaphore(%arg11 : memref<!tpu.dma_semaphore, #tpu.memory_space<semaphore_mem>>)
    %dma_wait3A_96 = arith.constant 0 : i32
    %dma_wait3A_97 = arith.constant 1 : i32
    %dma_wait3A_98 = arith.constant 0 : i32
    %dma_wait3A_99 = tpu.memref_slice %arg7[%dma_wait3A_97, %dma_wait3A_98] : memref<4x128xi32, #tpu.memory_space<vmem>> -> memref<1x128xi32, #tpu.memory_space<vmem>>
    %dma_wait3A_100 = tpu.memref_squeeze %dma_wait3A_99 : memref<1x128xi32, #tpu.memory_space<vmem>> -> memref<128xi32, #tpu.memory_space<vmem>>
    %dma_wait3A_101 = arith.constant 0 : i32
    %dma_wait3A_102 = tpu.memref_slice %arg2[%dma_wait3A_96, %dma_wait3A_101] : memref<2560x128xi32, #tpu.memory_space<hbm>> -> memref<1x128xi32, #tpu.memory_space<hbm>>
    %dma_wait3A_103 = tpu.memref_squeeze %dma_wait3A_102 : memref<1x128xi32, #tpu.memory_space<hbm>> -> memref<128xi32, #tpu.memory_space<hbm>>
    %dma_wait3A_104 = arith.constant 0 : i32
    %dma_wait3A_105 = tpu.memref_slice %arg7[%dma_wait3A_97, %dma_wait3A_104] : memref<4x128xi32, #tpu.memory_space<vmem>> -> memref<1x128xi32, #tpu.memory_space<vmem>>
    %dma_wait3A_106 = tpu.memref_squeeze %dma_wait3A_105 : memref<1x128xi32, #tpu.memory_space<vmem>> -> memref<128xi32, #tpu.memory_space<vmem>>
    %dma_wait3A_107 = arith.constant 0 : i32
    %dma_wait3A_108 = tpu.memref_slice %arg2[%dma_wait3A_96, %dma_wait3A_107] : memref<2560x128xi32, #tpu.memory_space<hbm>> -> memref<1x128xi32, #tpu.memory_space<hbm>>
    %dma_wait3A_109 = tpu.memref_squeeze %dma_wait3A_108 : memref<1x128xi32, #tpu.memory_space<hbm>> -> memref<128xi32, #tpu.memory_space<hbm>>
    tpu.wait_dma2 semaphore(%arg16 : memref<!tpu.dma_semaphore, #tpu.memory_space<semaphore_mem>>) src(%dma_wait3A_109 : memref<128xi32, #tpu.memory_space<hbm>>) dst(%dma_wait3A_106 : memref<128xi32, #tpu.memory_space<vmem>>)
    %dma_start3A_110 = arith.constant 1 : i32
    %dma_start3A_111 = arith.constant 1 : i32
    %dma_start3A_112 = arith.constant 0 : i32
    %dma_start3A_113 = arith.constant 0 : i32
    %dma_start3A_114 = tpu.memref_slice %arg9[%dma_start3A_111, %dma_start3A_112, %dma_start3A_113] : memref<2x128x128xf32, #tpu.memory_space<vmem>> -> memref<1x128x128xf32, #tpu.memory_space<vmem>>
    %dma_start3A_115 = tpu.memref_squeeze %dma_start3A_114 : memref<1x128x128xf32, #tpu.memory_space<vmem>> -> memref<128x128xf32, #tpu.memory_space<vmem>>
    %dma_start3A_116 = arith.constant 0 : i32
    %dma_start3A_117 = tpu.memref_slice %arg7[%dma_start3A_110, %dma_start3A_116] : memref<4x128xi32, #tpu.memory_space<vmem>> -> memref<1x128xi32, #tpu.memory_space<vmem>>
    %dma_start3A_118 = tpu.memref_squeeze %dma_start3A_117 : memref<1x128xi32, #tpu.memory_space<vmem>> -> memref<128xi32, #tpu.memory_space<vmem>>
    %dma_start3A_119 = arith.constant 0 : i32
    %dma_start3A_120 = arith.constant 0 : i32
    %dma_start3A_121 = tpu.memref_slice %arg4[%dma_start3A_119, %dma_start3A_120] : memref<10112x128xf32, #tpu.memory_space<hbm>> -> memref<10112x128xf32, #tpu.memory_space<hbm>>
    tpu.enqueue_indirect_dma source(%dma_start3A_121 : memref<10112x128xf32, #tpu.memory_space<hbm>>) target(%dma_start3A_115 : memref<128x128xf32, #tpu.memory_space<vmem>>) offsets(%dma_start3A_118 : memref<128xi32, #tpu.memory_space<vmem>>) semaphore(%arg12 : memref<!tpu.dma_semaphore, #tpu.memory_space<semaphore_mem>>)
    %mul3A_122 = arith.constant 632 : i32
    %mul3A_123 = arith.muli %arg1, %mul3A_122 : i32
    %mul3A_124 = arith.constant 632 : i32
    %mul3A_125 = arith.muli %arg1, %mul3A_124 : i32
    "tpu.region"() ({
      %run_scoped3A = tpu.sem_alloc : memref<!tpu.dma_semaphore, #tpu.memory_space<semaphore_mem>>
      %dma_start3A_182 = arith.constant 0 : i32
      %dma_start3A_183 = tpu.memref_slice %arg10[%mul3A_125, %dma_start3A_182] : memref<10112x128xf32, #tpu.memory_space<vmem_shared>> -> memref<632x128xf32, #tpu.memory_space<vmem_shared>>
      %dma_start3A_184 = arith.constant 0 : i32
      %dma_start3A_185 = tpu.memref_slice %arg5[%mul3A_123, %dma_start3A_184] : memref<10112x128xf32, #tpu.memory_space<hbm>> -> memref<632x128xf32, #tpu.memory_space<hbm>>
      tpu.enqueue_dma source(%dma_start3A_185 : memref<632x128xf32, #tpu.memory_space<hbm>>) target(%dma_start3A_183 : memref<632x128xf32, #tpu.memory_space<vmem_shared>>) target_semaphore(%run_scoped3A : memref<!tpu.dma_semaphore, #tpu.memory_space<semaphore_mem>>)
      %dma_wait3A_186 = arith.constant 0 : i32
      %dma_wait3A_187 = tpu.memref_slice %arg10[%mul3A_125, %dma_wait3A_186] : memref<10112x128xf32, #tpu.memory_space<vmem_shared>> -> memref<632x128xf32, #tpu.memory_space<vmem_shared>>
      %dma_wait3A_188 = arith.constant 0 : i32
      %dma_wait3A_189 = tpu.memref_slice %arg5[%mul3A_123, %dma_wait3A_188] : memref<10112x128xf32, #tpu.memory_space<hbm>> -> memref<632x128xf32, #tpu.memory_space<hbm>>
      tpu.wait_dma2 semaphore(%run_scoped3A : memref<!tpu.dma_semaphore, #tpu.memory_space<semaphore_mem>>) src(%dma_wait3A_189 : memref<632x128xf32, #tpu.memory_space<hbm>>) dst(%dma_wait3A_187 : memref<632x128xf32, #tpu.memory_space<vmem_shared>>)
      tpu.yield
    }) : () -> ()
    %barrier3A = arith.constant 0 : index
    tpu.barrier barrier_id(%barrier3A)
    %jit3A_126 = arith.constant 4 : i32
    %div3A = arith.divsi %select_n3A, %jit3A_126 : i32
    %sign3A = arith.constant 0 : i32
    %sign3A_127 = arith.cmpi sgt, %select_n3A, %sign3A : i32
    %sign3A_128 = arith.extui %sign3A_127 : i1 to i32
    %sign3A_129 = arith.constant 0 : i32
    %sign3A_130 = arith.cmpi slt, %select_n3A, %sign3A_129 : i32
    %sign3A_131 = arith.extui %sign3A_130 : i1 to i32
    %sign3A_132 = arith.subi %sign3A_128, %sign3A_131 : i32
    %sign3A_133 = arith.constant 0 : i32
    %sign3A_134 = arith.cmpi sgt, %jit3A_126, %sign3A_133 : i32
    %sign3A_135 = arith.extui %sign3A_134 : i1 to i32
    %sign3A_136 = arith.constant 0 : i32
    %sign3A_137 = arith.cmpi slt, %jit3A_126, %sign3A_136 : i32
    %sign3A_138 = arith.extui %sign3A_137 : i1 to i32
    %sign3A_139 = arith.subi %sign3A_135, %sign3A_138 : i32
    %ne3A = arith.cmpi ne, %sign3A_132, %sign3A_139 : i32
    %rem3A = arith.remsi %select_n3A, %jit3A_126 : i32
    %ne3A_140 = arith.constant 0 : i32
    %ne3A_141 = arith.cmpi ne, %rem3A, %ne3A_140 : i32
    %and3A = arith.andi %ne3A, %ne3A_141 : i1
    %sub3A = arith.constant 1 : i32
    %sub3A_142 = arith.subi %div3A, %sub3A : i32
    %select_n3A_143 = arith.select %and3A, %sub3A_142, %div3A : i32
    %while3A = arith.constant 0 : i32
    %while3A_144 = arith.constant 0 : i32
    %while3A_145 = arith.subi %select_n3A_143, %while3A_144 : i32
    %while3A_146 = arith.addi %while3A_144, %while3A_145 : i32
    %while3A_147 = arith.constant 1 : i32
    %while3A_148 = arith.divsi %while3A_145, %while3A_147 : i32
    %while3A_149 = arith.muli %while3A_148, %while3A_147 : i32
    %while3A_150 = arith.addi %while3A_144, %while3A_149 : i32
    %while3A_151 = arith.constant 1 : i32
    scf.for %while3A_182 = %while3A_144 to %while3A_150 step %while3A_151  : i32 {
      %mul3A_183 = arith.constant 4 : i32
      %mul3A_184 = arith.muli %while3A_182, %mul3A_183 : i32
      %add3A_185 = arith.constant 0 : i32
      %add3A_186 = arith.addi %mul3A_184, %add3A_185 : i32
      %add3A_187 = arith.constant 1 : i32
      %add3A_188 = arith.addi %add3A_186, %add3A_187 : i32
      %ge3A = arith.constant 2 : i32
      %ge3A_189 = arith.cmpi sge, %add3A_188, %ge3A : i32
      %lt3A = arith.cmpi slt, %add3A_188, %select_n3A : i32
      %and3A_190 = arith.andi %ge3A_189, %lt3A : i1
      %convert_element_type3A_191 = arith.extui %and3A_190 : i1 to i32
      %cond3A_192 = arith.constant 0 : i32
      %cond3A_193 = arith.cmpi ne, %convert_element_type3A_191, %cond3A_192 : i32
      scf.if %cond3A_193 {
        %dma_wait3A_349 = arith.constant 1 : i32
        %dma_wait3A_350 = arith.constant 0 : i32
        %dma_wait3A_351 = arith.constant 0 : i32
        %dma_wait3A_352 = arith.constant 0 : i32
        %dma_wait3A_353 = tpu.memref_slice %arg9[%dma_wait3A_349, %dma_wait3A_351, %dma_wait3A_352] : memref<2x128x128xf32, #tpu.memory_space<vmem>> -> memref<1x128x128xf32, #tpu.memory_space<vmem>>
        %dma_wait3A_354 = tpu.memref_squeeze %dma_wait3A_353 : memref<1x128x128xf32, #tpu.memory_space<vmem>> -> memref<128x128xf32, #tpu.memory_space<vmem>>
        %dma_wait3A_355 = arith.constant 0 : i32
        %dma_wait3A_356 = tpu.memref_slice %arg8[%dma_wait3A_350, %dma_wait3A_355] : memref<80x128xi32, #tpu.memory_space<vmem>> -> memref<1x128xi32, #tpu.memory_space<vmem>>
        %dma_wait3A_357 = tpu.memref_squeeze %dma_wait3A_356 : memref<1x128xi32, #tpu.memory_space<vmem>> -> memref<128xi32, #tpu.memory_space<vmem>>
        %dma_wait3A_358 = arith.constant 0 : i32
        %dma_wait3A_359 = arith.constant 0 : i32
        %dma_wait3A_360 = tpu.memref_slice %arg10[%dma_wait3A_358, %dma_wait3A_359] : memref<10112x128xf32, #tpu.memory_space<vmem_shared>> -> memref<10112x128xf32, #tpu.memory_space<vmem_shared>>
        tpu.wait_indirect_dma semaphore(%arg14 : memref<!tpu.dma_semaphore, #tpu.memory_space<semaphore_mem>>) src(%dma_wait3A_354 : memref<128x128xf32, #tpu.memory_space<vmem>>) dst(%dma_wait3A_360 : memref<10112x128xf32, #tpu.memory_space<vmem_shared>>)
        %dma_wait3A_361 = arith.constant 0 : i32
        %dma_wait3A_362 = arith.constant 1 : i32
        %dma_wait3A_363 = arith.constant 0 : i32
        %dma_wait3A_364 = tpu.memref_slice %arg7[%dma_wait3A_362, %dma_wait3A_363] : memref<4x128xi32, #tpu.memory_space<vmem>> -> memref<1x128xi32, #tpu.memory_space<vmem>>
        %dma_wait3A_365 = tpu.memref_squeeze %dma_wait3A_364 : memref<1x128xi32, #tpu.memory_space<vmem>> -> memref<128xi32, #tpu.memory_space<vmem>>
        %dma_wait3A_366 = arith.constant 0 : i32
        %dma_wait3A_367 = tpu.memref_slice %arg2[%dma_wait3A_361, %dma_wait3A_366] : memref<2560x128xi32, #tpu.memory_space<hbm>> -> memref<1x128xi32, #tpu.memory_space<hbm>>
        %dma_wait3A_368 = tpu.memref_squeeze %dma_wait3A_367 : memref<1x128xi32, #tpu.memory_space<hbm>> -> memref<128xi32, #tpu.memory_space<hbm>>
        %dma_wait3A_369 = arith.constant 0 : i32
        %dma_wait3A_370 = tpu.memref_slice %arg7[%dma_wait3A_362, %dma_wait3A_369] : memref<4x128xi32, #tpu.memory_space<vmem>> -> memref<1x128xi32, #tpu.memory_space<vmem>>
        %dma_wait3A_371 = tpu.memref_squeeze %dma_wait3A_370 : memref<1x128xi32, #tpu.memory_space<vmem>> -> memref<128xi32, #tpu.memory_space<vmem>>
        %dma_wait3A_372 = arith.constant 0 : i32
        %dma_wait3A_373 = tpu.memref_slice %arg2[%dma_wait3A_361, %dma_wait3A_372] : memref<2560x128xi32, #tpu.memory_space<hbm>> -> memref<1x128xi32, #tpu.memory_space<hbm>>
        %dma_wait3A_374 = tpu.memref_squeeze %dma_wait3A_373 : memref<1x128xi32, #tpu.memory_space<hbm>> -> memref<128xi32, #tpu.memory_space<hbm>>
        tpu.wait_dma2 semaphore(%arg16 : memref<!tpu.dma_semaphore, #tpu.memory_space<semaphore_mem>>) src(%dma_wait3A_374 : memref<128xi32, #tpu.memory_space<hbm>>) dst(%dma_wait3A_371 : memref<128xi32, #tpu.memory_space<vmem>>)
        %dma_start3A_375 = arith.constant 1 : i32
        %dma_start3A_376 = arith.constant 1 : i32
        %dma_start3A_377 = arith.constant 0 : i32
        %dma_start3A_378 = arith.constant 0 : i32
        %dma_start3A_379 = tpu.memref_slice %arg9[%dma_start3A_376, %dma_start3A_377, %dma_start3A_378] : memref<2x128x128xf32, #tpu.memory_space<vmem>> -> memref<1x128x128xf32, #tpu.memory_space<vmem>>
        %dma_start3A_380 = tpu.memref_squeeze %dma_start3A_379 : memref<1x128x128xf32, #tpu.memory_space<vmem>> -> memref<128x128xf32, #tpu.memory_space<vmem>>
        %dma_start3A_381 = arith.constant 0 : i32
        %dma_start3A_382 = tpu.memref_slice %arg7[%dma_start3A_375, %dma_start3A_381] : memref<4x128xi32, #tpu.memory_space<vmem>> -> memref<1x128xi32, #tpu.memory_space<vmem>>
        %dma_start3A_383 = tpu.memref_squeeze %dma_start3A_382 : memref<1x128xi32, #tpu.memory_space<vmem>> -> memref<128xi32, #tpu.memory_space<vmem>>
        %dma_start3A_384 = arith.constant 0 : i32
        %dma_start3A_385 = arith.constant 0 : i32
        %dma_start3A_386 = tpu.memref_slice %arg4[%dma_start3A_384, %dma_start3A_385] : memref<10112x128xf32, #tpu.memory_space<hbm>> -> memref<10112x128xf32, #tpu.memory_space<hbm>>
        tpu.enqueue_indirect_dma source(%dma_start3A_386 : memref<10112x128xf32, #tpu.memory_space<hbm>>) target(%dma_start3A_380 : memref<128x128xf32, #tpu.memory_space<vmem>>) offsets(%dma_start3A_383 : memref<128xi32, #tpu.memory_space<vmem>>) semaphore(%arg12 : memref<!tpu.dma_semaphore, #tpu.memory_space<semaphore_mem>>)
      } else {
      }
      %dma_wait3A_194 = arith.constant 0 : i32
      %dma_wait3A_195 = arith.constant 0 : i32
      %dma_wait3A_196 = arith.constant 0 : i32
      %dma_wait3A_197 = arith.constant 0 : i32
      %dma_wait3A_198 = tpu.memref_slice %arg9[%dma_wait3A_195, %dma_wait3A_196, %dma_wait3A_197] : memref<2x128x128xf32, #tpu.memory_space<vmem>> -> memref<1x128x128xf32, #tpu.memory_space<vmem>>
      %dma_wait3A_199 = tpu.memref_squeeze %dma_wait3A_198 : memref<1x128x128xf32, #tpu.memory_space<vmem>> -> memref<128x128xf32, #tpu.memory_space<vmem>>
      %dma_wait3A_200 = arith.constant 0 : i32
      %dma_wait3A_201 = tpu.memref_slice %arg7[%dma_wait3A_194, %dma_wait3A_200] : memref<4x128xi32, #tpu.memory_space<vmem>> -> memref<1x128xi32, #tpu.memory_space<vmem>>
      %dma_wait3A_202 = tpu.memref_squeeze %dma_wait3A_201 : memref<1x128xi32, #tpu.memory_space<vmem>> -> memref<128xi32, #tpu.memory_space<vmem>>
      %dma_wait3A_203 = arith.constant 0 : i32
      %dma_wait3A_204 = arith.constant 0 : i32
      %dma_wait3A_205 = tpu.memref_slice %arg4[%dma_wait3A_203, %dma_wait3A_204] : memref<10112x128xf32, #tpu.memory_space<hbm>> -> memref<10112x128xf32, #tpu.memory_space<hbm>>
      tpu.wait_indirect_dma semaphore(%arg11 : memref<!tpu.dma_semaphore, #tpu.memory_space<semaphore_mem>>) src(%dma_wait3A_205 : memref<10112x128xf32, #tpu.memory_space<hbm>>) dst(%dma_wait3A_199 : memref<128x128xf32, #tpu.memory_space<vmem>>)
      %add3A_206 = arith.constant 4 : i32
      %add3A_207 = arith.addi %add3A_186, %add3A_206 : i32
      %lt3A_208 = arith.cmpi slt, %add3A_207, %select_n3A : i32
      %convert_element_type3A_209 = arith.extui %lt3A_208 : i1 to i32
      %cond3A_210 = arith.constant 0 : i32
      %cond3A_211 = arith.cmpi ne, %convert_element_type3A_209, %cond3A_210 : i32
      scf.if %cond3A_211 {
        %add3A_349 = arith.constant 4 : i32
        %add3A_350 = arith.addi %add3A_186, %add3A_349 : i32
        %add3A_351 = arith.addi %select_n3A_6, %add3A_350 : i32
        %dma_start3A_352 = arith.constant 0 : i32
        %dma_start3A_353 = arith.constant 0 : i32
        %dma_start3A_354 = tpu.memref_slice %arg7[%dma_start3A_352, %dma_start3A_353] : memref<4x128xi32, #tpu.memory_space<vmem>> -> memref<1x128xi32, #tpu.memory_space<vmem>>
        %dma_start3A_355 = tpu.memref_squeeze %dma_start3A_354 : memref<1x128xi32, #tpu.memory_space<vmem>> -> memref<128xi32, #tpu.memory_space<vmem>>
        %dma_start3A_356 = arith.constant 0 : i32
        %dma_start3A_357 = tpu.memref_slice %arg2[%add3A_351, %dma_start3A_356] : memref<2560x128xi32, #tpu.memory_space<hbm>> -> memref<1x128xi32, #tpu.memory_space<hbm>>
        %dma_start3A_358 = tpu.memref_squeeze %dma_start3A_357 : memref<1x128xi32, #tpu.memory_space<hbm>> -> memref<128xi32, #tpu.memory_space<hbm>>
        %dma_start3A_359 = arith.constant 0 : i32
        %dma_start3A_360 = tpu.memref_slice %arg7[%dma_start3A_352, %dma_start3A_359] : memref<4x128xi32, #tpu.memory_space<vmem>> -> memref<1x128xi32, #tpu.memory_space<vmem>>
        %dma_start3A_361 = tpu.memref_squeeze %dma_start3A_360 : memref<1x128xi32, #tpu.memory_space<vmem>> -> memref<128xi32, #tpu.memory_space<vmem>>
        %dma_start3A_362 = arith.constant 0 : i32
        %dma_start3A_363 = tpu.memref_slice %arg2[%add3A_351, %dma_start3A_362] : memref<2560x128xi32, #tpu.memory_space<hbm>> -> memref<1x128xi32, #tpu.memory_space<hbm>>
        %dma_start3A_364 = tpu.memref_squeeze %dma_start3A_363 : memref<1x128xi32, #tpu.memory_space<hbm>> -> memref<128xi32, #tpu.memory_space<hbm>>
        tpu.enqueue_dma source(%dma_start3A_364 : memref<128xi32, #tpu.memory_space<hbm>>) target(%dma_start3A_361 : memref<128xi32, #tpu.memory_space<vmem>>) target_semaphore(%arg15 : memref<!tpu.dma_semaphore, #tpu.memory_space<semaphore_mem>>)
      } else {
      }
      %dma_start3A_212 = arith.constant 0 : i32
      %dma_start3A_213 = arith.constant 0 : i32
      %dma_start3A_214 = arith.constant 0 : i32
      %dma_start3A_215 = tpu.memref_slice %arg9[%dma_start3A_212, %dma_start3A_213, %dma_start3A_214] : memref<2x128x128xf32, #tpu.memory_space<vmem>> -> memref<1x128x128xf32, #tpu.memory_space<vmem>>
      %dma_start3A_216 = tpu.memref_squeeze %dma_start3A_215 : memref<1x128x128xf32, #tpu.memory_space<vmem>> -> memref<128x128xf32, #tpu.memory_space<vmem>>
      %dma_start3A_217 = arith.constant 0 : i32
      %dma_start3A_218 = tpu.memref_slice %arg8[%add3A_186, %dma_start3A_217] : memref<80x128xi32, #tpu.memory_space<vmem>> -> memref<1x128xi32, #tpu.memory_space<vmem>>
      %dma_start3A_219 = tpu.memref_squeeze %dma_start3A_218 : memref<1x128xi32, #tpu.memory_space<vmem>> -> memref<128xi32, #tpu.memory_space<vmem>>
      %dma_start3A_220 = arith.constant 0 : i32
      %dma_start3A_221 = arith.constant 0 : i32
      %dma_start3A_222 = tpu.memref_slice %arg10[%dma_start3A_220, %dma_start3A_221] : memref<10112x128xf32, #tpu.memory_space<vmem_shared>> -> memref<10112x128xf32, #tpu.memory_space<vmem_shared>>
      tpu.enqueue_indirect_dma source(%dma_start3A_216 : memref<128x128xf32, #tpu.memory_space<vmem>>) target(%dma_start3A_222 : memref<10112x128xf32, #tpu.memory_space<vmem_shared>>) offsets(%dma_start3A_219 : memref<128xi32, #tpu.memory_space<vmem>>) semaphore(%arg13 : memref<!tpu.dma_semaphore, #tpu.memory_space<semaphore_mem>>) {add = true}
      %mul3A_223 = arith.constant 4 : i32
      %mul3A_224 = arith.muli %while3A_182, %mul3A_223 : i32
      %add3A_225 = arith.constant 1 : i32
      %add3A_226 = arith.addi %mul3A_224, %add3A_225 : i32
      %add3A_227 = arith.constant 1 : i32
      %add3A_228 = arith.addi %add3A_226, %add3A_227 : i32
      %ge3A_229 = arith.constant 2 : i32
      %ge3A_230 = arith.cmpi sge, %add3A_228, %ge3A_229 : i32
      %lt3A_231 = arith.cmpi slt, %add3A_228, %select_n3A : i32
      %and3A_232 = arith.andi %ge3A_230, %lt3A_231 : i1
      %convert_element_type3A_233 = arith.extui %and3A_232 : i1 to i32
      %cond3A_234 = arith.constant 0 : i32
      %cond3A_235 = arith.cmpi ne, %convert_element_type3A_233, %cond3A_234 : i32
      scf.if %cond3A_235 {
        %dma_wait3A_349 = arith.constant 0 : i32
        %dma_wait3A_350 = arith.constant 0 : i32
        %dma_wait3A_351 = arith.constant 0 : i32
        %dma_wait3A_352 = arith.constant 0 : i32
        %dma_wait3A_353 = tpu.memref_slice %arg9[%dma_wait3A_349, %dma_wait3A_351, %dma_wait3A_352] : memref<2x128x128xf32, #tpu.memory_space<vmem>> -> memref<1x128x128xf32, #tpu.memory_space<vmem>>
        %dma_wait3A_354 = tpu.memref_squeeze %dma_wait3A_353 : memref<1x128x128xf32, #tpu.memory_space<vmem>> -> memref<128x128xf32, #tpu.memory_space<vmem>>
        %dma_wait3A_355 = arith.constant 0 : i32
        %dma_wait3A_356 = tpu.memref_slice %arg8[%dma_wait3A_350, %dma_wait3A_355] : memref<80x128xi32, #tpu.memory_space<vmem>> -> memref<1x128xi32, #tpu.memory_space<vmem>>
        %dma_wait3A_357 = tpu.memref_squeeze %dma_wait3A_356 : memref<1x128xi32, #tpu.memory_space<vmem>> -> memref<128xi32, #tpu.memory_space<vmem>>
        %dma_wait3A_358 = arith.constant 0 : i32
        %dma_wait3A_359 = arith.constant 0 : i32
        %dma_wait3A_360 = tpu.memref_slice %arg10[%dma_wait3A_358, %dma_wait3A_359] : memref<10112x128xf32, #tpu.memory_space<vmem_shared>> -> memref<10112x128xf32, #tpu.memory_space<vmem_shared>>
        tpu.wait_indirect_dma semaphore(%arg13 : memref<!tpu.dma_semaphore, #tpu.memory_space<semaphore_mem>>) src(%dma_wait3A_354 : memref<128x128xf32, #tpu.memory_space<vmem>>) dst(%dma_wait3A_360 : memref<10112x128xf32, #tpu.memory_space<vmem_shared>>)
        %dma_wait3A_361 = arith.constant 0 : i32
        %dma_wait3A_362 = arith.constant 2 : i32
        %dma_wait3A_363 = arith.constant 0 : i32
        %dma_wait3A_364 = tpu.memref_slice %arg7[%dma_wait3A_362, %dma_wait3A_363] : memref<4x128xi32, #tpu.memory_space<vmem>> -> memref<1x128xi32, #tpu.memory_space<vmem>>
        %dma_wait3A_365 = tpu.memref_squeeze %dma_wait3A_364 : memref<1x128xi32, #tpu.memory_space<vmem>> -> memref<128xi32, #tpu.memory_space<vmem>>
        %dma_wait3A_366 = arith.constant 0 : i32
        %dma_wait3A_367 = tpu.memref_slice %arg2[%dma_wait3A_361, %dma_wait3A_366] : memref<2560x128xi32, #tpu.memory_space<hbm>> -> memref<1x128xi32, #tpu.memory_space<hbm>>
        %dma_wait3A_368 = tpu.memref_squeeze %dma_wait3A_367 : memref<1x128xi32, #tpu.memory_space<hbm>> -> memref<128xi32, #tpu.memory_space<hbm>>
        %dma_wait3A_369 = arith.constant 0 : i32
        %dma_wait3A_370 = tpu.memref_slice %arg7[%dma_wait3A_362, %dma_wait3A_369] : memref<4x128xi32, #tpu.memory_space<vmem>> -> memref<1x128xi32, #tpu.memory_space<vmem>>
        %dma_wait3A_371 = tpu.memref_squeeze %dma_wait3A_370 : memref<1x128xi32, #tpu.memory_space<vmem>> -> memref<128xi32, #tpu.memory_space<vmem>>
        %dma_wait3A_372 = arith.constant 0 : i32
        %dma_wait3A_373 = tpu.memref_slice %arg2[%dma_wait3A_361, %dma_wait3A_372] : memref<2560x128xi32, #tpu.memory_space<hbm>> -> memref<1x128xi32, #tpu.memory_space<hbm>>
        %dma_wait3A_374 = tpu.memref_squeeze %dma_wait3A_373 : memref<1x128xi32, #tpu.memory_space<hbm>> -> memref<128xi32, #tpu.memory_space<hbm>>
        tpu.wait_dma2 semaphore(%arg17 : memref<!tpu.dma_semaphore, #tpu.memory_space<semaphore_mem>>) src(%dma_wait3A_374 : memref<128xi32, #tpu.memory_space<hbm>>) dst(%dma_wait3A_371 : memref<128xi32, #tpu.memory_space<vmem>>)
        %dma_start3A_375 = arith.constant 2 : i32
        %dma_start3A_376 = arith.constant 0 : i32
        %dma_start3A_377 = arith.constant 0 : i32
        %dma_start3A_378 = arith.constant 0 : i32
        %dma_start3A_379 = tpu.memref_slice %arg9[%dma_start3A_376, %dma_start3A_377, %dma_start3A_378] : memref<2x128x128xf32, #tpu.memory_space<vmem>> -> memref<1x128x128xf32, #tpu.memory_space<vmem>>
        %dma_start3A_380 = tpu.memref_squeeze %dma_start3A_379 : memref<1x128x128xf32, #tpu.memory_space<vmem>> -> memref<128x128xf32, #tpu.memory_space<vmem>>
        %dma_start3A_381 = arith.constant 0 : i32
        %dma_start3A_382 = tpu.memref_slice %arg7[%dma_start3A_375, %dma_start3A_381] : memref<4x128xi32, #tpu.memory_space<vmem>> -> memref<1x128xi32, #tpu.memory_space<vmem>>
        %dma_start3A_383 = tpu.memref_squeeze %dma_start3A_382 : memref<1x128xi32, #tpu.memory_space<vmem>> -> memref<128xi32, #tpu.memory_space<vmem>>
        %dma_start3A_384 = arith.constant 0 : i32
        %dma_start3A_385 = arith.constant 0 : i32
        %dma_start3A_386 = tpu.memref_slice %arg4[%dma_start3A_384, %dma_start3A_385] : memref<10112x128xf32, #tpu.memory_space<hbm>> -> memref<10112x128xf32, #tpu.memory_space<hbm>>
        tpu.enqueue_indirect_dma source(%dma_start3A_386 : memref<10112x128xf32, #tpu.memory_space<hbm>>) target(%dma_start3A_380 : memref<128x128xf32, #tpu.memory_space<vmem>>) offsets(%dma_start3A_383 : memref<128xi32, #tpu.memory_space<vmem>>) semaphore(%arg11 : memref<!tpu.dma_semaphore, #tpu.memory_space<semaphore_mem>>)
      } else {
      }
      %dma_wait3A_236 = arith.constant 1 : i32
      %dma_wait3A_237 = arith.constant 1 : i32
      %dma_wait3A_238 = arith.constant 0 : i32
      %dma_wait3A_239 = arith.constant 0 : i32
      %dma_wait3A_240 = tpu.memref_slice %arg9[%dma_wait3A_237, %dma_wait3A_238, %dma_wait3A_239] : memref<2x128x128xf32, #tpu.memory_space<vmem>> -> memref<1x128x128xf32, #tpu.memory_space<vmem>>
      %dma_wait3A_241 = tpu.memref_squeeze %dma_wait3A_240 : memref<1x128x128xf32, #tpu.memory_space<vmem>> -> memref<128x128xf32, #tpu.memory_space<vmem>>
      %dma_wait3A_242 = arith.constant 0 : i32
      %dma_wait3A_243 = tpu.memref_slice %arg7[%dma_wait3A_236, %dma_wait3A_242] : memref<4x128xi32, #tpu.memory_space<vmem>> -> memref<1x128xi32, #tpu.memory_space<vmem>>
      %dma_wait3A_244 = tpu.memref_squeeze %dma_wait3A_243 : memref<1x128xi32, #tpu.memory_space<vmem>> -> memref<128xi32, #tpu.memory_space<vmem>>
      %dma_wait3A_245 = arith.constant 0 : i32
      %dma_wait3A_246 = arith.constant 0 : i32
      %dma_wait3A_247 = tpu.memref_slice %arg4[%dma_wait3A_245, %dma_wait3A_246] : memref<10112x128xf32, #tpu.memory_space<hbm>> -> memref<10112x128xf32, #tpu.memory_space<hbm>>
      tpu.wait_indirect_dma semaphore(%arg12 : memref<!tpu.dma_semaphore, #tpu.memory_space<semaphore_mem>>) src(%dma_wait3A_247 : memref<10112x128xf32, #tpu.memory_space<hbm>>) dst(%dma_wait3A_241 : memref<128x128xf32, #tpu.memory_space<vmem>>)
      %add3A_248 = arith.constant 4 : i32
      %add3A_249 = arith.addi %add3A_226, %add3A_248 : i32
      %lt3A_250 = arith.cmpi slt, %add3A_249, %select_n3A : i32
      %convert_element_type3A_251 = arith.extui %lt3A_250 : i1 to i32
      %cond3A_252 = arith.constant 0 : i32
      %cond3A_253 = arith.cmpi ne, %convert_element_type3A_251, %cond3A_252 : i32
      scf.if %cond3A_253 {
        %add3A_349 = arith.constant 4 : i32
        %add3A_350 = arith.addi %add3A_226, %add3A_349 : i32
        %add3A_351 = arith.addi %select_n3A_6, %add3A_350 : i32
        %dma_start3A_352 = arith.constant 1 : i32
        %dma_start3A_353 = arith.constant 0 : i32
        %dma_start3A_354 = tpu.memref_slice %arg7[%dma_start3A_352, %dma_start3A_353] : memref<4x128xi32, #tpu.memory_space<vmem>> -> memref<1x128xi32, #tpu.memory_space<vmem>>
        %dma_start3A_355 = tpu.memref_squeeze %dma_start3A_354 : memref<1x128xi32, #tpu.memory_space<vmem>> -> memref<128xi32, #tpu.memory_space<vmem>>
        %dma_start3A_356 = arith.constant 0 : i32
        %dma_start3A_357 = tpu.memref_slice %arg2[%add3A_351, %dma_start3A_356] : memref<2560x128xi32, #tpu.memory_space<hbm>> -> memref<1x128xi32, #tpu.memory_space<hbm>>
        %dma_start3A_358 = tpu.memref_squeeze %dma_start3A_357 : memref<1x128xi32, #tpu.memory_space<hbm>> -> memref<128xi32, #tpu.memory_space<hbm>>
        %dma_start3A_359 = arith.constant 0 : i32
        %dma_start3A_360 = tpu.memref_slice %arg7[%dma_start3A_352, %dma_start3A_359] : memref<4x128xi32, #tpu.memory_space<vmem>> -> memref<1x128xi32, #tpu.memory_space<vmem>>
        %dma_start3A_361 = tpu.memref_squeeze %dma_start3A_360 : memref<1x128xi32, #tpu.memory_space<vmem>> -> memref<128xi32, #tpu.memory_space<vmem>>
        %dma_start3A_362 = arith.constant 0 : i32
        %dma_start3A_363 = tpu.memref_slice %arg2[%add3A_351, %dma_start3A_362] : memref<2560x128xi32, #tpu.memory_space<hbm>> -> memref<1x128xi32, #tpu.memory_space<hbm>>
        %dma_start3A_364 = tpu.memref_squeeze %dma_start3A_363 : memref<1x128xi32, #tpu.memory_space<hbm>> -> memref<128xi32, #tpu.memory_space<hbm>>
        tpu.enqueue_dma source(%dma_start3A_364 : memref<128xi32, #tpu.memory_space<hbm>>) target(%dma_start3A_361 : memref<128xi32, #tpu.memory_space<vmem>>) target_semaphore(%arg16 : memref<!tpu.dma_semaphore, #tpu.memory_space<semaphore_mem>>)
      } else {
      }
      %dma_start3A_254 = arith.constant 1 : i32
      %dma_start3A_255 = arith.constant 0 : i32
      %dma_start3A_256 = arith.constant 0 : i32
      %dma_start3A_257 = tpu.memref_slice %arg9[%dma_start3A_254, %dma_start3A_255, %dma_start3A_256] : memref<2x128x128xf32, #tpu.memory_space<vmem>> -> memref<1x128x128xf32, #tpu.memory_space<vmem>>
      %dma_start3A_258 = tpu.memref_squeeze %dma_start3A_257 : memref<1x128x128xf32, #tpu.memory_space<vmem>> -> memref<128x128xf32, #tpu.memory_space<vmem>>
      %dma_start3A_259 = arith.constant 0 : i32
      %dma_start3A_260 = tpu.memref_slice %arg8[%add3A_226, %dma_start3A_259] : memref<80x128xi32, #tpu.memory_space<vmem>> -> memref<1x128xi32, #tpu.memory_space<vmem>>
      %dma_start3A_261 = tpu.memref_squeeze %dma_start3A_260 : memref<1x128xi32, #tpu.memory_space<vmem>> -> memref<128xi32, #tpu.memory_space<vmem>>
      %dma_start3A_262 = arith.constant 0 : i32
      %dma_start3A_263 = arith.constant 0 : i32
      %dma_start3A_264 = tpu.memref_slice %arg10[%dma_start3A_262, %dma_start3A_263] : memref<10112x128xf32, #tpu.memory_space<vmem_shared>> -> memref<10112x128xf32, #tpu.memory_space<vmem_shared>>
      tpu.enqueue_indirect_dma source(%dma_start3A_258 : memref<128x128xf32, #tpu.memory_space<vmem>>) target(%dma_start3A_264 : memref<10112x128xf32, #tpu.memory_space<vmem_shared>>) offsets(%dma_start3A_261 : memref<128xi32, #tpu.memory_space<vmem>>) semaphore(%arg14 : memref<!tpu.dma_semaphore, #tpu.memory_space<semaphore_mem>>) {add = true}
      %mul3A_265 = arith.constant 4 : i32
      %mul3A_266 = arith.muli %while3A_182, %mul3A_265 : i32
      %add3A_267 = arith.constant 2 : i32
      %add3A_268 = arith.addi %mul3A_266, %add3A_267 : i32
      %add3A_269 = arith.constant 1 : i32
      %add3A_270 = arith.addi %add3A_268, %add3A_269 : i32
      %ge3A_271 = arith.constant 2 : i32
      %ge3A_272 = arith.cmpi sge, %add3A_270, %ge3A_271 : i32
      %lt3A_273 = arith.cmpi slt, %add3A_270, %select_n3A : i32
      %and3A_274 = arith.andi %ge3A_272, %lt3A_273 : i1
      %convert_element_type3A_275 = arith.extui %and3A_274 : i1 to i32
      %cond3A_276 = arith.constant 0 : i32
      %cond3A_277 = arith.cmpi ne, %convert_element_type3A_275, %cond3A_276 : i32
      scf.if %cond3A_277 {
        %dma_wait3A_349 = arith.constant 1 : i32
        %dma_wait3A_350 = arith.constant 0 : i32
        %dma_wait3A_351 = arith.constant 0 : i32
        %dma_wait3A_352 = arith.constant 0 : i32
        %dma_wait3A_353 = tpu.memref_slice %arg9[%dma_wait3A_349, %dma_wait3A_351, %dma_wait3A_352] : memref<2x128x128xf32, #tpu.memory_space<vmem>> -> memref<1x128x128xf32, #tpu.memory_space<vmem>>
        %dma_wait3A_354 = tpu.memref_squeeze %dma_wait3A_353 : memref<1x128x128xf32, #tpu.memory_space<vmem>> -> memref<128x128xf32, #tpu.memory_space<vmem>>
        %dma_wait3A_355 = arith.constant 0 : i32
        %dma_wait3A_356 = tpu.memref_slice %arg8[%dma_wait3A_350, %dma_wait3A_355] : memref<80x128xi32, #tpu.memory_space<vmem>> -> memref<1x128xi32, #tpu.memory_space<vmem>>
        %dma_wait3A_357 = tpu.memref_squeeze %dma_wait3A_356 : memref<1x128xi32, #tpu.memory_space<vmem>> -> memref<128xi32, #tpu.memory_space<vmem>>
        %dma_wait3A_358 = arith.constant 0 : i32
        %dma_wait3A_359 = arith.constant 0 : i32
        %dma_wait3A_360 = tpu.memref_slice %arg10[%dma_wait3A_358, %dma_wait3A_359] : memref<10112x128xf32, #tpu.memory_space<vmem_shared>> -> memref<10112x128xf32, #tpu.memory_space<vmem_shared>>
        tpu.wait_indirect_dma semaphore(%arg14 : memref<!tpu.dma_semaphore, #tpu.memory_space<semaphore_mem>>) src(%dma_wait3A_354 : memref<128x128xf32, #tpu.memory_space<vmem>>) dst(%dma_wait3A_360 : memref<10112x128xf32, #tpu.memory_space<vmem_shared>>)
        %dma_wait3A_361 = arith.constant 0 : i32
        %dma_wait3A_362 = arith.constant 3 : i32
        %dma_wait3A_363 = arith.constant 0 : i32
        %dma_wait3A_364 = tpu.memref_slice %arg7[%dma_wait3A_362, %dma_wait3A_363] : memref<4x128xi32, #tpu.memory_space<vmem>> -> memref<1x128xi32, #tpu.memory_space<vmem>>
        %dma_wait3A_365 = tpu.memref_squeeze %dma_wait3A_364 : memref<1x128xi32, #tpu.memory_space<vmem>> -> memref<128xi32, #tpu.memory_space<vmem>>
        %dma_wait3A_366 = arith.constant 0 : i32
        %dma_wait3A_367 = tpu.memref_slice %arg2[%dma_wait3A_361, %dma_wait3A_366] : memref<2560x128xi32, #tpu.memory_space<hbm>> -> memref<1x128xi32, #tpu.memory_space<hbm>>
        %dma_wait3A_368 = tpu.memref_squeeze %dma_wait3A_367 : memref<1x128xi32, #tpu.memory_space<hbm>> -> memref<128xi32, #tpu.memory_space<hbm>>
        %dma_wait3A_369 = arith.constant 0 : i32
        %dma_wait3A_370 = tpu.memref_slice %arg7[%dma_wait3A_362, %dma_wait3A_369] : memref<4x128xi32, #tpu.memory_space<vmem>> -> memref<1x128xi32, #tpu.memory_space<vmem>>
        %dma_wait3A_371 = tpu.memref_squeeze %dma_wait3A_370 : memref<1x128xi32, #tpu.memory_space<vmem>> -> memref<128xi32, #tpu.memory_space<vmem>>
        %dma_wait3A_372 = arith.constant 0 : i32
        %dma_wait3A_373 = tpu.memref_slice %arg2[%dma_wait3A_361, %dma_wait3A_372] : memref<2560x128xi32, #tpu.memory_space<hbm>> -> memref<1x128xi32, #tpu.memory_space<hbm>>
        %dma_wait3A_374 = tpu.memref_squeeze %dma_wait3A_373 : memref<1x128xi32, #tpu.memory_space<hbm>> -> memref<128xi32, #tpu.memory_space<hbm>>
        tpu.wait_dma2 semaphore(%arg18 : memref<!tpu.dma_semaphore, #tpu.memory_space<semaphore_mem>>) src(%dma_wait3A_374 : memref<128xi32, #tpu.memory_space<hbm>>) dst(%dma_wait3A_371 : memref<128xi32, #tpu.memory_space<vmem>>)
        %dma_start3A_375 = arith.constant 3 : i32
        %dma_start3A_376 = arith.constant 1 : i32
        %dma_start3A_377 = arith.constant 0 : i32
        %dma_start3A_378 = arith.constant 0 : i32
        %dma_start3A_379 = tpu.memref_slice %arg9[%dma_start3A_376, %dma_start3A_377, %dma_start3A_378] : memref<2x128x128xf32, #tpu.memory_space<vmem>> -> memref<1x128x128xf32, #tpu.memory_space<vmem>>
        %dma_start3A_380 = tpu.memref_squeeze %dma_start3A_379 : memref<1x128x128xf32, #tpu.memory_space<vmem>> -> memref<128x128xf32, #tpu.memory_space<vmem>>
        %dma_start3A_381 = arith.constant 0 : i32
        %dma_start3A_382 = tpu.memref_slice %arg7[%dma_start3A_375, %dma_start3A_381] : memref<4x128xi32, #tpu.memory_space<vmem>> -> memref<1x128xi32, #tpu.memory_space<vmem>>
        %dma_start3A_383 = tpu.memref_squeeze %dma_start3A_382 : memref<1x128xi32, #tpu.memory_space<vmem>> -> memref<128xi32, #tpu.memory_space<vmem>>
        %dma_start3A_384 = arith.constant 0 : i32
        %dma_start3A_385 = arith.constant 0 : i32
        %dma_start3A_386 = tpu.memref_slice %arg4[%dma_start3A_384, %dma_start3A_385] : memref<10112x128xf32, #tpu.memory_space<hbm>> -> memref<10112x128xf32, #tpu.memory_space<hbm>>
        tpu.enqueue_indirect_dma source(%dma_start3A_386 : memref<10112x128xf32, #tpu.memory_space<hbm>>) target(%dma_start3A_380 : memref<128x128xf32, #tpu.memory_space<vmem>>) offsets(%dma_start3A_383 : memref<128xi32, #tpu.memory_space<vmem>>) semaphore(%arg12 : memref<!tpu.dma_semaphore, #tpu.memory_space<semaphore_mem>>)
      } else {
      }
      %dma_wait3A_278 = arith.constant 2 : i32
      %dma_wait3A_279 = arith.constant 0 : i32
      %dma_wait3A_280 = arith.constant 0 : i32
      %dma_wait3A_281 = arith.constant 0 : i32
      %dma_wait3A_282 = tpu.memref_slice %arg9[%dma_wait3A_279, %dma_wait3A_280, %dma_wait3A_281] : memref<2x128x128xf32, #tpu.memory_space<vmem>> -> memref<1x128x128xf32, #tpu.memory_space<vmem>>
      %dma_wait3A_283 = tpu.memref_squeeze %dma_wait3A_282 : memref<1x128x128xf32, #tpu.memory_space<vmem>> -> memref<128x128xf32, #tpu.memory_space<vmem>>
      %dma_wait3A_284 = arith.constant 0 : i32
      %dma_wait3A_285 = tpu.memref_slice %arg7[%dma_wait3A_278, %dma_wait3A_284] : memref<4x128xi32, #tpu.memory_space<vmem>> -> memref<1x128xi32, #tpu.memory_space<vmem>>
      %dma_wait3A_286 = tpu.memref_squeeze %dma_wait3A_285 : memref<1x128xi32, #tpu.memory_space<vmem>> -> memref<128xi32, #tpu.memory_space<vmem>>
      %dma_wait3A_287 = arith.constant 0 : i32
      %dma_wait3A_288 = arith.constant 0 : i32
      %dma_wait3A_289 = tpu.memref_slice %arg4[%dma_wait3A_287, %dma_wait3A_288] : memref<10112x128xf32, #tpu.memory_space<hbm>> -> memref<10112x128xf32, #tpu.memory_space<hbm>>
      tpu.wait_indirect_dma semaphore(%arg11 : memref<!tpu.dma_semaphore, #tpu.memory_space<semaphore_mem>>) src(%dma_wait3A_289 : memref<10112x128xf32, #tpu.memory_space<hbm>>) dst(%dma_wait3A_283 : memref<128x128xf32, #tpu.memory_space<vmem>>)
      %add3A_290 = arith.constant 4 : i32
      %add3A_291 = arith.addi %add3A_268, %add3A_290 : i32
      %lt3A_292 = arith.cmpi slt, %add3A_291, %select_n3A : i32
      %convert_element_type3A_293 = arith.extui %lt3A_292 : i1 to i32
      %cond3A_294 = arith.constant 0 : i32
      %cond3A_295 = arith.cmpi ne, %convert_element_type3A_293, %cond3A_294 : i32
      scf.if %cond3A_295 {
        %add3A_349 = arith.constant 4 : i32
        %add3A_350 = arith.addi %add3A_268, %add3A_349 : i32
        %add3A_351 = arith.addi %select_n3A_6, %add3A_350 : i32
        %dma_start3A_352 = arith.constant 2 : i32
        %dma_start3A_353 = arith.constant 0 : i32
        %dma_start3A_354 = tpu.memref_slice %arg7[%dma_start3A_352, %dma_start3A_353] : memref<4x128xi32, #tpu.memory_space<vmem>> -> memref<1x128xi32, #tpu.memory_space<vmem>>
        %dma_start3A_355 = tpu.memref_squeeze %dma_start3A_354 : memref<1x128xi32, #tpu.memory_space<vmem>> -> memref<128xi32, #tpu.memory_space<vmem>>
        %dma_start3A_356 = arith.constant 0 : i32
        %dma_start3A_357 = tpu.memref_slice %arg2[%add3A_351, %dma_start3A_356] : memref<2560x128xi32, #tpu.memory_space<hbm>> -> memref<1x128xi32, #tpu.memory_space<hbm>>
        %dma_start3A_358 = tpu.memref_squeeze %dma_start3A_357 : memref<1x128xi32, #tpu.memory_space<hbm>> -> memref<128xi32, #tpu.memory_space<hbm>>
        %dma_start3A_359 = arith.constant 0 : i32
        %dma_start3A_360 = tpu.memref_slice %arg7[%dma_start3A_352, %dma_start3A_359] : memref<4x128xi32, #tpu.memory_space<vmem>> -> memref<1x128xi32, #tpu.memory_space<vmem>>
        %dma_start3A_361 = tpu.memref_squeeze %dma_start3A_360 : memref<1x128xi32, #tpu.memory_space<vmem>> -> memref<128xi32, #tpu.memory_space<vmem>>
        %dma_start3A_362 = arith.constant 0 : i32
        %dma_start3A_363 = tpu.memref_slice %arg2[%add3A_351, %dma_start3A_362] : memref<2560x128xi32, #tpu.memory_space<hbm>> -> memref<1x128xi32, #tpu.memory_space<hbm>>
        %dma_start3A_364 = tpu.memref_squeeze %dma_start3A_363 : memref<1x128xi32, #tpu.memory_space<hbm>> -> memref<128xi32, #tpu.memory_space<hbm>>
        tpu.enqueue_dma source(%dma_start3A_364 : memref<128xi32, #tpu.memory_space<hbm>>) target(%dma_start3A_361 : memref<128xi32, #tpu.memory_space<vmem>>) target_semaphore(%arg17 : memref<!tpu.dma_semaphore, #tpu.memory_space<semaphore_mem>>)
      } else {
      }
      %dma_start3A_296 = arith.constant 0 : i32
      %dma_start3A_297 = arith.constant 0 : i32
      %dma_start3A_298 = arith.constant 0 : i32
      %dma_start3A_299 = tpu.memref_slice %arg9[%dma_start3A_296, %dma_start3A_297, %dma_start3A_298] : memref<2x128x128xf32, #tpu.memory_space<vmem>> -> memref<1x128x128xf32, #tpu.memory_space<vmem>>
      %dma_start3A_300 = tpu.memref_squeeze %dma_start3A_299 : memref<1x128x128xf32, #tpu.memory_space<vmem>> -> memref<128x128xf32, #tpu.memory_space<vmem>>
      %dma_start3A_301 = arith.constant 0 : i32
      %dma_start3A_302 = tpu.memref_slice %arg8[%add3A_268, %dma_start3A_301] : memref<80x128xi32, #tpu.memory_space<vmem>> -> memref<1x128xi32, #tpu.memory_space<vmem>>
      %dma_start3A_303 = tpu.memref_squeeze %dma_start3A_302 : memref<1x128xi32, #tpu.memory_space<vmem>> -> memref<128xi32, #tpu.memory_space<vmem>>
      %dma_start3A_304 = arith.constant 0 : i32
      %dma_start3A_305 = arith.constant 0 : i32
      %dma_start3A_306 = tpu.memref_slice %arg10[%dma_start3A_304, %dma_start3A_305] : memref<10112x128xf32, #tpu.memory_space<vmem_shared>> -> memref<10112x128xf32, #tpu.memory_space<vmem_shared>>
      tpu.enqueue_indirect_dma source(%dma_start3A_300 : memref<128x128xf32, #tpu.memory_space<vmem>>) target(%dma_start3A_306 : memref<10112x128xf32, #tpu.memory_space<vmem_shared>>) offsets(%dma_start3A_303 : memref<128xi32, #tpu.memory_space<vmem>>) semaphore(%arg13 : memref<!tpu.dma_semaphore, #tpu.memory_space<semaphore_mem>>) {add = true}
      %mul3A_307 = arith.constant 4 : i32
      %mul3A_308 = arith.muli %while3A_182, %mul3A_307 : i32
      %add3A_309 = arith.constant 3 : i32
      %add3A_310 = arith.addi %mul3A_308, %add3A_309 : i32
      %add3A_311 = arith.constant 1 : i32
      %add3A_312 = arith.addi %add3A_310, %add3A_311 : i32
      %ge3A_313 = arith.constant 2 : i32
      %ge3A_314 = arith.cmpi sge, %add3A_312, %ge3A_313 : i32
      %lt3A_315 = arith.cmpi slt, %add3A_312, %select_n3A : i32
      %and3A_316 = arith.andi %ge3A_314, %lt3A_315 : i1
      %convert_element_type3A_317 = arith.extui %and3A_316 : i1 to i32
      %cond3A_318 = arith.constant 0 : i32
      %cond3A_319 = arith.cmpi ne, %convert_element_type3A_317, %cond3A_318 : i32
      scf.if %cond3A_319 {
        %dma_wait3A_349 = arith.constant 0 : i32
        %dma_wait3A_350 = arith.constant 0 : i32
        %dma_wait3A_351 = arith.constant 0 : i32
        %dma_wait3A_352 = arith.constant 0 : i32
        %dma_wait3A_353 = tpu.memref_slice %arg9[%dma_wait3A_349, %dma_wait3A_351, %dma_wait3A_352] : memref<2x128x128xf32, #tpu.memory_space<vmem>> -> memref<1x128x128xf32, #tpu.memory_space<vmem>>
        %dma_wait3A_354 = tpu.memref_squeeze %dma_wait3A_353 : memref<1x128x128xf32, #tpu.memory_space<vmem>> -> memref<128x128xf32, #tpu.memory_space<vmem>>
        %dma_wait3A_355 = arith.constant 0 : i32
        %dma_wait3A_356 = tpu.memref_slice %arg8[%dma_wait3A_350, %dma_wait3A_355] : memref<80x128xi32, #tpu.memory_space<vmem>> -> memref<1x128xi32, #tpu.memory_space<vmem>>
        %dma_wait3A_357 = tpu.memref_squeeze %dma_wait3A_356 : memref<1x128xi32, #tpu.memory_space<vmem>> -> memref<128xi32, #tpu.memory_space<vmem>>
        %dma_wait3A_358 = arith.constant 0 : i32
        %dma_wait3A_359 = arith.constant 0 : i32
        %dma_wait3A_360 = tpu.memref_slice %arg10[%dma_wait3A_358, %dma_wait3A_359] : memref<10112x128xf32, #tpu.memory_space<vmem_shared>> -> memref<10112x128xf32, #tpu.memory_space<vmem_shared>>
        tpu.wait_indirect_dma semaphore(%arg13 : memref<!tpu.dma_semaphore, #tpu.memory_space<semaphore_mem>>) src(%dma_wait3A_354 : memref<128x128xf32, #tpu.memory_space<vmem>>) dst(%dma_wait3A_360 : memref<10112x128xf32, #tpu.memory_space<vmem_shared>>)
        %dma_wait3A_361 = arith.constant 0 : i32
        %dma_wait3A_362 = arith.constant 0 : i32
        %dma_wait3A_363 = arith.constant 0 : i32
        %dma_wait3A_364 = tpu.memref_slice %arg7[%dma_wait3A_362, %dma_wait3A_363] : memref<4x128xi32, #tpu.memory_space<vmem>> -> memref<1x128xi32, #tpu.memory_space<vmem>>
        %dma_wait3A_365 = tpu.memref_squeeze %dma_wait3A_364 : memref<1x128xi32, #tpu.memory_space<vmem>> -> memref<128xi32, #tpu.memory_space<vmem>>
        %dma_wait3A_366 = arith.constant 0 : i32
        %dma_wait3A_367 = tpu.memref_slice %arg2[%dma_wait3A_361, %dma_wait3A_366] : memref<2560x128xi32, #tpu.memory_space<hbm>> -> memref<1x128xi32, #tpu.memory_space<hbm>>
        %dma_wait3A_368 = tpu.memref_squeeze %dma_wait3A_367 : memref<1x128xi32, #tpu.memory_space<hbm>> -> memref<128xi32, #tpu.memory_space<hbm>>
        %dma_wait3A_369 = arith.constant 0 : i32
        %dma_wait3A_370 = tpu.memref_slice %arg7[%dma_wait3A_362, %dma_wait3A_369] : memref<4x128xi32, #tpu.memory_space<vmem>> -> memref<1x128xi32, #tpu.memory_space<vmem>>
        %dma_wait3A_371 = tpu.memref_squeeze %dma_wait3A_370 : memref<1x128xi32, #tpu.memory_space<vmem>> -> memref<128xi32, #tpu.memory_space<vmem>>
        %dma_wait3A_372 = arith.constant 0 : i32
        %dma_wait3A_373 = tpu.memref_slice %arg2[%dma_wait3A_361, %dma_wait3A_372] : memref<2560x128xi32, #tpu.memory_space<hbm>> -> memref<1x128xi32, #tpu.memory_space<hbm>>
        %dma_wait3A_374 = tpu.memref_squeeze %dma_wait3A_373 : memref<1x128xi32, #tpu.memory_space<hbm>> -> memref<128xi32, #tpu.memory_space<hbm>>
        tpu.wait_dma2 semaphore(%arg15 : memref<!tpu.dma_semaphore, #tpu.memory_space<semaphore_mem>>) src(%dma_wait3A_374 : memref<128xi32, #tpu.memory_space<hbm>>) dst(%dma_wait3A_371 : memref<128xi32, #tpu.memory_space<vmem>>)
        %dma_start3A_375 = arith.constant 0 : i32
        %dma_start3A_376 = arith.constant 0 : i32
        %dma_start3A_377 = arith.constant 0 : i32
        %dma_start3A_378 = arith.constant 0 : i32
        %dma_start3A_379 = tpu.memref_slice %arg9[%dma_start3A_376, %dma_start3A_377, %dma_start3A_378] : memref<2x128x128xf32, #tpu.memory_space<vmem>> -> memref<1x128x128xf32, #tpu.memory_space<vmem>>
        %dma_start3A_380 = tpu.memref_squeeze %dma_start3A_379 : memref<1x128x128xf32, #tpu.memory_space<vmem>> -> memref<128x128xf32, #tpu.memory_space<vmem>>
        %dma_start3A_381 = arith.constant 0 : i32
        %dma_start3A_382 = tpu.memref_slice %arg7[%dma_start3A_375, %dma_start3A_381] : memref<4x128xi32, #tpu.memory_space<vmem>> -> memref<1x128xi32, #tpu.memory_space<vmem>>
        %dma_start3A_383 = tpu.memref_squeeze %dma_start3A_382 : memref<1x128xi32, #tpu.memory_space<vmem>> -> memref<128xi32, #tpu.memory_space<vmem>>
        %dma_start3A_384 = arith.constant 0 : i32
        %dma_start3A_385 = arith.constant 0 : i32
        %dma_start3A_386 = tpu.memref_slice %arg4[%dma_start3A_384, %dma_start3A_385] : memref<10112x128xf32, #tpu.memory_space<hbm>> -> memref<10112x128xf32, #tpu.memory_space<hbm>>
        tpu.enqueue_indirect_dma source(%dma_start3A_386 : memref<10112x128xf32, #tpu.memory_space<hbm>>) target(%dma_start3A_380 : memref<128x128xf32, #tpu.memory_space<vmem>>) offsets(%dma_start3A_383 : memref<128xi32, #tpu.memory_space<vmem>>) semaphore(%arg11 : memref<!tpu.dma_semaphore, #tpu.memory_space<semaphore_mem>>)
      } else {
      }
      %dma_wait3A_320 = arith.constant 3 : i32
      %dma_wait3A_321 = arith.constant 1 : i32
      %dma_wait3A_322 = arith.constant 0 : i32
      %dma_wait3A_323 = arith.constant 0 : i32
      %dma_wait3A_324 = tpu.memref_slice %arg9[%dma_wait3A_321, %dma_wait3A_322, %dma_wait3A_323] : memref<2x128x128xf32, #tpu.memory_space<vmem>> -> memref<1x128x128xf32, #tpu.memory_space<vmem>>
      %dma_wait3A_325 = tpu.memref_squeeze %dma_wait3A_324 : memref<1x128x128xf32, #tpu.memory_space<vmem>> -> memref<128x128xf32, #tpu.memory_space<vmem>>
      %dma_wait3A_326 = arith.constant 0 : i32
      %dma_wait3A_327 = tpu.memref_slice %arg7[%dma_wait3A_320, %dma_wait3A_326] : memref<4x128xi32, #tpu.memory_space<vmem>> -> memref<1x128xi32, #tpu.memory_space<vmem>>
      %dma_wait3A_328 = tpu.memref_squeeze %dma_wait3A_327 : memref<1x128xi32, #tpu.memory_space<vmem>> -> memref<128xi32, #tpu.memory_space<vmem>>
      %dma_wait3A_329 = arith.constant 0 : i32
      %dma_wait3A_330 = arith.constant 0 : i32
      %dma_wait3A_331 = tpu.memref_slice %arg4[%dma_wait3A_329, %dma_wait3A_330] : memref<10112x128xf32, #tpu.memory_space<hbm>> -> memref<10112x128xf32, #tpu.memory_space<hbm>>
      tpu.wait_indirect_dma semaphore(%arg12 : memref<!tpu.dma_semaphore, #tpu.memory_space<semaphore_mem>>) src(%dma_wait3A_331 : memref<10112x128xf32, #tpu.memory_space<hbm>>) dst(%dma_wait3A_325 : memref<128x128xf32, #tpu.memory_space<vmem>>)
      %add3A_332 = arith.constant 4 : i32
      %add3A_333 = arith.addi %add3A_310, %add3A_332 : i32
      %lt3A_334 = arith.cmpi slt, %add3A_333, %select_n3A : i32
      %convert_element_type3A_335 = arith.extui %lt3A_334 : i1 to i32
      %cond3A_336 = arith.constant 0 : i32
      %cond3A_337 = arith.cmpi ne, %convert_element_type3A_335, %cond3A_336 : i32
      scf.if %cond3A_337 {
        %add3A_349 = arith.constant 4 : i32
        %add3A_350 = arith.addi %add3A_310, %add3A_349 : i32
        %add3A_351 = arith.addi %select_n3A_6, %add3A_350 : i32
        %dma_start3A_352 = arith.constant 3 : i32
        %dma_start3A_353 = arith.constant 0 : i32
        %dma_start3A_354 = tpu.memref_slice %arg7[%dma_start3A_352, %dma_start3A_353] : memref<4x128xi32, #tpu.memory_space<vmem>> -> memref<1x128xi32, #tpu.memory_space<vmem>>
        %dma_start3A_355 = tpu.memref_squeeze %dma_start3A_354 : memref<1x128xi32, #tpu.memory_space<vmem>> -> memref<128xi32, #tpu.memory_space<vmem>>
        %dma_start3A_356 = arith.constant 0 : i32
        %dma_start3A_357 = tpu.memref_slice %arg2[%add3A_351, %dma_start3A_356] : memref<2560x128xi32, #tpu.memory_space<hbm>> -> memref<1x128xi32, #tpu.memory_space<hbm>>
        %dma_start3A_358 = tpu.memref_squeeze %dma_start3A_357 : memref<1x128xi32, #tpu.memory_space<hbm>> -> memref<128xi32, #tpu.memory_space<hbm>>
        %dma_start3A_359 = arith.constant 0 : i32
        %dma_start3A_360 = tpu.memref_slice %arg7[%dma_start3A_352, %dma_start3A_359] : memref<4x128xi32, #tpu.memory_space<vmem>> -> memref<1x128xi32, #tpu.memory_space<vmem>>
        %dma_start3A_361 = tpu.memref_squeeze %dma_start3A_360 : memref<1x128xi32, #tpu.memory_space<vmem>> -> memref<128xi32, #tpu.memory_space<vmem>>
        %dma_start3A_362 = arith.constant 0 : i32
        %dma_start3A_363 = tpu.memref_slice %arg2[%add3A_351, %dma_start3A_362] : memref<2560x128xi32, #tpu.memory_space<hbm>> -> memref<1x128xi32, #tpu.memory_space<hbm>>
        %dma_start3A_364 = tpu.memref_squeeze %dma_start3A_363 : memref<1x128xi32, #tpu.memory_space<hbm>> -> memref<128xi32, #tpu.memory_space<hbm>>
        tpu.enqueue_dma source(%dma_start3A_364 : memref<128xi32, #tpu.memory_space<hbm>>) target(%dma_start3A_361 : memref<128xi32, #tpu.memory_space<vmem>>) target_semaphore(%arg18 : memref<!tpu.dma_semaphore, #tpu.memory_space<semaphore_mem>>)
      } else {
      }
      %dma_start3A_338 = arith.constant 1 : i32
      %dma_start3A_339 = arith.constant 0 : i32
      %dma_start3A_340 = arith.constant 0 : i32
      %dma_start3A_341 = tpu.memref_slice %arg9[%dma_start3A_338, %dma_start3A_339, %dma_start3A_340] : memref<2x128x128xf32, #tpu.memory_space<vmem>> -> memref<1x128x128xf32, #tpu.memory_space<vmem>>
      %dma_start3A_342 = tpu.memref_squeeze %dma_start3A_341 : memref<1x128x128xf32, #tpu.memory_space<vmem>> -> memref<128x128xf32, #tpu.memory_space<vmem>>
      %dma_start3A_343 = arith.constant 0 : i32
      %dma_start3A_344 = tpu.memref_slice %arg8[%add3A_310, %dma_start3A_343] : memref<80x128xi32, #tpu.memory_space<vmem>> -> memref<1x128xi32, #tpu.memory_space<vmem>>
      %dma_start3A_345 = tpu.memref_squeeze %dma_start3A_344 : memref<1x128xi32, #tpu.memory_space<vmem>> -> memref<128xi32, #tpu.memory_space<vmem>>
      %dma_start3A_346 = arith.constant 0 : i32
      %dma_start3A_347 = arith.constant 0 : i32
      %dma_start3A_348 = tpu.memref_slice %arg10[%dma_start3A_346, %dma_start3A_347] : memref<10112x128xf32, #tpu.memory_space<vmem_shared>> -> memref<10112x128xf32, #tpu.memory_space<vmem_shared>>
      tpu.enqueue_indirect_dma source(%dma_start3A_342 : memref<128x128xf32, #tpu.memory_space<vmem>>) target(%dma_start3A_348 : memref<10112x128xf32, #tpu.memory_space<vmem_shared>>) offsets(%dma_start3A_345 : memref<128xi32, #tpu.memory_space<vmem>>) semaphore(%arg14 : memref<!tpu.dma_semaphore, #tpu.memory_space<semaphore_mem>>) {add = true}
    }
    %while3A_152 = arith.constant 1 : i32
    scf.for %while3A_182 = %while3A_150 to %while3A_146 step %while3A_152  : i32 {
      %mul3A_183 = arith.constant 4 : i32
      %mul3A_184 = arith.muli %while3A_182, %mul3A_183 : i32
      %add3A_185 = arith.constant 0 : i32
      %add3A_186 = arith.addi %mul3A_184, %add3A_185 : i32
      %add3A_187 = arith.constant 1 : i32
      %add3A_188 = arith.addi %add3A_186, %add3A_187 : i32
      %ge3A = arith.constant 2 : i32
      %ge3A_189 = arith.cmpi sge, %add3A_188, %ge3A : i32
      %lt3A = arith.cmpi slt, %add3A_188, %select_n3A : i32
      %and3A_190 = arith.andi %ge3A_189, %lt3A : i1
      %convert_element_type3A_191 = arith.extui %and3A_190 : i1 to i32
      %cond3A_192 = arith.constant 0 : i32
      %cond3A_193 = arith.cmpi ne, %convert_element_type3A_191, %cond3A_192 : i32
      scf.if %cond3A_193 {
        %dma_wait3A_349 = arith.constant 1 : i32
        %dma_wait3A_350 = arith.constant 0 : i32
        %dma_wait3A_351 = arith.constant 0 : i32
        %dma_wait3A_352 = arith.constant 0 : i32
        %dma_wait3A_353 = tpu.memref_slice %arg9[%dma_wait3A_349, %dma_wait3A_351, %dma_wait3A_352] : memref<2x128x128xf32, #tpu.memory_space<vmem>> -> memref<1x128x128xf32, #tpu.memory_space<vmem>>
        %dma_wait3A_354 = tpu.memref_squeeze %dma_wait3A_353 : memref<1x128x128xf32, #tpu.memory_space<vmem>> -> memref<128x128xf32, #tpu.memory_space<vmem>>
        %dma_wait3A_355 = arith.constant 0 : i32
        %dma_wait3A_356 = tpu.memref_slice %arg8[%dma_wait3A_350, %dma_wait3A_355] : memref<80x128xi32, #tpu.memory_space<vmem>> -> memref<1x128xi32, #tpu.memory_space<vmem>>
        %dma_wait3A_357 = tpu.memref_squeeze %dma_wait3A_356 : memref<1x128xi32, #tpu.memory_space<vmem>> -> memref<128xi32, #tpu.memory_space<vmem>>
        %dma_wait3A_358 = arith.constant 0 : i32
        %dma_wait3A_359 = arith.constant 0 : i32
        %dma_wait3A_360 = tpu.memref_slice %arg10[%dma_wait3A_358, %dma_wait3A_359] : memref<10112x128xf32, #tpu.memory_space<vmem_shared>> -> memref<10112x128xf32, #tpu.memory_space<vmem_shared>>
        tpu.wait_indirect_dma semaphore(%arg14 : memref<!tpu.dma_semaphore, #tpu.memory_space<semaphore_mem>>) src(%dma_wait3A_354 : memref<128x128xf32, #tpu.memory_space<vmem>>) dst(%dma_wait3A_360 : memref<10112x128xf32, #tpu.memory_space<vmem_shared>>)
        %dma_wait3A_361 = arith.constant 0 : i32
        %dma_wait3A_362 = arith.constant 1 : i32
        %dma_wait3A_363 = arith.constant 0 : i32
        %dma_wait3A_364 = tpu.memref_slice %arg7[%dma_wait3A_362, %dma_wait3A_363] : memref<4x128xi32, #tpu.memory_space<vmem>> -> memref<1x128xi32, #tpu.memory_space<vmem>>
        %dma_wait3A_365 = tpu.memref_squeeze %dma_wait3A_364 : memref<1x128xi32, #tpu.memory_space<vmem>> -> memref<128xi32, #tpu.memory_space<vmem>>
        %dma_wait3A_366 = arith.constant 0 : i32
        %dma_wait3A_367 = tpu.memref_slice %arg2[%dma_wait3A_361, %dma_wait3A_366] : memref<2560x128xi32, #tpu.memory_space<hbm>> -> memref<1x128xi32, #tpu.memory_space<hbm>>
        %dma_wait3A_368 = tpu.memref_squeeze %dma_wait3A_367 : memref<1x128xi32, #tpu.memory_space<hbm>> -> memref<128xi32, #tpu.memory_space<hbm>>
        %dma_wait3A_369 = arith.constant 0 : i32
        %dma_wait3A_370 = tpu.memref_slice %arg7[%dma_wait3A_362, %dma_wait3A_369] : memref<4x128xi32, #tpu.memory_space<vmem>> -> memref<1x128xi32, #tpu.memory_space<vmem>>
        %dma_wait3A_371 = tpu.memref_squeeze %dma_wait3A_370 : memref<1x128xi32, #tpu.memory_space<vmem>> -> memref<128xi32, #tpu.memory_space<vmem>>
        %dma_wait3A_372 = arith.constant 0 : i32
        %dma_wait3A_373 = tpu.memref_slice %arg2[%dma_wait3A_361, %dma_wait3A_372] : memref<2560x128xi32, #tpu.memory_space<hbm>> -> memref<1x128xi32, #tpu.memory_space<hbm>>
        %dma_wait3A_374 = tpu.memref_squeeze %dma_wait3A_373 : memref<1x128xi32, #tpu.memory_space<hbm>> -> memref<128xi32, #tpu.memory_space<hbm>>
        tpu.wait_dma2 semaphore(%arg16 : memref<!tpu.dma_semaphore, #tpu.memory_space<semaphore_mem>>) src(%dma_wait3A_374 : memref<128xi32, #tpu.memory_space<hbm>>) dst(%dma_wait3A_371 : memref<128xi32, #tpu.memory_space<vmem>>)
        %dma_start3A_375 = arith.constant 1 : i32
        %dma_start3A_376 = arith.constant 1 : i32
        %dma_start3A_377 = arith.constant 0 : i32
        %dma_start3A_378 = arith.constant 0 : i32
        %dma_start3A_379 = tpu.memref_slice %arg9[%dma_start3A_376, %dma_start3A_377, %dma_start3A_378] : memref<2x128x128xf32, #tpu.memory_space<vmem>> -> memref<1x128x128xf32, #tpu.memory_space<vmem>>
        %dma_start3A_380 = tpu.memref_squeeze %dma_start3A_379 : memref<1x128x128xf32, #tpu.memory_space<vmem>> -> memref<128x128xf32, #tpu.memory_space<vmem>>
        %dma_start3A_381 = arith.constant 0 : i32
        %dma_start3A_382 = tpu.memref_slice %arg7[%dma_start3A_375, %dma_start3A_381] : memref<4x128xi32, #tpu.memory_space<vmem>> -> memref<1x128xi32, #tpu.memory_space<vmem>>
        %dma_start3A_383 = tpu.memref_squeeze %dma_start3A_382 : memref<1x128xi32, #tpu.memory_space<vmem>> -> memref<128xi32, #tpu.memory_space<vmem>>
        %dma_start3A_384 = arith.constant 0 : i32
        %dma_start3A_385 = arith.constant 0 : i32
        %dma_start3A_386 = tpu.memref_slice %arg4[%dma_start3A_384, %dma_start3A_385] : memref<10112x128xf32, #tpu.memory_space<hbm>> -> memref<10112x128xf32, #tpu.memory_space<hbm>>
        tpu.enqueue_indirect_dma source(%dma_start3A_386 : memref<10112x128xf32, #tpu.memory_space<hbm>>) target(%dma_start3A_380 : memref<128x128xf32, #tpu.memory_space<vmem>>) offsets(%dma_start3A_383 : memref<128xi32, #tpu.memory_space<vmem>>) semaphore(%arg12 : memref<!tpu.dma_semaphore, #tpu.memory_space<semaphore_mem>>)
      } else {
      }
      %dma_wait3A_194 = arith.constant 0 : i32
      %dma_wait3A_195 = arith.constant 0 : i32
      %dma_wait3A_196 = arith.constant 0 : i32
      %dma_wait3A_197 = arith.constant 0 : i32
      %dma_wait3A_198 = tpu.memref_slice %arg9[%dma_wait3A_195, %dma_wait3A_196, %dma_wait3A_197] : memref<2x128x128xf32, #tpu.memory_space<vmem>> -> memref<1x128x128xf32, #tpu.memory_space<vmem>>
      %dma_wait3A_199 = tpu.memref_squeeze %dma_wait3A_198 : memref<1x128x128xf32, #tpu.memory_space<vmem>> -> memref<128x128xf32, #tpu.memory_space<vmem>>
      %dma_wait3A_200 = arith.constant 0 : i32
      %dma_wait3A_201 = tpu.memref_slice %arg7[%dma_wait3A_194, %dma_wait3A_200] : memref<4x128xi32, #tpu.memory_space<vmem>> -> memref<1x128xi32, #tpu.memory_space<vmem>>
      %dma_wait3A_202 = tpu.memref_squeeze %dma_wait3A_201 : memref<1x128xi32, #tpu.memory_space<vmem>> -> memref<128xi32, #tpu.memory_space<vmem>>
      %dma_wait3A_203 = arith.constant 0 : i32
      %dma_wait3A_204 = arith.constant 0 : i32
      %dma_wait3A_205 = tpu.memref_slice %arg4[%dma_wait3A_203, %dma_wait3A_204] : memref<10112x128xf32, #tpu.memory_space<hbm>> -> memref<10112x128xf32, #tpu.memory_space<hbm>>
      tpu.wait_indirect_dma semaphore(%arg11 : memref<!tpu.dma_semaphore, #tpu.memory_space<semaphore_mem>>) src(%dma_wait3A_205 : memref<10112x128xf32, #tpu.memory_space<hbm>>) dst(%dma_wait3A_199 : memref<128x128xf32, #tpu.memory_space<vmem>>)
      %add3A_206 = arith.constant 4 : i32
      %add3A_207 = arith.addi %add3A_186, %add3A_206 : i32
      %lt3A_208 = arith.cmpi slt, %add3A_207, %select_n3A : i32
      %convert_element_type3A_209 = arith.extui %lt3A_208 : i1 to i32
      %cond3A_210 = arith.constant 0 : i32
      %cond3A_211 = arith.cmpi ne, %convert_element_type3A_209, %cond3A_210 : i32
      scf.if %cond3A_211 {
        %add3A_349 = arith.constant 4 : i32
        %add3A_350 = arith.addi %add3A_186, %add3A_349 : i32
        %add3A_351 = arith.addi %select_n3A_6, %add3A_350 : i32
        %dma_start3A_352 = arith.constant 0 : i32
        %dma_start3A_353 = arith.constant 0 : i32
        %dma_start3A_354 = tpu.memref_slice %arg7[%dma_start3A_352, %dma_start3A_353] : memref<4x128xi32, #tpu.memory_space<vmem>> -> memref<1x128xi32, #tpu.memory_space<vmem>>
        %dma_start3A_355 = tpu.memref_squeeze %dma_start3A_354 : memref<1x128xi32, #tpu.memory_space<vmem>> -> memref<128xi32, #tpu.memory_space<vmem>>
        %dma_start3A_356 = arith.constant 0 : i32
        %dma_start3A_357 = tpu.memref_slice %arg2[%add3A_351, %dma_start3A_356] : memref<2560x128xi32, #tpu.memory_space<hbm>> -> memref<1x128xi32, #tpu.memory_space<hbm>>
        %dma_start3A_358 = tpu.memref_squeeze %dma_start3A_357 : memref<1x128xi32, #tpu.memory_space<hbm>> -> memref<128xi32, #tpu.memory_space<hbm>>
        %dma_start3A_359 = arith.constant 0 : i32
        %dma_start3A_360 = tpu.memref_slice %arg7[%dma_start3A_352, %dma_start3A_359] : memref<4x128xi32, #tpu.memory_space<vmem>> -> memref<1x128xi32, #tpu.memory_space<vmem>>
        %dma_start3A_361 = tpu.memref_squeeze %dma_start3A_360 : memref<1x128xi32, #tpu.memory_space<vmem>> -> memref<128xi32, #tpu.memory_space<vmem>>
        %dma_start3A_362 = arith.constant 0 : i32
        %dma_start3A_363 = tpu.memref_slice %arg2[%add3A_351, %dma_start3A_362] : memref<2560x128xi32, #tpu.memory_space<hbm>> -> memref<1x128xi32, #tpu.memory_space<hbm>>
        %dma_start3A_364 = tpu.memref_squeeze %dma_start3A_363 : memref<1x128xi32, #tpu.memory_space<hbm>> -> memref<128xi32, #tpu.memory_space<hbm>>
        tpu.enqueue_dma source(%dma_start3A_364 : memref<128xi32, #tpu.memory_space<hbm>>) target(%dma_start3A_361 : memref<128xi32, #tpu.memory_space<vmem>>) target_semaphore(%arg15 : memref<!tpu.dma_semaphore, #tpu.memory_space<semaphore_mem>>)
      } else {
      }
      %dma_start3A_212 = arith.constant 0 : i32
      %dma_start3A_213 = arith.constant 0 : i32
      %dma_start3A_214 = arith.constant 0 : i32
      %dma_start3A_215 = tpu.memref_slice %arg9[%dma_start3A_212, %dma_start3A_213, %dma_start3A_214] : memref<2x128x128xf32, #tpu.memory_space<vmem>> -> memref<1x128x128xf32, #tpu.memory_space<vmem>>
      %dma_start3A_216 = tpu.memref_squeeze %dma_start3A_215 : memref<1x128x128xf32, #tpu.memory_space<vmem>> -> memref<128x128xf32, #tpu.memory_space<vmem>>
      %dma_start3A_217 = arith.constant 0 : i32
      %dma_start3A_218 = tpu.memref_slice %arg8[%add3A_186, %dma_start3A_217] : memref<80x128xi32, #tpu.memory_space<vmem>> -> memref<1x128xi32, #tpu.memory_space<vmem>>
      %dma_start3A_219 = tpu.memref_squeeze %dma_start3A_218 : memref<1x128xi32, #tpu.memory_space<vmem>> -> memref<128xi32, #tpu.memory_space<vmem>>
      %dma_start3A_220 = arith.constant 0 : i32
      %dma_start3A_221 = arith.constant 0 : i32
      %dma_start3A_222 = tpu.memref_slice %arg10[%dma_start3A_220, %dma_start3A_221] : memref<10112x128xf32, #tpu.memory_space<vmem_shared>> -> memref<10112x128xf32, #tpu.memory_space<vmem_shared>>
      tpu.enqueue_indirect_dma source(%dma_start3A_216 : memref<128x128xf32, #tpu.memory_space<vmem>>) target(%dma_start3A_222 : memref<10112x128xf32, #tpu.memory_space<vmem_shared>>) offsets(%dma_start3A_219 : memref<128xi32, #tpu.memory_space<vmem>>) semaphore(%arg13 : memref<!tpu.dma_semaphore, #tpu.memory_space<semaphore_mem>>) {add = true}
      %mul3A_223 = arith.constant 4 : i32
      %mul3A_224 = arith.muli %while3A_182, %mul3A_223 : i32
      %add3A_225 = arith.constant 1 : i32
      %add3A_226 = arith.addi %mul3A_224, %add3A_225 : i32
      %add3A_227 = arith.constant 1 : i32
      %add3A_228 = arith.addi %add3A_226, %add3A_227 : i32
      %ge3A_229 = arith.constant 2 : i32
      %ge3A_230 = arith.cmpi sge, %add3A_228, %ge3A_229 : i32
      %lt3A_231 = arith.cmpi slt, %add3A_228, %select_n3A : i32
      %and3A_232 = arith.andi %ge3A_230, %lt3A_231 : i1
      %convert_element_type3A_233 = arith.extui %and3A_232 : i1 to i32
      %cond3A_234 = arith.constant 0 : i32
      %cond3A_235 = arith.cmpi ne, %convert_element_type3A_233, %cond3A_234 : i32
      scf.if %cond3A_235 {
        %dma_wait3A_349 = arith.constant 0 : i32
        %dma_wait3A_350 = arith.constant 0 : i32
        %dma_wait3A_351 = arith.constant 0 : i32
        %dma_wait3A_352 = arith.constant 0 : i32
        %dma_wait3A_353 = tpu.memref_slice %arg9[%dma_wait3A_349, %dma_wait3A_351, %dma_wait3A_352] : memref<2x128x128xf32, #tpu.memory_space<vmem>> -> memref<1x128x128xf32, #tpu.memory_space<vmem>>
        %dma_wait3A_354 = tpu.memref_squeeze %dma_wait3A_353 : memref<1x128x128xf32, #tpu.memory_space<vmem>> -> memref<128x128xf32, #tpu.memory_space<vmem>>
        %dma_wait3A_355 = arith.constant 0 : i32
        %dma_wait3A_356 = tpu.memref_slice %arg8[%dma_wait3A_350, %dma_wait3A_355] : memref<80x128xi32, #tpu.memory_space<vmem>> -> memref<1x128xi32, #tpu.memory_space<vmem>>
        %dma_wait3A_357 = tpu.memref_squeeze %dma_wait3A_356 : memref<1x128xi32, #tpu.memory_space<vmem>> -> memref<128xi32, #tpu.memory_space<vmem>>
        %dma_wait3A_358 = arith.constant 0 : i32
        %dma_wait3A_359 = arith.constant 0 : i32
        %dma_wait3A_360 = tpu.memref_slice %arg10[%dma_wait3A_358, %dma_wait3A_359] : memref<10112x128xf32, #tpu.memory_space<vmem_shared>> -> memref<10112x128xf32, #tpu.memory_space<vmem_shared>>
        tpu.wait_indirect_dma semaphore(%arg13 : memref<!tpu.dma_semaphore, #tpu.memory_space<semaphore_mem>>) src(%dma_wait3A_354 : memref<128x128xf32, #tpu.memory_space<vmem>>) dst(%dma_wait3A_360 : memref<10112x128xf32, #tpu.memory_space<vmem_shared>>)
        %dma_wait3A_361 = arith.constant 0 : i32
        %dma_wait3A_362 = arith.constant 2 : i32
        %dma_wait3A_363 = arith.constant 0 : i32
        %dma_wait3A_364 = tpu.memref_slice %arg7[%dma_wait3A_362, %dma_wait3A_363] : memref<4x128xi32, #tpu.memory_space<vmem>> -> memref<1x128xi32, #tpu.memory_space<vmem>>
        %dma_wait3A_365 = tpu.memref_squeeze %dma_wait3A_364 : memref<1x128xi32, #tpu.memory_space<vmem>> -> memref<128xi32, #tpu.memory_space<vmem>>
        %dma_wait3A_366 = arith.constant 0 : i32
        %dma_wait3A_367 = tpu.memref_slice %arg2[%dma_wait3A_361, %dma_wait3A_366] : memref<2560x128xi32, #tpu.memory_space<hbm>> -> memref<1x128xi32, #tpu.memory_space<hbm>>
        %dma_wait3A_368 = tpu.memref_squeeze %dma_wait3A_367 : memref<1x128xi32, #tpu.memory_space<hbm>> -> memref<128xi32, #tpu.memory_space<hbm>>
        %dma_wait3A_369 = arith.constant 0 : i32
        %dma_wait3A_370 = tpu.memref_slice %arg7[%dma_wait3A_362, %dma_wait3A_369] : memref<4x128xi32, #tpu.memory_space<vmem>> -> memref<1x128xi32, #tpu.memory_space<vmem>>
        %dma_wait3A_371 = tpu.memref_squeeze %dma_wait3A_370 : memref<1x128xi32, #tpu.memory_space<vmem>> -> memref<128xi32, #tpu.memory_space<vmem>>
        %dma_wait3A_372 = arith.constant 0 : i32
        %dma_wait3A_373 = tpu.memref_slice %arg2[%dma_wait3A_361, %dma_wait3A_372] : memref<2560x128xi32, #tpu.memory_space<hbm>> -> memref<1x128xi32, #tpu.memory_space<hbm>>
        %dma_wait3A_374 = tpu.memref_squeeze %dma_wait3A_373 : memref<1x128xi32, #tpu.memory_space<hbm>> -> memref<128xi32, #tpu.memory_space<hbm>>
        tpu.wait_dma2 semaphore(%arg17 : memref<!tpu.dma_semaphore, #tpu.memory_space<semaphore_mem>>) src(%dma_wait3A_374 : memref<128xi32, #tpu.memory_space<hbm>>) dst(%dma_wait3A_371 : memref<128xi32, #tpu.memory_space<vmem>>)
        %dma_start3A_375 = arith.constant 2 : i32
        %dma_start3A_376 = arith.constant 0 : i32
        %dma_start3A_377 = arith.constant 0 : i32
        %dma_start3A_378 = arith.constant 0 : i32
        %dma_start3A_379 = tpu.memref_slice %arg9[%dma_start3A_376, %dma_start3A_377, %dma_start3A_378] : memref<2x128x128xf32, #tpu.memory_space<vmem>> -> memref<1x128x128xf32, #tpu.memory_space<vmem>>
        %dma_start3A_380 = tpu.memref_squeeze %dma_start3A_379 : memref<1x128x128xf32, #tpu.memory_space<vmem>> -> memref<128x128xf32, #tpu.memory_space<vmem>>
        %dma_start3A_381 = arith.constant 0 : i32
        %dma_start3A_382 = tpu.memref_slice %arg7[%dma_start3A_375, %dma_start3A_381] : memref<4x128xi32, #tpu.memory_space<vmem>> -> memref<1x128xi32, #tpu.memory_space<vmem>>
        %dma_start3A_383 = tpu.memref_squeeze %dma_start3A_382 : memref<1x128xi32, #tpu.memory_space<vmem>> -> memref<128xi32, #tpu.memory_space<vmem>>
        %dma_start3A_384 = arith.constant 0 : i32
        %dma_start3A_385 = arith.constant 0 : i32
        %dma_start3A_386 = tpu.memref_slice %arg4[%dma_start3A_384, %dma_start3A_385] : memref<10112x128xf32, #tpu.memory_space<hbm>> -> memref<10112x128xf32, #tpu.memory_space<hbm>>
        tpu.enqueue_indirect_dma source(%dma_start3A_386 : memref<10112x128xf32, #tpu.memory_space<hbm>>) target(%dma_start3A_380 : memref<128x128xf32, #tpu.memory_space<vmem>>) offsets(%dma_start3A_383 : memref<128xi32, #tpu.memory_space<vmem>>) semaphore(%arg11 : memref<!tpu.dma_semaphore, #tpu.memory_space<semaphore_mem>>)
      } else {
      }
      %dma_wait3A_236 = arith.constant 1 : i32
      %dma_wait3A_237 = arith.constant 1 : i32
      %dma_wait3A_238 = arith.constant 0 : i32
      %dma_wait3A_239 = arith.constant 0 : i32
      %dma_wait3A_240 = tpu.memref_slice %arg9[%dma_wait3A_237, %dma_wait3A_238, %dma_wait3A_239] : memref<2x128x128xf32, #tpu.memory_space<vmem>> -> memref<1x128x128xf32, #tpu.memory_space<vmem>>
      %dma_wait3A_241 = tpu.memref_squeeze %dma_wait3A_240 : memref<1x128x128xf32, #tpu.memory_space<vmem>> -> memref<128x128xf32, #tpu.memory_space<vmem>>
      %dma_wait3A_242 = arith.constant 0 : i32
      %dma_wait3A_243 = tpu.memref_slice %arg7[%dma_wait3A_236, %dma_wait3A_242] : memref<4x128xi32, #tpu.memory_space<vmem>> -> memref<1x128xi32, #tpu.memory_space<vmem>>
      %dma_wait3A_244 = tpu.memref_squeeze %dma_wait3A_243 : memref<1x128xi32, #tpu.memory_space<vmem>> -> memref<128xi32, #tpu.memory_space<vmem>>
      %dma_wait3A_245 = arith.constant 0 : i32
      %dma_wait3A_246 = arith.constant 0 : i32
      %dma_wait3A_247 = tpu.memref_slice %arg4[%dma_wait3A_245, %dma_wait3A_246] : memref<10112x128xf32, #tpu.memory_space<hbm>> -> memref<10112x128xf32, #tpu.memory_space<hbm>>
      tpu.wait_indirect_dma semaphore(%arg12 : memref<!tpu.dma_semaphore, #tpu.memory_space<semaphore_mem>>) src(%dma_wait3A_247 : memref<10112x128xf32, #tpu.memory_space<hbm>>) dst(%dma_wait3A_241 : memref<128x128xf32, #tpu.memory_space<vmem>>)
      %add3A_248 = arith.constant 4 : i32
      %add3A_249 = arith.addi %add3A_226, %add3A_248 : i32
      %lt3A_250 = arith.cmpi slt, %add3A_249, %select_n3A : i32
      %convert_element_type3A_251 = arith.extui %lt3A_250 : i1 to i32
      %cond3A_252 = arith.constant 0 : i32
      %cond3A_253 = arith.cmpi ne, %convert_element_type3A_251, %cond3A_252 : i32
      scf.if %cond3A_253 {
        %add3A_349 = arith.constant 4 : i32
        %add3A_350 = arith.addi %add3A_226, %add3A_349 : i32
        %add3A_351 = arith.addi %select_n3A_6, %add3A_350 : i32
        %dma_start3A_352 = arith.constant 1 : i32
        %dma_start3A_353 = arith.constant 0 : i32
        %dma_start3A_354 = tpu.memref_slice %arg7[%dma_start3A_352, %dma_start3A_353] : memref<4x128xi32, #tpu.memory_space<vmem>> -> memref<1x128xi32, #tpu.memory_space<vmem>>
        %dma_start3A_355 = tpu.memref_squeeze %dma_start3A_354 : memref<1x128xi32, #tpu.memory_space<vmem>> -> memref<128xi32, #tpu.memory_space<vmem>>
        %dma_start3A_356 = arith.constant 0 : i32
        %dma_start3A_357 = tpu.memref_slice %arg2[%add3A_351, %dma_start3A_356] : memref<2560x128xi32, #tpu.memory_space<hbm>> -> memref<1x128xi32, #tpu.memory_space<hbm>>
        %dma_start3A_358 = tpu.memref_squeeze %dma_start3A_357 : memref<1x128xi32, #tpu.memory_space<hbm>> -> memref<128xi32, #tpu.memory_space<hbm>>
        %dma_start3A_359 = arith.constant 0 : i32
        %dma_start3A_360 = tpu.memref_slice %arg7[%dma_start3A_352, %dma_start3A_359] : memref<4x128xi32, #tpu.memory_space<vmem>> -> memref<1x128xi32, #tpu.memory_space<vmem>>
        %dma_start3A_361 = tpu.memref_squeeze %dma_start3A_360 : memref<1x128xi32, #tpu.memory_space<vmem>> -> memref<128xi32, #tpu.memory_space<vmem>>
        %dma_start3A_362 = arith.constant 0 : i32
        %dma_start3A_363 = tpu.memref_slice %arg2[%add3A_351, %dma_start3A_362] : memref<2560x128xi32, #tpu.memory_space<hbm>> -> memref<1x128xi32, #tpu.memory_space<hbm>>
        %dma_start3A_364 = tpu.memref_squeeze %dma_start3A_363 : memref<1x128xi32, #tpu.memory_space<hbm>> -> memref<128xi32, #tpu.memory_space<hbm>>
        tpu.enqueue_dma source(%dma_start3A_364 : memref<128xi32, #tpu.memory_space<hbm>>) target(%dma_start3A_361 : memref<128xi32, #tpu.memory_space<vmem>>) target_semaphore(%arg16 : memref<!tpu.dma_semaphore, #tpu.memory_space<semaphore_mem>>)
      } else {
      }
      %dma_start3A_254 = arith.constant 1 : i32
      %dma_start3A_255 = arith.constant 0 : i32
      %dma_start3A_256 = arith.constant 0 : i32
      %dma_start3A_257 = tpu.memref_slice %arg9[%dma_start3A_254, %dma_start3A_255, %dma_start3A_256] : memref<2x128x128xf32, #tpu.memory_space<vmem>> -> memref<1x128x128xf32, #tpu.memory_space<vmem>>
      %dma_start3A_258 = tpu.memref_squeeze %dma_start3A_257 : memref<1x128x128xf32, #tpu.memory_space<vmem>> -> memref<128x128xf32, #tpu.memory_space<vmem>>
      %dma_start3A_259 = arith.constant 0 : i32
      %dma_start3A_260 = tpu.memref_slice %arg8[%add3A_226, %dma_start3A_259] : memref<80x128xi32, #tpu.memory_space<vmem>> -> memref<1x128xi32, #tpu.memory_space<vmem>>
      %dma_start3A_261 = tpu.memref_squeeze %dma_start3A_260 : memref<1x128xi32, #tpu.memory_space<vmem>> -> memref<128xi32, #tpu.memory_space<vmem>>
      %dma_start3A_262 = arith.constant 0 : i32
      %dma_start3A_263 = arith.constant 0 : i32
      %dma_start3A_264 = tpu.memref_slice %arg10[%dma_start3A_262, %dma_start3A_263] : memref<10112x128xf32, #tpu.memory_space<vmem_shared>> -> memref<10112x128xf32, #tpu.memory_space<vmem_shared>>
      tpu.enqueue_indirect_dma source(%dma_start3A_258 : memref<128x128xf32, #tpu.memory_space<vmem>>) target(%dma_start3A_264 : memref<10112x128xf32, #tpu.memory_space<vmem_shared>>) offsets(%dma_start3A_261 : memref<128xi32, #tpu.memory_space<vmem>>) semaphore(%arg14 : memref<!tpu.dma_semaphore, #tpu.memory_space<semaphore_mem>>) {add = true}
      %mul3A_265 = arith.constant 4 : i32
      %mul3A_266 = arith.muli %while3A_182, %mul3A_265 : i32
      %add3A_267 = arith.constant 2 : i32
      %add3A_268 = arith.addi %mul3A_266, %add3A_267 : i32
      %add3A_269 = arith.constant 1 : i32
      %add3A_270 = arith.addi %add3A_268, %add3A_269 : i32
      %ge3A_271 = arith.constant 2 : i32
      %ge3A_272 = arith.cmpi sge, %add3A_270, %ge3A_271 : i32
      %lt3A_273 = arith.cmpi slt, %add3A_270, %select_n3A : i32
      %and3A_274 = arith.andi %ge3A_272, %lt3A_273 : i1
      %convert_element_type3A_275 = arith.extui %and3A_274 : i1 to i32
      %cond3A_276 = arith.constant 0 : i32
      %cond3A_277 = arith.cmpi ne, %convert_element_type3A_275, %cond3A_276 : i32
      scf.if %cond3A_277 {
        %dma_wait3A_349 = arith.constant 1 : i32
        %dma_wait3A_350 = arith.constant 0 : i32
        %dma_wait3A_351 = arith.constant 0 : i32
        %dma_wait3A_352 = arith.constant 0 : i32
        %dma_wait3A_353 = tpu.memref_slice %arg9[%dma_wait3A_349, %dma_wait3A_351, %dma_wait3A_352] : memref<2x128x128xf32, #tpu.memory_space<vmem>> -> memref<1x128x128xf32, #tpu.memory_space<vmem>>
        %dma_wait3A_354 = tpu.memref_squeeze %dma_wait3A_353 : memref<1x128x128xf32, #tpu.memory_space<vmem>> -> memref<128x128xf32, #tpu.memory_space<vmem>>
        %dma_wait3A_355 = arith.constant 0 : i32
        %dma_wait3A_356 = tpu.memref_slice %arg8[%dma_wait3A_350, %dma_wait3A_355] : memref<80x128xi32, #tpu.memory_space<vmem>> -> memref<1x128xi32, #tpu.memory_space<vmem>>
        %dma_wait3A_357 = tpu.memref_squeeze %dma_wait3A_356 : memref<1x128xi32, #tpu.memory_space<vmem>> -> memref<128xi32, #tpu.memory_space<vmem>>
        %dma_wait3A_358 = arith.constant 0 : i32
        %dma_wait3A_359 = arith.constant 0 : i32
        %dma_wait3A_360 = tpu.memref_slice %arg10[%dma_wait3A_358, %dma_wait3A_359] : memref<10112x128xf32, #tpu.memory_space<vmem_shared>> -> memref<10112x128xf32, #tpu.memory_space<vmem_shared>>
        tpu.wait_indirect_dma semaphore(%arg14 : memref<!tpu.dma_semaphore, #tpu.memory_space<semaphore_mem>>) src(%dma_wait3A_354 : memref<128x128xf32, #tpu.memory_space<vmem>>) dst(%dma_wait3A_360 : memref<10112x128xf32, #tpu.memory_space<vmem_shared>>)
        %dma_wait3A_361 = arith.constant 0 : i32
        %dma_wait3A_362 = arith.constant 3 : i32
        %dma_wait3A_363 = arith.constant 0 : i32
        %dma_wait3A_364 = tpu.memref_slice %arg7[%dma_wait3A_362, %dma_wait3A_363] : memref<4x128xi32, #tpu.memory_space<vmem>> -> memref<1x128xi32, #tpu.memory_space<vmem>>
        %dma_wait3A_365 = tpu.memref_squeeze %dma_wait3A_364 : memref<1x128xi32, #tpu.memory_space<vmem>> -> memref<128xi32, #tpu.memory_space<vmem>>
        %dma_wait3A_366 = arith.constant 0 : i32
        %dma_wait3A_367 = tpu.memref_slice %arg2[%dma_wait3A_361, %dma_wait3A_366] : memref<2560x128xi32, #tpu.memory_space<hbm>> -> memref<1x128xi32, #tpu.memory_space<hbm>>
        %dma_wait3A_368 = tpu.memref_squeeze %dma_wait3A_367 : memref<1x128xi32, #tpu.memory_space<hbm>> -> memref<128xi32, #tpu.memory_space<hbm>>
        %dma_wait3A_369 = arith.constant 0 : i32
        %dma_wait3A_370 = tpu.memref_slice %arg7[%dma_wait3A_362, %dma_wait3A_369] : memref<4x128xi32, #tpu.memory_space<vmem>> -> memref<1x128xi32, #tpu.memory_space<vmem>>
        %dma_wait3A_371 = tpu.memref_squeeze %dma_wait3A_370 : memref<1x128xi32, #tpu.memory_space<vmem>> -> memref<128xi32, #tpu.memory_space<vmem>>
        %dma_wait3A_372 = arith.constant 0 : i32
        %dma_wait3A_373 = tpu.memref_slice %arg2[%dma_wait3A_361, %dma_wait3A_372] : memref<2560x128xi32, #tpu.memory_space<hbm>> -> memref<1x128xi32, #tpu.memory_space<hbm>>
        %dma_wait3A_374 = tpu.memref_squeeze %dma_wait3A_373 : memref<1x128xi32, #tpu.memory_space<hbm>> -> memref<128xi32, #tpu.memory_space<hbm>>
        tpu.wait_dma2 semaphore(%arg18 : memref<!tpu.dma_semaphore, #tpu.memory_space<semaphore_mem>>) src(%dma_wait3A_374 : memref<128xi32, #tpu.memory_space<hbm>>) dst(%dma_wait3A_371 : memref<128xi32, #tpu.memory_space<vmem>>)
        %dma_start3A_375 = arith.constant 3 : i32
        %dma_start3A_376 = arith.constant 1 : i32
        %dma_start3A_377 = arith.constant 0 : i32
        %dma_start3A_378 = arith.constant 0 : i32
        %dma_start3A_379 = tpu.memref_slice %arg9[%dma_start3A_376, %dma_start3A_377, %dma_start3A_378] : memref<2x128x128xf32, #tpu.memory_space<vmem>> -> memref<1x128x128xf32, #tpu.memory_space<vmem>>
        %dma_start3A_380 = tpu.memref_squeeze %dma_start3A_379 : memref<1x128x128xf32, #tpu.memory_space<vmem>> -> memref<128x128xf32, #tpu.memory_space<vmem>>
        %dma_start3A_381 = arith.constant 0 : i32
        %dma_start3A_382 = tpu.memref_slice %arg7[%dma_start3A_375, %dma_start3A_381] : memref<4x128xi32, #tpu.memory_space<vmem>> -> memref<1x128xi32, #tpu.memory_space<vmem>>
        %dma_start3A_383 = tpu.memref_squeeze %dma_start3A_382 : memref<1x128xi32, #tpu.memory_space<vmem>> -> memref<128xi32, #tpu.memory_space<vmem>>
        %dma_start3A_384 = arith.constant 0 : i32
        %dma_start3A_385 = arith.constant 0 : i32
        %dma_start3A_386 = tpu.memref_slice %arg4[%dma_start3A_384, %dma_start3A_385] : memref<10112x128xf32, #tpu.memory_space<hbm>> -> memref<10112x128xf32, #tpu.memory_space<hbm>>
        tpu.enqueue_indirect_dma source(%dma_start3A_386 : memref<10112x128xf32, #tpu.memory_space<hbm>>) target(%dma_start3A_380 : memref<128x128xf32, #tpu.memory_space<vmem>>) offsets(%dma_start3A_383 : memref<128xi32, #tpu.memory_space<vmem>>) semaphore(%arg12 : memref<!tpu.dma_semaphore, #tpu.memory_space<semaphore_mem>>)
      } else {
      }
      %dma_wait3A_278 = arith.constant 2 : i32
      %dma_wait3A_279 = arith.constant 0 : i32
      %dma_wait3A_280 = arith.constant 0 : i32
      %dma_wait3A_281 = arith.constant 0 : i32
      %dma_wait3A_282 = tpu.memref_slice %arg9[%dma_wait3A_279, %dma_wait3A_280, %dma_wait3A_281] : memref<2x128x128xf32, #tpu.memory_space<vmem>> -> memref<1x128x128xf32, #tpu.memory_space<vmem>>
      %dma_wait3A_283 = tpu.memref_squeeze %dma_wait3A_282 : memref<1x128x128xf32, #tpu.memory_space<vmem>> -> memref<128x128xf32, #tpu.memory_space<vmem>>
      %dma_wait3A_284 = arith.constant 0 : i32
      %dma_wait3A_285 = tpu.memref_slice %arg7[%dma_wait3A_278, %dma_wait3A_284] : memref<4x128xi32, #tpu.memory_space<vmem>> -> memref<1x128xi32, #tpu.memory_space<vmem>>
      %dma_wait3A_286 = tpu.memref_squeeze %dma_wait3A_285 : memref<1x128xi32, #tpu.memory_space<vmem>> -> memref<128xi32, #tpu.memory_space<vmem>>
      %dma_wait3A_287 = arith.constant 0 : i32
      %dma_wait3A_288 = arith.constant 0 : i32
      %dma_wait3A_289 = tpu.memref_slice %arg4[%dma_wait3A_287, %dma_wait3A_288] : memref<10112x128xf32, #tpu.memory_space<hbm>> -> memref<10112x128xf32, #tpu.memory_space<hbm>>
      tpu.wait_indirect_dma semaphore(%arg11 : memref<!tpu.dma_semaphore, #tpu.memory_space<semaphore_mem>>) src(%dma_wait3A_289 : memref<10112x128xf32, #tpu.memory_space<hbm>>) dst(%dma_wait3A_283 : memref<128x128xf32, #tpu.memory_space<vmem>>)
      %add3A_290 = arith.constant 4 : i32
      %add3A_291 = arith.addi %add3A_268, %add3A_290 : i32
      %lt3A_292 = arith.cmpi slt, %add3A_291, %select_n3A : i32
      %convert_element_type3A_293 = arith.extui %lt3A_292 : i1 to i32
      %cond3A_294 = arith.constant 0 : i32
      %cond3A_295 = arith.cmpi ne, %convert_element_type3A_293, %cond3A_294 : i32
      scf.if %cond3A_295 {
        %add3A_349 = arith.constant 4 : i32
        %add3A_350 = arith.addi %add3A_268, %add3A_349 : i32
        %add3A_351 = arith.addi %select_n3A_6, %add3A_350 : i32
        %dma_start3A_352 = arith.constant 2 : i32
        %dma_start3A_353 = arith.constant 0 : i32
        %dma_start3A_354 = tpu.memref_slice %arg7[%dma_start3A_352, %dma_start3A_353] : memref<4x128xi32, #tpu.memory_space<vmem>> -> memref<1x128xi32, #tpu.memory_space<vmem>>
        %dma_start3A_355 = tpu.memref_squeeze %dma_start3A_354 : memref<1x128xi32, #tpu.memory_space<vmem>> -> memref<128xi32, #tpu.memory_space<vmem>>
        %dma_start3A_356 = arith.constant 0 : i32
        %dma_start3A_357 = tpu.memref_slice %arg2[%add3A_351, %dma_start3A_356] : memref<2560x128xi32, #tpu.memory_space<hbm>> -> memref<1x128xi32, #tpu.memory_space<hbm>>
        %dma_start3A_358 = tpu.memref_squeeze %dma_start3A_357 : memref<1x128xi32, #tpu.memory_space<hbm>> -> memref<128xi32, #tpu.memory_space<hbm>>
        %dma_start3A_359 = arith.constant 0 : i32
        %dma_start3A_360 = tpu.memref_slice %arg7[%dma_start3A_352, %dma_start3A_359] : memref<4x128xi32, #tpu.memory_space<vmem>> -> memref<1x128xi32, #tpu.memory_space<vmem>>
        %dma_start3A_361 = tpu.memref_squeeze %dma_start3A_360 : memref<1x128xi32, #tpu.memory_space<vmem>> -> memref<128xi32, #tpu.memory_space<vmem>>
        %dma_start3A_362 = arith.constant 0 : i32
        %dma_start3A_363 = tpu.memref_slice %arg2[%add3A_351, %dma_start3A_362] : memref<2560x128xi32, #tpu.memory_space<hbm>> -> memref<1x128xi32, #tpu.memory_space<hbm>>
        %dma_start3A_364 = tpu.memref_squeeze %dma_start3A_363 : memref<1x128xi32, #tpu.memory_space<hbm>> -> memref<128xi32, #tpu.memory_space<hbm>>
        tpu.enqueue_dma source(%dma_start3A_364 : memref<128xi32, #tpu.memory_space<hbm>>) target(%dma_start3A_361 : memref<128xi32, #tpu.memory_space<vmem>>) target_semaphore(%arg17 : memref<!tpu.dma_semaphore, #tpu.memory_space<semaphore_mem>>)
      } else {
      }
      %dma_start3A_296 = arith.constant 0 : i32
      %dma_start3A_297 = arith.constant 0 : i32
      %dma_start3A_298 = arith.constant 0 : i32
      %dma_start3A_299 = tpu.memref_slice %arg9[%dma_start3A_296, %dma_start3A_297, %dma_start3A_298] : memref<2x128x128xf32, #tpu.memory_space<vmem>> -> memref<1x128x128xf32, #tpu.memory_space<vmem>>
      %dma_start3A_300 = tpu.memref_squeeze %dma_start3A_299 : memref<1x128x128xf32, #tpu.memory_space<vmem>> -> memref<128x128xf32, #tpu.memory_space<vmem>>
      %dma_start3A_301 = arith.constant 0 : i32
      %dma_start3A_302 = tpu.memref_slice %arg8[%add3A_268, %dma_start3A_301] : memref<80x128xi32, #tpu.memory_space<vmem>> -> memref<1x128xi32, #tpu.memory_space<vmem>>
      %dma_start3A_303 = tpu.memref_squeeze %dma_start3A_302 : memref<1x128xi32, #tpu.memory_space<vmem>> -> memref<128xi32, #tpu.memory_space<vmem>>
      %dma_start3A_304 = arith.constant 0 : i32
      %dma_start3A_305 = arith.constant 0 : i32
      %dma_start3A_306 = tpu.memref_slice %arg10[%dma_start3A_304, %dma_start3A_305] : memref<10112x128xf32, #tpu.memory_space<vmem_shared>> -> memref<10112x128xf32, #tpu.memory_space<vmem_shared>>
      tpu.enqueue_indirect_dma source(%dma_start3A_300 : memref<128x128xf32, #tpu.memory_space<vmem>>) target(%dma_start3A_306 : memref<10112x128xf32, #tpu.memory_space<vmem_shared>>) offsets(%dma_start3A_303 : memref<128xi32, #tpu.memory_space<vmem>>) semaphore(%arg13 : memref<!tpu.dma_semaphore, #tpu.memory_space<semaphore_mem>>) {add = true}
      %mul3A_307 = arith.constant 4 : i32
      %mul3A_308 = arith.muli %while3A_182, %mul3A_307 : i32
      %add3A_309 = arith.constant 3 : i32
      %add3A_310 = arith.addi %mul3A_308, %add3A_309 : i32
      %add3A_311 = arith.constant 1 : i32
      %add3A_312 = arith.addi %add3A_310, %add3A_311 : i32
      %ge3A_313 = arith.constant 2 : i32
      %ge3A_314 = arith.cmpi sge, %add3A_312, %ge3A_313 : i32
      %lt3A_315 = arith.cmpi slt, %add3A_312, %select_n3A : i32
      %and3A_316 = arith.andi %ge3A_314, %lt3A_315 : i1
      %convert_element_type3A_317 = arith.extui %and3A_316 : i1 to i32
      %cond3A_318 = arith.constant 0 : i32
      %cond3A_319 = arith.cmpi ne, %convert_element_type3A_317, %cond3A_318 : i32
      scf.if %cond3A_319 {
        %dma_wait3A_349 = arith.constant 0 : i32
        %dma_wait3A_350 = arith.constant 0 : i32
        %dma_wait3A_351 = arith.constant 0 : i32
        %dma_wait3A_352 = arith.constant 0 : i32
        %dma_wait3A_353 = tpu.memref_slice %arg9[%dma_wait3A_349, %dma_wait3A_351, %dma_wait3A_352] : memref<2x128x128xf32, #tpu.memory_space<vmem>> -> memref<1x128x128xf32, #tpu.memory_space<vmem>>
        %dma_wait3A_354 = tpu.memref_squeeze %dma_wait3A_353 : memref<1x128x128xf32, #tpu.memory_space<vmem>> -> memref<128x128xf32, #tpu.memory_space<vmem>>
        %dma_wait3A_355 = arith.constant 0 : i32
        %dma_wait3A_356 = tpu.memref_slice %arg8[%dma_wait3A_350, %dma_wait3A_355] : memref<80x128xi32, #tpu.memory_space<vmem>> -> memref<1x128xi32, #tpu.memory_space<vmem>>
        %dma_wait3A_357 = tpu.memref_squeeze %dma_wait3A_356 : memref<1x128xi32, #tpu.memory_space<vmem>> -> memref<128xi32, #tpu.memory_space<vmem>>
        %dma_wait3A_358 = arith.constant 0 : i32
        %dma_wait3A_359 = arith.constant 0 : i32
        %dma_wait3A_360 = tpu.memref_slice %arg10[%dma_wait3A_358, %dma_wait3A_359] : memref<10112x128xf32, #tpu.memory_space<vmem_shared>> -> memref<10112x128xf32, #tpu.memory_space<vmem_shared>>
        tpu.wait_indirect_dma semaphore(%arg13 : memref<!tpu.dma_semaphore, #tpu.memory_space<semaphore_mem>>) src(%dma_wait3A_354 : memref<128x128xf32, #tpu.memory_space<vmem>>) dst(%dma_wait3A_360 : memref<10112x128xf32, #tpu.memory_space<vmem_shared>>)
        %dma_wait3A_361 = arith.constant 0 : i32
        %dma_wait3A_362 = arith.constant 0 : i32
        %dma_wait3A_363 = arith.constant 0 : i32
        %dma_wait3A_364 = tpu.memref_slice %arg7[%dma_wait3A_362, %dma_wait3A_363] : memref<4x128xi32, #tpu.memory_space<vmem>> -> memref<1x128xi32, #tpu.memory_space<vmem>>
        %dma_wait3A_365 = tpu.memref_squeeze %dma_wait3A_364 : memref<1x128xi32, #tpu.memory_space<vmem>> -> memref<128xi32, #tpu.memory_space<vmem>>
        %dma_wait3A_366 = arith.constant 0 : i32
        %dma_wait3A_367 = tpu.memref_slice %arg2[%dma_wait3A_361, %dma_wait3A_366] : memref<2560x128xi32, #tpu.memory_space<hbm>> -> memref<1x128xi32, #tpu.memory_space<hbm>>
        %dma_wait3A_368 = tpu.memref_squeeze %dma_wait3A_367 : memref<1x128xi32, #tpu.memory_space<hbm>> -> memref<128xi32, #tpu.memory_space<hbm>>
        %dma_wait3A_369 = arith.constant 0 : i32
        %dma_wait3A_370 = tpu.memref_slice %arg7[%dma_wait3A_362, %dma_wait3A_369] : memref<4x128xi32, #tpu.memory_space<vmem>> -> memref<1x128xi32, #tpu.memory_space<vmem>>
        %dma_wait3A_371 = tpu.memref_squeeze %dma_wait3A_370 : memref<1x128xi32, #tpu.memory_space<vmem>> -> memref<128xi32, #tpu.memory_space<vmem>>
        %dma_wait3A_372 = arith.constant 0 : i32
        %dma_wait3A_373 = tpu.memref_slice %arg2[%dma_wait3A_361, %dma_wait3A_372] : memref<2560x128xi32, #tpu.memory_space<hbm>> -> memref<1x128xi32, #tpu.memory_space<hbm>>
        %dma_wait3A_374 = tpu.memref_squeeze %dma_wait3A_373 : memref<1x128xi32, #tpu.memory_space<hbm>> -> memref<128xi32, #tpu.memory_space<hbm>>
        tpu.wait_dma2 semaphore(%arg15 : memref<!tpu.dma_semaphore, #tpu.memory_space<semaphore_mem>>) src(%dma_wait3A_374 : memref<128xi32, #tpu.memory_space<hbm>>) dst(%dma_wait3A_371 : memref<128xi32, #tpu.memory_space<vmem>>)
        %dma_start3A_375 = arith.constant 0 : i32
        %dma_start3A_376 = arith.constant 0 : i32
        %dma_start3A_377 = arith.constant 0 : i32
        %dma_start3A_378 = arith.constant 0 : i32
        %dma_start3A_379 = tpu.memref_slice %arg9[%dma_start3A_376, %dma_start3A_377, %dma_start3A_378] : memref<2x128x128xf32, #tpu.memory_space<vmem>> -> memref<1x128x128xf32, #tpu.memory_space<vmem>>
        %dma_start3A_380 = tpu.memref_squeeze %dma_start3A_379 : memref<1x128x128xf32, #tpu.memory_space<vmem>> -> memref<128x128xf32, #tpu.memory_space<vmem>>
        %dma_start3A_381 = arith.constant 0 : i32
        %dma_start3A_382 = tpu.memref_slice %arg7[%dma_start3A_375, %dma_start3A_381] : memref<4x128xi32, #tpu.memory_space<vmem>> -> memref<1x128xi32, #tpu.memory_space<vmem>>
        %dma_start3A_383 = tpu.memref_squeeze %dma_start3A_382 : memref<1x128xi32, #tpu.memory_space<vmem>> -> memref<128xi32, #tpu.memory_space<vmem>>
        %dma_start3A_384 = arith.constant 0 : i32
        %dma_start3A_385 = arith.constant 0 : i32
        %dma_start3A_386 = tpu.memref_slice %arg4[%dma_start3A_384, %dma_start3A_385] : memref<10112x128xf32, #tpu.memory_space<hbm>> -> memref<10112x128xf32, #tpu.memory_space<hbm>>
        tpu.enqueue_indirect_dma source(%dma_start3A_386 : memref<10112x128xf32, #tpu.memory_space<hbm>>) target(%dma_start3A_380 : memref<128x128xf32, #tpu.memory_space<vmem>>) offsets(%dma_start3A_383 : memref<128xi32, #tpu.memory_space<vmem>>) semaphore(%arg11 : memref<!tpu.dma_semaphore, #tpu.memory_space<semaphore_mem>>)
      } else {
      }
      %dma_wait3A_320 = arith.constant 3 : i32
      %dma_wait3A_321 = arith.constant 1 : i32
      %dma_wait3A_322 = arith.constant 0 : i32
      %dma_wait3A_323 = arith.constant 0 : i32
      %dma_wait3A_324 = tpu.memref_slice %arg9[%dma_wait3A_321, %dma_wait3A_322, %dma_wait3A_323] : memref<2x128x128xf32, #tpu.memory_space<vmem>> -> memref<1x128x128xf32, #tpu.memory_space<vmem>>
      %dma_wait3A_325 = tpu.memref_squeeze %dma_wait3A_324 : memref<1x128x128xf32, #tpu.memory_space<vmem>> -> memref<128x128xf32, #tpu.memory_space<vmem>>
      %dma_wait3A_326 = arith.constant 0 : i32
      %dma_wait3A_327 = tpu.memref_slice %arg7[%dma_wait3A_320, %dma_wait3A_326] : memref<4x128xi32, #tpu.memory_space<vmem>> -> memref<1x128xi32, #tpu.memory_space<vmem>>
      %dma_wait3A_328 = tpu.memref_squeeze %dma_wait3A_327 : memref<1x128xi32, #tpu.memory_space<vmem>> -> memref<128xi32, #tpu.memory_space<vmem>>
      %dma_wait3A_329 = arith.constant 0 : i32
      %dma_wait3A_330 = arith.constant 0 : i32
      %dma_wait3A_331 = tpu.memref_slice %arg4[%dma_wait3A_329, %dma_wait3A_330] : memref<10112x128xf32, #tpu.memory_space<hbm>> -> memref<10112x128xf32, #tpu.memory_space<hbm>>
      tpu.wait_indirect_dma semaphore(%arg12 : memref<!tpu.dma_semaphore, #tpu.memory_space<semaphore_mem>>) src(%dma_wait3A_331 : memref<10112x128xf32, #tpu.memory_space<hbm>>) dst(%dma_wait3A_325 : memref<128x128xf32, #tpu.memory_space<vmem>>)
      %add3A_332 = arith.constant 4 : i32
      %add3A_333 = arith.addi %add3A_310, %add3A_332 : i32
      %lt3A_334 = arith.cmpi slt, %add3A_333, %select_n3A : i32
      %convert_element_type3A_335 = arith.extui %lt3A_334 : i1 to i32
      %cond3A_336 = arith.constant 0 : i32
      %cond3A_337 = arith.cmpi ne, %convert_element_type3A_335, %cond3A_336 : i32
      scf.if %cond3A_337 {
        %add3A_349 = arith.constant 4 : i32
        %add3A_350 = arith.addi %add3A_310, %add3A_349 : i32
        %add3A_351 = arith.addi %select_n3A_6, %add3A_350 : i32
        %dma_start3A_352 = arith.constant 3 : i32
        %dma_start3A_353 = arith.constant 0 : i32
        %dma_start3A_354 = tpu.memref_slice %arg7[%dma_start3A_352, %dma_start3A_353] : memref<4x128xi32, #tpu.memory_space<vmem>> -> memref<1x128xi32, #tpu.memory_space<vmem>>
        %dma_start3A_355 = tpu.memref_squeeze %dma_start3A_354 : memref<1x128xi32, #tpu.memory_space<vmem>> -> memref<128xi32, #tpu.memory_space<vmem>>
        %dma_start3A_356 = arith.constant 0 : i32
        %dma_start3A_357 = tpu.memref_slice %arg2[%add3A_351, %dma_start3A_356] : memref<2560x128xi32, #tpu.memory_space<hbm>> -> memref<1x128xi32, #tpu.memory_space<hbm>>
        %dma_start3A_358 = tpu.memref_squeeze %dma_start3A_357 : memref<1x128xi32, #tpu.memory_space<hbm>> -> memref<128xi32, #tpu.memory_space<hbm>>
        %dma_start3A_359 = arith.constant 0 : i32
        %dma_start3A_360 = tpu.memref_slice %arg7[%dma_start3A_352, %dma_start3A_359] : memref<4x128xi32, #tpu.memory_space<vmem>> -> memref<1x128xi32, #tpu.memory_space<vmem>>
        %dma_start3A_361 = tpu.memref_squeeze %dma_start3A_360 : memref<1x128xi32, #tpu.memory_space<vmem>> -> memref<128xi32, #tpu.memory_space<vmem>>
        %dma_start3A_362 = arith.constant 0 : i32
        %dma_start3A_363 = tpu.memref_slice %arg2[%add3A_351, %dma_start3A_362] : memref<2560x128xi32, #tpu.memory_space<hbm>> -> memref<1x128xi32, #tpu.memory_space<hbm>>
        %dma_start3A_364 = tpu.memref_squeeze %dma_start3A_363 : memref<1x128xi32, #tpu.memory_space<hbm>> -> memref<128xi32, #tpu.memory_space<hbm>>
        tpu.enqueue_dma source(%dma_start3A_364 : memref<128xi32, #tpu.memory_space<hbm>>) target(%dma_start3A_361 : memref<128xi32, #tpu.memory_space<vmem>>) target_semaphore(%arg18 : memref<!tpu.dma_semaphore, #tpu.memory_space<semaphore_mem>>)
      } else {
      }
      %dma_start3A_338 = arith.constant 1 : i32
      %dma_start3A_339 = arith.constant 0 : i32
      %dma_start3A_340 = arith.constant 0 : i32
      %dma_start3A_341 = tpu.memref_slice %arg9[%dma_start3A_338, %dma_start3A_339, %dma_start3A_340] : memref<2x128x128xf32, #tpu.memory_space<vmem>> -> memref<1x128x128xf32, #tpu.memory_space<vmem>>
      %dma_start3A_342 = tpu.memref_squeeze %dma_start3A_341 : memref<1x128x128xf32, #tpu.memory_space<vmem>> -> memref<128x128xf32, #tpu.memory_space<vmem>>
      %dma_start3A_343 = arith.constant 0 : i32
      %dma_start3A_344 = tpu.memref_slice %arg8[%add3A_310, %dma_start3A_343] : memref<80x128xi32, #tpu.memory_space<vmem>> -> memref<1x128xi32, #tpu.memory_space<vmem>>
      %dma_start3A_345 = tpu.memref_squeeze %dma_start3A_344 : memref<1x128xi32, #tpu.memory_space<vmem>> -> memref<128xi32, #tpu.memory_space<vmem>>
      %dma_start3A_346 = arith.constant 0 : i32
      %dma_start3A_347 = arith.constant 0 : i32
      %dma_start3A_348 = tpu.memref_slice %arg10[%dma_start3A_346, %dma_start3A_347] : memref<10112x128xf32, #tpu.memory_space<vmem_shared>> -> memref<10112x128xf32, #tpu.memory_space<vmem_shared>>
      tpu.enqueue_indirect_dma source(%dma_start3A_342 : memref<128x128xf32, #tpu.memory_space<vmem>>) target(%dma_start3A_348 : memref<10112x128xf32, #tpu.memory_space<vmem_shared>>) offsets(%dma_start3A_345 : memref<128xi32, #tpu.memory_space<vmem>>) semaphore(%arg14 : memref<!tpu.dma_semaphore, #tpu.memory_space<semaphore_mem>>) {add = true}
    }
    %dma_wait3A_153 = arith.constant 0 : i32
    %dma_wait3A_154 = arith.constant 0 : i32
    %dma_wait3A_155 = arith.constant 0 : i32
    %dma_wait3A_156 = arith.constant 0 : i32
    %dma_wait3A_157 = tpu.memref_slice %arg9[%dma_wait3A_153, %dma_wait3A_155, %dma_wait3A_156] : memref<2x128x128xf32, #tpu.memory_space<vmem>> -> memref<1x128x128xf32, #tpu.memory_space<vmem>>
    %dma_wait3A_158 = tpu.memref_squeeze %dma_wait3A_157 : memref<1x128x128xf32, #tpu.memory_space<vmem>> -> memref<128x128xf32, #tpu.memory_space<vmem>>
    %dma_wait3A_159 = arith.constant 0 : i32
    %dma_wait3A_160 = tpu.memref_slice %arg8[%dma_wait3A_154, %dma_wait3A_159] : memref<80x128xi32, #tpu.memory_space<vmem>> -> memref<1x128xi32, #tpu.memory_space<vmem>>
    %dma_wait3A_161 = tpu.memref_squeeze %dma_wait3A_160 : memref<1x128xi32, #tpu.memory_space<vmem>> -> memref<128xi32, #tpu.memory_space<vmem>>
    %dma_wait3A_162 = arith.constant 0 : i32
    %dma_wait3A_163 = arith.constant 0 : i32
    %dma_wait3A_164 = tpu.memref_slice %arg10[%dma_wait3A_162, %dma_wait3A_163] : memref<10112x128xf32, #tpu.memory_space<vmem_shared>> -> memref<10112x128xf32, #tpu.memory_space<vmem_shared>>
    tpu.wait_indirect_dma semaphore(%arg13 : memref<!tpu.dma_semaphore, #tpu.memory_space<semaphore_mem>>) src(%dma_wait3A_158 : memref<128x128xf32, #tpu.memory_space<vmem>>) dst(%dma_wait3A_164 : memref<10112x128xf32, #tpu.memory_space<vmem_shared>>)
    %dma_wait3A_165 = arith.constant 1 : i32
    %dma_wait3A_166 = arith.constant 0 : i32
    %dma_wait3A_167 = arith.constant 0 : i32
    %dma_wait3A_168 = arith.constant 0 : i32
    %dma_wait3A_169 = tpu.memref_slice %arg9[%dma_wait3A_165, %dma_wait3A_167, %dma_wait3A_168] : memref<2x128x128xf32, #tpu.memory_space<vmem>> -> memref<1x128x128xf32, #tpu.memory_space<vmem>>
    %dma_wait3A_170 = tpu.memref_squeeze %dma_wait3A_169 : memref<1x128x128xf32, #tpu.memory_space<vmem>> -> memref<128x128xf32, #tpu.memory_space<vmem>>
    %dma_wait3A_171 = arith.constant 0 : i32
    %dma_wait3A_172 = tpu.memref_slice %arg8[%dma_wait3A_166, %dma_wait3A_171] : memref<80x128xi32, #tpu.memory_space<vmem>> -> memref<1x128xi32, #tpu.memory_space<vmem>>
    %dma_wait3A_173 = tpu.memref_squeeze %dma_wait3A_172 : memref<1x128xi32, #tpu.memory_space<vmem>> -> memref<128xi32, #tpu.memory_space<vmem>>
    %dma_wait3A_174 = arith.constant 0 : i32
    %dma_wait3A_175 = arith.constant 0 : i32
    %dma_wait3A_176 = tpu.memref_slice %arg10[%dma_wait3A_174, %dma_wait3A_175] : memref<10112x128xf32, #tpu.memory_space<vmem_shared>> -> memref<10112x128xf32, #tpu.memory_space<vmem_shared>>
    tpu.wait_indirect_dma semaphore(%arg14 : memref<!tpu.dma_semaphore, #tpu.memory_space<semaphore_mem>>) src(%dma_wait3A_170 : memref<128x128xf32, #tpu.memory_space<vmem>>) dst(%dma_wait3A_176 : memref<10112x128xf32, #tpu.memory_space<vmem_shared>>)
    %barrier3A_177 = arith.constant 0 : index
    tpu.barrier barrier_id(%barrier3A_177)
    %mul3A_178 = arith.constant 632 : i32
    %mul3A_179 = arith.muli %arg1, %mul3A_178 : i32
    %mul3A_180 = arith.constant 632 : i32
    %mul3A_181 = arith.muli %arg1, %mul3A_180 : i32
    "tpu.region"() ({
      %run_scoped3A = tpu.sem_alloc : memref<!tpu.dma_semaphore, #tpu.memory_space<semaphore_mem>>
      %dma_start3A_182 = arith.constant 0 : i32
      %dma_start3A_183 = tpu.memref_slice %arg6[%arg0, %mul3A_181, %dma_start3A_182] : memref<2x10112x128xf32, #tpu.memory_space<hbm>> -> memref<1x632x128xf32, #tpu.memory_space<hbm>>
      %dma_start3A_184 = tpu.memref_squeeze %dma_start3A_183 : memref<1x632x128xf32, #tpu.memory_space<hbm>> -> memref<632x128xf32, #tpu.memory_space<hbm>>
      %dma_start3A_185 = arith.constant 0 : i32
      %dma_start3A_186 = tpu.memref_slice %arg10[%mul3A_179, %dma_start3A_185] : memref<10112x128xf32, #tpu.memory_space<vmem_shared>> -> memref<632x128xf32, #tpu.memory_space<vmem_shared>>
      tpu.enqueue_dma source(%dma_start3A_186 : memref<632x128xf32, #tpu.memory_space<vmem_shared>>) target(%dma_start3A_184 : memref<632x128xf32, #tpu.memory_space<hbm>>) target_semaphore(%run_scoped3A : memref<!tpu.dma_semaphore, #tpu.memory_space<semaphore_mem>>)
      %dma_wait3A_187 = arith.constant 0 : i32
      %dma_wait3A_188 = tpu.memref_slice %arg6[%arg0, %mul3A_181, %dma_wait3A_187] : memref<2x10112x128xf32, #tpu.memory_space<hbm>> -> memref<1x632x128xf32, #tpu.memory_space<hbm>>
      %dma_wait3A_189 = tpu.memref_squeeze %dma_wait3A_188 : memref<1x632x128xf32, #tpu.memory_space<hbm>> -> memref<632x128xf32, #tpu.memory_space<hbm>>
      %dma_wait3A_190 = arith.constant 0 : i32
      %dma_wait3A_191 = tpu.memref_slice %arg10[%mul3A_179, %dma_wait3A_190] : memref<10112x128xf32, #tpu.memory_space<vmem_shared>> -> memref<632x128xf32, #tpu.memory_space<vmem_shared>>
      tpu.wait_dma2 semaphore(%run_scoped3A : memref<!tpu.dma_semaphore, #tpu.memory_space<semaphore_mem>>) src(%dma_wait3A_191 : memref<632x128xf32, #tpu.memory_space<vmem_shared>>) dst(%dma_wait3A_189 : memref<632x128xf32, #tpu.memory_space<hbm>>)
      tpu.yield
    }) : () -> ()
    return
  }
}

module attributes {stable_mosaic.version = 14 : i64} {
  func.func @_head_body(%arg0: i32, %arg1: memref<128x128xf32, #tpu.memory_space<vmem>>, %arg2: memref<128x128xf32, #tpu.memory_space<vmem>>, %arg3: memref<2x128x128xf32, #tpu.memory_space<vmem>>, %arg4: memref<128x128xf32, #tpu.memory_space<vmem>>, %arg5: memref<128x16xf32, #tpu.memory_space<vmem>>) attributes {dimension_semantics = [#tpu.dimension_semantics<arbitrary>], iteration_bounds = array<i64: 79>, scalar_prefetch = 0 : i64, scratch_operands = 0 : i64, tpu.core_type = #tpu.core_type<tc>, window_params = [{transform_indices = @transform_0, window_bounds = array<i64: 128, 128>}, {pipeline_mode = #tpu.pipeline_mode<synchronous>, transform_indices = @transform_1, window_bounds = array<i64: 128, 128>}, {transform_indices = @transform_2, window_bounds = array<i64: 2, 128, 128>}, {transform_indices = @transform_3, window_bounds = array<i64: 128, 128>}, {transform_indices = @transform_4, window_bounds = array<i64: 128, 16>}]} {
    %get3A = arith.constant 0 : index
    %get3A_0 = arith.constant 0 : index
    %get3A_1 = arith.constant 0 : index
    %get3A_2 = vector.load %arg3[%get3A, %get3A_0, %get3A_1] : memref<2x128x128xf32, #tpu.memory_space<vmem>>, vector<1x128x128xf32>
    %get3A_3 = vector.shape_cast %get3A_2 : vector<1x128x128xf32> to vector<128x128xf32>
    %slice3A = vector.extract_strided_slice %get3A_3 {offsets = [0, 0], sizes = [128, 16], strides = [1, 1]} : vector<128x128xf32> to vector<128x16xf32>
    %get3A_4 = arith.constant 1 : index
    %get3A_5 = arith.constant 0 : index
    %get3A_6 = arith.constant 0 : index
    %get3A_7 = vector.load %arg3[%get3A_4, %get3A_5, %get3A_6] : memref<2x128x128xf32, #tpu.memory_space<vmem>>, vector<1x128x128xf32>
    %get3A_8 = vector.shape_cast %get3A_7 : vector<1x128x128xf32> to vector<128x128xf32>
    %slice3A_9 = vector.extract_strided_slice %get3A_8 {offsets = [0, 0], sizes = [128, 16], strides = [1, 1]} : vector<128x128xf32> to vector<128x16xf32>
    %add3A = arith.addf %slice3A, %slice3A_9 : vector<128x16xf32>
    %add3A_10 = arith.constant 1.000000e+00 : f32
    %add3A_11 = vector.broadcast %add3A_10 : f32 to vector<128x16xf32>
    %add3A_12 = arith.addf %add3A, %add3A_11 : vector<128x16xf32>
    %rsqrt3A = math.rsqrt %add3A_12 : vector<128x16xf32>
    %swap3A = arith.constant 0 : index
    %swap3A_13 = arith.constant 0 : index
    %swap3A_14 = vector.load %arg5[%swap3A, %swap3A_13] : memref<128x16xf32, #tpu.memory_space<vmem>>, vector<128x16xf32>
    tpu.vector_store %arg5[%swap3A, %swap3A_13], %rsqrt3A {strides = array<i32>} : memref<128x16xf32, #tpu.memory_space<vmem>>, vector<128x16xf32>,
    %get3A_15 = arith.constant 0 : index
    %get3A_16 = arith.constant 0 : index
    %get3A_17 = vector.load %arg1[%get3A_15, %get3A_16] : memref<128x128xf32, #tpu.memory_space<vmem>>, vector<128x128xf32>
    %get3A_18 = arith.constant 0 : index
    %get3A_19 = arith.constant 0 : index
    %get3A_20 = vector.load %arg2[%get3A_18, %get3A_19] : memref<128x128xf32, #tpu.memory_space<vmem>>, vector<128x128xf32>
    %dot_general3A = arith.constant dense<0.000000e+00> : vector<128x128xf32>
    %dot_general3A_21 = tpu.matmul %get3A_17, %get3A_20, %dot_general3A {dimension_numbers = #tpu.dot_dimension_numbers<[1], [0], [0], [1], [0, 0, 1, 1], [], []>, precision = #tpu.contract_precision<fp32>, transpose_lhs_hint = false} : vector<128x128xf32>, vector<128x128xf32>, vector<128x128xf32> -> vector<128x128xf32>
    %slice3A_22 = vector.extract_strided_slice %rsqrt3A {offsets = [0, 0], sizes = [128, 1], strides = [1, 1]} : vector<128x16xf32> to vector<128x1xf32>
    %mul3A = vector.broadcast %slice3A_22 : vector<128x1xf32> to vector<128x128xf32>
    %mul3A_23 = arith.mulf %dot_general3A_21, %mul3A : vector<128x128xf32>
    %swap3A_24 = arith.constant 0 : index
    %swap3A_25 = arith.constant 0 : index
    %swap3A_26 = vector.load %arg4[%swap3A_24, %swap3A_25] : memref<128x128xf32, #tpu.memory_space<vmem>>, vector<128x128xf32>
    tpu.vector_store %arg4[%swap3A_24, %swap3A_25], %mul3A_23 {strides = array<i32>} : memref<128x128xf32, #tpu.memory_space<vmem>>, vector<128x128xf32>,
    return
  }
  func.func @transform_0(%arg0: i32) -> (i32, i32) {
    %c0_i32 = arith.constant 0 : i32
    %c0_i32_0 = arith.constant 0 : i32
    return %arg0, %c0_i32 : i32, i32
  }
  func.func @transform_1(%arg0: i32) -> (i32, i32) {
    %c0_i32 = arith.constant 0 : i32
    %c0_i32_0 = arith.constant 0 : i32
    %c0_i32_1 = arith.constant 0 : i32
    return %c0_i32, %c0_i32_0 : i32, i32
  }
  func.func @transform_2(%arg0: i32) -> (i32, i32, i32) {
    %c0_i32 = arith.constant 0 : i32
    %c0_i32_0 = arith.constant 0 : i32
    %c0_i32_1 = arith.constant 0 : i32
    return %c0_i32, %arg0, %c0_i32_0 : i32, i32, i32
  }
  func.func @transform_3(%arg0: i32) -> (i32, i32) {
    %c0_i32 = arith.constant 0 : i32
    %c0_i32_0 = arith.constant 0 : i32
    return %arg0, %c0_i32 : i32, i32
  }
  func.func @transform_4(%arg0: i32) -> (i32, i32) {
    %c0_i32 = arith.constant 0 : i32
    %c0_i32_0 = arith.constant 0 : i32
    return %arg0, %c0_i32 : i32, i32
  }
}

module attributes {stable_mosaic.version = 14 : i64} {
  func.func @_mid_body(%arg0: i32, %arg1: memref<2x128x128xf32, #tpu.memory_space<vmem>>, %arg2: memref<128x128xf32, #tpu.memory_space<vmem>>, %arg3: memref<128x16xf32, #tpu.memory_space<vmem>>, %arg4: memref<1x128xf32, #tpu.memory_space<vmem>>, %arg5: memref<128x128xf32, #tpu.memory_space<vmem>>, %arg6: memref<128x128xf32, #tpu.memory_space<vmem>>) attributes {dimension_semantics = [#tpu.dimension_semantics<arbitrary>], iteration_bounds = array<i64: 79>, scalar_prefetch = 0 : i64, scratch_operands = 0 : i64, tpu.core_type = #tpu.core_type<tc>, window_params = [{transform_indices = @transform_0, window_bounds = array<i64: 2, 128, 128>}, {transform_indices = @transform_1, window_bounds = array<i64: 128, 128>}, {transform_indices = @transform_2, window_bounds = array<i64: 128, 16>}, {pipeline_mode = #tpu.pipeline_mode<synchronous>, transform_indices = @transform_3, window_bounds = array<i64: 1, 128>}, {pipeline_mode = #tpu.pipeline_mode<synchronous>, transform_indices = @transform_4, window_bounds = array<i64: 128, 128>}, {transform_indices = @transform_5, window_bounds = array<i64: 128, 128>}]} {
    %get3A = arith.constant 0 : index
    %get3A_0 = arith.constant 0 : index
    %get3A_1 = vector.load %arg3[%get3A, %get3A_0] : memref<128x16xf32, #tpu.memory_space<vmem>>, vector<128x1xf32>
    %get3A_2 = arith.constant 0 : index
    %get3A_3 = arith.constant 0 : index
    %get3A_4 = arith.constant 0 : index
    %get3A_5 = vector.load %arg1[%get3A_2, %get3A_3, %get3A_4] : memref<2x128x128xf32, #tpu.memory_space<vmem>>, vector<1x128x128xf32>
    %get3A_6 = vector.shape_cast %get3A_5 : vector<1x128x128xf32> to vector<128x128xf32>
    %get3A_7 = arith.constant 1 : index
    %get3A_8 = arith.constant 0 : index
    %get3A_9 = arith.constant 0 : index
    %get3A_10 = vector.load %arg1[%get3A_7, %get3A_8, %get3A_9] : memref<2x128x128xf32, #tpu.memory_space<vmem>>, vector<1x128x128xf32>
    %get3A_11 = vector.shape_cast %get3A_10 : vector<1x128x128xf32> to vector<128x128xf32>
    %add3A = arith.addf %get3A_6, %get3A_11 : vector<128x128xf32>
    %get3A_12 = arith.constant 0 : index
    %get3A_13 = arith.constant 0 : index
    %get3A_14 = vector.load %arg2[%get3A_12, %get3A_13] : memref<128x128xf32, #tpu.memory_space<vmem>>, vector<128x128xf32>
    %add3A_15 = arith.addf %add3A, %get3A_14 : vector<128x128xf32>
    %mul3A = vector.broadcast %get3A_1 : vector<128x1xf32> to vector<128x128xf32>
    %mul3A_16 = arith.mulf %mul3A, %add3A_15 : vector<128x128xf32>
    %get3A_17 = arith.constant 0 : index
    %get3A_18 = arith.constant 0 : index
    %get3A_19 = vector.load %arg4[%get3A_17, %get3A_18] : memref<1x128xf32, #tpu.memory_space<vmem>>, vector<1x128xf32>
    %add3A_20 = vector.broadcast %get3A_19 : vector<1x128xf32> to vector<128x128xf32>
    %add3A_21 = arith.addf %mul3A_16, %add3A_20 : vector<128x128xf32>
    %max3A = arith.constant 0.000000e+00 : f32
    %max3A_22 = vector.broadcast %max3A : f32 to vector<128x128xf32>
    %max3A_23 = arith.maximumf %add3A_21, %max3A_22 : vector<128x128xf32>
    %get3A_24 = arith.constant 0 : index
    %get3A_25 = arith.constant 0 : index
    %get3A_26 = vector.load %arg5[%get3A_24, %get3A_25] : memref<128x128xf32, #tpu.memory_space<vmem>>, vector<128x128xf32>
    %dot_general3A = arith.constant dense<0.000000e+00> : vector<128x128xf32>
    %dot_general3A_27 = tpu.matmul %max3A_23, %get3A_26, %dot_general3A {dimension_numbers = #tpu.dot_dimension_numbers<[1], [0], [0], [1], [0, 0, 1, 1], [], []>, precision = #tpu.contract_precision<fp32>, transpose_lhs_hint = false} : vector<128x128xf32>, vector<128x128xf32>, vector<128x128xf32> -> vector<128x128xf32>
    %mul3A_28 = vector.broadcast %get3A_1 : vector<128x1xf32> to vector<128x128xf32>
    %mul3A_29 = arith.mulf %dot_general3A_27, %mul3A_28 : vector<128x128xf32>
    %swap3A = arith.constant 0 : index
    %swap3A_30 = arith.constant 0 : index
    %swap3A_31 = vector.load %arg6[%swap3A, %swap3A_30] : memref<128x128xf32, #tpu.memory_space<vmem>>, vector<128x128xf32>
    tpu.vector_store %arg6[%swap3A, %swap3A_30], %mul3A_29 {strides = array<i32>} : memref<128x128xf32, #tpu.memory_space<vmem>>, vector<128x128xf32>,
    return
  }
  func.func @transform_0(%arg0: i32) -> (i32, i32, i32) {
    %c0_i32 = arith.constant 0 : i32
    %c0_i32_0 = arith.constant 0 : i32
    %c0_i32_1 = arith.constant 0 : i32
    return %c0_i32, %arg0, %c0_i32_0 : i32, i32, i32
  }
  func.func @transform_1(%arg0: i32) -> (i32, i32) {
    %c0_i32 = arith.constant 0 : i32
    %c0_i32_0 = arith.constant 0 : i32
    return %arg0, %c0_i32 : i32, i32
  }
  func.func @transform_2(%arg0: i32) -> (i32, i32) {
    %c0_i32 = arith.constant 0 : i32
    %c0_i32_0 = arith.constant 0 : i32
    return %arg0, %c0_i32 : i32, i32
  }
  func.func @transform_3(%arg0: i32) -> (i32, i32) {
    %c0_i32 = arith.constant 0 : i32
    %c0_i32_0 = arith.constant 0 : i32
    %c0_i32_1 = arith.constant 0 : i32
    return %c0_i32, %c0_i32_0 : i32, i32
  }
  func.func @transform_4(%arg0: i32) -> (i32, i32) {
    %c0_i32 = arith.constant 0 : i32
    %c0_i32_0 = arith.constant 0 : i32
    %c0_i32_1 = arith.constant 0 : i32
    return %c0_i32, %c0_i32_0 : i32, i32
  }
  func.func @transform_5(%arg0: i32) -> (i32, i32) {
    %c0_i32 = arith.constant 0 : i32
    %c0_i32_0 = arith.constant 0 : i32
    return %arg0, %c0_i32 : i32, i32
  }
}

module attributes {stable_mosaic.version = 14 : i64} {
  func.func @_pool_body(%arg0: i32, %arg1: memref<2x128x128xf32, #tpu.memory_space<vmem>>, %arg2: memref<128x128xf32, #tpu.memory_space<vmem>>, %arg3: memref<128x16xf32, #tpu.memory_space<vmem>>, %arg4: memref<1x128xf32, #tpu.memory_space<vmem>>, %arg5: memref<1x1x128xi32, #tpu.memory_space<vmem>>, %arg6: memref<128x16xf32, #tpu.memory_space<vmem>>, %arg7: memref<1x16xf32, #tpu.memory_space<vmem>>, %arg8: memref<64x16xf32, #tpu.memory_space<vmem>>, %arg9: memref<64x128xf32, #tpu.memory_space<vmem>>, %arg10: memref<64x128xf32, #tpu.memory_space<vmem>>) attributes {dimension_semantics = [#tpu.dimension_semantics<arbitrary>], iteration_bounds = array<i64: 79>, scalar_prefetch = 0 : i64, scratch_operands = 2 : i64, tpu.core_type = #tpu.core_type<tc>, window_params = [{transform_indices = @transform_0, window_bounds = array<i64: 2, 128, 128>}, {transform_indices = @transform_1, window_bounds = array<i64: 128, 128>}, {transform_indices = @transform_2, window_bounds = array<i64: 128, 16>}, {pipeline_mode = #tpu.pipeline_mode<synchronous>, transform_indices = @transform_3, window_bounds = array<i64: 1, 128>}, {transform_indices = @transform_4, window_bounds = array<i64: 1, 1, 128>}, {pipeline_mode = #tpu.pipeline_mode<synchronous>, transform_indices = @transform_5, window_bounds = array<i64: 128, 16>}, {pipeline_mode = #tpu.pipeline_mode<synchronous>, transform_indices = @transform_6, window_bounds = array<i64: 1, 16>}, {pipeline_mode = #tpu.pipeline_mode<synchronous>, transform_indices = @transform_7, window_bounds = array<i64: 64, 16>}]} {
    %get3A = arith.constant 0 : index
    %get3A_0 = arith.constant 0 : index
    %get3A_1 = vector.load %arg3[%get3A, %get3A_0] : memref<128x16xf32, #tpu.memory_space<vmem>>, vector<128x1xf32>
    %get3A_2 = arith.constant 0 : index
    %get3A_3 = arith.constant 0 : index
    %get3A_4 = arith.constant 0 : index
    %get3A_5 = vector.load %arg1[%get3A_2, %get3A_3, %get3A_4] : memref<2x128x128xf32, #tpu.memory_space<vmem>>, vector<1x128x128xf32>
    %get3A_6 = vector.shape_cast %get3A_5 : vector<1x128x128xf32> to vector<128x128xf32>
    %get3A_7 = arith.constant 1 : index
    %get3A_8 = arith.constant 0 : index
    %get3A_9 = arith.constant 0 : index
    %get3A_10 = vector.load %arg1[%get3A_7, %get3A_8, %get3A_9] : memref<2x128x128xf32, #tpu.memory_space<vmem>>, vector<1x128x128xf32>
    %get3A_11 = vector.shape_cast %get3A_10 : vector<1x128x128xf32> to vector<128x128xf32>
    %add3A = arith.addf %get3A_6, %get3A_11 : vector<128x128xf32>
    %get3A_12 = arith.constant 0 : index
    %get3A_13 = arith.constant 0 : index
    %get3A_14 = vector.load %arg2[%get3A_12, %get3A_13] : memref<128x128xf32, #tpu.memory_space<vmem>>, vector<128x128xf32>
    %add3A_15 = arith.addf %add3A, %get3A_14 : vector<128x128xf32>
    %mul3A = vector.broadcast %get3A_1 : vector<128x1xf32> to vector<128x128xf32>
    %mul3A_16 = arith.mulf %mul3A, %add3A_15 : vector<128x128xf32>
    %get3A_17 = arith.constant 0 : index
    %get3A_18 = arith.constant 0 : index
    %get3A_19 = vector.load %arg4[%get3A_17, %get3A_18] : memref<1x128xf32, #tpu.memory_space<vmem>>, vector<1x128xf32>
    %add3A_20 = vector.broadcast %get3A_19 : vector<1x128xf32> to vector<128x128xf32>
    %add3A_21 = arith.addf %mul3A_16, %add3A_20 : vector<128x128xf32>
    %max3A = arith.constant 0.000000e+00 : f32
    %max3A_22 = vector.broadcast %max3A : f32 to vector<128x128xf32>
    %max3A_23 = arith.maximumf %add3A_21, %max3A_22 : vector<128x128xf32>
    %get3A_24 = arith.constant 0 : index
    %get3A_25 = arith.constant 0 : index
    %get3A_26 = arith.constant 0 : index
    %get3A_27 = vector.load %arg5[%get3A_24, %get3A_25, %get3A_26] : memref<1x1x128xi32, #tpu.memory_space<vmem>>, vector<1x1x128xi32>
    %get3A_28 = vector.shape_cast %get3A_27 : vector<1x1x128xi32> to vector<1x128xi32>
    %iota3A = tpu.iota {dimensions = array<i32: 0>} : vector<64x128xi32>
    %eq3A = vector.broadcast %get3A_28 : vector<1x128xi32> to vector<64x128xi32>
    %eq3A_29 = arith.cmpi eq, %iota3A, %eq3A : vector<64x128xi32>
    %convert_element_type3A = arith.extui %eq3A_29 : vector<64x128xi1> to vector<64x128xi32>
    %convert_element_type3A_30 = arith.sitofp %convert_element_type3A : vector<64x128xi32> to vector<64x128xf32>
    %dot_general3A = arith.constant dense<0.000000e+00> : vector<64x128xf32>
    %dot_general3A_31 = tpu.matmul %convert_element_type3A_30, %max3A_23, %dot_general3A {dimension_numbers = #tpu.dot_dimension_numbers<[1], [0], [0], [1], [0, 0, 1, 1], [], []>, precision = #tpu.contract_precision<fp32>, transpose_lhs_hint = false} : vector<64x128xf32>, vector<128x128xf32>, vector<64x128xf32> -> vector<64x128xf32>
    %reduce_sum3A = arith.constant dense<0.000000e+00> : vector<64xf32>
    %reduce_sum3A_32 = vector.multi_reduction <add>, %convert_element_type3A_30, %reduce_sum3A [1] : vector<64x128xf32> to vector<64xf32>
    %broadcast_in_dim3A = vector.shape_cast %reduce_sum3A_32 : vector<64xf32> to vector<64x1xf32>
    %eq3A_33 = arith.constant 0 : i32
    %eq3A_34 = arith.cmpi eq, %arg0, %eq3A_33 : i32
    %convert_element_type3A_35 = arith.extui %eq3A_34 : i1 to i32
    %cond3A = arith.constant 0 : i32
    %cond3A_36 = arith.cmpi ne, %convert_element_type3A_35, %cond3A : i32
    scf.if %cond3A_36 {
      %broadcast_in_dim3A_57 = arith.constant 0.000000e+00 : f32
      %broadcast_in_dim3A_58 = vector.broadcast %broadcast_in_dim3A_57 : f32 to vector<64x128xf32>
      %swap3A_59 = arith.constant 0 : index
      %swap3A_60 = arith.constant 0 : index
      %swap3A_61 = vector.load %arg9[%swap3A_59, %swap3A_60] : memref<64x128xf32, #tpu.memory_space<vmem>>, vector<64x128xf32>
      tpu.vector_store %arg9[%swap3A_59, %swap3A_60], %broadcast_in_dim3A_58 {strides = array<i32>} : memref<64x128xf32, #tpu.memory_space<vmem>>, vector<64x128xf32>,
      %broadcast_in_dim3A_62 = arith.constant 0.000000e+00 : f32
      %broadcast_in_dim3A_63 = vector.broadcast %broadcast_in_dim3A_62 : f32 to vector<64x128xf32>
      %swap3A_64 = arith.constant 0 : index
      %swap3A_65 = arith.constant 0 : index
      %swap3A_66 = vector.load %arg10[%swap3A_64, %swap3A_65] : memref<64x128xf32, #tpu.memory_space<vmem>>, vector<64x128xf32>
      tpu.vector_store %arg10[%swap3A_64, %swap3A_65], %broadcast_in_dim3A_63 {strides = array<i32>} : memref<64x128xf32, #tpu.memory_space<vmem>>, vector<64x128xf32>,
    } else {
    }
    %get3A_37 = arith.constant 0 : index
    %get3A_38 = arith.constant 0 : index
    %get3A_39 = vector.load %arg9[%get3A_37, %get3A_38] : memref<64x128xf32, #tpu.memory_space<vmem>>, vector<64x128xf32>
    %add3A_40 = arith.addf %get3A_39, %dot_general3A_31 : vector<64x128xf32>
    %swap3A = arith.constant 0 : index
    %swap3A_41 = arith.constant 0 : index
    %swap3A_42 = vector.load %arg9[%swap3A, %swap3A_41] : memref<64x128xf32, #tpu.memory_space<vmem>>, vector<64x128xf32>
    tpu.vector_store %arg9[%swap3A, %swap3A_41], %add3A_40 {strides = array<i32>} : memref<64x128xf32, #tpu.memory_space<vmem>>, vector<64x128xf32>,
    %get3A_43 = arith.constant 0 : index
    %get3A_44 = arith.constant 0 : index
    %get3A_45 = vector.load %arg10[%get3A_43, %get3A_44] : memref<64x128xf32, #tpu.memory_space<vmem>>, vector<64x128xf32>
    %broadcast_in_dim3A_46 = vector.shape_cast %broadcast_in_dim3A : vector<64x1xf32> to vector<64x1xf32>
    %broadcast_in_dim3A_47 = vector.broadcast %broadcast_in_dim3A_46 : vector<64x1xf32> to vector<64x128xf32>
    %add3A_48 = arith.addf %get3A_45, %broadcast_in_dim3A_47 : vector<64x128xf32>
    %swap3A_49 = arith.constant 0 : index
    %swap3A_50 = arith.constant 0 : index
    %swap3A_51 = vector.load %arg10[%swap3A_49, %swap3A_50] : memref<64x128xf32, #tpu.memory_space<vmem>>, vector<64x128xf32>
    tpu.vector_store %arg10[%swap3A_49, %swap3A_50], %add3A_48 {strides = array<i32>} : memref<64x128xf32, #tpu.memory_space<vmem>>, vector<64x128xf32>,
    %eq3A_52 = arith.constant 78 : i32
    %eq3A_53 = arith.cmpi eq, %arg0, %eq3A_52 : i32
    %convert_element_type3A_54 = arith.extui %eq3A_53 : i1 to i32
    %cond3A_55 = arith.constant 0 : i32
    %cond3A_56 = arith.cmpi ne, %convert_element_type3A_54, %cond3A_55 : i32
    scf.if %cond3A_56 {
      %get3A_57 = arith.constant 0 : index
      %get3A_58 = arith.constant 0 : index
      %get3A_59 = vector.load %arg9[%get3A_57, %get3A_58] : memref<64x128xf32, #tpu.memory_space<vmem>>, vector<64x128xf32>
      %get3A_60 = arith.constant 0 : index
      %get3A_61 = arith.constant 0 : index
      %get3A_62 = vector.load %arg10[%get3A_60, %get3A_61] : memref<64x128xf32, #tpu.memory_space<vmem>>, vector<64x128xf32>
      %max3A_63 = arith.constant 1.000000e+00 : f32
      %max3A_64 = vector.broadcast %max3A_63 : f32 to vector<64x128xf32>
      %max3A_65 = arith.maximumf %get3A_62, %max3A_64 : vector<64x128xf32>
      %div3A = arith.divf %get3A_59, %max3A_65 : vector<64x128xf32>
      %get3A_66 = arith.constant 0 : index
      %get3A_67 = arith.constant 0 : index
      %get3A_68 = vector.load %arg6[%get3A_66, %get3A_67] : memref<128x16xf32, #tpu.memory_space<vmem>>, vector<128x16xf32>
      %dot_general3A_69 = arith.constant dense<0.000000e+00> : vector<64x16xf32>
      %dot_general3A_70 = tpu.matmul %div3A, %get3A_68, %dot_general3A_69 {dimension_numbers = #tpu.dot_dimension_numbers<[1], [0], [0], [1], [0, 0, 1, 1], [], []>, precision = #tpu.contract_precision<fp32>, transpose_lhs_hint = false} : vector<64x128xf32>, vector<128x16xf32>, vector<64x16xf32> -> vector<64x16xf32>
      %get3A_71 = arith.constant 0 : index
      %get3A_72 = arith.constant 0 : index
      %get3A_73 = vector.load %arg7[%get3A_71, %get3A_72] : memref<1x16xf32, #tpu.memory_space<vmem>>, vector<1x16xf32>
      %add3A_74 = vector.broadcast %get3A_73 : vector<1x16xf32> to vector<64x16xf32>
      %add3A_75 = arith.addf %dot_general3A_70, %add3A_74 : vector<64x16xf32>
      %swap3A_76 = arith.constant 0 : index
      %swap3A_77 = arith.constant 0 : index
      %swap3A_78 = vector.load %arg8[%swap3A_76, %swap3A_77] : memref<64x16xf32, #tpu.memory_space<vmem>>, vector<64x16xf32>
      tpu.vector_store %arg8[%swap3A_76, %swap3A_77], %add3A_75 {strides = array<i32>} : memref<64x16xf32, #tpu.memory_space<vmem>>, vector<64x16xf32>,
    } else {
    }
    return
  }
  func.func @transform_0(%arg0: i32) -> (i32, i32, i32) {
    %c0_i32 = arith.constant 0 : i32
    %c0_i32_0 = arith.constant 0 : i32
    %c0_i32_1 = arith.constant 0 : i32
    return %c0_i32, %arg0, %c0_i32_0 : i32, i32, i32
  }
  func.func @transform_1(%arg0: i32) -> (i32, i32) {
    %c0_i32 = arith.constant 0 : i32
    %c0_i32_0 = arith.constant 0 : i32
    return %arg0, %c0_i32 : i32, i32
  }
  func.func @transform_2(%arg0: i32) -> (i32, i32) {
    %c0_i32 = arith.constant 0 : i32
    %c0_i32_0 = arith.constant 0 : i32
    return %arg0, %c0_i32 : i32, i32
  }
  func.func @transform_3(%arg0: i32) -> (i32, i32) {
    %c0_i32 = arith.constant 0 : i32
    %c0_i32_0 = arith.constant 0 : i32
    %c0_i32_1 = arith.constant 0 : i32
    return %c0_i32, %c0_i32_0 : i32, i32
  }
  func.func @transform_4(%arg0: i32) -> (i32, i32, i32) {
    %c0_i32 = arith.constant 0 : i32
    %c0_i32_0 = arith.constant 0 : i32
    %c0_i32_1 = arith.constant 0 : i32
    return %arg0, %c0_i32, %c0_i32_0 : i32, i32, i32
  }
  func.func @transform_5(%arg0: i32) -> (i32, i32) {
    %c0_i32 = arith.constant 0 : i32
    %c0_i32_0 = arith.constant 0 : i32
    %c0_i32_1 = arith.constant 0 : i32
    return %c0_i32, %c0_i32_0 : i32, i32
  }
  func.func @transform_6(%arg0: i32) -> (i32, i32) {
    %c0_i32 = arith.constant 0 : i32
    %c0_i32_0 = arith.constant 0 : i32
    %c0_i32_1 = arith.constant 0 : i32
    return %c0_i32, %c0_i32_0 : i32, i32
  }
  func.func @transform_7(%arg0: i32) -> (i32, i32) {
    %c0_i32 = arith.constant 0 : i32
    %c0_i32_0 = arith.constant 0 : i32
    %c0_i32_1 = arith.constant 0 : i32
    return %c0_i32, %c0_i32_0 : i32, i32
  }
}

</mosaic_0001>

<sc_bundles>
// kernel: kernel.10.cloned.1.call-start
scs
__scs_entry_jumppad:
0x0: {  	(pc) =	sbr.rel $0x88, $3  }
0x1: {  	(tag) =	ssettag $0x0;
	lr =	simm.s32 $0x1  }
0x2: {  	[smem:$0x3F96] =	sst lr;
	_ =	strace $0xD0000000  }
0x3: {  	_ = 	snop  }
0x4: {  	_ = 	snop  }
0x5: {  	_ = 	snop  }
0x6: {  	_ = 	snop  }
0x7: {  	_ = 	snop  }
__scs_overlays_trampoline_lowered:
0x8: {  	[smem:$0x3FA5] =	sst s0  }
0x9: {  	[smem:$0x3FA6] =	sst s1  }
0xa: {  	[smem:$0x3FA7] =	sst s2  }
0xb: {  	[smem:$0x3FA8] =	sst s3  }
0xc: {  	[smem:$0x3FA9] =	sst s4  }
0xd: {  	[smem:$0x3FAA] =	sst s5  }
0xe: {  	[smem:$0x3FAB] =	sst s6  }
0xf: {  	[smem:$0x3FAC] =	sst s7  }
0x10: {  	[smem:$0x3FAD] =	sst s8  }
0x11: {  	[smem:$0x3FAE] =	sst s9;
	s0 =	simm.s32 @!p0 $0x0  }
0x12: {  	s1 =	sld [smem:$0x3F94];
	s0 =	simm.s32 @p0 $0x1  }
0x13: {  	[smem:$0x3FAF] =	sst s0;
	s0 =	simm.s32 @!p1 $0x0  }
0x14: {  	s2 =	sld [smem:$0x3F93];
	s0 =	simm.s32 @p1 $0x1  }
0x15: {  	[smem:$0x3FB0] =	sst s0;
	s0 =	simm.s32 @!p2 $0x0  }
0x16: {  	s3 =	sld [smem:$0x3FDB];
	s0 =	simm.s32 @p2 $0x1  }
0x17: {  	s4 =	simm.s32 $0x1BF5;
	[smem:$0x3FB2] =	sst s0  }
0x18: {  	s0 =	sld [smem:$0x3F95];
	_ =	swait.ge [sflag:s4], $0x0  }
0x19: {  	s7 =	sld [smem:$0x3F96]  }
0x1a: {  	s8 =	sadd.s32 $0xFFFFE003, lr  }
0x1b: {  	s9 =	sadd.s32 $0xFFFFFEF7, lr;
	s5 =	simm.s32 $0xFFFFFFFF;
	p2 =	slt.u32 s8, $0xFFFFF086  }
0x1c: {  	p1 =	slt.u32 s9, $0xF7A;
	s5 =	simm.s32 @!p2 $0x0  }
0x1d: {  	s5 =	simm.s32 @p1 $0x1;
	p0 =	seq.s32 s7, s2  }
0x1e: {  	s7 =	smul.u32 @!p0 $0xF7A, s2;
	p2 =	seq.s32 @!p0 s5, $0x0  }
0x1f: {  	s9 =	smul.u32 $0xF7A, s1;
	s8 =	simm.s32 @!p0 $0x1BF5;
	p2 =	por !p2, p0  }
0x20: {  	[sflag:s8] =	ssyncset.s32 @!p0 $0xFFFFF086;
	s6 =	sadd.s32 @!p0 s3, s7;
	s7 =	simm.s32 @!p0 $0x108  }
0x21: {  	s3 =	sadd.s32 s3, s9;
	s6 =	sadd.s32 @!p0 $0x88, s6;
	s7 =	simm.s32 @p2 $0x1082  }
0x22: {  	[simem:s7], [sflag:s8] =	dma.local @!p0 [hbm:s6], $0xF7A  }
0x23: {  	s9 =	sor.u32 $0xD0000000, s2;
	s6 =	simm.s32 $0x108;
	_ =	swait.ge @!p0 [sflag:s8], $0x0  }
0x24: {  	s3 =	sadd.s32 $0x88, s3;
	s6 =	simm.s32 @!p1 $0x1082;
	[sflag:s4] =	ssyncset.s32 $0xFFFFF086  }
0x25: {  	[simem:s6], [sflag:s4] =	dma.local [hbm:s3], $0xF7A  }
0x26: {  	[smem:$0x3F96] =	sst s1;
	(tag) =	ssettag s2;
	_ =	strace s9  }
0x27: {  	s1 =	sld [smem:$0x3FA6]  }
0x28: {  	s2 =	sld [smem:$0x3FA7]  }
0x29: {  	s4 =	sld [smem:$0x3FA9]  }
0x2a: {  	p0 =	seq.s32 s5, $0x0;
	s5 =	sld [smem:$0x3FAA]  }
0x2b: {  	s6 =	sld [smem:$0x3FAB]  }
0x2c: {  	s7 =	sld [smem:$0x3FAC]  }
0x2d: {  	s3 =	simm.s32 $0x108;
	s8 =	sld [smem:$0x3FAD]  }
0x2e: {  	s3 =	simm.s32 @!p0 $0x1082;
	s9 =	sld [smem:$0x3FAE]  }
0x2f: {  	lr =	sadd.s32 s0, s3;
	s0 =	sld [smem:$0x3FA5]  }
0x30: {  	s3 =	sld [smem:$0x3FA8]  }
0x31: {  	[smem:$0x3FB1] =	sst s10  }
0x32: {  	s10 =	sld [smem:$0x3FAF];
	_ =	sdelay $0x3  }
0x33: {  	p0 =	seq.s32 s10, $0x1;
	s10 =	sld [smem:$0x3FB1];
	_ =	sdelay $0x3  }
0x34: {  	[smem:$0x3FB1] =	sst s10  }
0x35: {  	s10 =	sld [smem:$0x3FB0];
	_ =	sdelay $0x3  }
0x36: {  	p1 =	seq.s32 s10, $0x1;
	s10 =	sld [smem:$0x3FB1];
	_ =	sdelay $0x3  }
0x37: {  	[smem:$0x3FB1] =	sst s10  }
0x38: {  	s10 =	sld [smem:$0x3FB2]  }
0x39: {  	_ = 	snop;
	(pc) =	sbr.ind lr, $3  }
0x3a: {  	_ = 	snop  }
0x3b: {  	_ = 	snop  }
0x3c: {  	p2 =	seq.s32 s10, $0x1;
	s10 =	sld [smem:$0x3FB1]  }
0x3d: {  	_ =	shalt  }
0x3e: {  	_ =	shalt  }
0x3f: {  	_ =	shalt  }
0x40: {  	_ =	shalt  }
0x41: {  	_ =	shalt  }
0x42: {  	_ =	shalt  }
0x43: {  	_ =	shalt  }
0x44: {  	_ =	shalt  }
0x45: {  	_ =	shalt  }
0x46: {  	_ =	shalt  }
0x47: {  	_ =	shalt  }
0x48: {  	_ =	shalt  }
0x49: {  	_ =	shalt  }
0x4a: {  	_ =	shalt  }
0x4b: {  	_ =	shalt  }
0x4c: {  	_ =	shalt  }
0x4d: {  	_ =	shalt  }
0x4e: {  	_ =	shalt  }
0x4f: {  	_ =	shalt  }
0x50: {  	_ =	shalt  }
0x51: {  	_ =	shalt  }
0x52: {  	_ =	shalt  }
0x53: {  	_ =	shalt  }
0x54: {  	_ =	shalt  }
0x55: {  	_ =	shalt  }
0x56: {  	_ =	shalt  }
0x57: {  	_ =	shalt  }
0x58: {  	_ =	shalt  }
0x59: {  	_ =	shalt  }
0x5a: {  	_ =	shalt  }
0x5b: {  	_ =	shalt  }
0x5c: {  	_ =	shalt  }
0x5d: {  	_ =	shalt  }
0x5e: {  	_ =	shalt  }
0x5f: {  	_ =	shalt  }
0x60: {  	_ =	shalt  }
0x61: {  	_ =	shalt  }
0x62: {  	_ =	shalt  }
0x63: {  	_ =	shalt  }
0x64: {  	_ =	shalt  }
0x65: {  	_ =	shalt  }
0x66: {  	_ =	shalt  }
0x67: {  	_ =	shalt  }
0x68: {  	_ =	shalt  }
0x69: {  	_ =	shalt  }
0x6a: {  	_ =	shalt  }
0x6b: {  	_ =	shalt  }
0x6c: {  	_ =	shalt  }
0x6d: {  	_ =	shalt  }
0x6e: {  	_ =	shalt  }
0x6f: {  	_ =	shalt  }
0x70: {  	_ =	shalt  }
0x71: {  	_ =	shalt  }
0x72: {  	_ =	shalt  }
0x73: {  	_ =	shalt  }
0x74: {  	_ =	shalt  }
0x75: {  	_ =	shalt  }
0x76: {  	_ =	shalt  }
0x77: {  	_ =	shalt  }
0x78: {  	_ =	shalt  }
0x79: {  	_ =	shalt  }
0x7a: {  	_ =	shalt  }
0x7b: {  	_ =	shalt  }
0x7c: {  	_ =	shalt  }
0x7d: {  	_ =	shalt  }
0x7e: {  	_ =	shalt  }
0x7f: {  	_ =	shalt  }
0x80: {  	_ =	shalt  }
0x81: {  	_ =	shalt  }
0x82: {  	_ =	shalt  }
0x83: {  	_ =	shalt  }
0x84: {  	_ =	shalt  }
0x85: {  	_ =	shalt  }
0x86: {  	_ =	shalt  }
0x87: {  	_ =	shalt  }
.Lfunc_end0:
.L_simem_size_0:
called_computation_lowered:
.L_overlay_start_0:
0x88: {  	s2 =	sld [smem:$0x3FD9]  }
0x89: {  	s3 =	sld [smem:$0x3FFE];
	_ =	sdelay $0x1  }
0x8a: {  	s1 =	srdreg.scid  }
0x8b: {  	s0 =	sand.u32 $0x1, s1  }
0x8c: {  	s16 =	sshll.u32 s0, $0xA;
	s2 =	sadd.s32 s3, s2  }
0x8d: {  	s2 =	sadd.s32 s2, s16  }
0x8e: {  	[smem:$0x3FBD] =	sst s2  }
0x8f: {  	_ = 	snop  }
0x90: {  	(tm) =	ssettm $0x1  }
0x91: {  	s17 =	sld [smem:$0x3FFB];
	_ =	sdelay $0x3  }
0x92: {  	_ =	strace s17  }
0x93: {  	s2 =	sld [smem:$0x3FFC];
	_ =	sdelay $0x3  }
0x94: {  	_ =	strace s2  }
0x95: {  	s2 =	sld [smem:$0x3FFD];
	_ =	sdelay $0x3  }
0x96: {  	_ =	strace s2  }
0x97: {  	_ =	strace $0x8FFFFFFF  }
0x98: {  	s18 =	sld [smem:$0x3FDB];
	_ =	sdelay $0x1  }
0x99: {  	s19 =	simm.s32 $_scs_section_size  }
0x9a: {  	s4 =	simm.s32 $_size__tile_overlayer_lowered;
	s5 =	simm.s32 $_tile_overlayer_lowered  }
0x9b: {  	s22 =	simm.s32 $0x1BFF;
	s21 =	sshll.u32 s5, $0x1;
	s2 =	sadd.s32 s19, s18  }
0x9c: {  	s6 =	simm.s32 $0x0;
	s20 =	sshll.u32 s4, $0x1;
	s4 =	sadd.s32 s21, s2  }
0x9d: {  	[timem:s6], [sflag:s22] =	dma.local [hbm:s4], s20  }
0x9e: {  	_ =	swait.ge [sflag:s22], s20  }
0x9f: {  	s3 =	ssub.s32 $0x0, s20;
	[sflag:s22] =	ssyncset.done $0x0  }
0xa0: {  	[sflag:s22] =	ssyncadd.s32 s3;
	_ =	sdelay $0x1  }
0xa1: {  	s23 =	simm.s32 $0x1B8B  }
0xa2: {  	_ =	swait.ge [sflag:s23], $0x1  }
0xa3: {  	[sflag:s23] =	ssyncset.done $0x0  }
0xa4: {  	s25 =	simm.s32 $0x1B8E;
	s24 =	sld [smem:$0x3FFE];
	[sflag:s23] =	ssyncadd.s32 $0xFFFFFFFF  }
0xa5: {  	s26 =	simm.s32 $execute0_lowered;
	[smem:$0x3FD2] =	sst s25  }
0xa6: {  	s4 =	sshll.u32 s26, $0x1;
	_ =	strace $0x80000046;
	[dreg:$0x1] =	wrdreg $0xFFFFFFFF  }
0xa7: {  	s28 =	simm.s32 $_size_execute0_lowered;
	s2 =	sadd.s32 s2, s4;
	[dreg:$0x0] =	wrdreg $0x0  }
0xa8: {  	s4 =	sshll.u32 s28, $0x1;
	[dreg:$0x2] =	wrdreg s2  }
0xa9: {  	[dreg:$0x3] =	wrdreg s4  }
0xaa: {  	[dreg:$0x4] =	wrdreg $0xC0  }
0xab: {  	_ =	task [dreg:s6], $0x5FFFF  }
0xac: {  	[dreg:$0x1] =	wrdreg $0xFFFFFFFF  }
0xad: {  	[dreg:$0x0] =	wrdreg $0x60  }
0xae: {  	[dreg:$0x2] =	wrdreg s24  }
0xaf: {  	[dreg:$0x3] =	wrdreg $0x68000  }
0xb0: {  	[dreg:$0x4] =	wrdreg $0x9  }
0xb1: {  	_ =	task.clear_ibuf [dreg:s6], $0x5FFFF;
	_ =	strace $0x90000046  }
0xb2: {  	s29 =	simm.s32 $0x9;
	_ =	strace $0x80000048  }
0xb3: {  	_ =	swait.ge [sflag:s29], $0x1  }
0xb4: {  	[sflag:s29] =	ssyncadd.s32 $0xFFFFFFFF  }
0xb5: {  	_ =	strace $0x90000048  }
0xb6: {  	_ =	sfence  }
0xb7: {  	s30 =	sld [smem:$0x0];
	_ =	sdelay $0x2  }
0xb8: {  	s31 =	sshll.u32 s1, $0xD;
	s1 =	sshrl.u32 s1, $0x2  }
0xb9: {  	s3 =	sand.u32 $0x4000, s31;
	s1 =	sadd.s32 s1, s30  }
0xba: {  	s0 =	sor.u32 s3, s0;
	s1 =	sshll.u32 s1, $0x11  }
0xbb: {  	s0 =	sor.u32 s1, s0  }
0xbc: {  	s0 =	sadd.s32 $0x8F2B, s0  }
0xbd: {  	[sflag:s0] =	ssyncadd.remote.s32 $0x1  }
0xbe: {  	_ =	sfence.sel $0xFFFF  }
0xbf: {  	[dreg:$0x0] =	wrdreg $0xFFFFFFFF;
	(pc) =	sbr.abs _section_cstart, $3  }
0xc0: {  	[dreg:$0x1] =	wrdreg $0xFFFFFFFF  }
0xc1: {  	_ =	task.clear_ibuf [dreg:s6], $0x2FFFF;
	_ =	strace $0x9FFFFFFF  }
0xc2: {  	(tm) =	ssettm $0x7FFFFFFF  }
0xc3: {  	_ =	shalt  }
tec
execute0_lowered:
.L_overlay_start_1:
0x0: {  	(tag) =	ssettag $0x1  }
0x1: {  	s0 =	srdreg.scid;
	s6 =	rddreg [dreg:$0x0]  }
0x2: {  	s2 =	rddreg [dreg:$0x1];
	s5 =	sand.u32 $0x1, s0;
	s0 =	stileid.u32  }
0x3: {  	s3 =	simm.s32 $0x0;
	s13 =	simm.s32 $0x80;
	s7 =	smul.u32 $0x13C00, s0  }
0x4: {  	s14 =	simm.s32 $0x0;
	[smem:$0x7FF] =	sst s3;
	s8 =	smul.u32 $0x13C000, s5  }
0x5: {  	s1 =	sshll.u32 s5, $0x4;
	s5 =	ssub.s32 $0x2, s5;
	s29 =	smul.u32 $0x4F000, s0  }
0x6: {  	s31 =	sshll.u32 s0, $0x6;
	s4 =	sor.u32 s0, s1;
	s1 =	rddreg [dreg:$0x2]  }
0x7: {  	_ =	strace $0x80000047;
	s11 =	sshrl.u32 s5, $0x1;
	s4 =	smul.u32 $0x500, s4  }
0x8: {  	s10 =	sshrl.u32 s7, $0x3;
	s7 =	sadd.s32 s7, s8;
	s11 =	ssub.s32 s5, s11  }
0x9: {  	s30 =	sshrl.u32 s29, $0x2;
	s10 =	sadd.s32 s10, s6;
	s7 =	sshrl.u32 s7, $0x3  }
0xa: {  	s12 =	sadd.s32 s30, s2;
	s8 =	smax.u32 s11, $0x1;
	s11 =	sor.u32 $0x1C01, s31  }
0xb: {  	s9 =	sadd.s32 s4, s6;
	s4 =	sadd.s32 $0x17A00, s6;
	s7 =	sadd.s32 s7, s6  }
0xc: {  	s6 =	sadd.s32 $0x18200, s10;
	s10 =	simm.s32 $0x2800;
	s12 =	sshrl.u32 s12, $0x3  }
0xd: {  	s5 =	sadd.s32 $0x3A00, s9;
	s7 =	sadd.s32 $0x3FA00, s7;
	s9 =	simm.s32 $0x1  }
.LBB2_1:
0xe: {  	[tilespmem:s3], [sflag:$0x1] =	stream.linear.gather [hbm4b:s5+s3], $0x2800, $0x38;
	[tilespmem:$0x1A400] =	vst v63  }
0xf: {  	_ =	swait.ge [sflag:s9], $0x2800  }
0x10: {  	[sflag:s9] =	ssyncset.done $0x0  }
0x11: {  	[sflag:s9] =	ssyncadd.s32 $0xFFFFD800  }
0x12: {  	[tilespmem:s10], [sflag:$0x1] =	stream.linear.gather [hbm4b:s4+s3], $0x4000, $0x38;
	[tilespmem:$0x1A400] =	vst v63  }
0x13: {  	_ =	swait.ge [sflag:s9], $0x4000  }
0x14: {  	[sflag:s9] =	ssyncset.done $0x0  }
0x15: {  	[sflag:s9] =	ssyncadd.s32 $0xFFFFC000  }
0x16: {  	[spmem:s12], [sflag:s11] =	dma.local [hbm:s6], $0x2780  }
0x17: {  	_ =	swait.ge [sflag:s9], $0x2780  }
0x18: {  	[sflag:s9] =	ssyncset.done $0x0  }
0x19: {  	[sflag:s9] =	ssyncadd.s32 $0xFFFFD880  }
0x1a: {  	s15 =	simm.s32 $0x0;
	[bflag:$0x0] =	sbarrier.arrive $0xFFFF  }
0x1b: {  	[spmem:s2] =	stream.indirect.scatter.add.f32 [tilespmem:s10], [sflag:$0x1], $0x80, s15, s13, $0xb8;
	[tilespmem:$0x1A400] =	vst v63  }
0x1c: {  	_ =	swait.ge [sflag:s9], $0x4000  }
0x1d: {  	s15 =	simm.s32 $0x200;
	[sflag:s9] =	ssyncset.done $0x0  }
.LBB2_2:
0x1e: {  	s16 =	sshra.s32 s15, $0x2;
	[sflag:s9] =	ssyncadd.s32 $0xFFFFC000;
	p0 =	sne.s32 s15, $0x9E00  }
0x1f: {  	[spmem:s2] =	stream.indirect.scatter.add.f32 [tilespmem:s10], [sflag:$0x1], $0x80, s16, s13, $0xb8;
	[tilespmem:$0x1A400] =	vst v63  }
.Ltmp0:
0x20: {  	_ = 	snop;
	(pc) =	sbr.rel @p0 .LBB2_2-.Ltmp0, $4  }
0x21: {  	_ = 	snop  }
0x22: {  	s15 =	sadd.s32 $0x200, s15  }
0x23: {  	_ =	swait.ge [sflag:s9], $0x4000  }
0x24: {  	[sflag:s9] =	ssyncset.done $0x0  }
0x25: {  	s14 =	sadd.s32 $0x1, s14  }
0x26: {  	[sflag:s9] =	ssyncadd.s32 $0xFFFFC000;
	p0 =	sne.s32 s14, s8  }
.Ltmp1:
0x27: {  	[bflag:$0x0] =	sbarrier.arrive $0xFFFF;
	(pc) =	sbr.rel @p0 .LBB2_1-.Ltmp1, $4  }
0x28: {  	[hbm:s7], [sflag:s11] =	dma.local [spmem:s12], $0x2780  }
0x29: {  	_ =	swait.ge [sflag:s9], $0x2780  }
0x2a: {  	[sflag:s9] =	ssyncset.done $0x0  }
0x2b: {  	[sflag:s9] =	ssyncadd.s32 $0xFFFFD880  }
0x2c: {  	_ =	sfence.sel $0x180000  }
0x2d: {  	[bflag:$0x0] =	sbarrier.arrive $0xFFFF  }
0x2e: {  	p0 =	sne.s32 s0, $0x0;
	_ =	strace $0x90000047  }
0x2f: {  	s0 =	sadd.s32 @!p0 $0x100000, s1;
	[bflag:$0x2] =	sbarrier.arrive $0xFFFF  }
0x30: {  	[sflag:s0] =	ssyncadd.tile.s32 @!p0 $0x1;
	_ =	shalt  }
.Lfunc_end2:
_tile_overlayer_lowered:
.L_overlay_start_2:
0x31: {  	(tag) =	ssettag $0x2  }
0x32: {  	s0 =	rddreg [dreg:$0x0];
	s2 =	stileid.u32  }
0x33: {  	s1 =	rddreg [dreg:$0x1];
	p0 =	sne.s32 s2, $0x0  }
0x34: {  	s3 =	rddreg [dreg:$0x2];
	[bflag:$0x3] =	sbarrier.arrive $0xFFFF;
	s2 =	simm.s32 @!p0 $0x1C01  }
0x35: {  	[timem:s3], [sflag:s2] =	dma.local @!p0 [hbm:s0], s1  }
0x36: {  	s0 =	simm.s32 @!p0 $0x1  }
0x37: {  	_ =	swait.ge @!p0 [sflag:s0], s1  }
0x38: {  	s1 =	ssub.s32 @!p0 $0x0, s1;
	[sflag:s0] =	ssyncset.done @!p0 $0x0  }
0x39: {  	[sflag:s0] =	ssyncadd.s32 @!p0 s1  }
0x3a: {  	[bflag:$0x3] =	sbarrier.arrive $0xFFFF  }
0x3b: {  	_ =	shalt  }

// kernel: kernel.13.cloned.1.call-start
scs
__scs_entry_jumppad:
0x0: {  	(pc) =	sbr.rel $0x88, $3  }
0x1: {  	(tag) =	ssettag $0x0;
	lr =	simm.s32 $0x1  }
0x2: {  	[smem:$0x3F96] =	sst lr;
	_ =	strace $0xD0000000  }
0x3: {  	_ = 	snop  }
0x4: {  	_ = 	snop  }
0x5: {  	_ = 	snop  }
0x6: {  	_ = 	snop  }
0x7: {  	_ = 	snop  }
__scs_overlays_trampoline_lowered:
0x8: {  	[smem:$0x3FA5] =	sst s0  }
0x9: {  	[smem:$0x3FA6] =	sst s1  }
0xa: {  	[smem:$0x3FA7] =	sst s2  }
0xb: {  	[smem:$0x3FA8] =	sst s3  }
0xc: {  	[smem:$0x3FA9] =	sst s4  }
0xd: {  	[smem:$0x3FAA] =	sst s5  }
0xe: {  	[smem:$0x3FAB] =	sst s6  }
0xf: {  	[smem:$0x3FAC] =	sst s7  }
0x10: {  	[smem:$0x3FAD] =	sst s8  }
0x11: {  	[smem:$0x3FAE] =	sst s9;
	s0 =	simm.s32 @!p0 $0x0  }
0x12: {  	s1 =	sld [smem:$0x3F94];
	s0 =	simm.s32 @p0 $0x1  }
0x13: {  	[smem:$0x3FAF] =	sst s0;
	s0 =	simm.s32 @!p1 $0x0  }
0x14: {  	s2 =	sld [smem:$0x3F93];
	s0 =	simm.s32 @p1 $0x1  }
0x15: {  	[smem:$0x3FB0] =	sst s0;
	s0 =	simm.s32 @!p2 $0x0  }
0x16: {  	s3 =	sld [smem:$0x3FDB];
	s0 =	simm.s32 @p2 $0x1  }
0x17: {  	s4 =	simm.s32 $0x1BF5;
	[smem:$0x3FB2] =	sst s0  }
0x18: {  	s0 =	sld [smem:$0x3F95];
	_ =	swait.ge [sflag:s4], $0x0  }
0x19: {  	s7 =	sld [smem:$0x3F96]  }
0x1a: {  	s8 =	sadd.s32 $0xFFFFE003, lr  }
0x1b: {  	s9 =	sadd.s32 $0xFFFFFEF7, lr;
	s5 =	simm.s32 $0xFFFFFFFF;
	p2 =	slt.u32 s8, $0xFFFFF086  }
0x1c: {  	p1 =	slt.u32 s9, $0xF7A;
	s5 =	simm.s32 @!p2 $0x0  }
0x1d: {  	s5 =	simm.s32 @p1 $0x1;
	p0 =	seq.s32 s7, s2  }
0x1e: {  	s7 =	smul.u32 @!p0 $0xF7A, s2;
	p2 =	seq.s32 @!p0 s5, $0x0  }
0x1f: {  	s9 =	smul.u32 $0xF7A, s1;
	s8 =	simm.s32 @!p0 $0x1BF5;
	p2 =	por !p2, p0  }
0x20: {  	[sflag:s8] =	ssyncset.s32 @!p0 $0xFFFFF086;
	s6 =	sadd.s32 @!p0 s3, s7;
	s7 =	simm.s32 @!p0 $0x108  }
0x21: {  	s3 =	sadd.s32 s3, s9;
	s6 =	sadd.s32 @!p0 $0x88, s6;
	s7 =	simm.s32 @p2 $0x1082  }
0x22: {  	[simem:s7], [sflag:s8] =	dma.local @!p0 [hbm:s6], $0xF7A  }
0x23: {  	s9 =	sor.u32 $0xD0000000, s2;
	s6 =	simm.s32 $0x108;
	_ =	swait.ge @!p0 [sflag:s8], $0x0  }
0x24: {  	s3 =	sadd.s32 $0x88, s3;
	s6 =	simm.s32 @!p1 $0x1082;
	[sflag:s4] =	ssyncset.s32 $0xFFFFF086  }
0x25: {  	[simem:s6], [sflag:s4] =	dma.local [hbm:s3], $0xF7A  }
0x26: {  	[smem:$0x3F96] =	sst s1;
	(tag) =	ssettag s2;
	_ =	strace s9  }
0x27: {  	s1 =	sld [smem:$0x3FA6]  }
0x28: {  	s2 =	sld [smem:$0x3FA7]  }
0x29: {  	s4 =	sld [smem:$0x3FA9]  }
0x2a: {  	p0 =	seq.s32 s5, $0x0;
	s5 =	sld [smem:$0x3FAA]  }
0x2b: {  	s6 =	sld [smem:$0x3FAB]  }
0x2c: {  	s7 =	sld [smem:$0x3FAC]  }
0x2d: {  	s3 =	simm.s32 $0x108;
	s8 =	sld [smem:$0x3FAD]  }
0x2e: {  	s3 =	simm.s32 @!p0 $0x1082;
	s9 =	sld [smem:$0x3FAE]  }
0x2f: {  	lr =	sadd.s32 s0, s3;
	s0 =	sld [smem:$0x3FA5]  }
0x30: {  	s3 =	sld [smem:$0x3FA8]  }
0x31: {  	[smem:$0x3FB1] =	sst s10  }
0x32: {  	s10 =	sld [smem:$0x3FAF];
	_ =	sdelay $0x3  }
0x33: {  	p0 =	seq.s32 s10, $0x1;
	s10 =	sld [smem:$0x3FB1];
	_ =	sdelay $0x3  }
0x34: {  	[smem:$0x3FB1] =	sst s10  }
0x35: {  	s10 =	sld [smem:$0x3FB0];
	_ =	sdelay $0x3  }
0x36: {  	p1 =	seq.s32 s10, $0x1;
	s10 =	sld [smem:$0x3FB1];
	_ =	sdelay $0x3  }
0x37: {  	[smem:$0x3FB1] =	sst s10  }
0x38: {  	s10 =	sld [smem:$0x3FB2]  }
0x39: {  	_ = 	snop;
	(pc) =	sbr.ind lr, $3  }
0x3a: {  	_ = 	snop  }
0x3b: {  	_ = 	snop  }
0x3c: {  	p2 =	seq.s32 s10, $0x1;
	s10 =	sld [smem:$0x3FB1]  }
0x3d: {  	_ =	shalt  }
0x3e: {  	_ =	shalt  }
0x3f: {  	_ =	shalt  }
0x40: {  	_ =	shalt  }
0x41: {  	_ =	shalt  }
0x42: {  	_ =	shalt  }
0x43: {  	_ =	shalt  }
0x44: {  	_ =	shalt  }
0x45: {  	_ =	shalt  }
0x46: {  	_ =	shalt  }
0x47: {  	_ =	shalt  }
0x48: {  	_ =	shalt  }
0x49: {  	_ =	shalt  }
0x4a: {  	_ =	shalt  }
0x4b: {  	_ =	shalt  }
0x4c: {  	_ =	shalt  }
0x4d: {  	_ =	shalt  }
0x4e: {  	_ =	shalt  }
0x4f: {  	_ =	shalt  }
0x50: {  	_ =	shalt  }
0x51: {  	_ =	shalt  }
0x52: {  	_ =	shalt  }
0x53: {  	_ =	shalt  }
0x54: {  	_ =	shalt  }
0x55: {  	_ =	shalt  }
0x56: {  	_ =	shalt  }
0x57: {  	_ =	shalt  }
0x58: {  	_ =	shalt  }
0x59: {  	_ =	shalt  }
0x5a: {  	_ =	shalt  }
0x5b: {  	_ =	shalt  }
0x5c: {  	_ =	shalt  }
0x5d: {  	_ =	shalt  }
0x5e: {  	_ =	shalt  }
0x5f: {  	_ =	shalt  }
0x60: {  	_ =	shalt  }
0x61: {  	_ =	shalt  }
0x62: {  	_ =	shalt  }
0x63: {  	_ =	shalt  }
0x64: {  	_ =	shalt  }
0x65: {  	_ =	shalt  }
0x66: {  	_ =	shalt  }
0x67: {  	_ =	shalt  }
0x68: {  	_ =	shalt  }
0x69: {  	_ =	shalt  }
0x6a: {  	_ =	shalt  }
0x6b: {  	_ =	shalt  }
0x6c: {  	_ =	shalt  }
0x6d: {  	_ =	shalt  }
0x6e: {  	_ =	shalt  }
0x6f: {  	_ =	shalt  }
0x70: {  	_ =	shalt  }
0x71: {  	_ =	shalt  }
0x72: {  	_ =	shalt  }
0x73: {  	_ =	shalt  }
0x74: {  	_ =	shalt  }
0x75: {  	_ =	shalt  }
0x76: {  	_ =	shalt  }
0x77: {  	_ =	shalt  }
0x78: {  	_ =	shalt  }
0x79: {  	_ =	shalt  }
0x7a: {  	_ =	shalt  }
0x7b: {  	_ =	shalt  }
0x7c: {  	_ =	shalt  }
0x7d: {  	_ =	shalt  }
0x7e: {  	_ =	shalt  }
0x7f: {  	_ =	shalt  }
0x80: {  	_ =	shalt  }
0x81: {  	_ =	shalt  }
0x82: {  	_ =	shalt  }
0x83: {  	_ =	shalt  }
0x84: {  	_ =	shalt  }
0x85: {  	_ =	shalt  }
0x86: {  	_ =	shalt  }
0x87: {  	_ =	shalt  }
.Lfunc_end0:
.L_simem_size_0:
called_computation.1_lowered:
.L_overlay_start_0:
0x88: {  	s2 =	sld [smem:$0x3FD9]  }
0x89: {  	s3 =	sld [smem:$0x3FFE];
	_ =	sdelay $0x1  }
0x8a: {  	s1 =	srdreg.scid  }
0x8b: {  	s0 =	sand.u32 $0x1, s1  }
0x8c: {  	s16 =	sshll.u32 s0, $0xA;
	s2 =	sadd.s32 s3, s2  }
0x8d: {  	s2 =	sadd.s32 s2, s16  }
0x8e: {  	[smem:$0x3FBD] =	sst s2  }
0x8f: {  	_ = 	snop  }
0x90: {  	(tm) =	ssettm $0x1  }
0x91: {  	s17 =	sld [smem:$0x3FFB];
	_ =	sdelay $0x3  }
0x92: {  	_ =	strace s17  }
0x93: {  	s2 =	sld [smem:$0x3FFC];
	_ =	sdelay $0x3  }
0x94: {  	_ =	strace s2  }
0x95: {  	s2 =	sld [smem:$0x3FFD];
	_ =	sdelay $0x3  }
0x96: {  	_ =	strace s2  }
0x97: {  	_ =	strace $0x8FFFFFFF  }
0x98: {  	s18 =	sld [smem:$0x3FDB];
	_ =	sdelay $0x1  }
0x99: {  	s19 =	simm.s32 $_scs_section_size  }
0x9a: {  	s4 =	simm.s32 $_size__tile_overlayer_lowered;
	s5 =	simm.s32 $_tile_overlayer_lowered  }
0x9b: {  	s22 =	simm.s32 $0x1BFF;
	s21 =	sshll.u32 s5, $0x1;
	s2 =	sadd.s32 s19, s18  }
0x9c: {  	s6 =	simm.s32 $0x0;
	s20 =	sshll.u32 s4, $0x1;
	s4 =	sadd.s32 s21, s2  }
0x9d: {  	[timem:s6], [sflag:s22] =	dma.local [hbm:s4], s20  }
0x9e: {  	_ =	swait.ge [sflag:s22], s20  }
0x9f: {  	s3 =	ssub.s32 $0x0, s20;
	[sflag:s22] =	ssyncset.done $0x0  }
0xa0: {  	[sflag:s22] =	ssyncadd.s32 s3;
	_ =	sdelay $0x1  }
0xa1: {  	s23 =	simm.s32 $0x1B8B  }
0xa2: {  	_ =	swait.ge [sflag:s23], $0x1  }
0xa3: {  	[sflag:s23] =	ssyncset.done $0x0  }
0xa4: {  	s25 =	simm.s32 $0x1B8E;
	s24 =	sld [smem:$0x3FFE];
	[sflag:s23] =	ssyncadd.s32 $0xFFFFFFFF  }
0xa5: {  	s26 =	simm.s32 $execute0_lowered;
	[smem:$0x3FD2] =	sst s25  }
0xa6: {  	s4 =	sshll.u32 s26, $0x1;
	_ =	strace $0x80000049;
	[dreg:$0x1] =	wrdreg $0xFFFFFFFF  }
0xa7: {  	s28 =	simm.s32 $_size_execute0_lowered;
	s2 =	sadd.s32 s2, s4;
	[dreg:$0x0] =	wrdreg $0x0  }
0xa8: {  	s4 =	sshll.u32 s28, $0x1;
	[dreg:$0x2] =	wrdreg s2  }
0xa9: {  	[dreg:$0x3] =	wrdreg s4  }
0xaa: {  	[dreg:$0x4] =	wrdreg $0xC0  }
0xab: {  	_ =	task [dreg:s6], $0x5FFFF  }
0xac: {  	[dreg:$0x1] =	wrdreg $0xFFFFFFFF  }
0xad: {  	[dreg:$0x0] =	wrdreg $0x60  }
0xae: {  	[dreg:$0x2] =	wrdreg s24  }
0xaf: {  	[dreg:$0x3] =	wrdreg $0xAA000  }
0xb0: {  	[dreg:$0x4] =	wrdreg $0x9  }
0xb1: {  	_ =	task.clear_ibuf [dreg:s6], $0x5FFFF;
	_ =	strace $0x90000049  }
0xb2: {  	s29 =	simm.s32 $0x9;
	_ =	strace $0x8000004B  }
0xb3: {  	_ =	swait.ge [sflag:s29], $0x1  }
0xb4: {  	[sflag:s29] =	ssyncadd.s32 $0xFFFFFFFF  }
0xb5: {  	_ =	strace $0x9000004B  }
0xb6: {  	_ =	sfence  }
0xb7: {  	s30 =	sld [smem:$0x0];
	_ =	sdelay $0x2  }
0xb8: {  	s31 =	sshll.u32 s1, $0xD;
	s1 =	sshrl.u32 s1, $0x2  }
0xb9: {  	s3 =	sand.u32 $0x4000, s31;
	s1 =	sadd.s32 s1, s30  }
0xba: {  	s0 =	sor.u32 s3, s0;
	s1 =	sshll.u32 s1, $0x11  }
0xbb: {  	s0 =	sor.u32 s1, s0  }
0xbc: {  	s0 =	sadd.s32 $0x8F2B, s0  }
0xbd: {  	[sflag:s0] =	ssyncadd.remote.s32 $0x1  }
0xbe: {  	_ =	sfence.sel $0xFFFF  }
0xbf: {  	[dreg:$0x0] =	wrdreg $0xFFFFFFFF;
	(pc) =	sbr.abs _section_cstart, $3  }
0xc0: {  	[dreg:$0x1] =	wrdreg $0xFFFFFFFF  }
0xc1: {  	_ =	task.clear_ibuf [dreg:s6], $0x2FFFF;
	_ =	strace $0x9FFFFFFF  }
0xc2: {  	(tm) =	ssettm $0x7FFFFFFF  }
0xc3: {  	_ =	shalt  }
tec
execute0_lowered:
.L_overlay_start_1:
0x0: {  	(tag) =	ssettag $0x1  }
0x1: {  	s0 =	rddreg [dreg:$0x0]  }
0x2: {  	s2 =	rddreg [dreg:$0x1]  }
0x3: {  	s3 =	simm.s32 $0x0;
	s13 =	stileid.u32;
	s4 =	srdreg.scid  }
0x4: {  	s17 =	simm.s32 $0x9;
	s28 =	simm.s32 $0x7;
	s1 =	smul.u32 $0x50, s13  }
0x5: {  	s29 =	simm.s32 $0x2;
	s30 =	simm.s32 $0x4;
	s5 =	smul.u32 $0x500, s13  }
0x6: {  	s31 =	simm.s32 $0x8;
	[smem:$0x7FF] =	sst s3;
	s9 =	smul.u32 $0x13C00, s13  }
0x7: {  	s6 =	sand.u32 $0x1, s4;
	s4 =	sadd.s32 $0xDA00, s0;
	s21 =	smul.u32 $0x4F000, s13  }
0x8: {  	_ =	strace $0x8000004A;
	p0 =	seq.s32 s6, $0x0;
	s18 =	smul.u32 $0x13C000, s6  }
0x9: {  	s19 =	ssub.s32 $0x2, s6;
	s7 =	sadd.s32 $0x500, s1;
	s11 =	sshrl.u32 s9, $0x3  }
0xa: {  	s20 =	sshrl.u32 s19, $0x1;
	s25 =	sshrl.u32 s21, $0x2;
	s21 =	simm.s32 $0x5  }
0xb: {  	s8 =	sshll.u32 s7, $0x4;
	s12 =	sadd.s32 s11, s0;
	s1 =	smov.u32 @p0 s7  }
0xc: {  	s5 =	smov.u32 @p0 s8;
	s8 =	sadd.s32 s9, s18;
	s6 =	sshll.u32 s1, $0x4  }
0xd: {  	s1 =	ssub.s32 s19, s20;
	s26 =	sadd.s32 $0x18200, s12;
	s18 =	simm.s32 $0x80  }
0xe: {  	s19 =	simm.s32 $0x100;
	s20 =	simm.s32 $0x180;
	s10 =	sadd.s32 s5, s0  }
0xf: {  	s5 =	sadd.s32 $0x3FA00, s0;
	s8 =	sshrl.u32 s8, $0x3;
	s7 =	sadd.s32 s4, s6  }
0x10: {  	[dreg:$0x7] =	wrdreg s26;
	s14 =	smax.u32 s1, $0x1;
	s22 =	sadd.s32 $0x10, s7  }
0x11: {  	s26 =	simm.s32 $0x3;
	s23 =	sadd.s32 $0x20, s7;
	[dreg:$0x3] =	wrdreg s22  }
.Ltmp0:
0x12: {  	s24 =	sadd.s32 $0x30, s7;
	[dreg:$0x4] =	wrdreg s23;
	(pc) =	sbr.rel .LBB2_1-.Ltmp0, $4  }
0x13: {  	s0 =	sadd.s32 s8, s0;
	s8 =	sadd.s32 s25, s2;
	[dreg:$0x5] =	wrdreg s24  }
0x14: {  	s15 =	sadd.s32 $0x3A00, s10;
	s25 =	simm.s32 $0x1;
	[dreg:$0x6] =	wrdreg s8  }
0x15: {  	s0 =	sadd.s32 $0x67200, s0;
	s22 =	simm.s32 $0x2A00;
	s23 =	simm.s32 $0x6  }
0x16: {  	s24 =	simm.s32 $0x6A00;
	[dreg:$0x8] =	wrdreg s0;
	s0 =	simm.s32 $0x0  }
.LBB2_4:
0x17: {  	[spmem:s2] =	stream.indirect.scatter.add.f32 [tilespmem:s22], [sflag:$0x3], $0x80, s10, s18, $0xb8;
	[tilespmem:$0x1E600] =	vst v63  }
0x18: {  	_ =	swait.ge [sflag:s29], $0x4000  }
0x19: {  	[sflag:s29] =	ssyncset.done $0x0  }
0x1a: {  	[sflag:s29] =	ssyncadd.s32 $0xFFFFC000  }
0x1b: {  	[spmem:s2] =	stream.indirect.scatter.add.f32 [tilespmem:s24], [sflag:$0x4], $0x80, s8, s18, $0xb8;
	[tilespmem:$0x1E600] =	vst v63  }
0x1c: {  	_ =	swait.ge [sflag:s26], $0x4000  }
0x1d: {  	[sflag:s26] =	ssyncset.done $0x0  }
0x1e: {  	[sflag:s26] =	ssyncadd.s32 $0xFFFFC000  }
0x1f: {  	_ =	swait.ge [sflag:s30], $0x4000  }
0x20: {  	[sflag:s30] =	ssyncset.done $0x0  }
0x21: {  	s0 =	sadd.s32 $0x1, s0;
	[sflag:s30] =	ssyncadd.s32 $0xFFFFC000  }
0x22: {  	p0 =	sne.s32 s0, s14;
	[bflag:$0x0] =	sbarrier.arrive $0xFFFF  }
.Ltmp1:
0x23: {  	s13 =	rddreg [dreg:$0x8];
	(pc) =	sbr.rel @!p0 .LBB2_5-.Ltmp1, $4  }
0x24: {  	[hbm:s13], [sflag:s1] =	dma.local [spmem:s16], $0x2780  }
0x25: {  	_ =	swait.ge [sflag:s17], $0x2780  }
0x26: {  	[sflag:s17] =	ssyncset.done $0x0  }
0x27: {  	[sflag:s17] =	ssyncadd.s32 $0xFFFFD880  }
.LBB2_1:
0x28: {  	s1 =	simm.s32 $0x200  }
0x29: {  	[tilespmem:s1], [sflag:$0x9] =	stream.linear.gather [hbm4b:s15+s3], $0x2800, $0x38;
	[tilespmem:$0x1E600] =	vst v63  }
0x2a: {  	_ =	swait.ge [sflag:s17], $0x2800  }
0x2b: {  	[sflag:s17] =	ssyncset.done $0x0  }
0x2c: {  	[sflag:s17] =	ssyncadd.s32 $0xFFFFD800  }
0x2d: {  	[tilespmem:s3], [sflag:$0x5] =	stream.linear.gather [hbm4b:s7+s3], $0x80, $0x38;
	[tilespmem:$0x1E600] =	vst v63  }
0x2e: {  	s9 =	rddreg [dreg:$0x3]  }
0x2f: {  	[tilespmem:s18], [sflag:$0x6] =	stream.linear.gather [hbm4b:s9+s3], $0x80, $0x38;
	[tilespmem:$0x1E600] =	vst v63  }
0x30: {  	s10 =	rddreg [dreg:$0x4]  }
0x31: {  	[tilespmem:s19], [sflag:$0x7] =	stream.linear.gather [hbm4b:s10+s3], $0x80, $0x38;
	[tilespmem:$0x1E600] =	vst v63  }
0x32: {  	s11 =	rddreg [dreg:$0x5]  }
0x33: {  	[tilespmem:s20], [sflag:$0x8] =	stream.linear.gather [hbm4b:s11+s3], $0x80, $0x38;
	[tilespmem:$0x1E600] =	vst v63  }
0x34: {  	_ =	swait.ge [sflag:s21], $0x80  }
0x35: {  	[sflag:s21] =	ssyncset.done $0x0  }
0x36: {  	s12 =	stileid.u32;
	[sflag:s21] =	ssyncadd.s32 $0xFFFFFF80  }
0x37: {  	[tilespmem:s22], [sflag:$0x1] =	stream.indirect.gather [hbm4b:s5+s18], $0x80, s3, s18, $0xb8;
	[tilespmem:$0x1E600] =	vst v63  }
0x38: {  	s1 =	sshll.u32 s12, $0x6;
	_ =	swait.ge [sflag:s23], $0x80  }
0x39: {  	s1 =	sor.u32 $0x1C09, s1;
	[sflag:s23] =	ssyncset.done $0x0;
	s8 =	rddreg [dreg:$0x6]  }
0x3a: {  	s13 =	rddreg [dreg:$0x7];
	[sflag:s23] =	ssyncadd.s32 $0xFFFFFF80;
	s16 =	sshrl.u32 s8, $0x3  }
0x3b: {  	[tilespmem:s24], [sflag:$0x2] =	stream.indirect.gather [hbm4b:s5+s18], $0x80, s18, s18, $0xb8;
	[tilespmem:$0x1E600] =	vst v63  }
0x3c: {  	[spmem:s16], [sflag:s1] =	dma.local [hbm:s13], $0x2780  }
0x3d: {  	_ =	swait.ge [sflag:s17], $0x2780  }
0x3e: {  	[sflag:s17] =	ssyncset.done $0x0  }
0x3f: {  	[sflag:s17] =	ssyncadd.s32 $0xFFFFD880  }
0x40: {  	s9 =	simm.s32 $0x0;
	s8 =	simm.s32 $0x380;
	[bflag:$0x0] =	sbarrier.arrive $0xFFFF  }
.LBB2_2:
0x41: {  	p0 =	seq.s32 s9, $0x0  }
0x42: {  	s10 =	simm.s32 @!p0 $0x4  }
0x43: {  	_ =	swait.ge @!p0 [sflag:s10], $0x4000  }
0x44: {  	[sflag:s10] =	ssyncset.done @!p0 $0x0  }
0x45: {  	[sflag:s10] =	ssyncadd.s32 @!p0 $0xFFFFC000;
	s10 =	simm.s32 @!p0 $0x6  }
0x46: {  	_ =	swait.ge @!p0 [sflag:s10], $0x80  }
0x47: {  	[sflag:s10] =	ssyncset.done @!p0 $0x0  }
0x48: {  	s11 =	simm.s32 @!p0 $0x6A00;
	[sflag:s10] =	ssyncadd.s32 @!p0 $0xFFFFFF80;
	s10 =	simm.s32 @!p0 $0x80  }
0x49: {  	[tilespmem:s11], [sflag:$0x2] =	stream.indirect.gather @!p0 [hbm4b:s5+s10], $0x80, s10, s10, $0xb8;
	[tilespmem:$0x1E600] =	vst v63  }
0x4a: {  	p0 =	seq.s32 s9, $0x4C0  }
0x4b: {  	s10 =	sadd.s32 @!p0 s9, s6;
	s11 =	sxor.u32 @!p0 $0xFFFFFFFF, s9  }
0x4c: {  	_ =	swait.ge [sflag:s25], $0x4000;
	s10 =	sadd.s32 @!p0 $0x40, s10;
	s11 =	sand.u32 @!p0 $0x40, s11  }
0x4d: {  	[sflag:s25] =	ssyncset.done $0x0;
	s10 =	sand.u32 @!p0 $0xFFFFF80, s10;
	s11 =	sadd.s32 @!p0 s4, s11  }
0x4e: {  	[sflag:s25] =	ssyncadd.s32 $0xFFFFC000;
	s10 =	sadd.s32 @!p0 s10, s11;
	s11 =	simm.s32 @!p0 $0x0  }
0x4f: {  	[tilespmem:s11], [sflag:$0x5] =	stream.linear.gather @!p0 [hbm4b:s10+s11], $0x80, $0x38;
	[tilespmem:$0x1E600] =	vst v63  }
0x50: {  	s12 =	sadd.s32 $0xFFFFFE80, s8  }
0x51: {  	[spmem:s2] =	stream.indirect.scatter.add.f32 [tilespmem:s22], [sflag:$0x3], $0x80, s12, s18, $0xb8;
	[tilespmem:$0x1E600] =	vst v63  }
0x52: {  	_ =	swait.ge [sflag:s26], $0x4000  }
0x53: {  	[sflag:s26] =	ssyncset.done $0x0  }
0x54: {  	[sflag:s26] =	ssyncadd.s32 $0xFFFFC000  }
0x55: {  	_ =	swait.ge [sflag:s28], $0x80  }
0x56: {  	[sflag:s28] =	ssyncset.done $0x0  }
0x57: {  	s10 =	sadd.s32 @!p0 $0x50, s9;
	[sflag:s28] =	ssyncadd.s32 $0xFFFFFF80  }
0x58: {  	[tilespmem:s22], [sflag:$0x1] =	stream.indirect.gather [hbm4b:s5+s18], $0x80, s19, s18, $0xb8;
	[tilespmem:$0x1E600] =	vst v63  }
0x59: {  	s12 =	sadd.s32 @!p0 s6, s10;
	s10 =	sand.u32 @!p0 $0x50, s10;
	_ =	swait.ge [sflag:s29], $0x4000  }
0x5a: {  	s12 =	sand.u32 @!p0 $0xFFFFF80, s12;
	s10 =	sadd.s32 @!p0 s4, s10;
	[sflag:s29] =	ssyncset.done $0x0  }
0x5b: {  	s10 =	sadd.s32 @!p0 s12, s10;
	s12 =	simm.s32 @!p0 $0x80;
	[sflag:s29] =	ssyncadd.s32 $0xFFFFC000  }
0x5c: {  	[tilespmem:s12], [sflag:$0x6] =	stream.linear.gather @!p0 [hbm4b:s10+s11], $0x80, $0x38;
	[tilespmem:$0x1E600] =	vst v63  }
0x5d: {  	s13 =	sadd.s32 $0xFFFFFF00, s8  }
0x5e: {  	[spmem:s2] =	stream.indirect.scatter.add.f32 [tilespmem:s24], [sflag:$0x4], $0x80, s13, s18, $0xb8;
	[tilespmem:$0x1E600] =	vst v63  }
0x5f: {  	_ =	swait.ge [sflag:s30], $0x4000  }
0x60: {  	[sflag:s30] =	ssyncset.done $0x0  }
0x61: {  	[sflag:s30] =	ssyncadd.s32 $0xFFFFC000  }
0x62: {  	_ =	swait.ge [sflag:s31], $0x80  }
0x63: {  	[sflag:s31] =	ssyncset.done $0x0  }
.Ltmp2:
0x64: {  	[sflag:s31] =	ssyncadd.s32 $0xFFFFFF80;
	(pc) =	sbr.rel @p0 .LBB2_4-.Ltmp2, $4  }
0x65: {  	[tilespmem:s24], [sflag:$0x2] =	stream.indirect.gather [hbm4b:s5+s18], $0x80, s20, s18, $0xb8;
	[tilespmem:$0x1E600] =	vst v63  }
0x66: {  	_ =	swait.ge [sflag:s25], $0x4000  }
0x67: {  	[sflag:s25] =	ssyncset.done $0x0  }
0x68: {  	s10 =	sadd.s32 $0xFFFFFF80, s8;
	[sflag:s25] =	ssyncadd.s32 $0xFFFFC000  }
0x69: {  	s11 =	sadd.s32 s9, s6;
	s12 =	sadd.s32 $0x60, s9  }
0x6a: {  	s13 =	sadd.s32 $0x60, s11;
	s12 =	sand.u32 $0x60, s12  }
0x6b: {  	s13 =	sand.u32 $0xFFFFF80, s13;
	s12 =	sadd.s32 s4, s12  }
0x6c: {  	s12 =	sadd.s32 s13, s12  }
0x6d: {  	[tilespmem:s19], [sflag:$0x7] =	stream.linear.gather [hbm4b:s12+s3], $0x80, $0x38;
	[tilespmem:$0x1E600] =	vst v63  }
0x6e: {  	_ = 	snop  }
0x6f: {  	[spmem:s2] =	stream.indirect.scatter.add.f32 [tilespmem:s22], [sflag:$0x3], $0x80, s10, s18, $0xb8;
	[tilespmem:$0x1E600] =	vst v63  }
0x70: {  	_ =	swait.ge [sflag:s26], $0x4000  }
0x71: {  	[sflag:s26] =	ssyncset.done $0x0  }
0x72: {  	[sflag:s26] =	ssyncadd.s32 $0xFFFFC000  }
0x73: {  	_ =	swait.ge [sflag:s21], $0x80  }
0x74: {  	[sflag:s21] =	ssyncset.done $0x0  }
0x75: {  	s13 =	sadd.s32 $0x70, s9;
	[sflag:s21] =	ssyncadd.s32 $0xFFFFFF80  }
0x76: {  	[tilespmem:s22], [sflag:$0x1] =	stream.indirect.gather [hbm4b:s5+s18], $0x80, s3, s18, $0xb8;
	[tilespmem:$0x1E600] =	vst v63  }
0x77: {  	s11 =	sadd.s32 $0x70, s11;
	s10 =	sand.u32 $0x70, s13;
	_ =	swait.ge [sflag:s29], $0x4000  }
0x78: {  	s11 =	sand.u32 $0xFFFFF80, s11;
	s10 =	sadd.s32 s4, s10;
	[sflag:s29] =	ssyncset.done $0x0  }
.Ltmp3:
0x79: {  	s10 =	sadd.s32 s11, s10;
	[sflag:s29] =	ssyncadd.s32 $0xFFFFC000;
	(pc) =	sbr.rel .LBB2_2-.Ltmp3, $4  }
0x7a: {  	[tilespmem:s20], [sflag:$0x8] =	stream.linear.gather [hbm4b:s10+s3], $0x80, $0x38;
	[tilespmem:$0x1E600] =	vst v63  }
0x7b: {  	_ = 	snop  }
0x7c: {  	[spmem:s2] =	stream.indirect.scatter.add.f32 [tilespmem:s24], [sflag:$0x4], $0x80, s8, s18, $0xb8;
	[tilespmem:$0x1E600] =	vst v63  }
0x7d: {  	s9 =	sadd.s32 $0x40, s9;
	s8 =	sadd.s32 $0x200, s8  }
.LBB2_5:
0x7e: {  	_ =	sfence.sel $0x180000  }
0x7f: {  	[bflag:$0x0] =	sbarrier.arrive $0xFFFF  }
0x80: {  	_ =	strace $0x9000004A  }
0x81: {  	s0 =	stileid.u32;
	[bflag:$0x2] =	sbarrier.arrive $0xFFFF  }
0x82: {  	p0 =	sne.s32 s0, $0x0;
	s0 =	rddreg [dreg:$0x2]  }
0x83: {  	s0 =	sadd.s32 @!p0 $0x100000, s0  }
0x84: {  	[sflag:s0] =	ssyncadd.tile.s32 @!p0 $0x1;
	_ =	shalt  }
.Lfunc_end2:
_tile_overlayer_lowered:
.L_overlay_start_2:
0x85: {  	(tag) =	ssettag $0x2  }
0x86: {  	s0 =	rddreg [dreg:$0x0];
	s2 =	stileid.u32  }
0x87: {  	s1 =	rddreg [dreg:$0x1];
	p0 =	sne.s32 s2, $0x0  }
0x88: {  	s3 =	rddreg [dreg:$0x2];
	[bflag:$0x3] =	sbarrier.arrive $0xFFFF;
	s2 =	simm.s32 @!p0 $0x1C09  }
0x89: {  	[timem:s3], [sflag:s2] =	dma.local @!p0 [hbm:s0], s1  }
0x8a: {  	s0 =	simm.s32 @!p0 $0x9  }
0x8b: {  	_ =	swait.ge @!p0 [sflag:s0], s1  }
0x8c: {  	s1 =	ssub.s32 @!p0 $0x0, s1;
	[sflag:s0] =	ssyncset.done @!p0 $0x0  }
0x8d: {  	[sflag:s0] =	ssyncadd.s32 @!p0 s1  }
0x8e: {  	[bflag:$0x3] =	sbarrier.arrive $0xFFFF  }
0x8f: {  	_ =	shalt  }

// kernel: kernel.16.cloned.1.call-start
scs
__scs_entry_jumppad:
0x0: {  	(pc) =	sbr.rel $0x88, $3  }
0x1: {  	(tag) =	ssettag $0x0;
	lr =	simm.s32 $0x1  }
0x2: {  	[smem:$0x3F96] =	sst lr;
	_ =	strace $0xD0000000  }
0x3: {  	_ = 	snop  }
0x4: {  	_ = 	snop  }
0x5: {  	_ = 	snop  }
0x6: {  	_ = 	snop  }
0x7: {  	_ = 	snop  }
__scs_overlays_trampoline_lowered:
0x8: {  	[smem:$0x3FA5] =	sst s0  }
0x9: {  	[smem:$0x3FA6] =	sst s1  }
0xa: {  	[smem:$0x3FA7] =	sst s2  }
0xb: {  	[smem:$0x3FA8] =	sst s3  }
0xc: {  	[smem:$0x3FA9] =	sst s4  }
0xd: {  	[smem:$0x3FAA] =	sst s5  }
0xe: {  	[smem:$0x3FAB] =	sst s6  }
0xf: {  	[smem:$0x3FAC] =	sst s7  }
0x10: {  	[smem:$0x3FAD] =	sst s8  }
0x11: {  	[smem:$0x3FAE] =	sst s9;
	s0 =	simm.s32 @!p0 $0x0  }
0x12: {  	s1 =	sld [smem:$0x3F94];
	s0 =	simm.s32 @p0 $0x1  }
0x13: {  	[smem:$0x3FAF] =	sst s0;
	s0 =	simm.s32 @!p1 $0x0  }
0x14: {  	s2 =	sld [smem:$0x3F93];
	s0 =	simm.s32 @p1 $0x1  }
0x15: {  	[smem:$0x3FB0] =	sst s0;
	s0 =	simm.s32 @!p2 $0x0  }
0x16: {  	s3 =	sld [smem:$0x3FDB];
	s0 =	simm.s32 @p2 $0x1  }
0x17: {  	s4 =	simm.s32 $0x1BF5;
	[smem:$0x3FB2] =	sst s0  }
0x18: {  	s0 =	sld [smem:$0x3F95];
	_ =	swait.ge [sflag:s4], $0x0  }
0x19: {  	s7 =	sld [smem:$0x3F96]  }
0x1a: {  	s8 =	sadd.s32 $0xFFFFE003, lr  }
0x1b: {  	s9 =	sadd.s32 $0xFFFFFEF7, lr;
	s5 =	simm.s32 $0xFFFFFFFF;
	p2 =	slt.u32 s8, $0xFFFFF086  }
0x1c: {  	p1 =	slt.u32 s9, $0xF7A;
	s5 =	simm.s32 @!p2 $0x0  }
0x1d: {  	s5 =	simm.s32 @p1 $0x1;
	p0 =	seq.s32 s7, s2  }
0x1e: {  	s7 =	smul.u32 @!p0 $0xF7A, s2;
	p2 =	seq.s32 @!p0 s5, $0x0  }
0x1f: {  	s9 =	smul.u32 $0xF7A, s1;
	s8 =	simm.s32 @!p0 $0x1BF5;
	p2 =	por !p2, p0  }
0x20: {  	[sflag:s8] =	ssyncset.s32 @!p0 $0xFFFFF086;
	s6 =	sadd.s32 @!p0 s3, s7;
	s7 =	simm.s32 @!p0 $0x108  }
0x21: {  	s3 =	sadd.s32 s3, s9;
	s6 =	sadd.s32 @!p0 $0x88, s6;
	s7 =	simm.s32 @p2 $0x1082  }
0x22: {  	[simem:s7], [sflag:s8] =	dma.local @!p0 [hbm:s6], $0xF7A  }
0x23: {  	s9 =	sor.u32 $0xD0000000, s2;
	s6 =	simm.s32 $0x108;
	_ =	swait.ge @!p0 [sflag:s8], $0x0  }
0x24: {  	s3 =	sadd.s32 $0x88, s3;
	s6 =	simm.s32 @!p1 $0x1082;
	[sflag:s4] =	ssyncset.s32 $0xFFFFF086  }
0x25: {  	[simem:s6], [sflag:s4] =	dma.local [hbm:s3], $0xF7A  }
0x26: {  	[smem:$0x3F96] =	sst s1;
	(tag) =	ssettag s2;
	_ =	strace s9  }
0x27: {  	s1 =	sld [smem:$0x3FA6]  }
0x28: {  	s2 =	sld [smem:$0x3FA7]  }
0x29: {  	s4 =	sld [smem:$0x3FA9]  }
0x2a: {  	p0 =	seq.s32 s5, $0x0;
	s5 =	sld [smem:$0x3FAA]  }
0x2b: {  	s6 =	sld [smem:$0x3FAB]  }
0x2c: {  	s7 =	sld [smem:$0x3FAC]  }
0x2d: {  	s3 =	simm.s32 $0x108;
	s8 =	sld [smem:$0x3FAD]  }
0x2e: {  	s3 =	simm.s32 @!p0 $0x1082;
	s9 =	sld [smem:$0x3FAE]  }
0x2f: {  	lr =	sadd.s32 s0, s3;
	s0 =	sld [smem:$0x3FA5]  }
0x30: {  	s3 =	sld [smem:$0x3FA8]  }
0x31: {  	[smem:$0x3FB1] =	sst s10  }
0x32: {  	s10 =	sld [smem:$0x3FAF];
	_ =	sdelay $0x3  }
0x33: {  	p0 =	seq.s32 s10, $0x1;
	s10 =	sld [smem:$0x3FB1];
	_ =	sdelay $0x3  }
0x34: {  	[smem:$0x3FB1] =	sst s10  }
0x35: {  	s10 =	sld [smem:$0x3FB0];
	_ =	sdelay $0x3  }
0x36: {  	p1 =	seq.s32 s10, $0x1;
	s10 =	sld [smem:$0x3FB1];
	_ =	sdelay $0x3  }
0x37: {  	[smem:$0x3FB1] =	sst s10  }
0x38: {  	s10 =	sld [smem:$0x3FB2]  }
0x39: {  	_ = 	snop;
	(pc) =	sbr.ind lr, $3  }
0x3a: {  	_ = 	snop  }
0x3b: {  	_ = 	snop  }
0x3c: {  	p2 =	seq.s32 s10, $0x1;
	s10 =	sld [smem:$0x3FB1]  }
0x3d: {  	_ =	shalt  }
0x3e: {  	_ =	shalt  }
0x3f: {  	_ =	shalt  }
0x40: {  	_ =	shalt  }
0x41: {  	_ =	shalt  }
0x42: {  	_ =	shalt  }
0x43: {  	_ =	shalt  }
0x44: {  	_ =	shalt  }
0x45: {  	_ =	shalt  }
0x46: {  	_ =	shalt  }
0x47: {  	_ =	shalt  }
0x48: {  	_ =	shalt  }
0x49: {  	_ =	shalt  }
0x4a: {  	_ =	shalt  }
0x4b: {  	_ =	shalt  }
0x4c: {  	_ =	shalt  }
0x4d: {  	_ =	shalt  }
0x4e: {  	_ =	shalt  }
0x4f: {  	_ =	shalt  }
0x50: {  	_ =	shalt  }
0x51: {  	_ =	shalt  }
0x52: {  	_ =	shalt  }
0x53: {  	_ =	shalt  }
0x54: {  	_ =	shalt  }
0x55: {  	_ =	shalt  }
0x56: {  	_ =	shalt  }
0x57: {  	_ =	shalt  }
0x58: {  	_ =	shalt  }
0x59: {  	_ =	shalt  }
0x5a: {  	_ =	shalt  }
0x5b: {  	_ =	shalt  }
0x5c: {  	_ =	shalt  }
0x5d: {  	_ =	shalt  }
0x5e: {  	_ =	shalt  }
0x5f: {  	_ =	shalt  }
0x60: {  	_ =	shalt  }
0x61: {  	_ =	shalt  }
0x62: {  	_ =	shalt  }
0x63: {  	_ =	shalt  }
0x64: {  	_ =	shalt  }
0x65: {  	_ =	shalt  }
0x66: {  	_ =	shalt  }
0x67: {  	_ =	shalt  }
0x68: {  	_ =	shalt  }
0x69: {  	_ =	shalt  }
0x6a: {  	_ =	shalt  }
0x6b: {  	_ =	shalt  }
0x6c: {  	_ =	shalt  }
0x6d: {  	_ =	shalt  }
0x6e: {  	_ =	shalt  }
0x6f: {  	_ =	shalt  }
0x70: {  	_ =	shalt  }
0x71: {  	_ =	shalt  }
0x72: {  	_ =	shalt  }
0x73: {  	_ =	shalt  }
0x74: {  	_ =	shalt  }
0x75: {  	_ =	shalt  }
0x76: {  	_ =	shalt  }
0x77: {  	_ =	shalt  }
0x78: {  	_ =	shalt  }
0x79: {  	_ =	shalt  }
0x7a: {  	_ =	shalt  }
0x7b: {  	_ =	shalt  }
0x7c: {  	_ =	shalt  }
0x7d: {  	_ =	shalt  }
0x7e: {  	_ =	shalt  }
0x7f: {  	_ =	shalt  }
0x80: {  	_ =	shalt  }
0x81: {  	_ =	shalt  }
0x82: {  	_ =	shalt  }
0x83: {  	_ =	shalt  }
0x84: {  	_ =	shalt  }
0x85: {  	_ =	shalt  }
0x86: {  	_ =	shalt  }
0x87: {  	_ =	shalt  }
.Lfunc_end0:
.L_simem_size_0:
called_computation.2_lowered:
.L_overlay_start_0:
0x88: {  	s2 =	sld [smem:$0x3FD9]  }
0x89: {  	s3 =	sld [smem:$0x3FFE];
	_ =	sdelay $0x1  }
0x8a: {  	s1 =	srdreg.scid  }
0x8b: {  	s0 =	sand.u32 $0x1, s1  }
0x8c: {  	s16 =	sshll.u32 s0, $0xA;
	s2 =	sadd.s32 s3, s2  }
0x8d: {  	s2 =	sadd.s32 s2, s16  }
0x8e: {  	[smem:$0x3FBD] =	sst s2  }
0x8f: {  	_ = 	snop  }
0x90: {  	(tm) =	ssettm $0x1  }
0x91: {  	s17 =	sld [smem:$0x3FFB];
	_ =	sdelay $0x3  }
0x92: {  	_ =	strace s17  }
0x93: {  	s2 =	sld [smem:$0x3FFC];
	_ =	sdelay $0x3  }
0x94: {  	_ =	strace s2  }
0x95: {  	s2 =	sld [smem:$0x3FFD];
	_ =	sdelay $0x3  }
0x96: {  	_ =	strace s2  }
0x97: {  	_ =	strace $0x8FFFFFFF  }
0x98: {  	s18 =	sld [smem:$0x3FDB];
	_ =	sdelay $0x1  }
0x99: {  	s19 =	simm.s32 $_scs_section_size  }
0x9a: {  	s4 =	simm.s32 $_size__tile_overlayer_lowered;
	s5 =	simm.s32 $_tile_overlayer_lowered  }
0x9b: {  	s22 =	simm.s32 $0x1BFF;
	s21 =	sshll.u32 s5, $0x1;
	s2 =	sadd.s32 s19, s18  }
0x9c: {  	s6 =	simm.s32 $0x0;
	s20 =	sshll.u32 s4, $0x1;
	s4 =	sadd.s32 s21, s2  }
0x9d: {  	[timem:s6], [sflag:s22] =	dma.local [hbm:s4], s20  }
0x9e: {  	_ =	swait.ge [sflag:s22], s20  }
0x9f: {  	s3 =	ssub.s32 $0x0, s20;
	[sflag:s22] =	ssyncset.done $0x0  }
0xa0: {  	[sflag:s22] =	ssyncadd.s32 s3;
	_ =	sdelay $0x1  }
0xa1: {  	s23 =	simm.s32 $0x1B8B  }
0xa2: {  	_ =	swait.ge [sflag:s23], $0x1  }
0xa3: {  	[sflag:s23] =	ssyncset.done $0x0  }
0xa4: {  	s25 =	simm.s32 $0x1B8E;
	s24 =	sld [smem:$0x3FFE];
	[sflag:s23] =	ssyncadd.s32 $0xFFFFFFFF  }
0xa5: {  	s26 =	simm.s32 $execute0_lowered;
	[smem:$0x3FD2] =	sst s25  }
0xa6: {  	s4 =	sshll.u32 s26, $0x1;
	_ =	strace $0x8000004C;
	[dreg:$0x1] =	wrdreg $0xFFFFFFFF  }
0xa7: {  	s28 =	simm.s32 $_size_execute0_lowered;
	s2 =	sadd.s32 s2, s4;
	[dreg:$0x0] =	wrdreg $0x0  }
0xa8: {  	s4 =	sshll.u32 s28, $0x1;
	[dreg:$0x2] =	wrdreg s2  }
0xa9: {  	[dreg:$0x3] =	wrdreg s4  }
0xaa: {  	[dreg:$0x4] =	wrdreg $0xC0  }
0xab: {  	_ =	task [dreg:s6], $0x5FFFF  }
0xac: {  	[dreg:$0x1] =	wrdreg $0xFFFFFFFF  }
0xad: {  	[dreg:$0x0] =	wrdreg $0x60  }
0xae: {  	[dreg:$0x2] =	wrdreg s24  }
0xaf: {  	[dreg:$0x3] =	wrdreg $0xAA000  }
0xb0: {  	[dreg:$0x4] =	wrdreg $0x9  }
0xb1: {  	_ =	task.clear_ibuf [dreg:s6], $0x5FFFF;
	_ =	strace $0x9000004C  }
0xb2: {  	s29 =	simm.s32 $0x9;
	_ =	strace $0x8000004E  }
0xb3: {  	_ =	swait.ge [sflag:s29], $0x1  }
0xb4: {  	[sflag:s29] =	ssyncadd.s32 $0xFFFFFFFF  }
0xb5: {  	_ =	strace $0x9000004E  }
0xb6: {  	_ =	sfence  }
0xb7: {  	s30 =	sld [smem:$0x0];
	_ =	sdelay $0x2  }
0xb8: {  	s31 =	sshll.u32 s1, $0xD;
	s1 =	sshrl.u32 s1, $0x2  }
0xb9: {  	s3 =	sand.u32 $0x4000, s31;
	s1 =	sadd.s32 s1, s30  }
0xba: {  	s0 =	sor.u32 s3, s0;
	s1 =	sshll.u32 s1, $0x11  }
0xbb: {  	s0 =	sor.u32 s1, s0  }
0xbc: {  	s0 =	sadd.s32 $0x8F2B, s0  }
0xbd: {  	[sflag:s0] =	ssyncadd.remote.s32 $0x1  }
0xbe: {  	_ =	sfence.sel $0xFFFF  }
0xbf: {  	[dreg:$0x0] =	wrdreg $0xFFFFFFFF;
	(pc) =	sbr.abs _section_cstart, $3  }
0xc0: {  	[dreg:$0x1] =	wrdreg $0xFFFFFFFF  }
0xc1: {  	_ =	task.clear_ibuf [dreg:s6], $0x2FFFF;
	_ =	strace $0x9FFFFFFF  }
0xc2: {  	(tm) =	ssettm $0x7FFFFFFF  }
0xc3: {  	_ =	shalt  }
tec
execute0_lowered:
.L_overlay_start_1:
0x0: {  	(tag) =	ssettag $0x1  }
0x1: {  	s0 =	rddreg [dreg:$0x0]  }
0x2: {  	s2 =	rddreg [dreg:$0x1]  }
0x3: {  	s3 =	simm.s32 $0x0;
	s13 =	stileid.u32;
	s4 =	srdreg.scid  }
0x4: {  	s17 =	simm.s32 $0x9;
	s28 =	simm.s32 $0x7;
	s1 =	smul.u32 $0x50, s13  }
0x5: {  	s29 =	simm.s32 $0x2;
	s30 =	simm.s32 $0x4;
	s5 =	smul.u32 $0x500, s13  }
0x6: {  	s31 =	simm.s32 $0x8;
	[smem:$0x7FF] =	sst s3;
	s9 =	smul.u32 $0x13C00, s13  }
0x7: {  	s6 =	sand.u32 $0x1, s4;
	s4 =	sadd.s32 $0xDA00, s0;
	s21 =	smul.u32 $0x4F000, s13  }
0x8: {  	_ =	strace $0x8000004D;
	p0 =	seq.s32 s6, $0x0;
	s18 =	smul.u32 $0x13C000, s6  }
0x9: {  	s19 =	ssub.s32 $0x2, s6;
	s7 =	sadd.s32 $0x500, s1;
	s11 =	sshrl.u32 s9, $0x3  }
0xa: {  	s20 =	sshrl.u32 s19, $0x1;
	s25 =	sshrl.u32 s21, $0x2;
	s21 =	simm.s32 $0x5  }
0xb: {  	s8 =	sshll.u32 s7, $0x4;
	s12 =	sadd.s32 s11, s0;
	s1 =	smov.u32 @p0 s7  }
0xc: {  	s5 =	smov.u32 @p0 s8;
	s8 =	sadd.s32 s9, s18;
	s6 =	sshll.u32 s1, $0x4  }
0xd: {  	s1 =	ssub.s32 s19, s20;
	s26 =	sadd.s32 $0x18200, s12;
	s18 =	simm.s32 $0x80  }
0xe: {  	s19 =	simm.s32 $0x100;
	s20 =	simm.s32 $0x180;
	s10 =	sadd.s32 s5, s0  }
0xf: {  	s5 =	sadd.s32 $0x3FA00, s0;
	s8 =	sshrl.u32 s8, $0x3;
	s7 =	sadd.s32 s4, s6  }
0x10: {  	[dreg:$0x7] =	wrdreg s26;
	s14 =	smax.u32 s1, $0x1;
	s22 =	sadd.s32 $0x10, s7  }
0x11: {  	s26 =	simm.s32 $0x3;
	s23 =	sadd.s32 $0x20, s7;
	[dreg:$0x3] =	wrdreg s22  }
.Ltmp0:
0x12: {  	s24 =	sadd.s32 $0x30, s7;
	[dreg:$0x4] =	wrdreg s23;
	(pc) =	sbr.rel .LBB2_1-.Ltmp0, $4  }
0x13: {  	s0 =	sadd.s32 s8, s0;
	s8 =	sadd.s32 s25, s2;
	[dreg:$0x5] =	wrdreg s24  }
0x14: {  	s15 =	sadd.s32 $0x3A00, s10;
	s25 =	simm.s32 $0x1;
	[dreg:$0x6] =	wrdreg s8  }
0x15: {  	s0 =	sadd.s32 $0x67200, s0;
	s22 =	simm.s32 $0x2A00;
	s23 =	simm.s32 $0x6  }
0x16: {  	s24 =	simm.s32 $0x6A00;
	[dreg:$0x8] =	wrdreg s0;
	s0 =	simm.s32 $0x0  }
.LBB2_4:
0x17: {  	[spmem:s2] =	stream.indirect.scatter.add.f32 [tilespmem:s22], [sflag:$0x3], $0x80, s10, s18, $0xb8;
	[tilespmem:$0x1E600] =	vst v63  }
0x18: {  	_ =	swait.ge [sflag:s29], $0x4000  }
0x19: {  	[sflag:s29] =	ssyncset.done $0x0  }
0x1a: {  	[sflag:s29] =	ssyncadd.s32 $0xFFFFC000  }
0x1b: {  	[spmem:s2] =	stream.indirect.scatter.add.f32 [tilespmem:s24], [sflag:$0x4], $0x80, s8, s18, $0xb8;
	[tilespmem:$0x1E600] =	vst v63  }
0x1c: {  	_ =	swait.ge [sflag:s26], $0x4000  }
0x1d: {  	[sflag:s26] =	ssyncset.done $0x0  }
0x1e: {  	[sflag:s26] =	ssyncadd.s32 $0xFFFFC000  }
0x1f: {  	_ =	swait.ge [sflag:s30], $0x4000  }
0x20: {  	[sflag:s30] =	ssyncset.done $0x0  }
0x21: {  	s0 =	sadd.s32 $0x1, s0;
	[sflag:s30] =	ssyncadd.s32 $0xFFFFC000  }
0x22: {  	p0 =	sne.s32 s0, s14;
	[bflag:$0x0] =	sbarrier.arrive $0xFFFF  }
.Ltmp1:
0x23: {  	s13 =	rddreg [dreg:$0x8];
	(pc) =	sbr.rel @!p0 .LBB2_5-.Ltmp1, $4  }
0x24: {  	[hbm:s13], [sflag:s1] =	dma.local [spmem:s16], $0x2780  }
0x25: {  	_ =	swait.ge [sflag:s17], $0x2780  }
0x26: {  	[sflag:s17] =	ssyncset.done $0x0  }
0x27: {  	[sflag:s17] =	ssyncadd.s32 $0xFFFFD880  }
.LBB2_1:
0x28: {  	s1 =	simm.s32 $0x200  }
0x29: {  	[tilespmem:s1], [sflag:$0x9] =	stream.linear.gather [hbm4b:s15+s3], $0x2800, $0x38;
	[tilespmem:$0x1E600] =	vst v63  }
0x2a: {  	_ =	swait.ge [sflag:s17], $0x2800  }
0x2b: {  	[sflag:s17] =	ssyncset.done $0x0  }
0x2c: {  	[sflag:s17] =	ssyncadd.s32 $0xFFFFD800  }
0x2d: {  	[tilespmem:s3], [sflag:$0x5] =	stream.linear.gather [hbm4b:s7+s3], $0x80, $0x38;
	[tilespmem:$0x1E600] =	vst v63  }
0x2e: {  	s9 =	rddreg [dreg:$0x3]  }
0x2f: {  	[tilespmem:s18], [sflag:$0x6] =	stream.linear.gather [hbm4b:s9+s3], $0x80, $0x38;
	[tilespmem:$0x1E600] =	vst v63  }
0x30: {  	s10 =	rddreg [dreg:$0x4]  }
0x31: {  	[tilespmem:s19], [sflag:$0x7] =	stream.linear.gather [hbm4b:s10+s3], $0x80, $0x38;
	[tilespmem:$0x1E600] =	vst v63  }
0x32: {  	s11 =	rddreg [dreg:$0x5]  }
0x33: {  	[tilespmem:s20], [sflag:$0x8] =	stream.linear.gather [hbm4b:s11+s3], $0x80, $0x38;
	[tilespmem:$0x1E600] =	vst v63  }
0x34: {  	_ =	swait.ge [sflag:s21], $0x80  }
0x35: {  	[sflag:s21] =	ssyncset.done $0x0  }
0x36: {  	s12 =	stileid.u32;
	[sflag:s21] =	ssyncadd.s32 $0xFFFFFF80  }
0x37: {  	[tilespmem:s22], [sflag:$0x1] =	stream.indirect.gather [hbm4b:s5+s18], $0x80, s3, s18, $0xb8;
	[tilespmem:$0x1E600] =	vst v63  }
0x38: {  	s1 =	sshll.u32 s12, $0x6;
	_ =	swait.ge [sflag:s23], $0x80  }
0x39: {  	s1 =	sor.u32 $0x1C09, s1;
	[sflag:s23] =	ssyncset.done $0x0;
	s8 =	rddreg [dreg:$0x6]  }
0x3a: {  	s13 =	rddreg [dreg:$0x7];
	[sflag:s23] =	ssyncadd.s32 $0xFFFFFF80;
	s16 =	sshrl.u32 s8, $0x3  }
0x3b: {  	[tilespmem:s24], [sflag:$0x2] =	stream.indirect.gather [hbm4b:s5+s18], $0x80, s18, s18, $0xb8;
	[tilespmem:$0x1E600] =	vst v63  }
0x3c: {  	[spmem:s16], [sflag:s1] =	dma.local [hbm:s13], $0x2780  }
0x3d: {  	_ =	swait.ge [sflag:s17], $0x2780  }
0x3e: {  	[sflag:s17] =	ssyncset.done $0x0  }
0x3f: {  	[sflag:s17] =	ssyncadd.s32 $0xFFFFD880  }
0x40: {  	s9 =	simm.s32 $0x0;
	s8 =	simm.s32 $0x380;
	[bflag:$0x0] =	sbarrier.arrive $0xFFFF  }
.LBB2_2:
0x41: {  	p0 =	seq.s32 s9, $0x0  }
0x42: {  	s10 =	simm.s32 @!p0 $0x4  }
0x43: {  	_ =	swait.ge @!p0 [sflag:s10], $0x4000  }
0x44: {  	[sflag:s10] =	ssyncset.done @!p0 $0x0  }
0x45: {  	[sflag:s10] =	ssyncadd.s32 @!p0 $0xFFFFC000;
	s10 =	simm.s32 @!p0 $0x6  }
0x46: {  	_ =	swait.ge @!p0 [sflag:s10], $0x80  }
0x47: {  	[sflag:s10] =	ssyncset.done @!p0 $0x0  }
0x48: {  	s11 =	simm.s32 @!p0 $0x6A00;
	[sflag:s10] =	ssyncadd.s32 @!p0 $0xFFFFFF80;
	s10 =	simm.s32 @!p0 $0x80  }
0x49: {  	[tilespmem:s11], [sflag:$0x2] =	stream.indirect.gather @!p0 [hbm4b:s5+s10], $0x80, s10, s10, $0xb8;
	[tilespmem:$0x1E600] =	vst v63  }
0x4a: {  	p0 =	seq.s32 s9, $0x4C0  }
0x4b: {  	s10 =	sadd.s32 @!p0 s9, s6;
	s11 =	sxor.u32 @!p0 $0xFFFFFFFF, s9  }
0x4c: {  	_ =	swait.ge [sflag:s25], $0x4000;
	s10 =	sadd.s32 @!p0 $0x40, s10;
	s11 =	sand.u32 @!p0 $0x40, s11  }
0x4d: {  	[sflag:s25] =	ssyncset.done $0x0;
	s10 =	sand.u32 @!p0 $0xFFFFF80, s10;
	s11 =	sadd.s32 @!p0 s4, s11  }
0x4e: {  	[sflag:s25] =	ssyncadd.s32 $0xFFFFC000;
	s10 =	sadd.s32 @!p0 s10, s11;
	s11 =	simm.s32 @!p0 $0x0  }
0x4f: {  	[tilespmem:s11], [sflag:$0x5] =	stream.linear.gather @!p0 [hbm4b:s10+s11], $0x80, $0x38;
	[tilespmem:$0x1E600] =	vst v63  }
0x50: {  	s12 =	sadd.s32 $0xFFFFFE80, s8  }
0x51: {  	[spmem:s2] =	stream.indirect.scatter.add.f32 [tilespmem:s22], [sflag:$0x3], $0x80, s12, s18, $0xb8;
	[tilespmem:$0x1E600] =	vst v63  }
0x52: {  	_ =	swait.ge [sflag:s26], $0x4000  }
0x53: {  	[sflag:s26] =	ssyncset.done $0x0  }
0x54: {  	[sflag:s26] =	ssyncadd.s32 $0xFFFFC000  }
0x55: {  	_ =	swait.ge [sflag:s28], $0x80  }
0x56: {  	[sflag:s28] =	ssyncset.done $0x0  }
0x57: {  	s10 =	sadd.s32 @!p0 $0x50, s9;
	[sflag:s28] =	ssyncadd.s32 $0xFFFFFF80  }
0x58: {  	[tilespmem:s22], [sflag:$0x1] =	stream.indirect.gather [hbm4b:s5+s18], $0x80, s19, s18, $0xb8;
	[tilespmem:$0x1E600] =	vst v63  }
0x59: {  	s12 =	sadd.s32 @!p0 s6, s10;
	s10 =	sand.u32 @!p0 $0x50, s10;
	_ =	swait.ge [sflag:s29], $0x4000  }
0x5a: {  	s12 =	sand.u32 @!p0 $0xFFFFF80, s12;
	s10 =	sadd.s32 @!p0 s4, s10;
	[sflag:s29] =	ssyncset.done $0x0  }
0x5b: {  	s10 =	sadd.s32 @!p0 s12, s10;
	s12 =	simm.s32 @!p0 $0x80;
	[sflag:s29] =	ssyncadd.s32 $0xFFFFC000  }
0x5c: {  	[tilespmem:s12], [sflag:$0x6] =	stream.linear.gather @!p0 [hbm4b:s10+s11], $0x80, $0x38;
	[tilespmem:$0x1E600] =	vst v63  }
0x5d: {  	s13 =	sadd.s32 $0xFFFFFF00, s8  }
0x5e: {  	[spmem:s2] =	stream.indirect.scatter.add.f32 [tilespmem:s24], [sflag:$0x4], $0x80, s13, s18, $0xb8;
	[tilespmem:$0x1E600] =	vst v63  }
0x5f: {  	_ =	swait.ge [sflag:s30], $0x4000  }
0x60: {  	[sflag:s30] =	ssyncset.done $0x0  }
0x61: {  	[sflag:s30] =	ssyncadd.s32 $0xFFFFC000  }
0x62: {  	_ =	swait.ge [sflag:s31], $0x80  }
0x63: {  	[sflag:s31] =	ssyncset.done $0x0  }
.Ltmp2:
0x64: {  	[sflag:s31] =	ssyncadd.s32 $0xFFFFFF80;
	(pc) =	sbr.rel @p0 .LBB2_4-.Ltmp2, $4  }
0x65: {  	[tilespmem:s24], [sflag:$0x2] =	stream.indirect.gather [hbm4b:s5+s18], $0x80, s20, s18, $0xb8;
	[tilespmem:$0x1E600] =	vst v63  }
0x66: {  	_ =	swait.ge [sflag:s25], $0x4000  }
0x67: {  	[sflag:s25] =	ssyncset.done $0x0  }
0x68: {  	s10 =	sadd.s32 $0xFFFFFF80, s8;
	[sflag:s25] =	ssyncadd.s32 $0xFFFFC000  }
0x69: {  	s11 =	sadd.s32 s9, s6;
	s12 =	sadd.s32 $0x60, s9  }
0x6a: {  	s13 =	sadd.s32 $0x60, s11;
	s12 =	sand.u32 $0x60, s12  }
0x6b: {  	s13 =	sand.u32 $0xFFFFF80, s13;
	s12 =	sadd.s32 s4, s12  }
0x6c: {  	s12 =	sadd.s32 s13, s12  }
0x6d: {  	[tilespmem:s19], [sflag:$0x7] =	stream.linear.gather [hbm4b:s12+s3], $0x80, $0x38;
	[tilespmem:$0x1E600] =	vst v63  }
0x6e: {  	_ = 	snop  }
0x6f: {  	[spmem:s2] =	stream.indirect.scatter.add.f32 [tilespmem:s22], [sflag:$0x3], $0x80, s10, s18, $0xb8;
	[tilespmem:$0x1E600] =	vst v63  }
0x70: {  	_ =	swait.ge [sflag:s26], $0x4000  }
0x71: {  	[sflag:s26] =	ssyncset.done $0x0  }
0x72: {  	[sflag:s26] =	ssyncadd.s32 $0xFFFFC000  }
0x73: {  	_ =	swait.ge [sflag:s21], $0x80  }
0x74: {  	[sflag:s21] =	ssyncset.done $0x0  }
0x75: {  	s13 =	sadd.s32 $0x70, s9;
	[sflag:s21] =	ssyncadd.s32 $0xFFFFFF80  }
0x76: {  	[tilespmem:s22], [sflag:$0x1] =	stream.indirect.gather [hbm4b:s5+s18], $0x80, s3, s18, $0xb8;
	[tilespmem:$0x1E600] =	vst v63  }
0x77: {  	s11 =	sadd.s32 $0x70, s11;
	s10 =	sand.u32 $0x70, s13;
	_ =	swait.ge [sflag:s29], $0x4000  }
0x78: {  	s11 =	sand.u32 $0xFFFFF80, s11;
	s10 =	sadd.s32 s4, s10;
	[sflag:s29] =	ssyncset.done $0x0  }
.Ltmp3:
0x79: {  	s10 =	sadd.s32 s11, s10;
	[sflag:s29] =	ssyncadd.s32 $0xFFFFC000;
	(pc) =	sbr.rel .LBB2_2-.Ltmp3, $4  }
0x7a: {  	[tilespmem:s20], [sflag:$0x8] =	stream.linear.gather [hbm4b:s10+s3], $0x80, $0x38;
	[tilespmem:$0x1E600] =	vst v63  }
0x7b: {  	_ = 	snop  }
0x7c: {  	[spmem:s2] =	stream.indirect.scatter.add.f32 [tilespmem:s24], [sflag:$0x4], $0x80, s8, s18, $0xb8;
	[tilespmem:$0x1E600] =	vst v63  }
0x7d: {  	s9 =	sadd.s32 $0x40, s9;
	s8 =	sadd.s32 $0x200, s8  }
.LBB2_5:
0x7e: {  	_ =	sfence.sel $0x180000  }
0x7f: {  	[bflag:$0x0] =	sbarrier.arrive $0xFFFF  }
0x80: {  	_ =	strace $0x9000004D  }
0x81: {  	s0 =	stileid.u32;
	[bflag:$0x2] =	sbarrier.arrive $0xFFFF  }
0x82: {  	p0 =	sne.s32 s0, $0x0;
	s0 =	rddreg [dreg:$0x2]  }
0x83: {  	s0 =	sadd.s32 @!p0 $0x100000, s0  }
0x84: {  	[sflag:s0] =	ssyncadd.tile.s32 @!p0 $0x1;
	_ =	shalt  }
.Lfunc_end2:
_tile_overlayer_lowered:
.L_overlay_start_2:
0x85: {  	(tag) =	ssettag $0x2  }
0x86: {  	s0 =	rddreg [dreg:$0x0];
	s2 =	stileid.u32  }
0x87: {  	s1 =	rddreg [dreg:$0x1];
	p0 =	sne.s32 s2, $0x0  }
0x88: {  	s3 =	rddreg [dreg:$0x2];
	[bflag:$0x3] =	sbarrier.arrive $0xFFFF;
	s2 =	simm.s32 @!p0 $0x1C09  }
0x89: {  	[timem:s3], [sflag:s2] =	dma.local @!p0 [hbm:s0], s1  }
0x8a: {  	s0 =	simm.s32 @!p0 $0x9  }
0x8b: {  	_ =	swait.ge @!p0 [sflag:s0], s1  }
0x8c: {  	s1 =	ssub.s32 @!p0 $0x0, s1;
	[sflag:s0] =	ssyncset.done @!p0 $0x0  }
0x8d: {  	[sflag:s0] =	ssyncadd.s32 @!p0 s1  }
0x8e: {  	[bflag:$0x3] =	sbarrier.arrive $0xFFFF  }
0x8f: {  	_ =	shalt  }

// kernel: kernel.19.cloned.1.call-start
scs
__scs_entry_jumppad:
0x0: {  	(pc) =	sbr.rel $0x88, $3  }
0x1: {  	(tag) =	ssettag $0x0;
	lr =	simm.s32 $0x1  }
0x2: {  	[smem:$0x3F96] =	sst lr;
	_ =	strace $0xD0000000  }
0x3: {  	_ = 	snop  }
0x4: {  	_ = 	snop  }
0x5: {  	_ = 	snop  }
0x6: {  	_ = 	snop  }
0x7: {  	_ = 	snop  }
__scs_overlays_trampoline_lowered:
0x8: {  	[smem:$0x3FA5] =	sst s0  }
0x9: {  	[smem:$0x3FA6] =	sst s1  }
0xa: {  	[smem:$0x3FA7] =	sst s2  }
0xb: {  	[smem:$0x3FA8] =	sst s3  }
0xc: {  	[smem:$0x3FA9] =	sst s4  }
0xd: {  	[smem:$0x3FAA] =	sst s5  }
0xe: {  	[smem:$0x3FAB] =	sst s6  }
0xf: {  	[smem:$0x3FAC] =	sst s7  }
0x10: {  	[smem:$0x3FAD] =	sst s8  }
0x11: {  	[smem:$0x3FAE] =	sst s9;
	s0 =	simm.s32 @!p0 $0x0  }
0x12: {  	s1 =	sld [smem:$0x3F94];
	s0 =	simm.s32 @p0 $0x1  }
0x13: {  	[smem:$0x3FAF] =	sst s0;
	s0 =	simm.s32 @!p1 $0x0  }
0x14: {  	s2 =	sld [smem:$0x3F93];
	s0 =	simm.s32 @p1 $0x1  }
0x15: {  	[smem:$0x3FB0] =	sst s0;
	s0 =	simm.s32 @!p2 $0x0  }
0x16: {  	s3 =	sld [smem:$0x3FDB];
	s0 =	simm.s32 @p2 $0x1  }
0x17: {  	s4 =	simm.s32 $0x1BF5;
	[smem:$0x3FB2] =	sst s0  }
0x18: {  	s0 =	sld [smem:$0x3F95];
	_ =	swait.ge [sflag:s4], $0x0  }
0x19: {  	s7 =	sld [smem:$0x3F96]  }
0x1a: {  	s8 =	sadd.s32 $0xFFFFE003, lr  }
0x1b: {  	s9 =	sadd.s32 $0xFFFFFEF7, lr;
	s5 =	simm.s32 $0xFFFFFFFF;
	p2 =	slt.u32 s8, $0xFFFFF086  }
0x1c: {  	p1 =	slt.u32 s9, $0xF7A;
	s5 =	simm.s32 @!p2 $0x0  }
0x1d: {  	s5 =	simm.s32 @p1 $0x1;
	p0 =	seq.s32 s7, s2  }
0x1e: {  	s7 =	smul.u32 @!p0 $0xF7A, s2;
	p2 =	seq.s32 @!p0 s5, $0x0  }
0x1f: {  	s9 =	smul.u32 $0xF7A, s1;
	s8 =	simm.s32 @!p0 $0x1BF5;
	p2 =	por !p2, p0  }
0x20: {  	[sflag:s8] =	ssyncset.s32 @!p0 $0xFFFFF086;
	s6 =	sadd.s32 @!p0 s3, s7;
	s7 =	simm.s32 @!p0 $0x108  }
0x21: {  	s3 =	sadd.s32 s3, s9;
	s6 =	sadd.s32 @!p0 $0x88, s6;
	s7 =	simm.s32 @p2 $0x1082  }
0x22: {  	[simem:s7], [sflag:s8] =	dma.local @!p0 [hbm:s6], $0xF7A  }
0x23: {  	s9 =	sor.u32 $0xD0000000, s2;
	s6 =	simm.s32 $0x108;
	_ =	swait.ge @!p0 [sflag:s8], $0x0  }
0x24: {  	s3 =	sadd.s32 $0x88, s3;
	s6 =	simm.s32 @!p1 $0x1082;
	[sflag:s4] =	ssyncset.s32 $0xFFFFF086  }
0x25: {  	[simem:s6], [sflag:s4] =	dma.local [hbm:s3], $0xF7A  }
0x26: {  	[smem:$0x3F96] =	sst s1;
	(tag) =	ssettag s2;
	_ =	strace s9  }
0x27: {  	s1 =	sld [smem:$0x3FA6]  }
0x28: {  	s2 =	sld [smem:$0x3FA7]  }
0x29: {  	s4 =	sld [smem:$0x3FA9]  }
0x2a: {  	p0 =	seq.s32 s5, $0x0;
	s5 =	sld [smem:$0x3FAA]  }
0x2b: {  	s6 =	sld [smem:$0x3FAB]  }
0x2c: {  	s7 =	sld [smem:$0x3FAC]  }
0x2d: {  	s3 =	simm.s32 $0x108;
	s8 =	sld [smem:$0x3FAD]  }
0x2e: {  	s3 =	simm.s32 @!p0 $0x1082;
	s9 =	sld [smem:$0x3FAE]  }
0x2f: {  	lr =	sadd.s32 s0, s3;
	s0 =	sld [smem:$0x3FA5]  }
0x30: {  	s3 =	sld [smem:$0x3FA8]  }
0x31: {  	[smem:$0x3FB1] =	sst s10  }
0x32: {  	s10 =	sld [smem:$0x3FAF];
	_ =	sdelay $0x3  }
0x33: {  	p0 =	seq.s32 s10, $0x1;
	s10 =	sld [smem:$0x3FB1];
	_ =	sdelay $0x3  }
0x34: {  	[smem:$0x3FB1] =	sst s10  }
0x35: {  	s10 =	sld [smem:$0x3FB0];
	_ =	sdelay $0x3  }
0x36: {  	p1 =	seq.s32 s10, $0x1;
	s10 =	sld [smem:$0x3FB1];
	_ =	sdelay $0x3  }
0x37: {  	[smem:$0x3FB1] =	sst s10  }
0x38: {  	s10 =	sld [smem:$0x3FB2]  }
0x39: {  	_ = 	snop;
	(pc) =	sbr.ind lr, $3  }
0x3a: {  	_ = 	snop  }
0x3b: {  	_ = 	snop  }
0x3c: {  	p2 =	seq.s32 s10, $0x1;
	s10 =	sld [smem:$0x3FB1]  }
0x3d: {  	_ =	shalt  }
0x3e: {  	_ =	shalt  }
0x3f: {  	_ =	shalt  }
0x40: {  	_ =	shalt  }
0x41: {  	_ =	shalt  }
0x42: {  	_ =	shalt  }
0x43: {  	_ =	shalt  }
0x44: {  	_ =	shalt  }
0x45: {  	_ =	shalt  }
0x46: {  	_ =	shalt  }
0x47: {  	_ =	shalt  }
0x48: {  	_ =	shalt  }
0x49: {  	_ =	shalt  }
0x4a: {  	_ =	shalt  }
0x4b: {  	_ =	shalt  }
0x4c: {  	_ =	shalt  }
0x4d: {  	_ =	shalt  }
0x4e: {  	_ =	shalt  }
0x4f: {  	_ =	shalt  }
0x50: {  	_ =	shalt  }
0x51: {  	_ =	shalt  }
0x52: {  	_ =	shalt  }
0x53: {  	_ =	shalt  }
0x54: {  	_ =	shalt  }
0x55: {  	_ =	shalt  }
0x56: {  	_ =	shalt  }
0x57: {  	_ =	shalt  }
0x58: {  	_ =	shalt  }
0x59: {  	_ =	shalt  }
0x5a: {  	_ =	shalt  }
0x5b: {  	_ =	shalt  }
0x5c: {  	_ =	shalt  }
0x5d: {  	_ =	shalt  }
0x5e: {  	_ =	shalt  }
0x5f: {  	_ =	shalt  }
0x60: {  	_ =	shalt  }
0x61: {  	_ =	shalt  }
0x62: {  	_ =	shalt  }
0x63: {  	_ =	shalt  }
0x64: {  	_ =	shalt  }
0x65: {  	_ =	shalt  }
0x66: {  	_ =	shalt  }
0x67: {  	_ =	shalt  }
0x68: {  	_ =	shalt  }
0x69: {  	_ =	shalt  }
0x6a: {  	_ =	shalt  }
0x6b: {  	_ =	shalt  }
0x6c: {  	_ =	shalt  }
0x6d: {  	_ =	shalt  }
0x6e: {  	_ =	shalt  }
0x6f: {  	_ =	shalt  }
0x70: {  	_ =	shalt  }
0x71: {  	_ =	shalt  }
0x72: {  	_ =	shalt  }
0x73: {  	_ =	shalt  }
0x74: {  	_ =	shalt  }
0x75: {  	_ =	shalt  }
0x76: {  	_ =	shalt  }
0x77: {  	_ =	shalt  }
0x78: {  	_ =	shalt  }
0x79: {  	_ =	shalt  }
0x7a: {  	_ =	shalt  }
0x7b: {  	_ =	shalt  }
0x7c: {  	_ =	shalt  }
0x7d: {  	_ =	shalt  }
0x7e: {  	_ =	shalt  }
0x7f: {  	_ =	shalt  }
0x80: {  	_ =	shalt  }
0x81: {  	_ =	shalt  }
0x82: {  	_ =	shalt  }
0x83: {  	_ =	shalt  }
0x84: {  	_ =	shalt  }
0x85: {  	_ =	shalt  }
0x86: {  	_ =	shalt  }
0x87: {  	_ =	shalt  }
.Lfunc_end0:
.L_simem_size_0:
called_computation.3_lowered:
.L_overlay_start_0:
0x88: {  	s2 =	sld [smem:$0x3FD9]  }
0x89: {  	s3 =	sld [smem:$0x3FFE];
	_ =	sdelay $0x1  }
0x8a: {  	s1 =	srdreg.scid  }
0x8b: {  	s0 =	sand.u32 $0x1, s1  }
0x8c: {  	s16 =	sshll.u32 s0, $0xA;
	s2 =	sadd.s32 s3, s2  }
0x8d: {  	s2 =	sadd.s32 s2, s16  }
0x8e: {  	[smem:$0x3FBD] =	sst s2  }
0x8f: {  	_ = 	snop  }
0x90: {  	(tm) =	ssettm $0x1  }
0x91: {  	s17 =	sld [smem:$0x3FFB];
	_ =	sdelay $0x3  }
0x92: {  	_ =	strace s17  }
0x93: {  	s2 =	sld [smem:$0x3FFC];
	_ =	sdelay $0x3  }
0x94: {  	_ =	strace s2  }
0x95: {  	s2 =	sld [smem:$0x3FFD];
	_ =	sdelay $0x3  }
0x96: {  	_ =	strace s2  }
0x97: {  	_ =	strace $0x8FFFFFFF  }
0x98: {  	s18 =	sld [smem:$0x3FDB];
	_ =	sdelay $0x1  }
0x99: {  	s19 =	simm.s32 $_scs_section_size  }
0x9a: {  	s4 =	simm.s32 $_size__tile_overlayer_lowered;
	s5 =	simm.s32 $_tile_overlayer_lowered  }
0x9b: {  	s22 =	simm.s32 $0x1BFF;
	s21 =	sshll.u32 s5, $0x1;
	s2 =	sadd.s32 s19, s18  }
0x9c: {  	s6 =	simm.s32 $0x0;
	s20 =	sshll.u32 s4, $0x1;
	s4 =	sadd.s32 s21, s2  }
0x9d: {  	[timem:s6], [sflag:s22] =	dma.local [hbm:s4], s20  }
0x9e: {  	_ =	swait.ge [sflag:s22], s20  }
0x9f: {  	s3 =	ssub.s32 $0x0, s20;
	[sflag:s22] =	ssyncset.done $0x0  }
0xa0: {  	[sflag:s22] =	ssyncadd.s32 s3;
	_ =	sdelay $0x1  }
0xa1: {  	s23 =	simm.s32 $0x1B8B  }
0xa2: {  	_ =	swait.ge [sflag:s23], $0x1  }
0xa3: {  	[sflag:s23] =	ssyncset.done $0x0  }
0xa4: {  	s25 =	simm.s32 $0x1B8E;
	s24 =	sld [smem:$0x3FFE];
	[sflag:s23] =	ssyncadd.s32 $0xFFFFFFFF  }
0xa5: {  	s26 =	simm.s32 $execute0_lowered;
	[smem:$0x3FD2] =	sst s25  }
0xa6: {  	s4 =	sshll.u32 s26, $0x1;
	_ =	strace $0x8000004F;
	[dreg:$0x1] =	wrdreg $0xFFFFFFFF  }
0xa7: {  	s28 =	simm.s32 $_size_execute0_lowered;
	s2 =	sadd.s32 s2, s4;
	[dreg:$0x0] =	wrdreg $0x0  }
0xa8: {  	s4 =	sshll.u32 s28, $0x1;
	[dreg:$0x2] =	wrdreg s2  }
0xa9: {  	[dreg:$0x3] =	wrdreg s4  }
0xaa: {  	[dreg:$0x4] =	wrdreg $0xC0  }
0xab: {  	_ =	task [dreg:s6], $0x5FFFF  }
0xac: {  	[dreg:$0x1] =	wrdreg $0xFFFFFFFF  }
0xad: {  	[dreg:$0x0] =	wrdreg $0x60  }
0xae: {  	[dreg:$0x2] =	wrdreg s24  }
0xaf: {  	[dreg:$0x3] =	wrdreg $0xAA000  }
0xb0: {  	[dreg:$0x4] =	wrdreg $0x9  }
0xb1: {  	_ =	task.clear_ibuf [dreg:s6], $0x5FFFF;
	_ =	strace $0x9000004F  }
0xb2: {  	s29 =	simm.s32 $0x9;
	_ =	strace $0x80000051  }
0xb3: {  	_ =	swait.ge [sflag:s29], $0x1  }
0xb4: {  	[sflag:s29] =	ssyncadd.s32 $0xFFFFFFFF  }
0xb5: {  	_ =	strace $0x90000051  }
0xb6: {  	_ =	sfence  }
0xb7: {  	s30 =	sld [smem:$0x0];
	_ =	sdelay $0x2  }
0xb8: {  	s31 =	sshll.u32 s1, $0xD;
	s1 =	sshrl.u32 s1, $0x2  }
0xb9: {  	s3 =	sand.u32 $0x4000, s31;
	s1 =	sadd.s32 s1, s30  }
0xba: {  	s0 =	sor.u32 s3, s0;
	s1 =	sshll.u32 s1, $0x11  }
0xbb: {  	s0 =	sor.u32 s1, s0  }
0xbc: {  	s0 =	sadd.s32 $0x8F2B, s0  }
0xbd: {  	[sflag:s0] =	ssyncadd.remote.s32 $0x1  }
0xbe: {  	_ =	sfence.sel $0xFFFF  }
0xbf: {  	[dreg:$0x0] =	wrdreg $0xFFFFFFFF;
	(pc) =	sbr.abs _section_cstart, $3  }
0xc0: {  	[dreg:$0x1] =	wrdreg $0xFFFFFFFF  }
0xc1: {  	_ =	task.clear_ibuf [dreg:s6], $0x2FFFF;
	_ =	strace $0x9FFFFFFF  }
0xc2: {  	(tm) =	ssettm $0x7FFFFFFF  }
0xc3: {  	_ =	shalt  }
tec
execute0_lowered:
.L_overlay_start_1:
0x0: {  	(tag) =	ssettag $0x1  }
0x1: {  	s0 =	rddreg [dreg:$0x0]  }
0x2: {  	s2 =	rddreg [dreg:$0x1]  }
0x3: {  	s3 =	simm.s32 $0x0;
	s13 =	stileid.u32;
	s4 =	srdreg.scid  }
0x4: {  	s17 =	simm.s32 $0x9;
	s28 =	simm.s32 $0x7;
	s1 =	smul.u32 $0x50, s13  }
0x5: {  	s29 =	simm.s32 $0x2;
	s30 =	simm.s32 $0x4;
	s5 =	smul.u32 $0x500, s13  }
0x6: {  	s31 =	simm.s32 $0x8;
	[smem:$0x7FF] =	sst s3;
	s9 =	smul.u32 $0x13C00, s13  }
0x7: {  	s6 =	sand.u32 $0x1, s4;
	s4 =	sadd.s32 $0xDA00, s0;
	s21 =	smul.u32 $0x4F000, s13  }
0x8: {  	_ =	strace $0x80000050;
	p0 =	seq.s32 s6, $0x0;
	s18 =	smul.u32 $0x13C000, s6  }
0x9: {  	s19 =	ssub.s32 $0x2, s6;
	s7 =	sadd.s32 $0x500, s1;
	s11 =	sshrl.u32 s9, $0x3  }
0xa: {  	s20 =	sshrl.u32 s19, $0x1;
	s25 =	sshrl.u32 s21, $0x2;
	s21 =	simm.s32 $0x5  }
0xb: {  	s8 =	sshll.u32 s7, $0x4;
	s12 =	sadd.s32 s11, s0;
	s1 =	smov.u32 @p0 s7  }
0xc: {  	s5 =	smov.u32 @p0 s8;
	s8 =	sadd.s32 s9, s18;
	s6 =	sshll.u32 s1, $0x4  }
0xd: {  	s1 =	ssub.s32 s19, s20;
	s26 =	sadd.s32 $0x18200, s12;
	s18 =	simm.s32 $0x80  }
0xe: {  	s19 =	simm.s32 $0x100;
	s20 =	simm.s32 $0x180;
	s10 =	sadd.s32 s5, s0  }
0xf: {  	s5 =	sadd.s32 $0x3FA00, s0;
	s8 =	sshrl.u32 s8, $0x3;
	s7 =	sadd.s32 s4, s6  }
0x10: {  	[dreg:$0x7] =	wrdreg s26;
	s14 =	smax.u32 s1, $0x1;
	s22 =	sadd.s32 $0x10, s7  }
0x11: {  	s26 =	simm.s32 $0x3;
	s23 =	sadd.s32 $0x20, s7;
	[dreg:$0x3] =	wrdreg s22  }
.Ltmp0:
0x12: {  	s24 =	sadd.s32 $0x30, s7;
	[dreg:$0x4] =	wrdreg s23;
	(pc) =	sbr.rel .LBB2_1-.Ltmp0, $4  }
0x13: {  	s0 =	sadd.s32 s8, s0;
	s8 =	sadd.s32 s25, s2;
	[dreg:$0x5] =	wrdreg s24  }
0x14: {  	s15 =	sadd.s32 $0x3A00, s10;
	s25 =	simm.s32 $0x1;
	[dreg:$0x6] =	wrdreg s8  }
0x15: {  	s0 =	sadd.s32 $0x67200, s0;
	s22 =	simm.s32 $0x2A00;
	s23 =	simm.s32 $0x6  }
0x16: {  	s24 =	simm.s32 $0x6A00;
	[dreg:$0x8] =	wrdreg s0;
	s0 =	simm.s32 $0x0  }
.LBB2_4:
0x17: {  	[spmem:s2] =	stream.indirect.scatter.add.f32 [tilespmem:s22], [sflag:$0x3], $0x80, s10, s18, $0xb8;
	[tilespmem:$0x1E600] =	vst v63  }
0x18: {  	_ =	swait.ge [sflag:s29], $0x4000  }
0x19: {  	[sflag:s29] =	ssyncset.done $0x0  }
0x1a: {  	[sflag:s29] =	ssyncadd.s32 $0xFFFFC000  }
0x1b: {  	[spmem:s2] =	stream.indirect.scatter.add.f32 [tilespmem:s24], [sflag:$0x4], $0x80, s8, s18, $0xb8;
	[tilespmem:$0x1E600] =	vst v63  }
0x1c: {  	_ =	swait.ge [sflag:s26], $0x4000  }
0x1d: {  	[sflag:s26] =	ssyncset.done $0x0  }
0x1e: {  	[sflag:s26] =	ssyncadd.s32 $0xFFFFC000  }
0x1f: {  	_ =	swait.ge [sflag:s30], $0x4000  }
0x20: {  	[sflag:s30] =	ssyncset.done $0x0  }
0x21: {  	s0 =	sadd.s32 $0x1, s0;
	[sflag:s30] =	ssyncadd.s32 $0xFFFFC000  }
0x22: {  	p0 =	sne.s32 s0, s14;
	[bflag:$0x0] =	sbarrier.arrive $0xFFFF  }
.Ltmp1:
0x23: {  	s13 =	rddreg [dreg:$0x8];
	(pc) =	sbr.rel @!p0 .LBB2_5-.Ltmp1, $4  }
0x24: {  	[hbm:s13], [sflag:s1] =	dma.local [spmem:s16], $0x2780  }
0x25: {  	_ =	swait.ge [sflag:s17], $0x2780  }
0x26: {  	[sflag:s17] =	ssyncset.done $0x0  }
0x27: {  	[sflag:s17] =	ssyncadd.s32 $0xFFFFD880  }
.LBB2_1:
0x28: {  	s1 =	simm.s32 $0x200  }
0x29: {  	[tilespmem:s1], [sflag:$0x9] =	stream.linear.gather [hbm4b:s15+s3], $0x2800, $0x38;
	[tilespmem:$0x1E600] =	vst v63  }
0x2a: {  	_ =	swait.ge [sflag:s17], $0x2800  }
0x2b: {  	[sflag:s17] =	ssyncset.done $0x0  }
0x2c: {  	[sflag:s17] =	ssyncadd.s32 $0xFFFFD800  }
0x2d: {  	[tilespmem:s3], [sflag:$0x5] =	stream.linear.gather [hbm4b:s7+s3], $0x80, $0x38;
	[tilespmem:$0x1E600] =	vst v63  }
0x2e: {  	s9 =	rddreg [dreg:$0x3]  }
0x2f: {  	[tilespmem:s18], [sflag:$0x6] =	stream.linear.gather [hbm4b:s9+s3], $0x80, $0x38;
	[tilespmem:$0x1E600] =	vst v63  }
0x30: {  	s10 =	rddreg [dreg:$0x4]  }
0x31: {  	[tilespmem:s19], [sflag:$0x7] =	stream.linear.gather [hbm4b:s10+s3], $0x80, $0x38;
	[tilespmem:$0x1E600] =	vst v63  }
0x32: {  	s11 =	rddreg [dreg:$0x5]  }
0x33: {  	[tilespmem:s20], [sflag:$0x8] =	stream.linear.gather [hbm4b:s11+s3], $0x80, $0x38;
	[tilespmem:$0x1E600] =	vst v63  }
0x34: {  	_ =	swait.ge [sflag:s21], $0x80  }
0x35: {  	[sflag:s21] =	ssyncset.done $0x0  }
0x36: {  	s12 =	stileid.u32;
	[sflag:s21] =	ssyncadd.s32 $0xFFFFFF80  }
0x37: {  	[tilespmem:s22], [sflag:$0x1] =	stream.indirect.gather [hbm4b:s5+s18], $0x80, s3, s18, $0xb8;
	[tilespmem:$0x1E600] =	vst v63  }
0x38: {  	s1 =	sshll.u32 s12, $0x6;
	_ =	swait.ge [sflag:s23], $0x80  }
0x39: {  	s1 =	sor.u32 $0x1C09, s1;
	[sflag:s23] =	ssyncset.done $0x0;
	s8 =	rddreg [dreg:$0x6]  }
0x3a: {  	s13 =	rddreg [dreg:$0x7];
	[sflag:s23] =	ssyncadd.s32 $0xFFFFFF80;
	s16 =	sshrl.u32 s8, $0x3  }
0x3b: {  	[tilespmem:s24], [sflag:$0x2] =	stream.indirect.gather [hbm4b:s5+s18], $0x80, s18, s18, $0xb8;
	[tilespmem:$0x1E600] =	vst v63  }
0x3c: {  	[spmem:s16], [sflag:s1] =	dma.local [hbm:s13], $0x2780  }
0x3d: {  	_ =	swait.ge [sflag:s17], $0x2780  }
0x3e: {  	[sflag:s17] =	ssyncset.done $0x0  }
0x3f: {  	[sflag:s17] =	ssyncadd.s32 $0xFFFFD880  }
0x40: {  	s9 =	simm.s32 $0x0;
	s8 =	simm.s32 $0x380;
	[bflag:$0x0] =	sbarrier.arrive $0xFFFF  }
.LBB2_2:
0x41: {  	p0 =	seq.s32 s9, $0x0  }
0x42: {  	s10 =	simm.s32 @!p0 $0x4  }
0x43: {  	_ =	swait.ge @!p0 [sflag:s10], $0x4000  }
0x44: {  	[sflag:s10] =	ssyncset.done @!p0 $0x0  }
0x45: {  	[sflag:s10] =	ssyncadd.s32 @!p0 $0xFFFFC000;
	s10 =	simm.s32 @!p0 $0x6  }
0x46: {  	_ =	swait.ge @!p0 [sflag:s10], $0x80  }
0x47: {  	[sflag:s10] =	ssyncset.done @!p0 $0x0  }
0x48: {  	s11 =	simm.s32 @!p0 $0x6A00;
	[sflag:s10] =	ssyncadd.s32 @!p0 $0xFFFFFF80;
	s10 =	simm.s32 @!p0 $0x80  }
0x49: {  	[tilespmem:s11], [sflag:$0x2] =	stream.indirect.gather @!p0 [hbm4b:s5+s10], $0x80, s10, s10, $0xb8;
	[tilespmem:$0x1E600] =	vst v63  }
0x4a: {  	p0 =	seq.s32 s9, $0x4C0  }
0x4b: {  	s10 =	sadd.s32 @!p0 s9, s6;
	s11 =	sxor.u32 @!p0 $0xFFFFFFFF, s9  }
0x4c: {  	_ =	swait.ge [sflag:s25], $0x4000;
	s10 =	sadd.s32 @!p0 $0x40, s10;
	s11 =	sand.u32 @!p0 $0x40, s11  }
0x4d: {  	[sflag:s25] =	ssyncset.done $0x0;
	s10 =	sand.u32 @!p0 $0xFFFFF80, s10;
	s11 =	sadd.s32 @!p0 s4, s11  }
0x4e: {  	[sflag:s25] =	ssyncadd.s32 $0xFFFFC000;
	s10 =	sadd.s32 @!p0 s10, s11;
	s11 =	simm.s32 @!p0 $0x0  }
0x4f: {  	[tilespmem:s11], [sflag:$0x5] =	stream.linear.gather @!p0 [hbm4b:s10+s11], $0x80, $0x38;
	[tilespmem:$0x1E600] =	vst v63  }
0x50: {  	s12 =	sadd.s32 $0xFFFFFE80, s8  }
0x51: {  	[spmem:s2] =	stream.indirect.scatter.add.f32 [tilespmem:s22], [sflag:$0x3], $0x80, s12, s18, $0xb8;
	[tilespmem:$0x1E600] =	vst v63  }
0x52: {  	_ =	swait.ge [sflag:s26], $0x4000  }
0x53: {  	[sflag:s26] =	ssyncset.done $0x0  }
0x54: {  	[sflag:s26] =	ssyncadd.s32 $0xFFFFC000  }
0x55: {  	_ =	swait.ge [sflag:s28], $0x80  }
0x56: {  	[sflag:s28] =	ssyncset.done $0x0  }
0x57: {  	s10 =	sadd.s32 @!p0 $0x50, s9;
	[sflag:s28] =	ssyncadd.s32 $0xFFFFFF80  }
0x58: {  	[tilespmem:s22], [sflag:$0x1] =	stream.indirect.gather [hbm4b:s5+s18], $0x80, s19, s18, $0xb8;
	[tilespmem:$0x1E600] =	vst v63  }
0x59: {  	s12 =	sadd.s32 @!p0 s6, s10;
	s10 =	sand.u32 @!p0 $0x50, s10;
	_ =	swait.ge [sflag:s29], $0x4000  }
0x5a: {  	s12 =	sand.u32 @!p0 $0xFFFFF80, s12;
	s10 =	sadd.s32 @!p0 s4, s10;
	[sflag:s29] =	ssyncset.done $0x0  }
0x5b: {  	s10 =	sadd.s32 @!p0 s12, s10;
	s12 =	simm.s32 @!p0 $0x80;
	[sflag:s29] =	ssyncadd.s32 $0xFFFFC000  }
0x5c: {  	[tilespmem:s12], [sflag:$0x6] =	stream.linear.gather @!p0 [hbm4b:s10+s11], $0x80, $0x38;
	[tilespmem:$0x1E600] =	vst v63  }
0x5d: {  	s13 =	sadd.s32 $0xFFFFFF00, s8  }
0x5e: {  	[spmem:s2] =	stream.indirect.scatter.add.f32 [tilespmem:s24], [sflag:$0x4], $0x80, s13, s18, $0xb8;
	[tilespmem:$0x1E600] =	vst v63  }
0x5f: {  	_ =	swait.ge [sflag:s30], $0x4000  }
0x60: {  	[sflag:s30] =	ssyncset.done $0x0  }
0x61: {  	[sflag:s30] =	ssyncadd.s32 $0xFFFFC000  }
0x62: {  	_ =	swait.ge [sflag:s31], $0x80  }
0x63: {  	[sflag:s31] =	ssyncset.done $0x0  }
.Ltmp2:
0x64: {  	[sflag:s31] =	ssyncadd.s32 $0xFFFFFF80;
	(pc) =	sbr.rel @p0 .LBB2_4-.Ltmp2, $4  }
0x65: {  	[tilespmem:s24], [sflag:$0x2] =	stream.indirect.gather [hbm4b:s5+s18], $0x80, s20, s18, $0xb8;
	[tilespmem:$0x1E600] =	vst v63  }
0x66: {  	_ =	swait.ge [sflag:s25], $0x4000  }
0x67: {  	[sflag:s25] =	ssyncset.done $0x0  }
0x68: {  	s10 =	sadd.s32 $0xFFFFFF80, s8;
	[sflag:s25] =	ssyncadd.s32 $0xFFFFC000  }
0x69: {  	s11 =	sadd.s32 s9, s6;
	s12 =	sadd.s32 $0x60, s9  }
0x6a: {  	s13 =	sadd.s32 $0x60, s11;
	s12 =	sand.u32 $0x60, s12  }
0x6b: {  	s13 =	sand.u32 $0xFFFFF80, s13;
	s12 =	sadd.s32 s4, s12  }
0x6c: {  	s12 =	sadd.s32 s13, s12  }
0x6d: {  	[tilespmem:s19], [sflag:$0x7] =	stream.linear.gather [hbm4b:s12+s3], $0x80, $0x38;
	[tilespmem:$0x1E600] =	vst v63  }
0x6e: {  	_ = 	snop  }
0x6f: {  	[spmem:s2] =	stream.indirect.scatter.add.f32 [tilespmem:s22], [sflag:$0x3], $0x80, s10, s18, $0xb8;
	[tilespmem:$0x1E600] =	vst v63  }
0x70: {  	_ =	swait.ge [sflag:s26], $0x4000  }
0x71: {  	[sflag:s26] =	ssyncset.done $0x0  }
0x72: {  	[sflag:s26] =	ssyncadd.s32 $0xFFFFC000  }
0x73: {  	_ =	swait.ge [sflag:s21], $0x80  }
0x74: {  	[sflag:s21] =	ssyncset.done $0x0  }
0x75: {  	s13 =	sadd.s32 $0x70, s9;
	[sflag:s21] =	ssyncadd.s32 $0xFFFFFF80  }
0x76: {  	[tilespmem:s22], [sflag:$0x1] =	stream.indirect.gather [hbm4b:s5+s18], $0x80, s3, s18, $0xb8;
	[tilespmem:$0x1E600] =	vst v63  }
0x77: {  	s11 =	sadd.s32 $0x70, s11;
	s10 =	sand.u32 $0x70, s13;
	_ =	swait.ge [sflag:s29], $0x4000  }
0x78: {  	s11 =	sand.u32 $0xFFFFF80, s11;
	s10 =	sadd.s32 s4, s10;
	[sflag:s29] =	ssyncset.done $0x0  }
.Ltmp3:
0x79: {  	s10 =	sadd.s32 s11, s10;
	[sflag:s29] =	ssyncadd.s32 $0xFFFFC000;
	(pc) =	sbr.rel .LBB2_2-.Ltmp3, $4  }
0x7a: {  	[tilespmem:s20], [sflag:$0x8] =	stream.linear.gather [hbm4b:s10+s3], $0x80, $0x38;
	[tilespmem:$0x1E600] =	vst v63  }
0x7b: {  	_ = 	snop  }
0x7c: {  	[spmem:s2] =	stream.indirect.scatter.add.f32 [tilespmem:s24], [sflag:$0x4], $0x80, s8, s18, $0xb8;
	[tilespmem:$0x1E600] =	vst v63  }
0x7d: {  	s9 =	sadd.s32 $0x40, s9;
	s8 =	sadd.s32 $0x200, s8  }
.LBB2_5:
0x7e: {  	_ =	sfence.sel $0x180000  }
0x7f: {  	[bflag:$0x0] =	sbarrier.arrive $0xFFFF  }
0x80: {  	_ =	strace $0x90000050  }
0x81: {  	s0 =	stileid.u32;
	[bflag:$0x2] =	sbarrier.arrive $0xFFFF  }
0x82: {  	p0 =	sne.s32 s0, $0x0;
	s0 =	rddreg [dreg:$0x2]  }
0x83: {  	s0 =	sadd.s32 @!p0 $0x100000, s0  }
0x84: {  	[sflag:s0] =	ssyncadd.tile.s32 @!p0 $0x1;
	_ =	shalt  }
.Lfunc_end2:
_tile_overlayer_lowered:
.L_overlay_start_2:
0x85: {  	(tag) =	ssettag $0x2  }
0x86: {  	s0 =	rddreg [dreg:$0x0];
	s2 =	stileid.u32  }
0x87: {  	s1 =	rddreg [dreg:$0x1];
	p0 =	sne.s32 s2, $0x0  }
0x88: {  	s3 =	rddreg [dreg:$0x2];
	[bflag:$0x3] =	sbarrier.arrive $0xFFFF;
	s2 =	simm.s32 @!p0 $0x1C09  }
0x89: {  	[timem:s3], [sflag:s2] =	dma.local @!p0 [hbm:s0], s1  }
0x8a: {  	s0 =	simm.s32 @!p0 $0x9  }
0x8b: {  	_ =	swait.ge @!p0 [sflag:s0], s1  }
0x8c: {  	s1 =	ssub.s32 @!p0 $0x0, s1;
	[sflag:s0] =	ssyncset.done @!p0 $0x0  }
0x8d: {  	[sflag:s0] =	ssyncadd.s32 @!p0 s1  }
0x8e: {  	[bflag:$0x3] =	sbarrier.arrive $0xFFFF  }
0x8f: {  	_ =	shalt  }

</sc_bundles>
